<compile_context>
chip_gen: v7x
topology: tpu7x:2x2x1
jax: 0.10.2.dev20260603
libtpu: 0.0.44.dev20260713+nightly
codegen_flags: <defaults>
</compile_context>

<pallas_src>
import functools

import jax
import jax.numpy as jnp
from jax import lax
from jax.experimental import pallas as pl
from jax.experimental.pallas import tpu as pltpu
from jax.experimental.pallas import tpu_sc as plsc

_NUM_PAD = 2
_B, _L, _D = 8, 2048, 1024
_OUT_MAX = _B * (_L - _NUM_PAD) + _NUM_PAD
_OUT_PAD = _B * _L
_NW = 32
_RPW = _OUT_PAD // _NW
_C = 32
_NCH = _RPW // _C
_NPAIR = _NCH // 2


def _sc_body(ctxt_hbm, ids_hbm, len_hbm, ones_hbm,
             out_ctxt, out_ids, out_mask, out_len, out_pass,
             len_v, ids_v, rows_a, rows_b, rows_c,
             src_a, src_b, dst_a, dst_b, dst_oa, dst_ob, src_c, dst_c,
             ids_out_v, mask_v,
             sem_ga, sem_gb, sem_sa, sem_sb, sem_oa, sem_ob, sem_pt):
  wid = lax.axis_index("s") * 2 + lax.axis_index("c")
  base = wid * _RPW

  pt = pltpu.async_copy(ctxt_hbm.at[pl.ds(base, _RPW)],
                        out_pass.at[pl.ds(base, _RPW)], sem_pt)
  wlast = jnp.minimum(base + _RPW - 1, _OUT_MAX - 1)

  pltpu.sync_copy(len_hbm, len_v)
  pltpu.sync_copy(ids_hbm, ids_v)
  pltpu.sync_copy(ones_hbm, rows_a)

  lane = lax.iota(jnp.int32, 16)
  lengths = len_v[...]
  inner = jnp.where(lane < _B, lengths - _NUM_PAD, 0)
  csum = jnp.cumsum(inner)
  offsets = csum - inner + 1

  def lane_val(vec, k):
    return jnp.max(jnp.where(lane == k, vec, 0))

  pf = 1 + jnp.max(csum)
  len0 = lane_val(lengths, 0)
  o = [lane_val(offsets, k) for k in range(1, _B)]
  term = [_L - (o[0] - 1)] + [_L - (o[k] - o[k - 1]) for k in range(1, _B - 1)]

  def src_for(r):
    s = r
    for k in range(_B - 1):
      s = s + jnp.where(r >= o[k], term[k], 0)
    s = jnp.where(r == pf, len0 - 1, s)
    return jnp.minimum(s, _OUT_PAD - 1)

  nrows = jnp.clip(pf + 1 - base, 0, _RPW)
  nch = (nrows + _C - 1) // _C
  s1 = nrows // _C

  def fill_ones_dst(c, dst):
    cb = base + c * _C
    for g in range(_C // 16):
      r = cb + g * 16 + lane
      dst[pl.ds(g * 16, 16)] = jnp.where((r > pf) & (r <= wlast), r, wlast)

  p0 = s1 // 2

  def ones_pair(i, carry):
    @pl.when(i > p0)
    def _():
      pltpu.make_async_copy(rows_a, out_ctxt.at[dst_oa], sem_oa).wait()
      pltpu.make_async_copy(rows_a, out_ctxt.at[dst_ob], sem_ob).wait()
    fill_ones_dst(2 * i, dst_oa)
    pltpu.async_copy(rows_a, out_ctxt.at[dst_oa], sem_oa)
    fill_ones_dst(2 * i + 1, dst_ob)
    pltpu.async_copy(rows_a, out_ctxt.at[dst_ob], sem_ob)
    return carry

  @pl.when(pf < wlast)
  def _():
    lax.fori_loop(p0, _NPAIR, ones_pair, 0)
    pltpu.make_async_copy(rows_a, out_ctxt.at[dst_oa], sem_oa).wait()
    pltpu.make_async_copy(rows_a, out_ctxt.at[dst_ob], sem_ob).wait()

  def fill_pack_idx(c, src, dst):
    cb = base + c * _C
    for g in range(_C // 16):
      r = cb + g * 16 + lane
      src[pl.ds(g * 16, 16)] = src_for(r)
      dst[pl.ds(g * 16, 16)] = jnp.where(r <= pf, r, base)

  npair = (nch + 1) // 2

  def pack_pair(i, carry):
    @pl.when(i > 0)
    def _():
      pltpu.make_async_copy(rows_a, out_ctxt.at[dst_a], sem_sa).wait()
      pltpu.make_async_copy(rows_b, out_ctxt.at[dst_b], sem_sb).wait()
    fill_pack_idx(2 * i, src_a, dst_a)
    pltpu.async_copy(ctxt_hbm.at[src_a], rows_a, sem_ga)
    fill_pack_idx(2 * i + 1, src_b, dst_b)
    pltpu.async_copy(ctxt_hbm.at[src_b], rows_b, sem_gb)
    pltpu.make_async_copy(ctxt_hbm.at[src_a], rows_a, sem_ga).wait()
    pltpu.async_copy(rows_a, out_ctxt.at[dst_a], sem_sa)
    pltpu.make_async_copy(ctxt_hbm.at[src_b], rows_b, sem_gb).wait()
    pltpu.async_copy(rows_b, out_ctxt.at[dst_b], sem_sb)
    return carry

  @pl.when(npair > 0)
  def _():
    lax.fori_loop(0, npair, pack_pair, 0)
    pltpu.make_async_copy(rows_a, out_ctxt.at[dst_a], sem_sa).wait()
    pltpu.make_async_copy(rows_b, out_ctxt.at[dst_b], sem_sb).wait()
    src_c[...] = jnp.broadcast_to(src_for(base), (16,))
    dst_c[...] = jnp.broadcast_to(base, (16,))
    pltpu.async_copy(ctxt_hbm.at[src_c], rows_c, sem_ga).wait()
    pltpu.async_copy(rows_c, out_ctxt.at[dst_c], sem_sa).wait()

  for g in range(_RPW // 16):
    r = base + g * 16 + lane
    val = plsc.load_gather(ids_v, [src_for(r)])
    ids_out_v[pl.ds(g * 16, 16)] = jnp.where(r <= pf, val, 1)
  pltpu.sync_copy(ids_out_v, out_ids.at[pl.ds(base, _RPW)])

  sent_len = lane_val(lengths, base >> 11)
  for g in range(_RPW // 16):
    p = base + g * 16 + lane
    mask_v[pl.ds(g * 16, 16)] = (
        (p & (_L - 1)) < sent_len).astype(jnp.int32)
  pltpu.sync_copy(mask_v, out_mask.at[pl.ds(base, _RPW)])

  @pl.when(wid == 0)
  def _():
    pltpu.sync_copy(len_v, out_len)

  pt.wait()


@jax.jit
def kernel(outp_ctxt, input_ids, lengths):
  ctxt_flat = outp_ctxt.reshape(_B * _L, _D)
  ids_flat = input_ids.reshape(_B * _L)
  len_pad = jnp.zeros((16,), jnp.int32).at[:_B].set(lengths)
  ones_buf = jnp.ones((_C, _D), jnp.float32)

  fn = pl.kernel(
      _sc_body,
      out_type=(
          jax.ShapeDtypeStruct((_OUT_MAX, _D), jnp.float32),
          jax.ShapeDtypeStruct((_OUT_PAD,), jnp.int32),
          jax.ShapeDtypeStruct((_OUT_PAD,), jnp.int32),
          jax.ShapeDtypeStruct((16,), jnp.int32),
          jax.ShapeDtypeStruct((_OUT_PAD, _D), jnp.float32),
      ),
      mesh=plsc.VectorSubcoreMesh(core_axis_name="c", subcore_axis_name="s"),
      compiler_params=pltpu.CompilerParams(needs_layout_passes=False),
      scratch_types=[
          pltpu.VMEM((16,), jnp.int32),
          pltpu.VMEM((_OUT_PAD,), jnp.int32),
          pltpu.VMEM((_C, _D), jnp.float32),
          pltpu.VMEM((_C, _D), jnp.float32),
          pltpu.VMEM((16, _D), jnp.float32),
          pltpu.VMEM((_C,), jnp.int32),
          pltpu.VMEM((_C,), jnp.int32),
          pltpu.VMEM((_C,), jnp.int32),
          pltpu.VMEM((_C,), jnp.int32),
          pltpu.VMEM((_C,), jnp.int32),
          pltpu.VMEM((_C,), jnp.int32),
          pltpu.VMEM((16,), jnp.int32),
          pltpu.VMEM((16,), jnp.int32),
          pltpu.VMEM((_RPW,), jnp.int32),
          pltpu.VMEM((_RPW,), jnp.int32),
          pltpu.SemaphoreType.DMA,
          pltpu.SemaphoreType.DMA,
          pltpu.SemaphoreType.DMA,
          pltpu.SemaphoreType.DMA,
          pltpu.SemaphoreType.DMA,
          pltpu.SemaphoreType.DMA,
          pltpu.SemaphoreType.DMA,
      ],
  )
  out_ctxt, out_ids, out_mask, out_len, out_pass = fn(
      ctxt_flat, ids_flat, len_pad, ones_buf)

  pass_ctxt = out_pass.reshape(_B, _L, _D)
  out_temp = out_ctxt[None]
  input_ids_made = out_ids[:_OUT_MAX][None]
  ctxt_mask = out_mask.reshape(_B, _L)
  length = out_len[:_B]
  return (out_temp, input_ids_made, pass_ctxt, ctxt_mask, length)

# --- scband reference (transcript-rebuilt; emitter-appended) ---
"""Pipeline reference for scband-word-tokenizer-45603962749794 (READ-ONLY COPY).

The authoritative reference and input builder live on the scoring server;
editing this copy changes nothing except your own understanding.
"""

import jax, jax.numpy as jnp
import numpy as np

NUM_PAD = 2
B, L, D = 8, 2048, 1024
OUT_MAX = B * (L - NUM_PAD) + NUM_PAD

def setup_inputs(seed: int = 0) -> dict:
    key = jax.random.key(seed)
    k1, k2, k3 = jax.random.split(key, 3)
    outp_ctxt = jax.random.normal(k1, (B, L, D), dtype=jnp.float32)
    input_ids = jax.random.randint(k2, (B, L), 0, 30522, dtype=jnp.int64 if jax.config.read('jax_enable_x64') else jnp.int32).astype(jnp.int32)
    lengths = jnp.clip(jax.random.randint(k3, (B,), 0, L, dtype=jnp.int32), NUM_PAD + 1, L)
    return {"outp_ctxt": outp_ctxt, "input_ids": input_ids, "lengths": lengths}

def reference(outp_ctxt, input_ids, lengths):
    # Faithful jax translation of WordTokenizer.forward long_out packing path
    # (bert-like branch, num_pad=2). Padded per-sentence contextual embeddings
    # are packed into one long sequence: [CLS] of sent 0, then inner tokens
    # (indices 1 .. length_i - num_pad) of every sentence, then the final
    # special token copied from sentence 0 at position pointer_v.
    b, l, d = outp_ctxt.shape
    # ctxt_mask and length_ as in torch: length[i] = sum(mask[i])
    ctxt_mask = (jnp.arange(l)[None, :] < lengths[:, None]).astype(jnp.int32)
    length = jnp.sum(ctxt_mask, axis=1)
    inner = length - NUM_PAD  # tokens copied per sentence
    # pointer_v starts at 1; exclusive prefix sum of inner lengths
    offsets = 1 + jnp.concatenate([jnp.zeros((1,), inner.dtype), jnp.cumsum(inner)[:-1]])
    j = jnp.arange(l)[None, :]
    valid = (j >= 1) & (j < 1 + inner[:, None])
    # invalid tokens scattered to a dump row at index OUT_MAX
    dest = jnp.where(valid, offsets[:, None] + j - 1, OUT_MAX).reshape(-1)
    # outp_ctxt_made = torch.ones((1, all_len, embed_dim)); we allocate the
    # static max size (all_len <= OUT_MAX) plus one dump row
    buf = jnp.ones((OUT_MAX + 1, d), dtype=outp_ctxt.dtype)
    buf = buf.at[dest].set(outp_ctxt.reshape(-1, d))
    buf = buf.at[0].set(outp_ctxt[0, 0, :])
    pointer_final = 1 + jnp.sum(inner)
    # num_pad == 2 branch: trailing special token from sentence 0
    buf = buf.at[pointer_final].set(outp_ctxt[0, length[0] - 1, :])
    out_temp = buf[:OUT_MAX][None, :, :]
    ids_buf = jnp.ones((OUT_MAX + 1,), dtype=input_ids.dtype)
    ids_buf = ids_buf.at[dest].set(input_ids.reshape(-1))
    ids_buf = ids_buf.at[0].set(input_ids[0, 0])
    ids_buf = ids_buf.at[pointer_final].set(input_ids[0, length[0] - 1])
    input_ids_made = ids_buf[:OUT_MAX][None, :]
    return (out_temp, input_ids_made, outp_ctxt, ctxt_mask, length)

if __name__ == "__main__":
    import jax
    _d = setup_inputs()
    print(jax.jit(kernel)(*tuple(_d.values())))

</pallas_src>

<mosaic_0001>
#map = affine_map<(d0, d1) -> (0, 0)>
#map1 = affine_map<(d0, d1) -> (0)>
module attributes {stable_mosaic.version = 14 : i64} {
  func.func @_sc_body(%arg0: i32, %arg1: i32, %arg2: memref<16384x1024xf32, #tpu.memory_space<hbm>>, %arg3: memref<16384xi32, #tpu.memory_space<hbm>>, %arg4: memref<16xi32, #tpu.memory_space<hbm>>, %arg5: memref<32x1024xf32, #tpu.memory_space<hbm>>, %arg6: memref<16370x1024xf32, #tpu.memory_space<hbm>>, %arg7: memref<16384xi32, #tpu.memory_space<hbm>>, %arg8: memref<16384xi32, #tpu.memory_space<hbm>>, %arg9: memref<16xi32, #tpu.memory_space<hbm>>, %arg10: memref<16384x1024xf32, #tpu.memory_space<hbm>>, %arg11: memref<16xi32, #tpu.memory_space<vmem>>, %arg12: memref<16384xi32, #tpu.memory_space<vmem>>, %arg13: memref<32x1024xf32, #tpu.memory_space<vmem>>, %arg14: memref<32x1024xf32, #tpu.memory_space<vmem>>, %arg15: memref<16x1024xf32, #tpu.memory_space<vmem>>, %arg16: memref<32xi32, #tpu.memory_space<vmem>>, %arg17: memref<32xi32, #tpu.memory_space<vmem>>, %arg18: memref<32xi32, #tpu.memory_space<vmem>>, %arg19: memref<32xi32, #tpu.memory_space<vmem>>, %arg20: memref<32xi32, #tpu.memory_space<vmem>>, %arg21: memref<32xi32, #tpu.memory_space<vmem>>, %arg22: memref<16xi32, #tpu.memory_space<vmem>>, %arg23: memref<16xi32, #tpu.memory_space<vmem>>, %arg24: memref<512xi32, #tpu.memory_space<vmem>>, %arg25: memref<512xi32, #tpu.memory_space<vmem>>, %arg26: memref<!tpu.dma_semaphore, #tpu.memory_space<semaphore_mem>>, %arg27: memref<!tpu.dma_semaphore, #tpu.memory_space<semaphore_mem>>, %arg28: memref<!tpu.dma_semaphore, #tpu.memory_space<semaphore_mem>>, %arg29: memref<!tpu.dma_semaphore, #tpu.memory_space<semaphore_mem>>, %arg30: memref<!tpu.dma_semaphore, #tpu.memory_space<semaphore_mem>>, %arg31: memref<!tpu.dma_semaphore, #tpu.memory_space<semaphore_mem>>, %arg32: memref<!tpu.dma_semaphore, #tpu.memory_space<semaphore_mem>>) attributes {dimension_semantics = [#tpu.dimension_semantics<core_parallel>, #tpu.dimension_semantics<subcore_parallel>], iteration_bounds = array<i64: 2, 16>, scalar_prefetch = 0 : i64, scratch_operands = 22 : i64, tpu.core_type = #tpu.core_type<sc_vector_subcore>, window_params = [{transform_indices = #map}, {transform_indices = #map1}, {transform_indices = #map1}, {transform_indices = #map}, {transform_indices = #map}, {transform_indices = #map1}, {transform_indices = #map1}, {transform_indices = #map1}, {transform_indices = #map}]} {
    %mul3A = arith.constant 2 : i32
    %mul3A_0 = arith.muli %arg1, %mul3A : i32
    %add3A = arith.addi %mul3A_0, %arg0 : i32
    %mul3A_1 = arith.constant 512 : i32
    %mul3A_2 = arith.muli %add3A, %mul3A_1 : i32
    %dma_start3A = arith.constant 0 : i32
    %dma_start3A_3 = tpu.memref_slice %arg10[%mul3A_2, %dma_start3A] : memref<16384x1024xf32, #tpu.memory_space<hbm>> -> memref<512x1024xf32, #tpu.memory_space<hbm>>
    %dma_start3A_4 = arith.constant 0 : i32
    %dma_start3A_5 = tpu.memref_slice %arg2[%mul3A_2, %dma_start3A_4] : memref<16384x1024xf32, #tpu.memory_space<hbm>> -> memref<512x1024xf32, #tpu.memory_space<hbm>>
    tpu.enqueue_dma source(%dma_start3A_5 : memref<512x1024xf32, #tpu.memory_space<hbm>>) target(%dma_start3A_3 : memref<512x1024xf32, #tpu.memory_space<hbm>>) target_semaphore(%arg32 : memref<!tpu.dma_semaphore, #tpu.memory_space<semaphore_mem>>)
    %add3A_6 = arith.constant 512 : i32
    %add3A_7 = arith.addi %mul3A_2, %add3A_6 : i32
    %sub3A = arith.constant 1 : i32
    %sub3A_8 = arith.subi %add3A_7, %sub3A : i32
    %min3A = arith.constant 16369 : i32
    %min3A_9 = arith.minsi %sub3A_8, %min3A : i32
    "tpu.region"() ({
      %run_scoped3A = tpu.sem_alloc : memref<!tpu.dma_semaphore, #tpu.memory_space<semaphore_mem>>
      tpu.enqueue_dma source(%arg4 : memref<16xi32, #tpu.memory_space<hbm>>) target(%arg11 : memref<16xi32, #tpu.memory_space<vmem>>) target_semaphore(%run_scoped3A : memref<!tpu.dma_semaphore, #tpu.memory_space<semaphore_mem>>)
      tpu.wait_dma2 semaphore(%run_scoped3A : memref<!tpu.dma_semaphore, #tpu.memory_space<semaphore_mem>>) src(%arg4 : memref<16xi32, #tpu.memory_space<hbm>>) dst(%arg11 : memref<16xi32, #tpu.memory_space<vmem>>)
      tpu.yield
    }) : () -> ()
    "tpu.region"() ({
      %run_scoped3A = tpu.sem_alloc : memref<!tpu.dma_semaphore, #tpu.memory_space<semaphore_mem>>
      tpu.enqueue_dma source(%arg3 : memref<16384xi32, #tpu.memory_space<hbm>>) target(%arg12 : memref<16384xi32, #tpu.memory_space<vmem>>) target_semaphore(%run_scoped3A : memref<!tpu.dma_semaphore, #tpu.memory_space<semaphore_mem>>)
      tpu.wait_dma2 semaphore(%run_scoped3A : memref<!tpu.dma_semaphore, #tpu.memory_space<semaphore_mem>>) src(%arg3 : memref<16384xi32, #tpu.memory_space<hbm>>) dst(%arg12 : memref<16384xi32, #tpu.memory_space<vmem>>)
      tpu.yield
    }) : () -> ()
    "tpu.region"() ({
      %run_scoped3A = tpu.sem_alloc : memref<!tpu.dma_semaphore, #tpu.memory_space<semaphore_mem>>
      tpu.enqueue_dma source(%arg5 : memref<32x1024xf32, #tpu.memory_space<hbm>>) target(%arg13 : memref<32x1024xf32, #tpu.memory_space<vmem>>) target_semaphore(%run_scoped3A : memref<!tpu.dma_semaphore, #tpu.memory_space<semaphore_mem>>)
      tpu.wait_dma2 semaphore(%run_scoped3A : memref<!tpu.dma_semaphore, #tpu.memory_space<semaphore_mem>>) src(%arg5 : memref<32x1024xf32, #tpu.memory_space<hbm>>) dst(%arg13 : memref<32x1024xf32, #tpu.memory_space<vmem>>)
      tpu.yield
    }) : () -> ()
    %iota3A = tpu.iota {dimensions = array<i32: 0>} : vector<16xi32>
    %get3A = arith.constant 0 : index
    %get3A_10 = tpu.vector_load %arg11[%get3A] {strides = array<i32>} : memref<16xi32, #tpu.memory_space<vmem>>, vector<16xi32>,
    %lt3A = arith.constant 8 : i32
    %lt3A_11 = vector.broadcast %lt3A : i32 to vector<16xi32>
    %lt3A_12 = arith.cmpi slt, %iota3A, %lt3A_11 : vector<16xi32>
    %sub3A_13 = arith.constant 2 : i32
    %sub3A_14 = vector.broadcast %sub3A_13 : i32 to vector<16xi32>
    %sub3A_15 = arith.subi %get3A_10, %sub3A_14 : vector<16xi32>
    %jit3A = arith.constant 0 : i32
    %broadcast_in_dim3A = vector.broadcast %jit3A : i32 to vector<16xi32>
    %select_n3A = arith.select %lt3A_12, %sub3A_15, %broadcast_in_dim3A : vector<16xi1>, vector<16xi32>
    %cumsum3A = arith.constant true
    %cumsum3A_16 = vector.broadcast %cumsum3A : i1 to vector<16xi1>
    %cumsum3A_17 = tpu.scan <sum>, %select_n3A masked %cumsum3A_16 : vector<16xi32>, vector<16xi1> -> vector<16xi32>
    %sub3A_18 = arith.subi %cumsum3A_17, %select_n3A : vector<16xi32>
    %add3A_19 = arith.constant 1 : i32
    %add3A_20 = vector.broadcast %add3A_19 : i32 to vector<16xi32>
    %add3A_21 = arith.addi %sub3A_18, %add3A_20 : vector<16xi32>
    %reduce_max3A = arith.constant true
    %reduce_max3A_22 = vector.broadcast %reduce_max3A : i1 to vector<16xi1>
    %reduce_max3A_23 = arith.constant -2147483648 : i32
    %reduce_max3A_24 = vector.broadcast %reduce_max3A_23 : i32 to vector<16xi32>
    %reduce_max3A_25 = arith.xori %cumsum3A_17, %reduce_max3A_24 : vector<16xi32>
    %reduce_max3A_26 = tpu.scan <max>, %reduce_max3A_25 masked %reduce_max3A_22 : vector<16xi32>, vector<16xi1> -> vector<16xi32>
    %reduce_max3A_27 = arith.xori %reduce_max3A_26, %reduce_max3A_24 : vector<16xi32>
    %reduce_max3A_28 = vector.extract %reduce_max3A_27[15] : i32 from vector<16xi32>
    %add3A_29 = arith.constant 1 : i32
    %add3A_30 = arith.addi %add3A_29, %reduce_max3A_28 : i32
    %eq3A = arith.constant 0 : i32
    %eq3A_31 = vector.broadcast %eq3A : i32 to vector<16xi32>
    %eq3A_32 = arith.cmpi eq, %iota3A, %eq3A_31 : vector<16xi32>
    %jit3A_33 = arith.constant 0 : i32
    %broadcast_in_dim3A_34 = vector.broadcast %jit3A_33 : i32 to vector<16xi32>
    %select_n3A_35 = arith.select %eq3A_32, %get3A_10, %broadcast_in_dim3A_34 : vector<16xi1>, vector<16xi32>
    %reduce_max3A_36 = arith.constant true
    %reduce_max3A_37 = vector.broadcast %reduce_max3A_36 : i1 to vector<16xi1>
    %reduce_max3A_38 = arith.constant -2147483648 : i32
    %reduce_max3A_39 = vector.broadcast %reduce_max3A_38 : i32 to vector<16xi32>
    %reduce_max3A_40 = arith.xori %select_n3A_35, %reduce_max3A_39 : vector<16xi32>
    %reduce_max3A_41 = tpu.scan <max>, %reduce_max3A_40 masked %reduce_max3A_37 : vector<16xi32>, vector<16xi1> -> vector<16xi32>
    %reduce_max3A_42 = arith.xori %reduce_max3A_41, %reduce_max3A_39 : vector<16xi32>
    %reduce_max3A_43 = vector.extract %reduce_max3A_42[15] : i32 from vector<16xi32>
    %eq3A_44 = arith.constant 1 : i32
    %eq3A_45 = vector.broadcast %eq3A_44 : i32 to vector<16xi32>
    %eq3A_46 = arith.cmpi eq, %iota3A, %eq3A_45 : vector<16xi32>
    %jit3A_47 = arith.constant 0 : i32
    %broadcast_in_dim3A_48 = vector.broadcast %jit3A_47 : i32 to vector<16xi32>
    %select_n3A_49 = arith.select %eq3A_46, %add3A_21, %broadcast_in_dim3A_48 : vector<16xi1>, vector<16xi32>
    %reduce_max3A_50 = arith.constant true
    %reduce_max3A_51 = vector.broadcast %reduce_max3A_50 : i1 to vector<16xi1>
    %reduce_max3A_52 = arith.constant -2147483648 : i32
    %reduce_max3A_53 = vector.broadcast %reduce_max3A_52 : i32 to vector<16xi32>
    %reduce_max3A_54 = arith.xori %select_n3A_49, %reduce_max3A_53 : vector<16xi32>
    %reduce_max3A_55 = tpu.scan <max>, %reduce_max3A_54 masked %reduce_max3A_51 : vector<16xi32>, vector<16xi1> -> vector<16xi32>
    %reduce_max3A_56 = arith.xori %reduce_max3A_55, %reduce_max3A_53 : vector<16xi32>
    %reduce_max3A_57 = vector.extract %reduce_max3A_56[15] : i32 from vector<16xi32>
    %eq3A_58 = arith.constant 2 : i32
    %eq3A_59 = vector.broadcast %eq3A_58 : i32 to vector<16xi32>
    %eq3A_60 = arith.cmpi eq, %iota3A, %eq3A_59 : vector<16xi32>
    %jit3A_61 = arith.constant 0 : i32
    %broadcast_in_dim3A_62 = vector.broadcast %jit3A_61 : i32 to vector<16xi32>
    %select_n3A_63 = arith.select %eq3A_60, %add3A_21, %broadcast_in_dim3A_62 : vector<16xi1>, vector<16xi32>
    %reduce_max3A_64 = arith.constant true
    %reduce_max3A_65 = vector.broadcast %reduce_max3A_64 : i1 to vector<16xi1>
    %reduce_max3A_66 = arith.constant -2147483648 : i32
    %reduce_max3A_67 = vector.broadcast %reduce_max3A_66 : i32 to vector<16xi32>
    %reduce_max3A_68 = arith.xori %select_n3A_63, %reduce_max3A_67 : vector<16xi32>
    %reduce_max3A_69 = tpu.scan <max>, %reduce_max3A_68 masked %reduce_max3A_65 : vector<16xi32>, vector<16xi1> -> vector<16xi32>
    %reduce_max3A_70 = arith.xori %reduce_max3A_69, %reduce_max3A_67 : vector<16xi32>
    %reduce_max3A_71 = vector.extract %reduce_max3A_70[15] : i32 from vector<16xi32>
    %eq3A_72 = arith.constant 3 : i32
    %eq3A_73 = vector.broadcast %eq3A_72 : i32 to vector<16xi32>
    %eq3A_74 = arith.cmpi eq, %iota3A, %eq3A_73 : vector<16xi32>
    %jit3A_75 = arith.constant 0 : i32
    %broadcast_in_dim3A_76 = vector.broadcast %jit3A_75 : i32 to vector<16xi32>
    %select_n3A_77 = arith.select %eq3A_74, %add3A_21, %broadcast_in_dim3A_76 : vector<16xi1>, vector<16xi32>
    %reduce_max3A_78 = arith.constant true
    %reduce_max3A_79 = vector.broadcast %reduce_max3A_78 : i1 to vector<16xi1>
    %reduce_max3A_80 = arith.constant -2147483648 : i32
    %reduce_max3A_81 = vector.broadcast %reduce_max3A_80 : i32 to vector<16xi32>
    %reduce_max3A_82 = arith.xori %select_n3A_77, %reduce_max3A_81 : vector<16xi32>
    %reduce_max3A_83 = tpu.scan <max>, %reduce_max3A_82 masked %reduce_max3A_79 : vector<16xi32>, vector<16xi1> -> vector<16xi32>
    %reduce_max3A_84 = arith.xori %reduce_max3A_83, %reduce_max3A_81 : vector<16xi32>
    %reduce_max3A_85 = vector.extract %reduce_max3A_84[15] : i32 from vector<16xi32>
    %eq3A_86 = arith.constant 4 : i32
    %eq3A_87 = vector.broadcast %eq3A_86 : i32 to vector<16xi32>
    %eq3A_88 = arith.cmpi eq, %iota3A, %eq3A_87 : vector<16xi32>
    %jit3A_89 = arith.constant 0 : i32
    %broadcast_in_dim3A_90 = vector.broadcast %jit3A_89 : i32 to vector<16xi32>
    %select_n3A_91 = arith.select %eq3A_88, %add3A_21, %broadcast_in_dim3A_90 : vector<16xi1>, vector<16xi32>
    %reduce_max3A_92 = arith.constant true
    %reduce_max3A_93 = vector.broadcast %reduce_max3A_92 : i1 to vector<16xi1>
    %reduce_max3A_94 = arith.constant -2147483648 : i32
    %reduce_max3A_95 = vector.broadcast %reduce_max3A_94 : i32 to vector<16xi32>
    %reduce_max3A_96 = arith.xori %select_n3A_91, %reduce_max3A_95 : vector<16xi32>
    %reduce_max3A_97 = tpu.scan <max>, %reduce_max3A_96 masked %reduce_max3A_93 : vector<16xi32>, vector<16xi1> -> vector<16xi32>
    %reduce_max3A_98 = arith.xori %reduce_max3A_97, %reduce_max3A_95 : vector<16xi32>
    %reduce_max3A_99 = vector.extract %reduce_max3A_98[15] : i32 from vector<16xi32>
    %eq3A_100 = arith.constant 5 : i32
    %eq3A_101 = vector.broadcast %eq3A_100 : i32 to vector<16xi32>
    %eq3A_102 = arith.cmpi eq, %iota3A, %eq3A_101 : vector<16xi32>
    %jit3A_103 = arith.constant 0 : i32
    %broadcast_in_dim3A_104 = vector.broadcast %jit3A_103 : i32 to vector<16xi32>
    %select_n3A_105 = arith.select %eq3A_102, %add3A_21, %broadcast_in_dim3A_104 : vector<16xi1>, vector<16xi32>
    %reduce_max3A_106 = arith.constant true
    %reduce_max3A_107 = vector.broadcast %reduce_max3A_106 : i1 to vector<16xi1>
    %reduce_max3A_108 = arith.constant -2147483648 : i32
    %reduce_max3A_109 = vector.broadcast %reduce_max3A_108 : i32 to vector<16xi32>
    %reduce_max3A_110 = arith.xori %select_n3A_105, %reduce_max3A_109 : vector<16xi32>
    %reduce_max3A_111 = tpu.scan <max>, %reduce_max3A_110 masked %reduce_max3A_107 : vector<16xi32>, vector<16xi1> -> vector<16xi32>
    %reduce_max3A_112 = arith.xori %reduce_max3A_111, %reduce_max3A_109 : vector<16xi32>
    %reduce_max3A_113 = vector.extract %reduce_max3A_112[15] : i32 from vector<16xi32>
    %eq3A_114 = arith.constant 6 : i32
    %eq3A_115 = vector.broadcast %eq3A_114 : i32 to vector<16xi32>
    %eq3A_116 = arith.cmpi eq, %iota3A, %eq3A_115 : vector<16xi32>
    %jit3A_117 = arith.constant 0 : i32
    %broadcast_in_dim3A_118 = vector.broadcast %jit3A_117 : i32 to vector<16xi32>
    %select_n3A_119 = arith.select %eq3A_116, %add3A_21, %broadcast_in_dim3A_118 : vector<16xi1>, vector<16xi32>
    %reduce_max3A_120 = arith.constant true
    %reduce_max3A_121 = vector.broadcast %reduce_max3A_120 : i1 to vector<16xi1>
    %reduce_max3A_122 = arith.constant -2147483648 : i32
    %reduce_max3A_123 = vector.broadcast %reduce_max3A_122 : i32 to vector<16xi32>
    %reduce_max3A_124 = arith.xori %select_n3A_119, %reduce_max3A_123 : vector<16xi32>
    %reduce_max3A_125 = tpu.scan <max>, %reduce_max3A_124 masked %reduce_max3A_121 : vector<16xi32>, vector<16xi1> -> vector<16xi32>
    %reduce_max3A_126 = arith.xori %reduce_max3A_125, %reduce_max3A_123 : vector<16xi32>
    %reduce_max3A_127 = vector.extract %reduce_max3A_126[15] : i32 from vector<16xi32>
    %eq3A_128 = arith.constant 7 : i32
    %eq3A_129 = vector.broadcast %eq3A_128 : i32 to vector<16xi32>
    %eq3A_130 = arith.cmpi eq, %iota3A, %eq3A_129 : vector<16xi32>
    %jit3A_131 = arith.constant 0 : i32
    %broadcast_in_dim3A_132 = vector.broadcast %jit3A_131 : i32 to vector<16xi32>
    %select_n3A_133 = arith.select %eq3A_130, %add3A_21, %broadcast_in_dim3A_132 : vector<16xi1>, vector<16xi32>
    %reduce_max3A_134 = arith.constant true
    %reduce_max3A_135 = vector.broadcast %reduce_max3A_134 : i1 to vector<16xi1>
    %reduce_max3A_136 = arith.constant -2147483648 : i32
    %reduce_max3A_137 = vector.broadcast %reduce_max3A_136 : i32 to vector<16xi32>
    %reduce_max3A_138 = arith.xori %select_n3A_133, %reduce_max3A_137 : vector<16xi32>
    %reduce_max3A_139 = tpu.scan <max>, %reduce_max3A_138 masked %reduce_max3A_135 : vector<16xi32>, vector<16xi1> -> vector<16xi32>
    %reduce_max3A_140 = arith.xori %reduce_max3A_139, %reduce_max3A_137 : vector<16xi32>
    %reduce_max3A_141 = vector.extract %reduce_max3A_140[15] : i32 from vector<16xi32>
    %sub3A_142 = arith.constant 1 : i32
    %sub3A_143 = arith.subi %reduce_max3A_57, %sub3A_142 : i32
    %sub3A_144 = arith.constant 2048 : i32
    %sub3A_145 = arith.subi %sub3A_144, %sub3A_143 : i32
    %sub3A_146 = arith.subi %reduce_max3A_71, %reduce_max3A_57 : i32
    %sub3A_147 = arith.constant 2048 : i32
    %sub3A_148 = arith.subi %sub3A_147, %sub3A_146 : i32
    %sub3A_149 = arith.subi %reduce_max3A_85, %reduce_max3A_71 : i32
    %sub3A_150 = arith.constant 2048 : i32
    %sub3A_151 = arith.subi %sub3A_150, %sub3A_149 : i32
    %sub3A_152 = arith.subi %reduce_max3A_99, %reduce_max3A_85 : i32
    %sub3A_153 = arith.constant 2048 : i32
    %sub3A_154 = arith.subi %sub3A_153, %sub3A_152 : i32
    %sub3A_155 = arith.subi %reduce_max3A_113, %reduce_max3A_99 : i32
    %sub3A_156 = arith.constant 2048 : i32
    %sub3A_157 = arith.subi %sub3A_156, %sub3A_155 : i32
    %sub3A_158 = arith.subi %reduce_max3A_127, %reduce_max3A_113 : i32
    %sub3A_159 = arith.constant 2048 : i32
    %sub3A_160 = arith.subi %sub3A_159, %sub3A_158 : i32
    %sub3A_161 = arith.subi %reduce_max3A_141, %reduce_max3A_127 : i32
    %sub3A_162 = arith.constant 2048 : i32
    %sub3A_163 = arith.subi %sub3A_162, %sub3A_161 : i32
    %add3A_164 = arith.constant 1 : i32
    %add3A_165 = arith.addi %add3A_30, %add3A_164 : i32
    %sub3A_166 = arith.subi %add3A_165, %mul3A_2 : i32
    %jit3A_167 = arith.constant 0 : i32
    %jit3A_168 = arith.constant 512 : i32
    %max3A = arith.maxsi %jit3A_167, %sub3A_166 : i32
    %min3A_169 = arith.minsi %jit3A_168, %max3A : i32
    %add3A_170 = arith.constant 32 : i32
    %add3A_171 = arith.addi %min3A_169, %add3A_170 : i32
    %sub3A_172 = arith.constant 1 : i32
    %sub3A_173 = arith.subi %add3A_171, %sub3A_172 : i32
    %jit3A_174 = arith.constant 32 : i32
    %div3A = arith.divsi %sub3A_173, %jit3A_174 : i32
    %sign3A = arith.constant 0 : i32
    %sign3A_175 = arith.cmpi sgt, %sub3A_173, %sign3A : i32
    %sign3A_176 = arith.extui %sign3A_175 : i1 to i32
    %sign3A_177 = arith.constant 0 : i32
    %sign3A_178 = arith.cmpi slt, %sub3A_173, %sign3A_177 : i32
    %sign3A_179 = arith.extui %sign3A_178 : i1 to i32
    %sign3A_180 = arith.subi %sign3A_176, %sign3A_179 : i32
    %sign3A_181 = arith.constant 0 : i32
    %sign3A_182 = arith.cmpi sgt, %jit3A_174, %sign3A_181 : i32
    %sign3A_183 = arith.extui %sign3A_182 : i1 to i32
    %sign3A_184 = arith.constant 0 : i32
    %sign3A_185 = arith.cmpi slt, %jit3A_174, %sign3A_184 : i32
    %sign3A_186 = arith.extui %sign3A_185 : i1 to i32
    %sign3A_187 = arith.subi %sign3A_183, %sign3A_186 : i32
    %ne3A = arith.cmpi ne, %sign3A_180, %sign3A_187 : i32
    %rem3A = arith.remsi %sub3A_173, %jit3A_174 : i32
    %ne3A_188 = arith.constant 0 : i32
    %ne3A_189 = arith.cmpi ne, %rem3A, %ne3A_188 : i32
    %and3A = arith.andi %ne3A, %ne3A_189 : i1
    %sub3A_190 = arith.constant 1 : i32
    %sub3A_191 = arith.subi %div3A, %sub3A_190 : i32
    %select_n3A_192 = arith.select %and3A, %sub3A_191, %div3A : i32
    %jit3A_193 = arith.constant 32 : i32
    %div3A_194 = arith.divsi %min3A_169, %jit3A_193 : i32
    %sign3A_195 = arith.constant 0 : i32
    %sign3A_196 = arith.cmpi sgt, %min3A_169, %sign3A_195 : i32
    %sign3A_197 = arith.extui %sign3A_196 : i1 to i32
    %sign3A_198 = arith.constant 0 : i32
    %sign3A_199 = arith.cmpi slt, %min3A_169, %sign3A_198 : i32
    %sign3A_200 = arith.extui %sign3A_199 : i1 to i32
    %sign3A_201 = arith.subi %sign3A_197, %sign3A_200 : i32
    %sign3A_202 = arith.constant 0 : i32
    %sign3A_203 = arith.cmpi sgt, %jit3A_193, %sign3A_202 : i32
    %sign3A_204 = arith.extui %sign3A_203 : i1 to i32
    %sign3A_205 = arith.constant 0 : i32
    %sign3A_206 = arith.cmpi slt, %jit3A_193, %sign3A_205 : i32
    %sign3A_207 = arith.extui %sign3A_206 : i1 to i32
    %sign3A_208 = arith.subi %sign3A_204, %sign3A_207 : i32
    %ne3A_209 = arith.cmpi ne, %sign3A_201, %sign3A_208 : i32
    %rem3A_210 = arith.remsi %min3A_169, %jit3A_193 : i32
    %ne3A_211 = arith.constant 0 : i32
    %ne3A_212 = arith.cmpi ne, %rem3A_210, %ne3A_211 : i32
    %and3A_213 = arith.andi %ne3A_209, %ne3A_212 : i1
    %sub3A_214 = arith.constant 1 : i32
    %sub3A_215 = arith.subi %div3A_194, %sub3A_214 : i32
    %select_n3A_216 = arith.select %and3A_213, %sub3A_215, %div3A_194 : i32
    %jit3A_217 = arith.constant 2 : i32
    %div3A_218 = arith.divsi %select_n3A_216, %jit3A_217 : i32
    %sign3A_219 = arith.constant 0 : i32
    %sign3A_220 = arith.cmpi sgt, %select_n3A_216, %sign3A_219 : i32
    %sign3A_221 = arith.extui %sign3A_220 : i1 to i32
    %sign3A_222 = arith.constant 0 : i32
    %sign3A_223 = arith.cmpi slt, %select_n3A_216, %sign3A_222 : i32
    %sign3A_224 = arith.extui %sign3A_223 : i1 to i32
    %sign3A_225 = arith.subi %sign3A_221, %sign3A_224 : i32
    %sign3A_226 = arith.constant 0 : i32
    %sign3A_227 = arith.cmpi sgt, %jit3A_217, %sign3A_226 : i32
    %sign3A_228 = arith.extui %sign3A_227 : i1 to i32
    %sign3A_229 = arith.constant 0 : i32
    %sign3A_230 = arith.cmpi slt, %jit3A_217, %sign3A_229 : i32
    %sign3A_231 = arith.extui %sign3A_230 : i1 to i32
    %sign3A_232 = arith.subi %sign3A_228, %sign3A_231 : i32
    %ne3A_233 = arith.cmpi ne, %sign3A_225, %sign3A_232 : i32
    %rem3A_234 = arith.remsi %select_n3A_216, %jit3A_217 : i32
    %ne3A_235 = arith.constant 0 : i32
    %ne3A_236 = arith.cmpi ne, %rem3A_234, %ne3A_235 : i32
    %and3A_237 = arith.andi %ne3A_233, %ne3A_236 : i1
    %sub3A_238 = arith.constant 1 : i32
    %sub3A_239 = arith.subi %div3A_218, %sub3A_238 : i32
    %select_n3A_240 = arith.select %and3A_237, %sub3A_239, %div3A_218 : i32
    %lt3A_241 = arith.cmpi slt, %add3A_30, %min3A_9 : i32
    %convert_element_type3A = arith.extui %lt3A_241 : i1 to i32
    %cond3A = arith.constant 0 : i32
    %cond3A_242 = arith.cmpi ne, %convert_element_type3A, %cond3A : i32
    scf.if %cond3A_242 {
      %while3A = arith.constant 0 : i32
      %while3A_2915 = arith.constant 8 : i32
      %while3A_2916 = arith.subi %while3A_2915, %select_n3A_240 : i32
      %while3A_2917 = arith.addi %select_n3A_240, %while3A_2916 : i32
      %while3A_2918 = arith.constant 1 : i32
      %while3A_2919 = arith.divsi %while3A_2916, %while3A_2918 : i32
      %while3A_2920 = arith.muli %while3A_2919, %while3A_2918 : i32
      %while3A_2921 = arith.addi %select_n3A_240, %while3A_2920 : i32
      %while3A_2922 = arith.constant 1 : i32
      scf.for %while3A_2930 = %select_n3A_240 to %while3A_2921 step %while3A_2922  : i32 {
        %gt3A_2931 = arith.cmpi sgt, %while3A_2930, %select_n3A_240 : i32
        %convert_element_type3A_2932 = arith.extui %gt3A_2931 : i1 to i32
        %cond3A_2933 = arith.constant 0 : i32
        %cond3A_2934 = arith.cmpi ne, %convert_element_type3A_2932, %cond3A_2933 : i32
        scf.if %cond3A_2934 {
          %dma_wait3A_3005 = arith.constant 0 : i32
          %dma_wait3A_3006 = arith.constant 0 : i32
          %dma_wait3A_3007 = tpu.memref_slice %arg6[%dma_wait3A_3005, %dma_wait3A_3006] : memref<16370x1024xf32, #tpu.memory_space<hbm>> -> memref<16370x1024xf32, #tpu.memory_space<hbm>>
          tpu.wait_indirect_dma semaphore(%arg30 : memref<!tpu.dma_semaphore, #tpu.memory_space<semaphore_mem>>) src(%arg13 : memref<32x1024xf32, #tpu.memory_space<vmem>>) dst(%dma_wait3A_3007 : memref<16370x1024xf32, #tpu.memory_space<hbm>>)
          %dma_wait3A_3008 = arith.constant 0 : i32
          %dma_wait3A_3009 = arith.constant 0 : i32
          %dma_wait3A_3010 = tpu.memref_slice %arg6[%dma_wait3A_3008, %dma_wait3A_3009] : memref<16370x1024xf32, #tpu.memory_space<hbm>> -> memref<16370x1024xf32, #tpu.memory_space<hbm>>
          tpu.wait_indirect_dma semaphore(%arg31 : memref<!tpu.dma_semaphore, #tpu.memory_space<semaphore_mem>>) src(%arg13 : memref<32x1024xf32, #tpu.memory_space<vmem>>) dst(%dma_wait3A_3010 : memref<16370x1024xf32, #tpu.memory_space<hbm>>)
        } else {
        }
        %mul3A_2935 = arith.constant 2 : i32
        %mul3A_2936 = arith.muli %mul3A_2935, %while3A_2930 : i32
        %mul3A_2937 = arith.constant 32 : i32
        %mul3A_2938 = arith.muli %mul3A_2936, %mul3A_2937 : i32
        %add3A_2939 = arith.addi %mul3A_2, %mul3A_2938 : i32
        %add3A_2940 = arith.constant 0 : i32
        %add3A_2941 = arith.addi %add3A_2939, %add3A_2940 : i32
        %add3A_2942 = vector.broadcast %add3A_2941 : i32 to vector<16xi32>
        %add3A_2943 = arith.addi %add3A_2942, %iota3A : vector<16xi32>
        %gt3A_2944 = vector.broadcast %add3A_30 : i32 to vector<16xi32>
        %gt3A_2945 = arith.cmpi sgt, %add3A_2943, %gt3A_2944 : vector<16xi32>
        %le3A_2946 = vector.broadcast %min3A_9 : i32 to vector<16xi32>
        %le3A_2947 = arith.cmpi sle, %add3A_2943, %le3A_2946 : vector<16xi32>
        %and3A_2948 = arith.andi %gt3A_2945, %le3A_2947 : vector<16xi1>
        %broadcast_in_dim3A_2949 = vector.broadcast %min3A_9 : i32 to vector<16xi32>
        %select_n3A_2950 = arith.select %and3A_2948, %add3A_2943, %broadcast_in_dim3A_2949 : vector<16xi1>, vector<16xi32>
        %swap3A_2951 = arith.constant 0 : index
        %swap3A_2952 = tpu.vector_load %arg20[%swap3A_2951] {strides = array<i32>} : memref<32xi32, #tpu.memory_space<vmem>>, vector<16xi32>,
        tpu.vector_store %arg20[%swap3A_2951], %select_n3A_2950 {strides = array<i32>} : memref<32xi32, #tpu.memory_space<vmem>>, vector<16xi32>,
        %add3A_2953 = arith.constant 16 : i32
        %add3A_2954 = arith.addi %add3A_2939, %add3A_2953 : i32
        %add3A_2955 = vector.broadcast %add3A_2954 : i32 to vector<16xi32>
        %add3A_2956 = arith.addi %add3A_2955, %iota3A : vector<16xi32>
        %gt3A_2957 = vector.broadcast %add3A_30 : i32 to vector<16xi32>
        %gt3A_2958 = arith.cmpi sgt, %add3A_2956, %gt3A_2957 : vector<16xi32>
        %le3A_2959 = vector.broadcast %min3A_9 : i32 to vector<16xi32>
        %le3A_2960 = arith.cmpi sle, %add3A_2956, %le3A_2959 : vector<16xi32>
        %and3A_2961 = arith.andi %gt3A_2958, %le3A_2960 : vector<16xi1>
        %broadcast_in_dim3A_2962 = vector.broadcast %min3A_9 : i32 to vector<16xi32>
        %select_n3A_2963 = arith.select %and3A_2961, %add3A_2956, %broadcast_in_dim3A_2962 : vector<16xi1>, vector<16xi32>
        %swap3A_2964 = arith.constant 16 : index
        %swap3A_2965 = tpu.vector_load %arg20[%swap3A_2964] {strides = array<i32>} : memref<32xi32, #tpu.memory_space<vmem>>, vector<16xi32>,
        tpu.vector_store %arg20[%swap3A_2964], %select_n3A_2963 {strides = array<i32>} : memref<32xi32, #tpu.memory_space<vmem>>, vector<16xi32>,
        %dma_start3A_2966 = arith.constant 0 : i32
        %dma_start3A_2967 = arith.constant 0 : i32
        %dma_start3A_2968 = tpu.memref_slice %arg6[%dma_start3A_2966, %dma_start3A_2967] : memref<16370x1024xf32, #tpu.memory_space<hbm>> -> memref<16370x1024xf32, #tpu.memory_space<hbm>>
        tpu.enqueue_indirect_dma source(%arg13 : memref<32x1024xf32, #tpu.memory_space<vmem>>) target(%dma_start3A_2968 : memref<16370x1024xf32, #tpu.memory_space<hbm>>) offsets(%arg20 : memref<32xi32, #tpu.memory_space<vmem>>) semaphore(%arg30 : memref<!tpu.dma_semaphore, #tpu.memory_space<semaphore_mem>>)
        %mul3A_2969 = arith.constant 2 : i32
        %mul3A_2970 = arith.muli %mul3A_2969, %while3A_2930 : i32
        %add3A_2971 = arith.constant 1 : i32
        %add3A_2972 = arith.addi %mul3A_2970, %add3A_2971 : i32
        %mul3A_2973 = arith.constant 32 : i32
        %mul3A_2974 = arith.muli %add3A_2972, %mul3A_2973 : i32
        %add3A_2975 = arith.addi %mul3A_2, %mul3A_2974 : i32
        %add3A_2976 = arith.constant 0 : i32
        %add3A_2977 = arith.addi %add3A_2975, %add3A_2976 : i32
        %add3A_2978 = vector.broadcast %add3A_2977 : i32 to vector<16xi32>
        %add3A_2979 = arith.addi %add3A_2978, %iota3A : vector<16xi32>
        %gt3A_2980 = vector.broadcast %add3A_30 : i32 to vector<16xi32>
        %gt3A_2981 = arith.cmpi sgt, %add3A_2979, %gt3A_2980 : vector<16xi32>
        %le3A_2982 = vector.broadcast %min3A_9 : i32 to vector<16xi32>
        %le3A_2983 = arith.cmpi sle, %add3A_2979, %le3A_2982 : vector<16xi32>
        %and3A_2984 = arith.andi %gt3A_2981, %le3A_2983 : vector<16xi1>
        %broadcast_in_dim3A_2985 = vector.broadcast %min3A_9 : i32 to vector<16xi32>
        %select_n3A_2986 = arith.select %and3A_2984, %add3A_2979, %broadcast_in_dim3A_2985 : vector<16xi1>, vector<16xi32>
        %swap3A_2987 = arith.constant 0 : index
        %swap3A_2988 = tpu.vector_load %arg21[%swap3A_2987] {strides = array<i32>} : memref<32xi32, #tpu.memory_space<vmem>>, vector<16xi32>,
        tpu.vector_store %arg21[%swap3A_2987], %select_n3A_2986 {strides = array<i32>} : memref<32xi32, #tpu.memory_space<vmem>>, vector<16xi32>,
        %add3A_2989 = arith.constant 16 : i32
        %add3A_2990 = arith.addi %add3A_2975, %add3A_2989 : i32
        %add3A_2991 = vector.broadcast %add3A_2990 : i32 to vector<16xi32>
        %add3A_2992 = arith.addi %add3A_2991, %iota3A : vector<16xi32>
        %gt3A_2993 = vector.broadcast %add3A_30 : i32 to vector<16xi32>
        %gt3A_2994 = arith.cmpi sgt, %add3A_2992, %gt3A_2993 : vector<16xi32>
        %le3A_2995 = vector.broadcast %min3A_9 : i32 to vector<16xi32>
        %le3A_2996 = arith.cmpi sle, %add3A_2992, %le3A_2995 : vector<16xi32>
        %and3A_2997 = arith.andi %gt3A_2994, %le3A_2996 : vector<16xi1>
        %broadcast_in_dim3A_2998 = vector.broadcast %min3A_9 : i32 to vector<16xi32>
        %select_n3A_2999 = arith.select %and3A_2997, %add3A_2992, %broadcast_in_dim3A_2998 : vector<16xi1>, vector<16xi32>
        %swap3A_3000 = arith.constant 16 : index
        %swap3A_3001 = tpu.vector_load %arg21[%swap3A_3000] {strides = array<i32>} : memref<32xi32, #tpu.memory_space<vmem>>, vector<16xi32>,
        tpu.vector_store %arg21[%swap3A_3000], %select_n3A_2999 {strides = array<i32>} : memref<32xi32, #tpu.memory_space<vmem>>, vector<16xi32>,
        %dma_start3A_3002 = arith.constant 0 : i32
        %dma_start3A_3003 = arith.constant 0 : i32
        %dma_start3A_3004 = tpu.memref_slice %arg6[%dma_start3A_3002, %dma_start3A_3003] : memref<16370x1024xf32, #tpu.memory_space<hbm>> -> memref<16370x1024xf32, #tpu.memory_space<hbm>>
        tpu.enqueue_indirect_dma source(%arg13 : memref<32x1024xf32, #tpu.memory_space<vmem>>) target(%dma_start3A_3004 : memref<16370x1024xf32, #tpu.memory_space<hbm>>) offsets(%arg21 : memref<32xi32, #tpu.memory_space<vmem>>) semaphore(%arg31 : memref<!tpu.dma_semaphore, #tpu.memory_space<semaphore_mem>>)
      }
      %while3A_2923 = arith.constant 1 : i32
      scf.for %while3A_2930 = %while3A_2921 to %while3A_2917 step %while3A_2923  : i32 {
        %gt3A_2931 = arith.cmpi sgt, %while3A_2930, %select_n3A_240 : i32
        %convert_element_type3A_2932 = arith.extui %gt3A_2931 : i1 to i32
        %cond3A_2933 = arith.constant 0 : i32
        %cond3A_2934 = arith.cmpi ne, %convert_element_type3A_2932, %cond3A_2933 : i32
        scf.if %cond3A_2934 {
          %dma_wait3A_3005 = arith.constant 0 : i32
          %dma_wait3A_3006 = arith.constant 0 : i32
          %dma_wait3A_3007 = tpu.memref_slice %arg6[%dma_wait3A_3005, %dma_wait3A_3006] : memref<16370x1024xf32, #tpu.memory_space<hbm>> -> memref<16370x1024xf32, #tpu.memory_space<hbm>>
          tpu.wait_indirect_dma semaphore(%arg30 : memref<!tpu.dma_semaphore, #tpu.memory_space<semaphore_mem>>) src(%arg13 : memref<32x1024xf32, #tpu.memory_space<vmem>>) dst(%dma_wait3A_3007 : memref<16370x1024xf32, #tpu.memory_space<hbm>>)
          %dma_wait3A_3008 = arith.constant 0 : i32
          %dma_wait3A_3009 = arith.constant 0 : i32
          %dma_wait3A_3010 = tpu.memref_slice %arg6[%dma_wait3A_3008, %dma_wait3A_3009] : memref<16370x1024xf32, #tpu.memory_space<hbm>> -> memref<16370x1024xf32, #tpu.memory_space<hbm>>
          tpu.wait_indirect_dma semaphore(%arg31 : memref<!tpu.dma_semaphore, #tpu.memory_space<semaphore_mem>>) src(%arg13 : memref<32x1024xf32, #tpu.memory_space<vmem>>) dst(%dma_wait3A_3010 : memref<16370x1024xf32, #tpu.memory_space<hbm>>)
        } else {
        }
        %mul3A_2935 = arith.constant 2 : i32
        %mul3A_2936 = arith.muli %mul3A_2935, %while3A_2930 : i32
        %mul3A_2937 = arith.constant 32 : i32
        %mul3A_2938 = arith.muli %mul3A_2936, %mul3A_2937 : i32
        %add3A_2939 = arith.addi %mul3A_2, %mul3A_2938 : i32
        %add3A_2940 = arith.constant 0 : i32
        %add3A_2941 = arith.addi %add3A_2939, %add3A_2940 : i32
        %add3A_2942 = vector.broadcast %add3A_2941 : i32 to vector<16xi32>
        %add3A_2943 = arith.addi %add3A_2942, %iota3A : vector<16xi32>
        %gt3A_2944 = vector.broadcast %add3A_30 : i32 to vector<16xi32>
        %gt3A_2945 = arith.cmpi sgt, %add3A_2943, %gt3A_2944 : vector<16xi32>
        %le3A_2946 = vector.broadcast %min3A_9 : i32 to vector<16xi32>
        %le3A_2947 = arith.cmpi sle, %add3A_2943, %le3A_2946 : vector<16xi32>
        %and3A_2948 = arith.andi %gt3A_2945, %le3A_2947 : vector<16xi1>
        %broadcast_in_dim3A_2949 = vector.broadcast %min3A_9 : i32 to vector<16xi32>
        %select_n3A_2950 = arith.select %and3A_2948, %add3A_2943, %broadcast_in_dim3A_2949 : vector<16xi1>, vector<16xi32>
        %swap3A_2951 = arith.constant 0 : index
        %swap3A_2952 = tpu.vector_load %arg20[%swap3A_2951] {strides = array<i32>} : memref<32xi32, #tpu.memory_space<vmem>>, vector<16xi32>,
        tpu.vector_store %arg20[%swap3A_2951], %select_n3A_2950 {strides = array<i32>} : memref<32xi32, #tpu.memory_space<vmem>>, vector<16xi32>,
        %add3A_2953 = arith.constant 16 : i32
        %add3A_2954 = arith.addi %add3A_2939, %add3A_2953 : i32
        %add3A_2955 = vector.broadcast %add3A_2954 : i32 to vector<16xi32>
        %add3A_2956 = arith.addi %add3A_2955, %iota3A : vector<16xi32>
        %gt3A_2957 = vector.broadcast %add3A_30 : i32 to vector<16xi32>
        %gt3A_2958 = arith.cmpi sgt, %add3A_2956, %gt3A_2957 : vector<16xi32>
        %le3A_2959 = vector.broadcast %min3A_9 : i32 to vector<16xi32>
        %le3A_2960 = arith.cmpi sle, %add3A_2956, %le3A_2959 : vector<16xi32>
        %and3A_2961 = arith.andi %gt3A_2958, %le3A_2960 : vector<16xi1>
        %broadcast_in_dim3A_2962 = vector.broadcast %min3A_9 : i32 to vector<16xi32>
        %select_n3A_2963 = arith.select %and3A_2961, %add3A_2956, %broadcast_in_dim3A_2962 : vector<16xi1>, vector<16xi32>
        %swap3A_2964 = arith.constant 16 : index
        %swap3A_2965 = tpu.vector_load %arg20[%swap3A_2964] {strides = array<i32>} : memref<32xi32, #tpu.memory_space<vmem>>, vector<16xi32>,
        tpu.vector_store %arg20[%swap3A_2964], %select_n3A_2963 {strides = array<i32>} : memref<32xi32, #tpu.memory_space<vmem>>, vector<16xi32>,
        %dma_start3A_2966 = arith.constant 0 : i32
        %dma_start3A_2967 = arith.constant 0 : i32
        %dma_start3A_2968 = tpu.memref_slice %arg6[%dma_start3A_2966, %dma_start3A_2967] : memref<16370x1024xf32, #tpu.memory_space<hbm>> -> memref<16370x1024xf32, #tpu.memory_space<hbm>>
        tpu.enqueue_indirect_dma source(%arg13 : memref<32x1024xf32, #tpu.memory_space<vmem>>) target(%dma_start3A_2968 : memref<16370x1024xf32, #tpu.memory_space<hbm>>) offsets(%arg20 : memref<32xi32, #tpu.memory_space<vmem>>) semaphore(%arg30 : memref<!tpu.dma_semaphore, #tpu.memory_space<semaphore_mem>>)
        %mul3A_2969 = arith.constant 2 : i32
        %mul3A_2970 = arith.muli %mul3A_2969, %while3A_2930 : i32
        %add3A_2971 = arith.constant 1 : i32
        %add3A_2972 = arith.addi %mul3A_2970, %add3A_2971 : i32
        %mul3A_2973 = arith.constant 32 : i32
        %mul3A_2974 = arith.muli %add3A_2972, %mul3A_2973 : i32
        %add3A_2975 = arith.addi %mul3A_2, %mul3A_2974 : i32
        %add3A_2976 = arith.constant 0 : i32
        %add3A_2977 = arith.addi %add3A_2975, %add3A_2976 : i32
        %add3A_2978 = vector.broadcast %add3A_2977 : i32 to vector<16xi32>
        %add3A_2979 = arith.addi %add3A_2978, %iota3A : vector<16xi32>
        %gt3A_2980 = vector.broadcast %add3A_30 : i32 to vector<16xi32>
        %gt3A_2981 = arith.cmpi sgt, %add3A_2979, %gt3A_2980 : vector<16xi32>
        %le3A_2982 = vector.broadcast %min3A_9 : i32 to vector<16xi32>
        %le3A_2983 = arith.cmpi sle, %add3A_2979, %le3A_2982 : vector<16xi32>
        %and3A_2984 = arith.andi %gt3A_2981, %le3A_2983 : vector<16xi1>
        %broadcast_in_dim3A_2985 = vector.broadcast %min3A_9 : i32 to vector<16xi32>
        %select_n3A_2986 = arith.select %and3A_2984, %add3A_2979, %broadcast_in_dim3A_2985 : vector<16xi1>, vector<16xi32>
        %swap3A_2987 = arith.constant 0 : index
        %swap3A_2988 = tpu.vector_load %arg21[%swap3A_2987] {strides = array<i32>} : memref<32xi32, #tpu.memory_space<vmem>>, vector<16xi32>,
        tpu.vector_store %arg21[%swap3A_2987], %select_n3A_2986 {strides = array<i32>} : memref<32xi32, #tpu.memory_space<vmem>>, vector<16xi32>,
        %add3A_2989 = arith.constant 16 : i32
        %add3A_2990 = arith.addi %add3A_2975, %add3A_2989 : i32
        %add3A_2991 = vector.broadcast %add3A_2990 : i32 to vector<16xi32>
        %add3A_2992 = arith.addi %add3A_2991, %iota3A : vector<16xi32>
        %gt3A_2993 = vector.broadcast %add3A_30 : i32 to vector<16xi32>
        %gt3A_2994 = arith.cmpi sgt, %add3A_2992, %gt3A_2993 : vector<16xi32>
        %le3A_2995 = vector.broadcast %min3A_9 : i32 to vector<16xi32>
        %le3A_2996 = arith.cmpi sle, %add3A_2992, %le3A_2995 : vector<16xi32>
        %and3A_2997 = arith.andi %gt3A_2994, %le3A_2996 : vector<16xi1>
        %broadcast_in_dim3A_2998 = vector.broadcast %min3A_9 : i32 to vector<16xi32>
        %select_n3A_2999 = arith.select %and3A_2997, %add3A_2992, %broadcast_in_dim3A_2998 : vector<16xi1>, vector<16xi32>
        %swap3A_3000 = arith.constant 16 : index
        %swap3A_3001 = tpu.vector_load %arg21[%swap3A_3000] {strides = array<i32>} : memref<32xi32, #tpu.memory_space<vmem>>, vector<16xi32>,
        tpu.vector_store %arg21[%swap3A_3000], %select_n3A_2999 {strides = array<i32>} : memref<32xi32, #tpu.memory_space<vmem>>, vector<16xi32>,
        %dma_start3A_3002 = arith.constant 0 : i32
        %dma_start3A_3003 = arith.constant 0 : i32
        %dma_start3A_3004 = tpu.memref_slice %arg6[%dma_start3A_3002, %dma_start3A_3003] : memref<16370x1024xf32, #tpu.memory_space<hbm>> -> memref<16370x1024xf32, #tpu.memory_space<hbm>>
        tpu.enqueue_indirect_dma source(%arg13 : memref<32x1024xf32, #tpu.memory_space<vmem>>) target(%dma_start3A_3004 : memref<16370x1024xf32, #tpu.memory_space<hbm>>) offsets(%arg21 : memref<32xi32, #tpu.memory_space<vmem>>) semaphore(%arg31 : memref<!tpu.dma_semaphore, #tpu.memory_space<semaphore_mem>>)
      }
      %dma_wait3A_2924 = arith.constant 0 : i32
      %dma_wait3A_2925 = arith.constant 0 : i32
      %dma_wait3A_2926 = tpu.memref_slice %arg6[%dma_wait3A_2924, %dma_wait3A_2925] : memref<16370x1024xf32, #tpu.memory_space<hbm>> -> memref<16370x1024xf32, #tpu.memory_space<hbm>>
      tpu.wait_indirect_dma semaphore(%arg30 : memref<!tpu.dma_semaphore, #tpu.memory_space<semaphore_mem>>) src(%arg13 : memref<32x1024xf32, #tpu.memory_space<vmem>>) dst(%dma_wait3A_2926 : memref<16370x1024xf32, #tpu.memory_space<hbm>>)
      %dma_wait3A_2927 = arith.constant 0 : i32
      %dma_wait3A_2928 = arith.constant 0 : i32
      %dma_wait3A_2929 = tpu.memref_slice %arg6[%dma_wait3A_2927, %dma_wait3A_2928] : memref<16370x1024xf32, #tpu.memory_space<hbm>> -> memref<16370x1024xf32, #tpu.memory_space<hbm>>
      tpu.wait_indirect_dma semaphore(%arg31 : memref<!tpu.dma_semaphore, #tpu.memory_space<semaphore_mem>>) src(%arg13 : memref<32x1024xf32, #tpu.memory_space<vmem>>) dst(%dma_wait3A_2929 : memref<16370x1024xf32, #tpu.memory_space<hbm>>)
    } else {
    }
    %add3A_243 = arith.constant 1 : i32
    %add3A_244 = arith.addi %select_n3A_192, %add3A_243 : i32
    %jit3A_245 = arith.constant 2 : i32
    %div3A_246 = arith.divsi %add3A_244, %jit3A_245 : i32
    %sign3A_247 = arith.constant 0 : i32
    %sign3A_248 = arith.cmpi sgt, %add3A_244, %sign3A_247 : i32
    %sign3A_249 = arith.extui %sign3A_248 : i1 to i32
    %sign3A_250 = arith.constant 0 : i32
    %sign3A_251 = arith.cmpi slt, %add3A_244, %sign3A_250 : i32
    %sign3A_252 = arith.extui %sign3A_251 : i1 to i32
    %sign3A_253 = arith.subi %sign3A_249, %sign3A_252 : i32
    %sign3A_254 = arith.constant 0 : i32
    %sign3A_255 = arith.cmpi sgt, %jit3A_245, %sign3A_254 : i32
    %sign3A_256 = arith.extui %sign3A_255 : i1 to i32
    %sign3A_257 = arith.constant 0 : i32
    %sign3A_258 = arith.cmpi slt, %jit3A_245, %sign3A_257 : i32
    %sign3A_259 = arith.extui %sign3A_258 : i1 to i32
    %sign3A_260 = arith.subi %sign3A_256, %sign3A_259 : i32
    %ne3A_261 = arith.cmpi ne, %sign3A_253, %sign3A_260 : i32
    %rem3A_262 = arith.remsi %add3A_244, %jit3A_245 : i32
    %ne3A_263 = arith.constant 0 : i32
    %ne3A_264 = arith.cmpi ne, %rem3A_262, %ne3A_263 : i32
    %and3A_265 = arith.andi %ne3A_261, %ne3A_264 : i1
    %sub3A_266 = arith.constant 1 : i32
    %sub3A_267 = arith.subi %div3A_246, %sub3A_266 : i32
    %select_n3A_268 = arith.select %and3A_265, %sub3A_267, %div3A_246 : i32
    %gt3A = arith.constant 0 : i32
    %gt3A_269 = arith.cmpi sgt, %select_n3A_268, %gt3A : i32
    %convert_element_type3A_270 = arith.extui %gt3A_269 : i1 to i32
    %cond3A_271 = arith.constant 0 : i32
    %cond3A_272 = arith.cmpi ne, %convert_element_type3A_270, %cond3A_271 : i32
    scf.if %cond3A_272 {
      %while3A = arith.constant 0 : i32
      %while3A_2915 = arith.constant 0 : i32
      %while3A_2916 = arith.subi %select_n3A_268, %while3A_2915 : i32
      %while3A_2917 = arith.addi %while3A_2915, %while3A_2916 : i32
      %while3A_2918 = arith.constant 1 : i32
      %while3A_2919 = arith.divsi %while3A_2916, %while3A_2918 : i32
      %while3A_2920 = arith.muli %while3A_2919, %while3A_2918 : i32
      %while3A_2921 = arith.addi %while3A_2915, %while3A_2920 : i32
      %while3A_2922 = arith.constant 1 : i32
      scf.for %while3A_2982 = %while3A_2915 to %while3A_2921 step %while3A_2922  : i32 {
        %gt3A_2983 = arith.constant 0 : i32
        %gt3A_2984 = arith.cmpi sgt, %while3A_2982, %gt3A_2983 : i32
        %convert_element_type3A_2985 = arith.extui %gt3A_2984 : i1 to i32
        %cond3A_2986 = arith.constant 0 : i32
        %cond3A_2987 = arith.cmpi ne, %convert_element_type3A_2985, %cond3A_2986 : i32
        scf.if %cond3A_2987 {
          %dma_wait3A_3298 = arith.constant 0 : i32
          %dma_wait3A_3299 = arith.constant 0 : i32
          %dma_wait3A_3300 = tpu.memref_slice %arg6[%dma_wait3A_3298, %dma_wait3A_3299] : memref<16370x1024xf32, #tpu.memory_space<hbm>> -> memref<16370x1024xf32, #tpu.memory_space<hbm>>
          tpu.wait_indirect_dma semaphore(%arg28 : memref<!tpu.dma_semaphore, #tpu.memory_space<semaphore_mem>>) src(%arg13 : memref<32x1024xf32, #tpu.memory_space<vmem>>) dst(%dma_wait3A_3300 : memref<16370x1024xf32, #tpu.memory_space<hbm>>)
          %dma_wait3A_3301 = arith.constant 0 : i32
          %dma_wait3A_3302 = arith.constant 0 : i32
          %dma_wait3A_3303 = tpu.memref_slice %arg6[%dma_wait3A_3301, %dma_wait3A_3302] : memref<16370x1024xf32, #tpu.memory_space<hbm>> -> memref<16370x1024xf32, #tpu.memory_space<hbm>>
          tpu.wait_indirect_dma semaphore(%arg29 : memref<!tpu.dma_semaphore, #tpu.memory_space<semaphore_mem>>) src(%arg14 : memref<32x1024xf32, #tpu.memory_space<vmem>>) dst(%dma_wait3A_3303 : memref<16370x1024xf32, #tpu.memory_space<hbm>>)
        } else {
        }
        %mul3A_2988 = arith.constant 2 : i32
        %mul3A_2989 = arith.muli %mul3A_2988, %while3A_2982 : i32
        %mul3A_2990 = arith.constant 32 : i32
        %mul3A_2991 = arith.muli %mul3A_2989, %mul3A_2990 : i32
        %add3A_2992 = arith.addi %mul3A_2, %mul3A_2991 : i32
        %add3A_2993 = arith.constant 0 : i32
        %add3A_2994 = arith.addi %add3A_2992, %add3A_2993 : i32
        %add3A_2995 = vector.broadcast %add3A_2994 : i32 to vector<16xi32>
        %add3A_2996 = arith.addi %add3A_2995, %iota3A : vector<16xi32>
        %ge3A_2997 = vector.broadcast %reduce_max3A_57 : i32 to vector<16xi32>
        %ge3A_2998 = arith.cmpi sge, %add3A_2996, %ge3A_2997 : vector<16xi32>
        %jit3A_2999 = arith.constant 0 : i32
        %broadcast_in_dim3A_3000 = vector.broadcast %sub3A_145 : i32 to vector<16xi32>
        %broadcast_in_dim3A_3001 = vector.broadcast %jit3A_2999 : i32 to vector<16xi32>
        %select_n3A_3002 = arith.select %ge3A_2998, %broadcast_in_dim3A_3000, %broadcast_in_dim3A_3001 : vector<16xi1>, vector<16xi32>
        %add3A_3003 = arith.addi %add3A_2996, %select_n3A_3002 : vector<16xi32>
        %ge3A_3004 = vector.broadcast %reduce_max3A_71 : i32 to vector<16xi32>
        %ge3A_3005 = arith.cmpi sge, %add3A_2996, %ge3A_3004 : vector<16xi32>
        %jit3A_3006 = arith.constant 0 : i32
        %broadcast_in_dim3A_3007 = vector.broadcast %sub3A_148 : i32 to vector<16xi32>
        %broadcast_in_dim3A_3008 = vector.broadcast %jit3A_3006 : i32 to vector<16xi32>
        %select_n3A_3009 = arith.select %ge3A_3005, %broadcast_in_dim3A_3007, %broadcast_in_dim3A_3008 : vector<16xi1>, vector<16xi32>
        %add3A_3010 = arith.addi %add3A_3003, %select_n3A_3009 : vector<16xi32>
        %ge3A_3011 = vector.broadcast %reduce_max3A_85 : i32 to vector<16xi32>
        %ge3A_3012 = arith.cmpi sge, %add3A_2996, %ge3A_3011 : vector<16xi32>
        %jit3A_3013 = arith.constant 0 : i32
        %broadcast_in_dim3A_3014 = vector.broadcast %sub3A_151 : i32 to vector<16xi32>
        %broadcast_in_dim3A_3015 = vector.broadcast %jit3A_3013 : i32 to vector<16xi32>
        %select_n3A_3016 = arith.select %ge3A_3012, %broadcast_in_dim3A_3014, %broadcast_in_dim3A_3015 : vector<16xi1>, vector<16xi32>
        %add3A_3017 = arith.addi %add3A_3010, %select_n3A_3016 : vector<16xi32>
        %ge3A_3018 = vector.broadcast %reduce_max3A_99 : i32 to vector<16xi32>
        %ge3A_3019 = arith.cmpi sge, %add3A_2996, %ge3A_3018 : vector<16xi32>
        %jit3A_3020 = arith.constant 0 : i32
        %broadcast_in_dim3A_3021 = vector.broadcast %sub3A_154 : i32 to vector<16xi32>
        %broadcast_in_dim3A_3022 = vector.broadcast %jit3A_3020 : i32 to vector<16xi32>
        %select_n3A_3023 = arith.select %ge3A_3019, %broadcast_in_dim3A_3021, %broadcast_in_dim3A_3022 : vector<16xi1>, vector<16xi32>
        %add3A_3024 = arith.addi %add3A_3017, %select_n3A_3023 : vector<16xi32>
        %ge3A_3025 = vector.broadcast %reduce_max3A_113 : i32 to vector<16xi32>
        %ge3A_3026 = arith.cmpi sge, %add3A_2996, %ge3A_3025 : vector<16xi32>
        %jit3A_3027 = arith.constant 0 : i32
        %broadcast_in_dim3A_3028 = vector.broadcast %sub3A_157 : i32 to vector<16xi32>
        %broadcast_in_dim3A_3029 = vector.broadcast %jit3A_3027 : i32 to vector<16xi32>
        %select_n3A_3030 = arith.select %ge3A_3026, %broadcast_in_dim3A_3028, %broadcast_in_dim3A_3029 : vector<16xi1>, vector<16xi32>
        %add3A_3031 = arith.addi %add3A_3024, %select_n3A_3030 : vector<16xi32>
        %ge3A_3032 = vector.broadcast %reduce_max3A_127 : i32 to vector<16xi32>
        %ge3A_3033 = arith.cmpi sge, %add3A_2996, %ge3A_3032 : vector<16xi32>
        %jit3A_3034 = arith.constant 0 : i32
        %broadcast_in_dim3A_3035 = vector.broadcast %sub3A_160 : i32 to vector<16xi32>
        %broadcast_in_dim3A_3036 = vector.broadcast %jit3A_3034 : i32 to vector<16xi32>
        %select_n3A_3037 = arith.select %ge3A_3033, %broadcast_in_dim3A_3035, %broadcast_in_dim3A_3036 : vector<16xi1>, vector<16xi32>
        %add3A_3038 = arith.addi %add3A_3031, %select_n3A_3037 : vector<16xi32>
        %ge3A_3039 = vector.broadcast %reduce_max3A_141 : i32 to vector<16xi32>
        %ge3A_3040 = arith.cmpi sge, %add3A_2996, %ge3A_3039 : vector<16xi32>
        %jit3A_3041 = arith.constant 0 : i32
        %broadcast_in_dim3A_3042 = vector.broadcast %sub3A_163 : i32 to vector<16xi32>
        %broadcast_in_dim3A_3043 = vector.broadcast %jit3A_3041 : i32 to vector<16xi32>
        %select_n3A_3044 = arith.select %ge3A_3040, %broadcast_in_dim3A_3042, %broadcast_in_dim3A_3043 : vector<16xi1>, vector<16xi32>
        %add3A_3045 = arith.addi %add3A_3038, %select_n3A_3044 : vector<16xi32>
        %eq3A_3046 = vector.broadcast %add3A_30 : i32 to vector<16xi32>
        %eq3A_3047 = arith.cmpi eq, %add3A_2996, %eq3A_3046 : vector<16xi32>
        %sub3A_3048 = arith.constant 1 : i32
        %sub3A_3049 = arith.subi %reduce_max3A_43, %sub3A_3048 : i32
        %broadcast_in_dim3A_3050 = vector.broadcast %sub3A_3049 : i32 to vector<16xi32>
        %select_n3A_3051 = arith.select %eq3A_3047, %broadcast_in_dim3A_3050, %add3A_3045 : vector<16xi1>, vector<16xi32>
        %min3A_3052 = arith.constant 16383 : i32
        %min3A_3053 = vector.broadcast %min3A_3052 : i32 to vector<16xi32>
        %min3A_3054 = arith.minsi %select_n3A_3051, %min3A_3053 : vector<16xi32>
        %swap3A_3055 = arith.constant 0 : index
        %swap3A_3056 = tpu.vector_load %arg16[%swap3A_3055] {strides = array<i32>} : memref<32xi32, #tpu.memory_space<vmem>>, vector<16xi32>,
        tpu.vector_store %arg16[%swap3A_3055], %min3A_3054 {strides = array<i32>} : memref<32xi32, #tpu.memory_space<vmem>>, vector<16xi32>,
        %le3A_3057 = vector.broadcast %add3A_30 : i32 to vector<16xi32>
        %le3A_3058 = arith.cmpi sle, %add3A_2996, %le3A_3057 : vector<16xi32>
        %broadcast_in_dim3A_3059 = vector.broadcast %mul3A_2 : i32 to vector<16xi32>
        %select_n3A_3060 = arith.select %le3A_3058, %add3A_2996, %broadcast_in_dim3A_3059 : vector<16xi1>, vector<16xi32>
        %swap3A_3061 = arith.constant 0 : index
        %swap3A_3062 = tpu.vector_load %arg18[%swap3A_3061] {strides = array<i32>} : memref<32xi32, #tpu.memory_space<vmem>>, vector<16xi32>,
        tpu.vector_store %arg18[%swap3A_3061], %select_n3A_3060 {strides = array<i32>} : memref<32xi32, #tpu.memory_space<vmem>>, vector<16xi32>,
        %add3A_3063 = arith.constant 16 : i32
        %add3A_3064 = arith.addi %add3A_2992, %add3A_3063 : i32
        %add3A_3065 = vector.broadcast %add3A_3064 : i32 to vector<16xi32>
        %add3A_3066 = arith.addi %add3A_3065, %iota3A : vector<16xi32>
        %ge3A_3067 = vector.broadcast %reduce_max3A_57 : i32 to vector<16xi32>
        %ge3A_3068 = arith.cmpi sge, %add3A_3066, %ge3A_3067 : vector<16xi32>
        %jit3A_3069 = arith.constant 0 : i32
        %broadcast_in_dim3A_3070 = vector.broadcast %sub3A_145 : i32 to vector<16xi32>
        %broadcast_in_dim3A_3071 = vector.broadcast %jit3A_3069 : i32 to vector<16xi32>
        %select_n3A_3072 = arith.select %ge3A_3068, %broadcast_in_dim3A_3070, %broadcast_in_dim3A_3071 : vector<16xi1>, vector<16xi32>
        %add3A_3073 = arith.addi %add3A_3066, %select_n3A_3072 : vector<16xi32>
        %ge3A_3074 = vector.broadcast %reduce_max3A_71 : i32 to vector<16xi32>
        %ge3A_3075 = arith.cmpi sge, %add3A_3066, %ge3A_3074 : vector<16xi32>
        %jit3A_3076 = arith.constant 0 : i32
        %broadcast_in_dim3A_3077 = vector.broadcast %sub3A_148 : i32 to vector<16xi32>
        %broadcast_in_dim3A_3078 = vector.broadcast %jit3A_3076 : i32 to vector<16xi32>
        %select_n3A_3079 = arith.select %ge3A_3075, %broadcast_in_dim3A_3077, %broadcast_in_dim3A_3078 : vector<16xi1>, vector<16xi32>
        %add3A_3080 = arith.addi %add3A_3073, %select_n3A_3079 : vector<16xi32>
        %ge3A_3081 = vector.broadcast %reduce_max3A_85 : i32 to vector<16xi32>
        %ge3A_3082 = arith.cmpi sge, %add3A_3066, %ge3A_3081 : vector<16xi32>
        %jit3A_3083 = arith.constant 0 : i32
        %broadcast_in_dim3A_3084 = vector.broadcast %sub3A_151 : i32 to vector<16xi32>
        %broadcast_in_dim3A_3085 = vector.broadcast %jit3A_3083 : i32 to vector<16xi32>
        %select_n3A_3086 = arith.select %ge3A_3082, %broadcast_in_dim3A_3084, %broadcast_in_dim3A_3085 : vector<16xi1>, vector<16xi32>
        %add3A_3087 = arith.addi %add3A_3080, %select_n3A_3086 : vector<16xi32>
        %ge3A_3088 = vector.broadcast %reduce_max3A_99 : i32 to vector<16xi32>
        %ge3A_3089 = arith.cmpi sge, %add3A_3066, %ge3A_3088 : vector<16xi32>
        %jit3A_3090 = arith.constant 0 : i32
        %broadcast_in_dim3A_3091 = vector.broadcast %sub3A_154 : i32 to vector<16xi32>
        %broadcast_in_dim3A_3092 = vector.broadcast %jit3A_3090 : i32 to vector<16xi32>
        %select_n3A_3093 = arith.select %ge3A_3089, %broadcast_in_dim3A_3091, %broadcast_in_dim3A_3092 : vector<16xi1>, vector<16xi32>
        %add3A_3094 = arith.addi %add3A_3087, %select_n3A_3093 : vector<16xi32>
        %ge3A_3095 = vector.broadcast %reduce_max3A_113 : i32 to vector<16xi32>
        %ge3A_3096 = arith.cmpi sge, %add3A_3066, %ge3A_3095 : vector<16xi32>
        %jit3A_3097 = arith.constant 0 : i32
        %broadcast_in_dim3A_3098 = vector.broadcast %sub3A_157 : i32 to vector<16xi32>
        %broadcast_in_dim3A_3099 = vector.broadcast %jit3A_3097 : i32 to vector<16xi32>
        %select_n3A_3100 = arith.select %ge3A_3096, %broadcast_in_dim3A_3098, %broadcast_in_dim3A_3099 : vector<16xi1>, vector<16xi32>
        %add3A_3101 = arith.addi %add3A_3094, %select_n3A_3100 : vector<16xi32>
        %ge3A_3102 = vector.broadcast %reduce_max3A_127 : i32 to vector<16xi32>
        %ge3A_3103 = arith.cmpi sge, %add3A_3066, %ge3A_3102 : vector<16xi32>
        %jit3A_3104 = arith.constant 0 : i32
        %broadcast_in_dim3A_3105 = vector.broadcast %sub3A_160 : i32 to vector<16xi32>
        %broadcast_in_dim3A_3106 = vector.broadcast %jit3A_3104 : i32 to vector<16xi32>
        %select_n3A_3107 = arith.select %ge3A_3103, %broadcast_in_dim3A_3105, %broadcast_in_dim3A_3106 : vector<16xi1>, vector<16xi32>
        %add3A_3108 = arith.addi %add3A_3101, %select_n3A_3107 : vector<16xi32>
        %ge3A_3109 = vector.broadcast %reduce_max3A_141 : i32 to vector<16xi32>
        %ge3A_3110 = arith.cmpi sge, %add3A_3066, %ge3A_3109 : vector<16xi32>
        %jit3A_3111 = arith.constant 0 : i32
        %broadcast_in_dim3A_3112 = vector.broadcast %sub3A_163 : i32 to vector<16xi32>
        %broadcast_in_dim3A_3113 = vector.broadcast %jit3A_3111 : i32 to vector<16xi32>
        %select_n3A_3114 = arith.select %ge3A_3110, %broadcast_in_dim3A_3112, %broadcast_in_dim3A_3113 : vector<16xi1>, vector<16xi32>
        %add3A_3115 = arith.addi %add3A_3108, %select_n3A_3114 : vector<16xi32>
        %eq3A_3116 = vector.broadcast %add3A_30 : i32 to vector<16xi32>
        %eq3A_3117 = arith.cmpi eq, %add3A_3066, %eq3A_3116 : vector<16xi32>
        %sub3A_3118 = arith.constant 1 : i32
        %sub3A_3119 = arith.subi %reduce_max3A_43, %sub3A_3118 : i32
        %broadcast_in_dim3A_3120 = vector.broadcast %sub3A_3119 : i32 to vector<16xi32>
        %select_n3A_3121 = arith.select %eq3A_3117, %broadcast_in_dim3A_3120, %add3A_3115 : vector<16xi1>, vector<16xi32>
        %min3A_3122 = arith.constant 16383 : i32
        %min3A_3123 = vector.broadcast %min3A_3122 : i32 to vector<16xi32>
        %min3A_3124 = arith.minsi %select_n3A_3121, %min3A_3123 : vector<16xi32>
        %swap3A_3125 = arith.constant 16 : index
        %swap3A_3126 = tpu.vector_load %arg16[%swap3A_3125] {strides = array<i32>} : memref<32xi32, #tpu.memory_space<vmem>>, vector<16xi32>,
        tpu.vector_store %arg16[%swap3A_3125], %min3A_3124 {strides = array<i32>} : memref<32xi32, #tpu.memory_space<vmem>>, vector<16xi32>,
        %le3A_3127 = vector.broadcast %add3A_30 : i32 to vector<16xi32>
        %le3A_3128 = arith.cmpi sle, %add3A_3066, %le3A_3127 : vector<16xi32>
        %broadcast_in_dim3A_3129 = vector.broadcast %mul3A_2 : i32 to vector<16xi32>
        %select_n3A_3130 = arith.select %le3A_3128, %add3A_3066, %broadcast_in_dim3A_3129 : vector<16xi1>, vector<16xi32>
        %swap3A_3131 = arith.constant 16 : index
        %swap3A_3132 = tpu.vector_load %arg18[%swap3A_3131] {strides = array<i32>} : memref<32xi32, #tpu.memory_space<vmem>>, vector<16xi32>,
        tpu.vector_store %arg18[%swap3A_3131], %select_n3A_3130 {strides = array<i32>} : memref<32xi32, #tpu.memory_space<vmem>>, vector<16xi32>,
        %dma_start3A_3133 = arith.constant 0 : i32
        %dma_start3A_3134 = arith.constant 0 : i32
        %dma_start3A_3135 = tpu.memref_slice %arg2[%dma_start3A_3133, %dma_start3A_3134] : memref<16384x1024xf32, #tpu.memory_space<hbm>> -> memref<16384x1024xf32, #tpu.memory_space<hbm>>
        tpu.enqueue_indirect_dma source(%dma_start3A_3135 : memref<16384x1024xf32, #tpu.memory_space<hbm>>) target(%arg13 : memref<32x1024xf32, #tpu.memory_space<vmem>>) offsets(%arg16 : memref<32xi32, #tpu.memory_space<vmem>>) semaphore(%arg26 : memref<!tpu.dma_semaphore, #tpu.memory_space<semaphore_mem>>)
        %mul3A_3136 = arith.constant 2 : i32
        %mul3A_3137 = arith.muli %mul3A_3136, %while3A_2982 : i32
        %add3A_3138 = arith.constant 1 : i32
        %add3A_3139 = arith.addi %mul3A_3137, %add3A_3138 : i32
        %mul3A_3140 = arith.constant 32 : i32
        %mul3A_3141 = arith.muli %add3A_3139, %mul3A_3140 : i32
        %add3A_3142 = arith.addi %mul3A_2, %mul3A_3141 : i32
        %add3A_3143 = arith.constant 0 : i32
        %add3A_3144 = arith.addi %add3A_3142, %add3A_3143 : i32
        %add3A_3145 = vector.broadcast %add3A_3144 : i32 to vector<16xi32>
        %add3A_3146 = arith.addi %add3A_3145, %iota3A : vector<16xi32>
        %ge3A_3147 = vector.broadcast %reduce_max3A_57 : i32 to vector<16xi32>
        %ge3A_3148 = arith.cmpi sge, %add3A_3146, %ge3A_3147 : vector<16xi32>
        %jit3A_3149 = arith.constant 0 : i32
        %broadcast_in_dim3A_3150 = vector.broadcast %sub3A_145 : i32 to vector<16xi32>
        %broadcast_in_dim3A_3151 = vector.broadcast %jit3A_3149 : i32 to vector<16xi32>
        %select_n3A_3152 = arith.select %ge3A_3148, %broadcast_in_dim3A_3150, %broadcast_in_dim3A_3151 : vector<16xi1>, vector<16xi32>
        %add3A_3153 = arith.addi %add3A_3146, %select_n3A_3152 : vector<16xi32>
        %ge3A_3154 = vector.broadcast %reduce_max3A_71 : i32 to vector<16xi32>
        %ge3A_3155 = arith.cmpi sge, %add3A_3146, %ge3A_3154 : vector<16xi32>
        %jit3A_3156 = arith.constant 0 : i32
        %broadcast_in_dim3A_3157 = vector.broadcast %sub3A_148 : i32 to vector<16xi32>
        %broadcast_in_dim3A_3158 = vector.broadcast %jit3A_3156 : i32 to vector<16xi32>
        %select_n3A_3159 = arith.select %ge3A_3155, %broadcast_in_dim3A_3157, %broadcast_in_dim3A_3158 : vector<16xi1>, vector<16xi32>
        %add3A_3160 = arith.addi %add3A_3153, %select_n3A_3159 : vector<16xi32>
        %ge3A_3161 = vector.broadcast %reduce_max3A_85 : i32 to vector<16xi32>
        %ge3A_3162 = arith.cmpi sge, %add3A_3146, %ge3A_3161 : vector<16xi32>
        %jit3A_3163 = arith.constant 0 : i32
        %broadcast_in_dim3A_3164 = vector.broadcast %sub3A_151 : i32 to vector<16xi32>
        %broadcast_in_dim3A_3165 = vector.broadcast %jit3A_3163 : i32 to vector<16xi32>
        %select_n3A_3166 = arith.select %ge3A_3162, %broadcast_in_dim3A_3164, %broadcast_in_dim3A_3165 : vector<16xi1>, vector<16xi32>
        %add3A_3167 = arith.addi %add3A_3160, %select_n3A_3166 : vector<16xi32>
        %ge3A_3168 = vector.broadcast %reduce_max3A_99 : i32 to vector<16xi32>
        %ge3A_3169 = arith.cmpi sge, %add3A_3146, %ge3A_3168 : vector<16xi32>
        %jit3A_3170 = arith.constant 0 : i32
        %broadcast_in_dim3A_3171 = vector.broadcast %sub3A_154 : i32 to vector<16xi32>
        %broadcast_in_dim3A_3172 = vector.broadcast %jit3A_3170 : i32 to vector<16xi32>
        %select_n3A_3173 = arith.select %ge3A_3169, %broadcast_in_dim3A_3171, %broadcast_in_dim3A_3172 : vector<16xi1>, vector<16xi32>
        %add3A_3174 = arith.addi %add3A_3167, %select_n3A_3173 : vector<16xi32>
        %ge3A_3175 = vector.broadcast %reduce_max3A_113 : i32 to vector<16xi32>
        %ge3A_3176 = arith.cmpi sge, %add3A_3146, %ge3A_3175 : vector<16xi32>
        %jit3A_3177 = arith.constant 0 : i32
        %broadcast_in_dim3A_3178 = vector.broadcast %sub3A_157 : i32 to vector<16xi32>
        %broadcast_in_dim3A_3179 = vector.broadcast %jit3A_3177 : i32 to vector<16xi32>
        %select_n3A_3180 = arith.select %ge3A_3176, %broadcast_in_dim3A_3178, %broadcast_in_dim3A_3179 : vector<16xi1>, vector<16xi32>
        %add3A_3181 = arith.addi %add3A_3174, %select_n3A_3180 : vector<16xi32>
        %ge3A_3182 = vector.broadcast %reduce_max3A_127 : i32 to vector<16xi32>
        %ge3A_3183 = arith.cmpi sge, %add3A_3146, %ge3A_3182 : vector<16xi32>
        %jit3A_3184 = arith.constant 0 : i32
        %broadcast_in_dim3A_3185 = vector.broadcast %sub3A_160 : i32 to vector<16xi32>
        %broadcast_in_dim3A_3186 = vector.broadcast %jit3A_3184 : i32 to vector<16xi32>
        %select_n3A_3187 = arith.select %ge3A_3183, %broadcast_in_dim3A_3185, %broadcast_in_dim3A_3186 : vector<16xi1>, vector<16xi32>
        %add3A_3188 = arith.addi %add3A_3181, %select_n3A_3187 : vector<16xi32>
        %ge3A_3189 = vector.broadcast %reduce_max3A_141 : i32 to vector<16xi32>
        %ge3A_3190 = arith.cmpi sge, %add3A_3146, %ge3A_3189 : vector<16xi32>
        %jit3A_3191 = arith.constant 0 : i32
        %broadcast_in_dim3A_3192 = vector.broadcast %sub3A_163 : i32 to vector<16xi32>
        %broadcast_in_dim3A_3193 = vector.broadcast %jit3A_3191 : i32 to vector<16xi32>
        %select_n3A_3194 = arith.select %ge3A_3190, %broadcast_in_dim3A_3192, %broadcast_in_dim3A_3193 : vector<16xi1>, vector<16xi32>
        %add3A_3195 = arith.addi %add3A_3188, %select_n3A_3194 : vector<16xi32>
        %eq3A_3196 = vector.broadcast %add3A_30 : i32 to vector<16xi32>
        %eq3A_3197 = arith.cmpi eq, %add3A_3146, %eq3A_3196 : vector<16xi32>
        %sub3A_3198 = arith.constant 1 : i32
        %sub3A_3199 = arith.subi %reduce_max3A_43, %sub3A_3198 : i32
        %broadcast_in_dim3A_3200 = vector.broadcast %sub3A_3199 : i32 to vector<16xi32>
        %select_n3A_3201 = arith.select %eq3A_3197, %broadcast_in_dim3A_3200, %add3A_3195 : vector<16xi1>, vector<16xi32>
        %min3A_3202 = arith.constant 16383 : i32
        %min3A_3203 = vector.broadcast %min3A_3202 : i32 to vector<16xi32>
        %min3A_3204 = arith.minsi %select_n3A_3201, %min3A_3203 : vector<16xi32>
        %swap3A_3205 = arith.constant 0 : index
        %swap3A_3206 = tpu.vector_load %arg17[%swap3A_3205] {strides = array<i32>} : memref<32xi32, #tpu.memory_space<vmem>>, vector<16xi32>,
        tpu.vector_store %arg17[%swap3A_3205], %min3A_3204 {strides = array<i32>} : memref<32xi32, #tpu.memory_space<vmem>>, vector<16xi32>,
        %le3A_3207 = vector.broadcast %add3A_30 : i32 to vector<16xi32>
        %le3A_3208 = arith.cmpi sle, %add3A_3146, %le3A_3207 : vector<16xi32>
        %broadcast_in_dim3A_3209 = vector.broadcast %mul3A_2 : i32 to vector<16xi32>
        %select_n3A_3210 = arith.select %le3A_3208, %add3A_3146, %broadcast_in_dim3A_3209 : vector<16xi1>, vector<16xi32>
        %swap3A_3211 = arith.constant 0 : index
        %swap3A_3212 = tpu.vector_load %arg19[%swap3A_3211] {strides = array<i32>} : memref<32xi32, #tpu.memory_space<vmem>>, vector<16xi32>,
        tpu.vector_store %arg19[%swap3A_3211], %select_n3A_3210 {strides = array<i32>} : memref<32xi32, #tpu.memory_space<vmem>>, vector<16xi32>,
        %add3A_3213 = arith.constant 16 : i32
        %add3A_3214 = arith.addi %add3A_3142, %add3A_3213 : i32
        %add3A_3215 = vector.broadcast %add3A_3214 : i32 to vector<16xi32>
        %add3A_3216 = arith.addi %add3A_3215, %iota3A : vector<16xi32>
        %ge3A_3217 = vector.broadcast %reduce_max3A_57 : i32 to vector<16xi32>
        %ge3A_3218 = arith.cmpi sge, %add3A_3216, %ge3A_3217 : vector<16xi32>
        %jit3A_3219 = arith.constant 0 : i32
        %broadcast_in_dim3A_3220 = vector.broadcast %sub3A_145 : i32 to vector<16xi32>
        %broadcast_in_dim3A_3221 = vector.broadcast %jit3A_3219 : i32 to vector<16xi32>
        %select_n3A_3222 = arith.select %ge3A_3218, %broadcast_in_dim3A_3220, %broadcast_in_dim3A_3221 : vector<16xi1>, vector<16xi32>
        %add3A_3223 = arith.addi %add3A_3216, %select_n3A_3222 : vector<16xi32>
        %ge3A_3224 = vector.broadcast %reduce_max3A_71 : i32 to vector<16xi32>
        %ge3A_3225 = arith.cmpi sge, %add3A_3216, %ge3A_3224 : vector<16xi32>
        %jit3A_3226 = arith.constant 0 : i32
        %broadcast_in_dim3A_3227 = vector.broadcast %sub3A_148 : i32 to vector<16xi32>
        %broadcast_in_dim3A_3228 = vector.broadcast %jit3A_3226 : i32 to vector<16xi32>
        %select_n3A_3229 = arith.select %ge3A_3225, %broadcast_in_dim3A_3227, %broadcast_in_dim3A_3228 : vector<16xi1>, vector<16xi32>
        %add3A_3230 = arith.addi %add3A_3223, %select_n3A_3229 : vector<16xi32>
        %ge3A_3231 = vector.broadcast %reduce_max3A_85 : i32 to vector<16xi32>
        %ge3A_3232 = arith.cmpi sge, %add3A_3216, %ge3A_3231 : vector<16xi32>
        %jit3A_3233 = arith.constant 0 : i32
        %broadcast_in_dim3A_3234 = vector.broadcast %sub3A_151 : i32 to vector<16xi32>
        %broadcast_in_dim3A_3235 = vector.broadcast %jit3A_3233 : i32 to vector<16xi32>
        %select_n3A_3236 = arith.select %ge3A_3232, %broadcast_in_dim3A_3234, %broadcast_in_dim3A_3235 : vector<16xi1>, vector<16xi32>
        %add3A_3237 = arith.addi %add3A_3230, %select_n3A_3236 : vector<16xi32>
        %ge3A_3238 = vector.broadcast %reduce_max3A_99 : i32 to vector<16xi32>
        %ge3A_3239 = arith.cmpi sge, %add3A_3216, %ge3A_3238 : vector<16xi32>
        %jit3A_3240 = arith.constant 0 : i32
        %broadcast_in_dim3A_3241 = vector.broadcast %sub3A_154 : i32 to vector<16xi32>
        %broadcast_in_dim3A_3242 = vector.broadcast %jit3A_3240 : i32 to vector<16xi32>
        %select_n3A_3243 = arith.select %ge3A_3239, %broadcast_in_dim3A_3241, %broadcast_in_dim3A_3242 : vector<16xi1>, vector<16xi32>
        %add3A_3244 = arith.addi %add3A_3237, %select_n3A_3243 : vector<16xi32>
        %ge3A_3245 = vector.broadcast %reduce_max3A_113 : i32 to vector<16xi32>
        %ge3A_3246 = arith.cmpi sge, %add3A_3216, %ge3A_3245 : vector<16xi32>
        %jit3A_3247 = arith.constant 0 : i32
        %broadcast_in_dim3A_3248 = vector.broadcast %sub3A_157 : i32 to vector<16xi32>
        %broadcast_in_dim3A_3249 = vector.broadcast %jit3A_3247 : i32 to vector<16xi32>
        %select_n3A_3250 = arith.select %ge3A_3246, %broadcast_in_dim3A_3248, %broadcast_in_dim3A_3249 : vector<16xi1>, vector<16xi32>
        %add3A_3251 = arith.addi %add3A_3244, %select_n3A_3250 : vector<16xi32>
        %ge3A_3252 = vector.broadcast %reduce_max3A_127 : i32 to vector<16xi32>
        %ge3A_3253 = arith.cmpi sge, %add3A_3216, %ge3A_3252 : vector<16xi32>
        %jit3A_3254 = arith.constant 0 : i32
        %broadcast_in_dim3A_3255 = vector.broadcast %sub3A_160 : i32 to vector<16xi32>
        %broadcast_in_dim3A_3256 = vector.broadcast %jit3A_3254 : i32 to vector<16xi32>
        %select_n3A_3257 = arith.select %ge3A_3253, %broadcast_in_dim3A_3255, %broadcast_in_dim3A_3256 : vector<16xi1>, vector<16xi32>
        %add3A_3258 = arith.addi %add3A_3251, %select_n3A_3257 : vector<16xi32>
        %ge3A_3259 = vector.broadcast %reduce_max3A_141 : i32 to vector<16xi32>
        %ge3A_3260 = arith.cmpi sge, %add3A_3216, %ge3A_3259 : vector<16xi32>
        %jit3A_3261 = arith.constant 0 : i32
        %broadcast_in_dim3A_3262 = vector.broadcast %sub3A_163 : i32 to vector<16xi32>
        %broadcast_in_dim3A_3263 = vector.broadcast %jit3A_3261 : i32 to vector<16xi32>
        %select_n3A_3264 = arith.select %ge3A_3260, %broadcast_in_dim3A_3262, %broadcast_in_dim3A_3263 : vector<16xi1>, vector<16xi32>
        %add3A_3265 = arith.addi %add3A_3258, %select_n3A_3264 : vector<16xi32>
        %eq3A_3266 = vector.broadcast %add3A_30 : i32 to vector<16xi32>
        %eq3A_3267 = arith.cmpi eq, %add3A_3216, %eq3A_3266 : vector<16xi32>
        %sub3A_3268 = arith.constant 1 : i32
        %sub3A_3269 = arith.subi %reduce_max3A_43, %sub3A_3268 : i32
        %broadcast_in_dim3A_3270 = vector.broadcast %sub3A_3269 : i32 to vector<16xi32>
        %select_n3A_3271 = arith.select %eq3A_3267, %broadcast_in_dim3A_3270, %add3A_3265 : vector<16xi1>, vector<16xi32>
        %min3A_3272 = arith.constant 16383 : i32
        %min3A_3273 = vector.broadcast %min3A_3272 : i32 to vector<16xi32>
        %min3A_3274 = arith.minsi %select_n3A_3271, %min3A_3273 : vector<16xi32>
        %swap3A_3275 = arith.constant 16 : index
        %swap3A_3276 = tpu.vector_load %arg17[%swap3A_3275] {strides = array<i32>} : memref<32xi32, #tpu.memory_space<vmem>>, vector<16xi32>,
        tpu.vector_store %arg17[%swap3A_3275], %min3A_3274 {strides = array<i32>} : memref<32xi32, #tpu.memory_space<vmem>>, vector<16xi32>,
        %le3A_3277 = vector.broadcast %add3A_30 : i32 to vector<16xi32>
        %le3A_3278 = arith.cmpi sle, %add3A_3216, %le3A_3277 : vector<16xi32>
        %broadcast_in_dim3A_3279 = vector.broadcast %mul3A_2 : i32 to vector<16xi32>
        %select_n3A_3280 = arith.select %le3A_3278, %add3A_3216, %broadcast_in_dim3A_3279 : vector<16xi1>, vector<16xi32>
        %swap3A_3281 = arith.constant 16 : index
        %swap3A_3282 = tpu.vector_load %arg19[%swap3A_3281] {strides = array<i32>} : memref<32xi32, #tpu.memory_space<vmem>>, vector<16xi32>,
        tpu.vector_store %arg19[%swap3A_3281], %select_n3A_3280 {strides = array<i32>} : memref<32xi32, #tpu.memory_space<vmem>>, vector<16xi32>,
        %dma_start3A_3283 = arith.constant 0 : i32
        %dma_start3A_3284 = arith.constant 0 : i32
        %dma_start3A_3285 = tpu.memref_slice %arg2[%dma_start3A_3283, %dma_start3A_3284] : memref<16384x1024xf32, #tpu.memory_space<hbm>> -> memref<16384x1024xf32, #tpu.memory_space<hbm>>
        tpu.enqueue_indirect_dma source(%dma_start3A_3285 : memref<16384x1024xf32, #tpu.memory_space<hbm>>) target(%arg14 : memref<32x1024xf32, #tpu.memory_space<vmem>>) offsets(%arg17 : memref<32xi32, #tpu.memory_space<vmem>>) semaphore(%arg27 : memref<!tpu.dma_semaphore, #tpu.memory_space<semaphore_mem>>)
        %dma_wait3A_3286 = arith.constant 0 : i32
        %dma_wait3A_3287 = arith.constant 0 : i32
        %dma_wait3A_3288 = tpu.memref_slice %arg2[%dma_wait3A_3286, %dma_wait3A_3287] : memref<16384x1024xf32, #tpu.memory_space<hbm>> -> memref<16384x1024xf32, #tpu.memory_space<hbm>>
        tpu.wait_indirect_dma semaphore(%arg26 : memref<!tpu.dma_semaphore, #tpu.memory_space<semaphore_mem>>) src(%dma_wait3A_3288 : memref<16384x1024xf32, #tpu.memory_space<hbm>>) dst(%arg13 : memref<32x1024xf32, #tpu.memory_space<vmem>>)
        %dma_start3A_3289 = arith.constant 0 : i32
        %dma_start3A_3290 = arith.constant 0 : i32
        %dma_start3A_3291 = tpu.memref_slice %arg6[%dma_start3A_3289, %dma_start3A_3290] : memref<16370x1024xf32, #tpu.memory_space<hbm>> -> memref<16370x1024xf32, #tpu.memory_space<hbm>>
        tpu.enqueue_indirect_dma source(%arg13 : memref<32x1024xf32, #tpu.memory_space<vmem>>) target(%dma_start3A_3291 : memref<16370x1024xf32, #tpu.memory_space<hbm>>) offsets(%arg18 : memref<32xi32, #tpu.memory_space<vmem>>) semaphore(%arg28 : memref<!tpu.dma_semaphore, #tpu.memory_space<semaphore_mem>>)
        %dma_wait3A_3292 = arith.constant 0 : i32
        %dma_wait3A_3293 = arith.constant 0 : i32
        %dma_wait3A_3294 = tpu.memref_slice %arg2[%dma_wait3A_3292, %dma_wait3A_3293] : memref<16384x1024xf32, #tpu.memory_space<hbm>> -> memref<16384x1024xf32, #tpu.memory_space<hbm>>
        tpu.wait_indirect_dma semaphore(%arg27 : memref<!tpu.dma_semaphore, #tpu.memory_space<semaphore_mem>>) src(%dma_wait3A_3294 : memref<16384x1024xf32, #tpu.memory_space<hbm>>) dst(%arg14 : memref<32x1024xf32, #tpu.memory_space<vmem>>)
        %dma_start3A_3295 = arith.constant 0 : i32
        %dma_start3A_3296 = arith.constant 0 : i32
        %dma_start3A_3297 = tpu.memref_slice %arg6[%dma_start3A_3295, %dma_start3A_3296] : memref<16370x1024xf32, #tpu.memory_space<hbm>> -> memref<16370x1024xf32, #tpu.memory_space<hbm>>
        tpu.enqueue_indirect_dma source(%arg14 : memref<32x1024xf32, #tpu.memory_space<vmem>>) target(%dma_start3A_3297 : memref<16370x1024xf32, #tpu.memory_space<hbm>>) offsets(%arg19 : memref<32xi32, #tpu.memory_space<vmem>>) semaphore(%arg29 : memref<!tpu.dma_semaphore, #tpu.memory_space<semaphore_mem>>)
      }
      %while3A_2923 = arith.constant 1 : i32
      scf.for %while3A_2982 = %while3A_2921 to %while3A_2917 step %while3A_2923  : i32 {
        %gt3A_2983 = arith.constant 0 : i32
        %gt3A_2984 = arith.cmpi sgt, %while3A_2982, %gt3A_2983 : i32
        %convert_element_type3A_2985 = arith.extui %gt3A_2984 : i1 to i32
        %cond3A_2986 = arith.constant 0 : i32
        %cond3A_2987 = arith.cmpi ne, %convert_element_type3A_2985, %cond3A_2986 : i32
        scf.if %cond3A_2987 {
          %dma_wait3A_3298 = arith.constant 0 : i32
          %dma_wait3A_3299 = arith.constant 0 : i32
          %dma_wait3A_3300 = tpu.memref_slice %arg6[%dma_wait3A_3298, %dma_wait3A_3299] : memref<16370x1024xf32, #tpu.memory_space<hbm>> -> memref<16370x1024xf32, #tpu.memory_space<hbm>>
          tpu.wait_indirect_dma semaphore(%arg28 : memref<!tpu.dma_semaphore, #tpu.memory_space<semaphore_mem>>) src(%arg13 : memref<32x1024xf32, #tpu.memory_space<vmem>>) dst(%dma_wait3A_3300 : memref<16370x1024xf32, #tpu.memory_space<hbm>>)
          %dma_wait3A_3301 = arith.constant 0 : i32
          %dma_wait3A_3302 = arith.constant 0 : i32
          %dma_wait3A_3303 = tpu.memref_slice %arg6[%dma_wait3A_3301, %dma_wait3A_3302] : memref<16370x1024xf32, #tpu.memory_space<hbm>> -> memref<16370x1024xf32, #tpu.memory_space<hbm>>
          tpu.wait_indirect_dma semaphore(%arg29 : memref<!tpu.dma_semaphore, #tpu.memory_space<semaphore_mem>>) src(%arg14 : memref<32x1024xf32, #tpu.memory_space<vmem>>) dst(%dma_wait3A_3303 : memref<16370x1024xf32, #tpu.memory_space<hbm>>)
        } else {
        }
        %mul3A_2988 = arith.constant 2 : i32
        %mul3A_2989 = arith.muli %mul3A_2988, %while3A_2982 : i32
        %mul3A_2990 = arith.constant 32 : i32
        %mul3A_2991 = arith.muli %mul3A_2989, %mul3A_2990 : i32
        %add3A_2992 = arith.addi %mul3A_2, %mul3A_2991 : i32
        %add3A_2993 = arith.constant 0 : i32
        %add3A_2994 = arith.addi %add3A_2992, %add3A_2993 : i32
        %add3A_2995 = vector.broadcast %add3A_2994 : i32 to vector<16xi32>
        %add3A_2996 = arith.addi %add3A_2995, %iota3A : vector<16xi32>
        %ge3A_2997 = vector.broadcast %reduce_max3A_57 : i32 to vector<16xi32>
        %ge3A_2998 = arith.cmpi sge, %add3A_2996, %ge3A_2997 : vector<16xi32>
        %jit3A_2999 = arith.constant 0 : i32
        %broadcast_in_dim3A_3000 = vector.broadcast %sub3A_145 : i32 to vector<16xi32>
        %broadcast_in_dim3A_3001 = vector.broadcast %jit3A_2999 : i32 to vector<16xi32>
        %select_n3A_3002 = arith.select %ge3A_2998, %broadcast_in_dim3A_3000, %broadcast_in_dim3A_3001 : vector<16xi1>, vector<16xi32>
        %add3A_3003 = arith.addi %add3A_2996, %select_n3A_3002 : vector<16xi32>
        %ge3A_3004 = vector.broadcast %reduce_max3A_71 : i32 to vector<16xi32>
        %ge3A_3005 = arith.cmpi sge, %add3A_2996, %ge3A_3004 : vector<16xi32>
        %jit3A_3006 = arith.constant 0 : i32
        %broadcast_in_dim3A_3007 = vector.broadcast %sub3A_148 : i32 to vector<16xi32>
        %broadcast_in_dim3A_3008 = vector.broadcast %jit3A_3006 : i32 to vector<16xi32>
        %select_n3A_3009 = arith.select %ge3A_3005, %broadcast_in_dim3A_3007, %broadcast_in_dim3A_3008 : vector<16xi1>, vector<16xi32>
        %add3A_3010 = arith.addi %add3A_3003, %select_n3A_3009 : vector<16xi32>
        %ge3A_3011 = vector.broadcast %reduce_max3A_85 : i32 to vector<16xi32>
        %ge3A_3012 = arith.cmpi sge, %add3A_2996, %ge3A_3011 : vector<16xi32>
        %jit3A_3013 = arith.constant 0 : i32
        %broadcast_in_dim3A_3014 = vector.broadcast %sub3A_151 : i32 to vector<16xi32>
        %broadcast_in_dim3A_3015 = vector.broadcast %jit3A_3013 : i32 to vector<16xi32>
        %select_n3A_3016 = arith.select %ge3A_3012, %broadcast_in_dim3A_3014, %broadcast_in_dim3A_3015 : vector<16xi1>, vector<16xi32>
        %add3A_3017 = arith.addi %add3A_3010, %select_n3A_3016 : vector<16xi32>
        %ge3A_3018 = vector.broadcast %reduce_max3A_99 : i32 to vector<16xi32>
        %ge3A_3019 = arith.cmpi sge, %add3A_2996, %ge3A_3018 : vector<16xi32>
        %jit3A_3020 = arith.constant 0 : i32
        %broadcast_in_dim3A_3021 = vector.broadcast %sub3A_154 : i32 to vector<16xi32>
        %broadcast_in_dim3A_3022 = vector.broadcast %jit3A_3020 : i32 to vector<16xi32>
        %select_n3A_3023 = arith.select %ge3A_3019, %broadcast_in_dim3A_3021, %broadcast_in_dim3A_3022 : vector<16xi1>, vector<16xi32>
        %add3A_3024 = arith.addi %add3A_3017, %select_n3A_3023 : vector<16xi32>
        %ge3A_3025 = vector.broadcast %reduce_max3A_113 : i32 to vector<16xi32>
        %ge3A_3026 = arith.cmpi sge, %add3A_2996, %ge3A_3025 : vector<16xi32>
        %jit3A_3027 = arith.constant 0 : i32
        %broadcast_in_dim3A_3028 = vector.broadcast %sub3A_157 : i32 to vector<16xi32>
        %broadcast_in_dim3A_3029 = vector.broadcast %jit3A_3027 : i32 to vector<16xi32>
        %select_n3A_3030 = arith.select %ge3A_3026, %broadcast_in_dim3A_3028, %broadcast_in_dim3A_3029 : vector<16xi1>, vector<16xi32>
        %add3A_3031 = arith.addi %add3A_3024, %select_n3A_3030 : vector<16xi32>
        %ge3A_3032 = vector.broadcast %reduce_max3A_127 : i32 to vector<16xi32>
        %ge3A_3033 = arith.cmpi sge, %add3A_2996, %ge3A_3032 : vector<16xi32>
        %jit3A_3034 = arith.constant 0 : i32
        %broadcast_in_dim3A_3035 = vector.broadcast %sub3A_160 : i32 to vector<16xi32>
        %broadcast_in_dim3A_3036 = vector.broadcast %jit3A_3034 : i32 to vector<16xi32>
        %select_n3A_3037 = arith.select %ge3A_3033, %broadcast_in_dim3A_3035, %broadcast_in_dim3A_3036 : vector<16xi1>, vector<16xi32>
        %add3A_3038 = arith.addi %add3A_3031, %select_n3A_3037 : vector<16xi32>
        %ge3A_3039 = vector.broadcast %reduce_max3A_141 : i32 to vector<16xi32>
        %ge3A_3040 = arith.cmpi sge, %add3A_2996, %ge3A_3039 : vector<16xi32>
        %jit3A_3041 = arith.constant 0 : i32
        %broadcast_in_dim3A_3042 = vector.broadcast %sub3A_163 : i32 to vector<16xi32>
        %broadcast_in_dim3A_3043 = vector.broadcast %jit3A_3041 : i32 to vector<16xi32>
        %select_n3A_3044 = arith.select %ge3A_3040, %broadcast_in_dim3A_3042, %broadcast_in_dim3A_3043 : vector<16xi1>, vector<16xi32>
        %add3A_3045 = arith.addi %add3A_3038, %select_n3A_3044 : vector<16xi32>
        %eq3A_3046 = vector.broadcast %add3A_30 : i32 to vector<16xi32>
        %eq3A_3047 = arith.cmpi eq, %add3A_2996, %eq3A_3046 : vector<16xi32>
        %sub3A_3048 = arith.constant 1 : i32
        %sub3A_3049 = arith.subi %reduce_max3A_43, %sub3A_3048 : i32
        %broadcast_in_dim3A_3050 = vector.broadcast %sub3A_3049 : i32 to vector<16xi32>
        %select_n3A_3051 = arith.select %eq3A_3047, %broadcast_in_dim3A_3050, %add3A_3045 : vector<16xi1>, vector<16xi32>
        %min3A_3052 = arith.constant 16383 : i32
        %min3A_3053 = vector.broadcast %min3A_3052 : i32 to vector<16xi32>
        %min3A_3054 = arith.minsi %select_n3A_3051, %min3A_3053 : vector<16xi32>
        %swap3A_3055 = arith.constant 0 : index
        %swap3A_3056 = tpu.vector_load %arg16[%swap3A_3055] {strides = array<i32>} : memref<32xi32, #tpu.memory_space<vmem>>, vector<16xi32>,
        tpu.vector_store %arg16[%swap3A_3055], %min3A_3054 {strides = array<i32>} : memref<32xi32, #tpu.memory_space<vmem>>, vector<16xi32>,
        %le3A_3057 = vector.broadcast %add3A_30 : i32 to vector<16xi32>
        %le3A_3058 = arith.cmpi sle, %add3A_2996, %le3A_3057 : vector<16xi32>
        %broadcast_in_dim3A_3059 = vector.broadcast %mul3A_2 : i32 to vector<16xi32>
        %select_n3A_3060 = arith.select %le3A_3058, %add3A_2996, %broadcast_in_dim3A_3059 : vector<16xi1>, vector<16xi32>
        %swap3A_3061 = arith.constant 0 : index
        %swap3A_3062 = tpu.vector_load %arg18[%swap3A_3061] {strides = array<i32>} : memref<32xi32, #tpu.memory_space<vmem>>, vector<16xi32>,
        tpu.vector_store %arg18[%swap3A_3061], %select_n3A_3060 {strides = array<i32>} : memref<32xi32, #tpu.memory_space<vmem>>, vector<16xi32>,
        %add3A_3063 = arith.constant 16 : i32
        %add3A_3064 = arith.addi %add3A_2992, %add3A_3063 : i32
        %add3A_3065 = vector.broadcast %add3A_3064 : i32 to vector<16xi32>
        %add3A_3066 = arith.addi %add3A_3065, %iota3A : vector<16xi32>
        %ge3A_3067 = vector.broadcast %reduce_max3A_57 : i32 to vector<16xi32>
        %ge3A_3068 = arith.cmpi sge, %add3A_3066, %ge3A_3067 : vector<16xi32>
        %jit3A_3069 = arith.constant 0 : i32
        %broadcast_in_dim3A_3070 = vector.broadcast %sub3A_145 : i32 to vector<16xi32>
        %broadcast_in_dim3A_3071 = vector.broadcast %jit3A_3069 : i32 to vector<16xi32>
        %select_n3A_3072 = arith.select %ge3A_3068, %broadcast_in_dim3A_3070, %broadcast_in_dim3A_3071 : vector<16xi1>, vector<16xi32>
        %add3A_3073 = arith.addi %add3A_3066, %select_n3A_3072 : vector<16xi32>
        %ge3A_3074 = vector.broadcast %reduce_max3A_71 : i32 to vector<16xi32>
        %ge3A_3075 = arith.cmpi sge, %add3A_3066, %ge3A_3074 : vector<16xi32>
        %jit3A_3076 = arith.constant 0 : i32
        %broadcast_in_dim3A_3077 = vector.broadcast %sub3A_148 : i32 to vector<16xi32>
        %broadcast_in_dim3A_3078 = vector.broadcast %jit3A_3076 : i32 to vector<16xi32>
        %select_n3A_3079 = arith.select %ge3A_3075, %broadcast_in_dim3A_3077, %broadcast_in_dim3A_3078 : vector<16xi1>, vector<16xi32>
        %add3A_3080 = arith.addi %add3A_3073, %select_n3A_3079 : vector<16xi32>
        %ge3A_3081 = vector.broadcast %reduce_max3A_85 : i32 to vector<16xi32>
        %ge3A_3082 = arith.cmpi sge, %add3A_3066, %ge3A_3081 : vector<16xi32>
        %jit3A_3083 = arith.constant 0 : i32
        %broadcast_in_dim3A_3084 = vector.broadcast %sub3A_151 : i32 to vector<16xi32>
        %broadcast_in_dim3A_3085 = vector.broadcast %jit3A_3083 : i32 to vector<16xi32>
        %select_n3A_3086 = arith.select %ge3A_3082, %broadcast_in_dim3A_3084, %broadcast_in_dim3A_3085 : vector<16xi1>, vector<16xi32>
        %add3A_3087 = arith.addi %add3A_3080, %select_n3A_3086 : vector<16xi32>
        %ge3A_3088 = vector.broadcast %reduce_max3A_99 : i32 to vector<16xi32>
        %ge3A_3089 = arith.cmpi sge, %add3A_3066, %ge3A_3088 : vector<16xi32>
        %jit3A_3090 = arith.constant 0 : i32
        %broadcast_in_dim3A_3091 = vector.broadcast %sub3A_154 : i32 to vector<16xi32>
        %broadcast_in_dim3A_3092 = vector.broadcast %jit3A_3090 : i32 to vector<16xi32>
        %select_n3A_3093 = arith.select %ge3A_3089, %broadcast_in_dim3A_3091, %broadcast_in_dim3A_3092 : vector<16xi1>, vector<16xi32>
        %add3A_3094 = arith.addi %add3A_3087, %select_n3A_3093 : vector<16xi32>
        %ge3A_3095 = vector.broadcast %reduce_max3A_113 : i32 to vector<16xi32>
        %ge3A_3096 = arith.cmpi sge, %add3A_3066, %ge3A_3095 : vector<16xi32>
        %jit3A_3097 = arith.constant 0 : i32
        %broadcast_in_dim3A_3098 = vector.broadcast %sub3A_157 : i32 to vector<16xi32>
        %broadcast_in_dim3A_3099 = vector.broadcast %jit3A_3097 : i32 to vector<16xi32>
        %select_n3A_3100 = arith.select %ge3A_3096, %broadcast_in_dim3A_3098, %broadcast_in_dim3A_3099 : vector<16xi1>, vector<16xi32>
        %add3A_3101 = arith.addi %add3A_3094, %select_n3A_3100 : vector<16xi32>
        %ge3A_3102 = vector.broadcast %reduce_max3A_127 : i32 to vector<16xi32>
        %ge3A_3103 = arith.cmpi sge, %add3A_3066, %ge3A_3102 : vector<16xi32>
        %jit3A_3104 = arith.constant 0 : i32
        %broadcast_in_dim3A_3105 = vector.broadcast %sub3A_160 : i32 to vector<16xi32>
        %broadcast_in_dim3A_3106 = vector.broadcast %jit3A_3104 : i32 to vector<16xi32>
        %select_n3A_3107 = arith.select %ge3A_3103, %broadcast_in_dim3A_3105, %broadcast_in_dim3A_3106 : vector<16xi1>, vector<16xi32>
        %add3A_3108 = arith.addi %add3A_3101, %select_n3A_3107 : vector<16xi32>
        %ge3A_3109 = vector.broadcast %reduce_max3A_141 : i32 to vector<16xi32>
        %ge3A_3110 = arith.cmpi sge, %add3A_3066, %ge3A_3109 : vector<16xi32>
        %jit3A_3111 = arith.constant 0 : i32
        %broadcast_in_dim3A_3112 = vector.broadcast %sub3A_163 : i32 to vector<16xi32>
        %broadcast_in_dim3A_3113 = vector.broadcast %jit3A_3111 : i32 to vector<16xi32>
        %select_n3A_3114 = arith.select %ge3A_3110, %broadcast_in_dim3A_3112, %broadcast_in_dim3A_3113 : vector<16xi1>, vector<16xi32>
        %add3A_3115 = arith.addi %add3A_3108, %select_n3A_3114 : vector<16xi32>
        %eq3A_3116 = vector.broadcast %add3A_30 : i32 to vector<16xi32>
        %eq3A_3117 = arith.cmpi eq, %add3A_3066, %eq3A_3116 : vector<16xi32>
        %sub3A_3118 = arith.constant 1 : i32
        %sub3A_3119 = arith.subi %reduce_max3A_43, %sub3A_3118 : i32
        %broadcast_in_dim3A_3120 = vector.broadcast %sub3A_3119 : i32 to vector<16xi32>
        %select_n3A_3121 = arith.select %eq3A_3117, %broadcast_in_dim3A_3120, %add3A_3115 : vector<16xi1>, vector<16xi32>
        %min3A_3122 = arith.constant 16383 : i32
        %min3A_3123 = vector.broadcast %min3A_3122 : i32 to vector<16xi32>
        %min3A_3124 = arith.minsi %select_n3A_3121, %min3A_3123 : vector<16xi32>
        %swap3A_3125 = arith.constant 16 : index
        %swap3A_3126 = tpu.vector_load %arg16[%swap3A_3125] {strides = array<i32>} : memref<32xi32, #tpu.memory_space<vmem>>, vector<16xi32>,
        tpu.vector_store %arg16[%swap3A_3125], %min3A_3124 {strides = array<i32>} : memref<32xi32, #tpu.memory_space<vmem>>, vector<16xi32>,
        %le3A_3127 = vector.broadcast %add3A_30 : i32 to vector<16xi32>
        %le3A_3128 = arith.cmpi sle, %add3A_3066, %le3A_3127 : vector<16xi32>
        %broadcast_in_dim3A_3129 = vector.broadcast %mul3A_2 : i32 to vector<16xi32>
        %select_n3A_3130 = arith.select %le3A_3128, %add3A_3066, %broadcast_in_dim3A_3129 : vector<16xi1>, vector<16xi32>
        %swap3A_3131 = arith.constant 16 : index
        %swap3A_3132 = tpu.vector_load %arg18[%swap3A_3131] {strides = array<i32>} : memref<32xi32, #tpu.memory_space<vmem>>, vector<16xi32>,
        tpu.vector_store %arg18[%swap3A_3131], %select_n3A_3130 {strides = array<i32>} : memref<32xi32, #tpu.memory_space<vmem>>, vector<16xi32>,
        %dma_start3A_3133 = arith.constant 0 : i32
        %dma_start3A_3134 = arith.constant 0 : i32
        %dma_start3A_3135 = tpu.memref_slice %arg2[%dma_start3A_3133, %dma_start3A_3134] : memref<16384x1024xf32, #tpu.memory_space<hbm>> -> memref<16384x1024xf32, #tpu.memory_space<hbm>>
        tpu.enqueue_indirect_dma source(%dma_start3A_3135 : memref<16384x1024xf32, #tpu.memory_space<hbm>>) target(%arg13 : memref<32x1024xf32, #tpu.memory_space<vmem>>) offsets(%arg16 : memref<32xi32, #tpu.memory_space<vmem>>) semaphore(%arg26 : memref<!tpu.dma_semaphore, #tpu.memory_space<semaphore_mem>>)
        %mul3A_3136 = arith.constant 2 : i32
        %mul3A_3137 = arith.muli %mul3A_3136, %while3A_2982 : i32
        %add3A_3138 = arith.constant 1 : i32
        %add3A_3139 = arith.addi %mul3A_3137, %add3A_3138 : i32
        %mul3A_3140 = arith.constant 32 : i32
        %mul3A_3141 = arith.muli %add3A_3139, %mul3A_3140 : i32
        %add3A_3142 = arith.addi %mul3A_2, %mul3A_3141 : i32
        %add3A_3143 = arith.constant 0 : i32
        %add3A_3144 = arith.addi %add3A_3142, %add3A_3143 : i32
        %add3A_3145 = vector.broadcast %add3A_3144 : i32 to vector<16xi32>
        %add3A_3146 = arith.addi %add3A_3145, %iota3A : vector<16xi32>
        %ge3A_3147 = vector.broadcast %reduce_max3A_57 : i32 to vector<16xi32>
        %ge3A_3148 = arith.cmpi sge, %add3A_3146, %ge3A_3147 : vector<16xi32>
        %jit3A_3149 = arith.constant 0 : i32
        %broadcast_in_dim3A_3150 = vector.broadcast %sub3A_145 : i32 to vector<16xi32>
        %broadcast_in_dim3A_3151 = vector.broadcast %jit3A_3149 : i32 to vector<16xi32>
        %select_n3A_3152 = arith.select %ge3A_3148, %broadcast_in_dim3A_3150, %broadcast_in_dim3A_3151 : vector<16xi1>, vector<16xi32>
        %add3A_3153 = arith.addi %add3A_3146, %select_n3A_3152 : vector<16xi32>
        %ge3A_3154 = vector.broadcast %reduce_max3A_71 : i32 to vector<16xi32>
        %ge3A_3155 = arith.cmpi sge, %add3A_3146, %ge3A_3154 : vector<16xi32>
        %jit3A_3156 = arith.constant 0 : i32
        %broadcast_in_dim3A_3157 = vector.broadcast %sub3A_148 : i32 to vector<16xi32>
        %broadcast_in_dim3A_3158 = vector.broadcast %jit3A_3156 : i32 to vector<16xi32>
        %select_n3A_3159 = arith.select %ge3A_3155, %broadcast_in_dim3A_3157, %broadcast_in_dim3A_3158 : vector<16xi1>, vector<16xi32>
        %add3A_3160 = arith.addi %add3A_3153, %select_n3A_3159 : vector<16xi32>
        %ge3A_3161 = vector.broadcast %reduce_max3A_85 : i32 to vector<16xi32>
        %ge3A_3162 = arith.cmpi sge, %add3A_3146, %ge3A_3161 : vector<16xi32>
        %jit3A_3163 = arith.constant 0 : i32
        %broadcast_in_dim3A_3164 = vector.broadcast %sub3A_151 : i32 to vector<16xi32>
        %broadcast_in_dim3A_3165 = vector.broadcast %jit3A_3163 : i32 to vector<16xi32>
        %select_n3A_3166 = arith.select %ge3A_3162, %broadcast_in_dim3A_3164, %broadcast_in_dim3A_3165 : vector<16xi1>, vector<16xi32>
        %add3A_3167 = arith.addi %add3A_3160, %select_n3A_3166 : vector<16xi32>
        %ge3A_3168 = vector.broadcast %reduce_max3A_99 : i32 to vector<16xi32>
        %ge3A_3169 = arith.cmpi sge, %add3A_3146, %ge3A_3168 : vector<16xi32>
        %jit3A_3170 = arith.constant 0 : i32
        %broadcast_in_dim3A_3171 = vector.broadcast %sub3A_154 : i32 to vector<16xi32>
        %broadcast_in_dim3A_3172 = vector.broadcast %jit3A_3170 : i32 to vector<16xi32>
        %select_n3A_3173 = arith.select %ge3A_3169, %broadcast_in_dim3A_3171, %broadcast_in_dim3A_3172 : vector<16xi1>, vector<16xi32>
        %add3A_3174 = arith.addi %add3A_3167, %select_n3A_3173 : vector<16xi32>
        %ge3A_3175 = vector.broadcast %reduce_max3A_113 : i32 to vector<16xi32>
        %ge3A_3176 = arith.cmpi sge, %add3A_3146, %ge3A_3175 : vector<16xi32>
        %jit3A_3177 = arith.constant 0 : i32
        %broadcast_in_dim3A_3178 = vector.broadcast %sub3A_157 : i32 to vector<16xi32>
        %broadcast_in_dim3A_3179 = vector.broadcast %jit3A_3177 : i32 to vector<16xi32>
        %select_n3A_3180 = arith.select %ge3A_3176, %broadcast_in_dim3A_3178, %broadcast_in_dim3A_3179 : vector<16xi1>, vector<16xi32>
        %add3A_3181 = arith.addi %add3A_3174, %select_n3A_3180 : vector<16xi32>
        %ge3A_3182 = vector.broadcast %reduce_max3A_127 : i32 to vector<16xi32>
        %ge3A_3183 = arith.cmpi sge, %add3A_3146, %ge3A_3182 : vector<16xi32>
        %jit3A_3184 = arith.constant 0 : i32
        %broadcast_in_dim3A_3185 = vector.broadcast %sub3A_160 : i32 to vector<16xi32>
        %broadcast_in_dim3A_3186 = vector.broadcast %jit3A_3184 : i32 to vector<16xi32>
        %select_n3A_3187 = arith.select %ge3A_3183, %broadcast_in_dim3A_3185, %broadcast_in_dim3A_3186 : vector<16xi1>, vector<16xi32>
        %add3A_3188 = arith.addi %add3A_3181, %select_n3A_3187 : vector<16xi32>
        %ge3A_3189 = vector.broadcast %reduce_max3A_141 : i32 to vector<16xi32>
        %ge3A_3190 = arith.cmpi sge, %add3A_3146, %ge3A_3189 : vector<16xi32>
        %jit3A_3191 = arith.constant 0 : i32
        %broadcast_in_dim3A_3192 = vector.broadcast %sub3A_163 : i32 to vector<16xi32>
        %broadcast_in_dim3A_3193 = vector.broadcast %jit3A_3191 : i32 to vector<16xi32>
        %select_n3A_3194 = arith.select %ge3A_3190, %broadcast_in_dim3A_3192, %broadcast_in_dim3A_3193 : vector<16xi1>, vector<16xi32>
        %add3A_3195 = arith.addi %add3A_3188, %select_n3A_3194 : vector<16xi32>
        %eq3A_3196 = vector.broadcast %add3A_30 : i32 to vector<16xi32>
        %eq3A_3197 = arith.cmpi eq, %add3A_3146, %eq3A_3196 : vector<16xi32>
        %sub3A_3198 = arith.constant 1 : i32
        %sub3A_3199 = arith.subi %reduce_max3A_43, %sub3A_3198 : i32
        %broadcast_in_dim3A_3200 = vector.broadcast %sub3A_3199 : i32 to vector<16xi32>
        %select_n3A_3201 = arith.select %eq3A_3197, %broadcast_in_dim3A_3200, %add3A_3195 : vector<16xi1>, vector<16xi32>
        %min3A_3202 = arith.constant 16383 : i32
        %min3A_3203 = vector.broadcast %min3A_3202 : i32 to vector<16xi32>
        %min3A_3204 = arith.minsi %select_n3A_3201, %min3A_3203 : vector<16xi32>
        %swap3A_3205 = arith.constant 0 : index
        %swap3A_3206 = tpu.vector_load %arg17[%swap3A_3205] {strides = array<i32>} : memref<32xi32, #tpu.memory_space<vmem>>, vector<16xi32>,
        tpu.vector_store %arg17[%swap3A_3205], %min3A_3204 {strides = array<i32>} : memref<32xi32, #tpu.memory_space<vmem>>, vector<16xi32>,
        %le3A_3207 = vector.broadcast %add3A_30 : i32 to vector<16xi32>
        %le3A_3208 = arith.cmpi sle, %add3A_3146, %le3A_3207 : vector<16xi32>
        %broadcast_in_dim3A_3209 = vector.broadcast %mul3A_2 : i32 to vector<16xi32>
        %select_n3A_3210 = arith.select %le3A_3208, %add3A_3146, %broadcast_in_dim3A_3209 : vector<16xi1>, vector<16xi32>
        %swap3A_3211 = arith.constant 0 : index
        %swap3A_3212 = tpu.vector_load %arg19[%swap3A_3211] {strides = array<i32>} : memref<32xi32, #tpu.memory_space<vmem>>, vector<16xi32>,
        tpu.vector_store %arg19[%swap3A_3211], %select_n3A_3210 {strides = array<i32>} : memref<32xi32, #tpu.memory_space<vmem>>, vector<16xi32>,
        %add3A_3213 = arith.constant 16 : i32
        %add3A_3214 = arith.addi %add3A_3142, %add3A_3213 : i32
        %add3A_3215 = vector.broadcast %add3A_3214 : i32 to vector<16xi32>
        %add3A_3216 = arith.addi %add3A_3215, %iota3A : vector<16xi32>
        %ge3A_3217 = vector.broadcast %reduce_max3A_57 : i32 to vector<16xi32>
        %ge3A_3218 = arith.cmpi sge, %add3A_3216, %ge3A_3217 : vector<16xi32>
        %jit3A_3219 = arith.constant 0 : i32
        %broadcast_in_dim3A_3220 = vector.broadcast %sub3A_145 : i32 to vector<16xi32>
        %broadcast_in_dim3A_3221 = vector.broadcast %jit3A_3219 : i32 to vector<16xi32>
        %select_n3A_3222 = arith.select %ge3A_3218, %broadcast_in_dim3A_3220, %broadcast_in_dim3A_3221 : vector<16xi1>, vector<16xi32>
        %add3A_3223 = arith.addi %add3A_3216, %select_n3A_3222 : vector<16xi32>
        %ge3A_3224 = vector.broadcast %reduce_max3A_71 : i32 to vector<16xi32>
        %ge3A_3225 = arith.cmpi sge, %add3A_3216, %ge3A_3224 : vector<16xi32>
        %jit3A_3226 = arith.constant 0 : i32
        %broadcast_in_dim3A_3227 = vector.broadcast %sub3A_148 : i32 to vector<16xi32>
        %broadcast_in_dim3A_3228 = vector.broadcast %jit3A_3226 : i32 to vector<16xi32>
        %select_n3A_3229 = arith.select %ge3A_3225, %broadcast_in_dim3A_3227, %broadcast_in_dim3A_3228 : vector<16xi1>, vector<16xi32>
        %add3A_3230 = arith.addi %add3A_3223, %select_n3A_3229 : vector<16xi32>
        %ge3A_3231 = vector.broadcast %reduce_max3A_85 : i32 to vector<16xi32>
        %ge3A_3232 = arith.cmpi sge, %add3A_3216, %ge3A_3231 : vector<16xi32>
        %jit3A_3233 = arith.constant 0 : i32
        %broadcast_in_dim3A_3234 = vector.broadcast %sub3A_151 : i32 to vector<16xi32>
        %broadcast_in_dim3A_3235 = vector.broadcast %jit3A_3233 : i32 to vector<16xi32>
        %select_n3A_3236 = arith.select %ge3A_3232, %broadcast_in_dim3A_3234, %broadcast_in_dim3A_3235 : vector<16xi1>, vector<16xi32>
        %add3A_3237 = arith.addi %add3A_3230, %select_n3A_3236 : vector<16xi32>
        %ge3A_3238 = vector.broadcast %reduce_max3A_99 : i32 to vector<16xi32>
        %ge3A_3239 = arith.cmpi sge, %add3A_3216, %ge3A_3238 : vector<16xi32>
        %jit3A_3240 = arith.constant 0 : i32
        %broadcast_in_dim3A_3241 = vector.broadcast %sub3A_154 : i32 to vector<16xi32>
        %broadcast_in_dim3A_3242 = vector.broadcast %jit3A_3240 : i32 to vector<16xi32>
        %select_n3A_3243 = arith.select %ge3A_3239, %broadcast_in_dim3A_3241, %broadcast_in_dim3A_3242 : vector<16xi1>, vector<16xi32>
        %add3A_3244 = arith.addi %add3A_3237, %select_n3A_3243 : vector<16xi32>
        %ge3A_3245 = vector.broadcast %reduce_max3A_113 : i32 to vector<16xi32>
        %ge3A_3246 = arith.cmpi sge, %add3A_3216, %ge3A_3245 : vector<16xi32>
        %jit3A_3247 = arith.constant 0 : i32
        %broadcast_in_dim3A_3248 = vector.broadcast %sub3A_157 : i32 to vector<16xi32>
        %broadcast_in_dim3A_3249 = vector.broadcast %jit3A_3247 : i32 to vector<16xi32>
        %select_n3A_3250 = arith.select %ge3A_3246, %broadcast_in_dim3A_3248, %broadcast_in_dim3A_3249 : vector<16xi1>, vector<16xi32>
        %add3A_3251 = arith.addi %add3A_3244, %select_n3A_3250 : vector<16xi32>
        %ge3A_3252 = vector.broadcast %reduce_max3A_127 : i32 to vector<16xi32>
        %ge3A_3253 = arith.cmpi sge, %add3A_3216, %ge3A_3252 : vector<16xi32>
        %jit3A_3254 = arith.constant 0 : i32
        %broadcast_in_dim3A_3255 = vector.broadcast %sub3A_160 : i32 to vector<16xi32>
        %broadcast_in_dim3A_3256 = vector.broadcast %jit3A_3254 : i32 to vector<16xi32>
        %select_n3A_3257 = arith.select %ge3A_3253, %broadcast_in_dim3A_3255, %broadcast_in_dim3A_3256 : vector<16xi1>, vector<16xi32>
        %add3A_3258 = arith.addi %add3A_3251, %select_n3A_3257 : vector<16xi32>
        %ge3A_3259 = vector.broadcast %reduce_max3A_141 : i32 to vector<16xi32>
        %ge3A_3260 = arith.cmpi sge, %add3A_3216, %ge3A_3259 : vector<16xi32>
        %jit3A_3261 = arith.constant 0 : i32
        %broadcast_in_dim3A_3262 = vector.broadcast %sub3A_163 : i32 to vector<16xi32>
        %broadcast_in_dim3A_3263 = vector.broadcast %jit3A_3261 : i32 to vector<16xi32>
        %select_n3A_3264 = arith.select %ge3A_3260, %broadcast_in_dim3A_3262, %broadcast_in_dim3A_3263 : vector<16xi1>, vector<16xi32>
        %add3A_3265 = arith.addi %add3A_3258, %select_n3A_3264 : vector<16xi32>
        %eq3A_3266 = vector.broadcast %add3A_30 : i32 to vector<16xi32>
        %eq3A_3267 = arith.cmpi eq, %add3A_3216, %eq3A_3266 : vector<16xi32>
        %sub3A_3268 = arith.constant 1 : i32
        %sub3A_3269 = arith.subi %reduce_max3A_43, %sub3A_3268 : i32
        %broadcast_in_dim3A_3270 = vector.broadcast %sub3A_3269 : i32 to vector<16xi32>
        %select_n3A_3271 = arith.select %eq3A_3267, %broadcast_in_dim3A_3270, %add3A_3265 : vector<16xi1>, vector<16xi32>
        %min3A_3272 = arith.constant 16383 : i32
        %min3A_3273 = vector.broadcast %min3A_3272 : i32 to vector<16xi32>
        %min3A_3274 = arith.minsi %select_n3A_3271, %min3A_3273 : vector<16xi32>
        %swap3A_3275 = arith.constant 16 : index
        %swap3A_3276 = tpu.vector_load %arg17[%swap3A_3275] {strides = array<i32>} : memref<32xi32, #tpu.memory_space<vmem>>, vector<16xi32>,
        tpu.vector_store %arg17[%swap3A_3275], %min3A_3274 {strides = array<i32>} : memref<32xi32, #tpu.memory_space<vmem>>, vector<16xi32>,
        %le3A_3277 = vector.broadcast %add3A_30 : i32 to vector<16xi32>
        %le3A_3278 = arith.cmpi sle, %add3A_3216, %le3A_3277 : vector<16xi32>
        %broadcast_in_dim3A_3279 = vector.broadcast %mul3A_2 : i32 to vector<16xi32>
        %select_n3A_3280 = arith.select %le3A_3278, %add3A_3216, %broadcast_in_dim3A_3279 : vector<16xi1>, vector<16xi32>
        %swap3A_3281 = arith.constant 16 : index
        %swap3A_3282 = tpu.vector_load %arg19[%swap3A_3281] {strides = array<i32>} : memref<32xi32, #tpu.memory_space<vmem>>, vector<16xi32>,
        tpu.vector_store %arg19[%swap3A_3281], %select_n3A_3280 {strides = array<i32>} : memref<32xi32, #tpu.memory_space<vmem>>, vector<16xi32>,
        %dma_start3A_3283 = arith.constant 0 : i32
        %dma_start3A_3284 = arith.constant 0 : i32
        %dma_start3A_3285 = tpu.memref_slice %arg2[%dma_start3A_3283, %dma_start3A_3284] : memref<16384x1024xf32, #tpu.memory_space<hbm>> -> memref<16384x1024xf32, #tpu.memory_space<hbm>>
        tpu.enqueue_indirect_dma source(%dma_start3A_3285 : memref<16384x1024xf32, #tpu.memory_space<hbm>>) target(%arg14 : memref<32x1024xf32, #tpu.memory_space<vmem>>) offsets(%arg17 : memref<32xi32, #tpu.memory_space<vmem>>) semaphore(%arg27 : memref<!tpu.dma_semaphore, #tpu.memory_space<semaphore_mem>>)
        %dma_wait3A_3286 = arith.constant 0 : i32
        %dma_wait3A_3287 = arith.constant 0 : i32
        %dma_wait3A_3288 = tpu.memref_slice %arg2[%dma_wait3A_3286, %dma_wait3A_3287] : memref<16384x1024xf32, #tpu.memory_space<hbm>> -> memref<16384x1024xf32, #tpu.memory_space<hbm>>
        tpu.wait_indirect_dma semaphore(%arg26 : memref<!tpu.dma_semaphore, #tpu.memory_space<semaphore_mem>>) src(%dma_wait3A_3288 : memref<16384x1024xf32, #tpu.memory_space<hbm>>) dst(%arg13 : memref<32x1024xf32, #tpu.memory_space<vmem>>)
        %dma_start3A_3289 = arith.constant 0 : i32
        %dma_start3A_3290 = arith.constant 0 : i32
        %dma_start3A_3291 = tpu.memref_slice %arg6[%dma_start3A_3289, %dma_start3A_3290] : memref<16370x1024xf32, #tpu.memory_space<hbm>> -> memref<16370x1024xf32, #tpu.memory_space<hbm>>
        tpu.enqueue_indirect_dma source(%arg13 : memref<32x1024xf32, #tpu.memory_space<vmem>>) target(%dma_start3A_3291 : memref<16370x1024xf32, #tpu.memory_space<hbm>>) offsets(%arg18 : memref<32xi32, #tpu.memory_space<vmem>>) semaphore(%arg28 : memref<!tpu.dma_semaphore, #tpu.memory_space<semaphore_mem>>)
        %dma_wait3A_3292 = arith.constant 0 : i32
        %dma_wait3A_3293 = arith.constant 0 : i32
        %dma_wait3A_3294 = tpu.memref_slice %arg2[%dma_wait3A_3292, %dma_wait3A_3293] : memref<16384x1024xf32, #tpu.memory_space<hbm>> -> memref<16384x1024xf32, #tpu.memory_space<hbm>>
        tpu.wait_indirect_dma semaphore(%arg27 : memref<!tpu.dma_semaphore, #tpu.memory_space<semaphore_mem>>) src(%dma_wait3A_3294 : memref<16384x1024xf32, #tpu.memory_space<hbm>>) dst(%arg14 : memref<32x1024xf32, #tpu.memory_space<vmem>>)
        %dma_start3A_3295 = arith.constant 0 : i32
        %dma_start3A_3296 = arith.constant 0 : i32
        %dma_start3A_3297 = tpu.memref_slice %arg6[%dma_start3A_3295, %dma_start3A_3296] : memref<16370x1024xf32, #tpu.memory_space<hbm>> -> memref<16370x1024xf32, #tpu.memory_space<hbm>>
        tpu.enqueue_indirect_dma source(%arg14 : memref<32x1024xf32, #tpu.memory_space<vmem>>) target(%dma_start3A_3297 : memref<16370x1024xf32, #tpu.memory_space<hbm>>) offsets(%arg19 : memref<32xi32, #tpu.memory_space<vmem>>) semaphore(%arg29 : memref<!tpu.dma_semaphore, #tpu.memory_space<semaphore_mem>>)
      }
      %dma_wait3A_2924 = arith.constant 0 : i32
      %dma_wait3A_2925 = arith.constant 0 : i32
      %dma_wait3A_2926 = tpu.memref_slice %arg6[%dma_wait3A_2924, %dma_wait3A_2925] : memref<16370x1024xf32, #tpu.memory_space<hbm>> -> memref<16370x1024xf32, #tpu.memory_space<hbm>>
      tpu.wait_indirect_dma semaphore(%arg28 : memref<!tpu.dma_semaphore, #tpu.memory_space<semaphore_mem>>) src(%arg13 : memref<32x1024xf32, #tpu.memory_space<vmem>>) dst(%dma_wait3A_2926 : memref<16370x1024xf32, #tpu.memory_space<hbm>>)
      %dma_wait3A_2927 = arith.constant 0 : i32
      %dma_wait3A_2928 = arith.constant 0 : i32
      %dma_wait3A_2929 = tpu.memref_slice %arg6[%dma_wait3A_2927, %dma_wait3A_2928] : memref<16370x1024xf32, #tpu.memory_space<hbm>> -> memref<16370x1024xf32, #tpu.memory_space<hbm>>
      tpu.wait_indirect_dma semaphore(%arg29 : memref<!tpu.dma_semaphore, #tpu.memory_space<semaphore_mem>>) src(%arg14 : memref<32x1024xf32, #tpu.memory_space<vmem>>) dst(%dma_wait3A_2929 : memref<16370x1024xf32, #tpu.memory_space<hbm>>)
      %ge3A_2930 = arith.cmpi sge, %mul3A_2, %reduce_max3A_57 : i32
      %jit3A_2931 = arith.constant 0 : i32
      %select_n3A_2932 = arith.select %ge3A_2930, %sub3A_145, %jit3A_2931 : i32
      %add3A_2933 = arith.addi %mul3A_2, %select_n3A_2932 : i32
      %ge3A_2934 = arith.cmpi sge, %mul3A_2, %reduce_max3A_71 : i32
      %jit3A_2935 = arith.constant 0 : i32
      %select_n3A_2936 = arith.select %ge3A_2934, %sub3A_148, %jit3A_2935 : i32
      %add3A_2937 = arith.addi %add3A_2933, %select_n3A_2936 : i32
      %ge3A_2938 = arith.cmpi sge, %mul3A_2, %reduce_max3A_85 : i32
      %jit3A_2939 = arith.constant 0 : i32
      %select_n3A_2940 = arith.select %ge3A_2938, %sub3A_151, %jit3A_2939 : i32
      %add3A_2941 = arith.addi %add3A_2937, %select_n3A_2940 : i32
      %ge3A_2942 = arith.cmpi sge, %mul3A_2, %reduce_max3A_99 : i32
      %jit3A_2943 = arith.constant 0 : i32
      %select_n3A_2944 = arith.select %ge3A_2942, %sub3A_154, %jit3A_2943 : i32
      %add3A_2945 = arith.addi %add3A_2941, %select_n3A_2944 : i32
      %ge3A_2946 = arith.cmpi sge, %mul3A_2, %reduce_max3A_113 : i32
      %jit3A_2947 = arith.constant 0 : i32
      %select_n3A_2948 = arith.select %ge3A_2946, %sub3A_157, %jit3A_2947 : i32
      %add3A_2949 = arith.addi %add3A_2945, %select_n3A_2948 : i32
      %ge3A_2950 = arith.cmpi sge, %mul3A_2, %reduce_max3A_127 : i32
      %jit3A_2951 = arith.constant 0 : i32
      %select_n3A_2952 = arith.select %ge3A_2950, %sub3A_160, %jit3A_2951 : i32
      %add3A_2953 = arith.addi %add3A_2949, %select_n3A_2952 : i32
      %ge3A_2954 = arith.cmpi sge, %mul3A_2, %reduce_max3A_141 : i32
      %jit3A_2955 = arith.constant 0 : i32
      %select_n3A_2956 = arith.select %ge3A_2954, %sub3A_163, %jit3A_2955 : i32
      %add3A_2957 = arith.addi %add3A_2953, %select_n3A_2956 : i32
      %eq3A_2958 = arith.cmpi eq, %mul3A_2, %add3A_30 : i32
      %sub3A_2959 = arith.constant 1 : i32
      %sub3A_2960 = arith.subi %reduce_max3A_43, %sub3A_2959 : i32
      %select_n3A_2961 = arith.select %eq3A_2958, %sub3A_2960, %add3A_2957 : i32
      %min3A_2962 = arith.constant 16383 : i32
      %min3A_2963 = arith.minsi %select_n3A_2961, %min3A_2962 : i32
      %broadcast_in_dim3A_2964 = vector.broadcast %min3A_2963 : i32 to vector<16xi32>
      %swap3A_2965 = arith.constant 0 : index
      %swap3A_2966 = tpu.vector_load %arg22[%swap3A_2965] {strides = array<i32>} : memref<16xi32, #tpu.memory_space<vmem>>, vector<16xi32>,
      tpu.vector_store %arg22[%swap3A_2965], %broadcast_in_dim3A_2964 {strides = array<i32>} : memref<16xi32, #tpu.memory_space<vmem>>, vector<16xi32>,
      %broadcast_in_dim3A_2967 = vector.broadcast %mul3A_2 : i32 to vector<16xi32>
      %swap3A_2968 = arith.constant 0 : index
      %swap3A_2969 = tpu.vector_load %arg23[%swap3A_2968] {strides = array<i32>} : memref<16xi32, #tpu.memory_space<vmem>>, vector<16xi32>,
      tpu.vector_store %arg23[%swap3A_2968], %broadcast_in_dim3A_2967 {strides = array<i32>} : memref<16xi32, #tpu.memory_space<vmem>>, vector<16xi32>,
      %dma_start3A_2970 = arith.constant 0 : i32
      %dma_start3A_2971 = arith.constant 0 : i32
      %dma_start3A_2972 = tpu.memref_slice %arg2[%dma_start3A_2970, %dma_start3A_2971] : memref<16384x1024xf32, #tpu.memory_space<hbm>> -> memref<16384x1024xf32, #tpu.memory_space<hbm>>
      tpu.enqueue_indirect_dma source(%dma_start3A_2972 : memref<16384x1024xf32, #tpu.memory_space<hbm>>) target(%arg15 : memref<16x1024xf32, #tpu.memory_space<vmem>>) offsets(%arg22 : memref<16xi32, #tpu.memory_space<vmem>>) semaphore(%arg26 : memref<!tpu.dma_semaphore, #tpu.memory_space<semaphore_mem>>)
      %dma_wait3A_2973 = arith.constant 0 : i32
      %dma_wait3A_2974 = arith.constant 0 : i32
      %dma_wait3A_2975 = tpu.memref_slice %arg2[%dma_wait3A_2973, %dma_wait3A_2974] : memref<16384x1024xf32, #tpu.memory_space<hbm>> -> memref<16384x1024xf32, #tpu.memory_space<hbm>>
      tpu.wait_indirect_dma semaphore(%arg26 : memref<!tpu.dma_semaphore, #tpu.memory_space<semaphore_mem>>) src(%dma_wait3A_2975 : memref<16384x1024xf32, #tpu.memory_space<hbm>>) dst(%arg15 : memref<16x1024xf32, #tpu.memory_space<vmem>>)
      %dma_start3A_2976 = arith.constant 0 : i32
      %dma_start3A_2977 = arith.constant 0 : i32
      %dma_start3A_2978 = tpu.memref_slice %arg6[%dma_start3A_2976, %dma_start3A_2977] : memref<16370x1024xf32, #tpu.memory_space<hbm>> -> memref<16370x1024xf32, #tpu.memory_space<hbm>>
      tpu.enqueue_indirect_dma source(%arg15 : memref<16x1024xf32, #tpu.memory_space<vmem>>) target(%dma_start3A_2978 : memref<16370x1024xf32, #tpu.memory_space<hbm>>) offsets(%arg23 : memref<16xi32, #tpu.memory_space<vmem>>) semaphore(%arg28 : memref<!tpu.dma_semaphore, #tpu.memory_space<semaphore_mem>>)
      %dma_wait3A_2979 = arith.constant 0 : i32
      %dma_wait3A_2980 = arith.constant 0 : i32
      %dma_wait3A_2981 = tpu.memref_slice %arg6[%dma_wait3A_2979, %dma_wait3A_2980] : memref<16370x1024xf32, #tpu.memory_space<hbm>> -> memref<16370x1024xf32, #tpu.memory_space<hbm>>
      tpu.wait_indirect_dma semaphore(%arg28 : memref<!tpu.dma_semaphore, #tpu.memory_space<semaphore_mem>>) src(%arg15 : memref<16x1024xf32, #tpu.memory_space<vmem>>) dst(%dma_wait3A_2981 : memref<16370x1024xf32, #tpu.memory_space<hbm>>)
    } else {
    }
    %add3A_273 = arith.constant 0 : i32
    %add3A_274 = arith.addi %mul3A_2, %add3A_273 : i32
    %add3A_275 = vector.broadcast %add3A_274 : i32 to vector<16xi32>
    %add3A_276 = arith.addi %add3A_275, %iota3A : vector<16xi32>
    %ge3A = vector.broadcast %reduce_max3A_57 : i32 to vector<16xi32>
    %ge3A_277 = arith.cmpi sge, %add3A_276, %ge3A : vector<16xi32>
    %jit3A_278 = arith.constant 0 : i32
    %broadcast_in_dim3A_279 = vector.broadcast %sub3A_145 : i32 to vector<16xi32>
    %broadcast_in_dim3A_280 = vector.broadcast %jit3A_278 : i32 to vector<16xi32>
    %select_n3A_281 = arith.select %ge3A_277, %broadcast_in_dim3A_279, %broadcast_in_dim3A_280 : vector<16xi1>, vector<16xi32>
    %add3A_282 = arith.addi %add3A_276, %select_n3A_281 : vector<16xi32>
    %ge3A_283 = vector.broadcast %reduce_max3A_71 : i32 to vector<16xi32>
    %ge3A_284 = arith.cmpi sge, %add3A_276, %ge3A_283 : vector<16xi32>
    %jit3A_285 = arith.constant 0 : i32
    %broadcast_in_dim3A_286 = vector.broadcast %sub3A_148 : i32 to vector<16xi32>
    %broadcast_in_dim3A_287 = vector.broadcast %jit3A_285 : i32 to vector<16xi32>
    %select_n3A_288 = arith.select %ge3A_284, %broadcast_in_dim3A_286, %broadcast_in_dim3A_287 : vector<16xi1>, vector<16xi32>
    %add3A_289 = arith.addi %add3A_282, %select_n3A_288 : vector<16xi32>
    %ge3A_290 = vector.broadcast %reduce_max3A_85 : i32 to vector<16xi32>
    %ge3A_291 = arith.cmpi sge, %add3A_276, %ge3A_290 : vector<16xi32>
    %jit3A_292 = arith.constant 0 : i32
    %broadcast_in_dim3A_293 = vector.broadcast %sub3A_151 : i32 to vector<16xi32>
    %broadcast_in_dim3A_294 = vector.broadcast %jit3A_292 : i32 to vector<16xi32>
    %select_n3A_295 = arith.select %ge3A_291, %broadcast_in_dim3A_293, %broadcast_in_dim3A_294 : vector<16xi1>, vector<16xi32>
    %add3A_296 = arith.addi %add3A_289, %select_n3A_295 : vector<16xi32>
    %ge3A_297 = vector.broadcast %reduce_max3A_99 : i32 to vector<16xi32>
    %ge3A_298 = arith.cmpi sge, %add3A_276, %ge3A_297 : vector<16xi32>
    %jit3A_299 = arith.constant 0 : i32
    %broadcast_in_dim3A_300 = vector.broadcast %sub3A_154 : i32 to vector<16xi32>
    %broadcast_in_dim3A_301 = vector.broadcast %jit3A_299 : i32 to vector<16xi32>
    %select_n3A_302 = arith.select %ge3A_298, %broadcast_in_dim3A_300, %broadcast_in_dim3A_301 : vector<16xi1>, vector<16xi32>
    %add3A_303 = arith.addi %add3A_296, %select_n3A_302 : vector<16xi32>
    %ge3A_304 = vector.broadcast %reduce_max3A_113 : i32 to vector<16xi32>
    %ge3A_305 = arith.cmpi sge, %add3A_276, %ge3A_304 : vector<16xi32>
    %jit3A_306 = arith.constant 0 : i32
    %broadcast_in_dim3A_307 = vector.broadcast %sub3A_157 : i32 to vector<16xi32>
    %broadcast_in_dim3A_308 = vector.broadcast %jit3A_306 : i32 to vector<16xi32>
    %select_n3A_309 = arith.select %ge3A_305, %broadcast_in_dim3A_307, %broadcast_in_dim3A_308 : vector<16xi1>, vector<16xi32>
    %add3A_310 = arith.addi %add3A_303, %select_n3A_309 : vector<16xi32>
    %ge3A_311 = vector.broadcast %reduce_max3A_127 : i32 to vector<16xi32>
    %ge3A_312 = arith.cmpi sge, %add3A_276, %ge3A_311 : vector<16xi32>
    %jit3A_313 = arith.constant 0 : i32
    %broadcast_in_dim3A_314 = vector.broadcast %sub3A_160 : i32 to vector<16xi32>
    %broadcast_in_dim3A_315 = vector.broadcast %jit3A_313 : i32 to vector<16xi32>
    %select_n3A_316 = arith.select %ge3A_312, %broadcast_in_dim3A_314, %broadcast_in_dim3A_315 : vector<16xi1>, vector<16xi32>
    %add3A_317 = arith.addi %add3A_310, %select_n3A_316 : vector<16xi32>
    %ge3A_318 = vector.broadcast %reduce_max3A_141 : i32 to vector<16xi32>
    %ge3A_319 = arith.cmpi sge, %add3A_276, %ge3A_318 : vector<16xi32>
    %jit3A_320 = arith.constant 0 : i32
    %broadcast_in_dim3A_321 = vector.broadcast %sub3A_163 : i32 to vector<16xi32>
    %broadcast_in_dim3A_322 = vector.broadcast %jit3A_320 : i32 to vector<16xi32>
    %select_n3A_323 = arith.select %ge3A_319, %broadcast_in_dim3A_321, %broadcast_in_dim3A_322 : vector<16xi1>, vector<16xi32>
    %add3A_324 = arith.addi %add3A_317, %select_n3A_323 : vector<16xi32>
    %eq3A_325 = vector.broadcast %add3A_30 : i32 to vector<16xi32>
    %eq3A_326 = arith.cmpi eq, %add3A_276, %eq3A_325 : vector<16xi32>
    %sub3A_327 = arith.constant 1 : i32
    %sub3A_328 = arith.subi %reduce_max3A_43, %sub3A_327 : i32
    %broadcast_in_dim3A_329 = vector.broadcast %sub3A_328 : i32 to vector<16xi32>
    %select_n3A_330 = arith.select %eq3A_326, %broadcast_in_dim3A_329, %add3A_324 : vector<16xi1>, vector<16xi32>
    %min3A_331 = arith.constant 16383 : i32
    %min3A_332 = vector.broadcast %min3A_331 : i32 to vector<16xi32>
    %min3A_333 = arith.minsi %select_n3A_330, %min3A_332 : vector<16xi32>
    %gather3A = tpu.vector_load_idx %arg12[%min3A_333] : memref<16384xi32, #tpu.memory_space<vmem>>[vector<16xi32>], vector<16xi32>,
    %le3A = vector.broadcast %add3A_30 : i32 to vector<16xi32>
    %le3A_334 = arith.cmpi sle, %add3A_276, %le3A : vector<16xi32>
    %jit3A_335 = arith.constant 1 : i32
    %broadcast_in_dim3A_336 = vector.broadcast %jit3A_335 : i32 to vector<16xi32>
    %select_n3A_337 = arith.select %le3A_334, %gather3A, %broadcast_in_dim3A_336 : vector<16xi1>, vector<16xi32>
    %swap3A = arith.constant 0 : index
    %swap3A_338 = tpu.vector_load %arg24[%swap3A] {strides = array<i32>} : memref<512xi32, #tpu.memory_space<vmem>>, vector<16xi32>,
    tpu.vector_store %arg24[%swap3A], %select_n3A_337 {strides = array<i32>} : memref<512xi32, #tpu.memory_space<vmem>>, vector<16xi32>,
    %add3A_339 = arith.constant 16 : i32
    %add3A_340 = arith.addi %mul3A_2, %add3A_339 : i32
    %add3A_341 = vector.broadcast %add3A_340 : i32 to vector<16xi32>
    %add3A_342 = arith.addi %add3A_341, %iota3A : vector<16xi32>
    %ge3A_343 = vector.broadcast %reduce_max3A_57 : i32 to vector<16xi32>
    %ge3A_344 = arith.cmpi sge, %add3A_342, %ge3A_343 : vector<16xi32>
    %jit3A_345 = arith.constant 0 : i32
    %broadcast_in_dim3A_346 = vector.broadcast %sub3A_145 : i32 to vector<16xi32>
    %broadcast_in_dim3A_347 = vector.broadcast %jit3A_345 : i32 to vector<16xi32>
    %select_n3A_348 = arith.select %ge3A_344, %broadcast_in_dim3A_346, %broadcast_in_dim3A_347 : vector<16xi1>, vector<16xi32>
    %add3A_349 = arith.addi %add3A_342, %select_n3A_348 : vector<16xi32>
    %ge3A_350 = vector.broadcast %reduce_max3A_71 : i32 to vector<16xi32>
    %ge3A_351 = arith.cmpi sge, %add3A_342, %ge3A_350 : vector<16xi32>
    %jit3A_352 = arith.constant 0 : i32
    %broadcast_in_dim3A_353 = vector.broadcast %sub3A_148 : i32 to vector<16xi32>
    %broadcast_in_dim3A_354 = vector.broadcast %jit3A_352 : i32 to vector<16xi32>
    %select_n3A_355 = arith.select %ge3A_351, %broadcast_in_dim3A_353, %broadcast_in_dim3A_354 : vector<16xi1>, vector<16xi32>
    %add3A_356 = arith.addi %add3A_349, %select_n3A_355 : vector<16xi32>
    %ge3A_357 = vector.broadcast %reduce_max3A_85 : i32 to vector<16xi32>
    %ge3A_358 = arith.cmpi sge, %add3A_342, %ge3A_357 : vector<16xi32>
    %jit3A_359 = arith.constant 0 : i32
    %broadcast_in_dim3A_360 = vector.broadcast %sub3A_151 : i32 to vector<16xi32>
    %broadcast_in_dim3A_361 = vector.broadcast %jit3A_359 : i32 to vector<16xi32>
    %select_n3A_362 = arith.select %ge3A_358, %broadcast_in_dim3A_360, %broadcast_in_dim3A_361 : vector<16xi1>, vector<16xi32>
    %add3A_363 = arith.addi %add3A_356, %select_n3A_362 : vector<16xi32>
    %ge3A_364 = vector.broadcast %reduce_max3A_99 : i32 to vector<16xi32>
    %ge3A_365 = arith.cmpi sge, %add3A_342, %ge3A_364 : vector<16xi32>
    %jit3A_366 = arith.constant 0 : i32
    %broadcast_in_dim3A_367 = vector.broadcast %sub3A_154 : i32 to vector<16xi32>
    %broadcast_in_dim3A_368 = vector.broadcast %jit3A_366 : i32 to vector<16xi32>
    %select_n3A_369 = arith.select %ge3A_365, %broadcast_in_dim3A_367, %broadcast_in_dim3A_368 : vector<16xi1>, vector<16xi32>
    %add3A_370 = arith.addi %add3A_363, %select_n3A_369 : vector<16xi32>
    %ge3A_371 = vector.broadcast %reduce_max3A_113 : i32 to vector<16xi32>
    %ge3A_372 = arith.cmpi sge, %add3A_342, %ge3A_371 : vector<16xi32>
    %jit3A_373 = arith.constant 0 : i32
    %broadcast_in_dim3A_374 = vector.broadcast %sub3A_157 : i32 to vector<16xi32>
    %broadcast_in_dim3A_375 = vector.broadcast %jit3A_373 : i32 to vector<16xi32>
    %select_n3A_376 = arith.select %ge3A_372, %broadcast_in_dim3A_374, %broadcast_in_dim3A_375 : vector<16xi1>, vector<16xi32>
    %add3A_377 = arith.addi %add3A_370, %select_n3A_376 : vector<16xi32>
    %ge3A_378 = vector.broadcast %reduce_max3A_127 : i32 to vector<16xi32>
    %ge3A_379 = arith.cmpi sge, %add3A_342, %ge3A_378 : vector<16xi32>
    %jit3A_380 = arith.constant 0 : i32
    %broadcast_in_dim3A_381 = vector.broadcast %sub3A_160 : i32 to vector<16xi32>
    %broadcast_in_dim3A_382 = vector.broadcast %jit3A_380 : i32 to vector<16xi32>
    %select_n3A_383 = arith.select %ge3A_379, %broadcast_in_dim3A_381, %broadcast_in_dim3A_382 : vector<16xi1>, vector<16xi32>
    %add3A_384 = arith.addi %add3A_377, %select_n3A_383 : vector<16xi32>
    %ge3A_385 = vector.broadcast %reduce_max3A_141 : i32 to vector<16xi32>
    %ge3A_386 = arith.cmpi sge, %add3A_342, %ge3A_385 : vector<16xi32>
    %jit3A_387 = arith.constant 0 : i32
    %broadcast_in_dim3A_388 = vector.broadcast %sub3A_163 : i32 to vector<16xi32>
    %broadcast_in_dim3A_389 = vector.broadcast %jit3A_387 : i32 to vector<16xi32>
    %select_n3A_390 = arith.select %ge3A_386, %broadcast_in_dim3A_388, %broadcast_in_dim3A_389 : vector<16xi1>, vector<16xi32>
    %add3A_391 = arith.addi %add3A_384, %select_n3A_390 : vector<16xi32>
    %eq3A_392 = vector.broadcast %add3A_30 : i32 to vector<16xi32>
    %eq3A_393 = arith.cmpi eq, %add3A_342, %eq3A_392 : vector<16xi32>
    %sub3A_394 = arith.constant 1 : i32
    %sub3A_395 = arith.subi %reduce_max3A_43, %sub3A_394 : i32
    %broadcast_in_dim3A_396 = vector.broadcast %sub3A_395 : i32 to vector<16xi32>
    %select_n3A_397 = arith.select %eq3A_393, %broadcast_in_dim3A_396, %add3A_391 : vector<16xi1>, vector<16xi32>
    %min3A_398 = arith.constant 16383 : i32
    %min3A_399 = vector.broadcast %min3A_398 : i32 to vector<16xi32>
    %min3A_400 = arith.minsi %select_n3A_397, %min3A_399 : vector<16xi32>
    %gather3A_401 = tpu.vector_load_idx %arg12[%min3A_400] : memref<16384xi32, #tpu.memory_space<vmem>>[vector<16xi32>], vector<16xi32>,
    %le3A_402 = vector.broadcast %add3A_30 : i32 to vector<16xi32>
    %le3A_403 = arith.cmpi sle, %add3A_342, %le3A_402 : vector<16xi32>
    %jit3A_404 = arith.constant 1 : i32
    %broadcast_in_dim3A_405 = vector.broadcast %jit3A_404 : i32 to vector<16xi32>
    %select_n3A_406 = arith.select %le3A_403, %gather3A_401, %broadcast_in_dim3A_405 : vector<16xi1>, vector<16xi32>
    %swap3A_407 = arith.constant 16 : index
    %swap3A_408 = tpu.vector_load %arg24[%swap3A_407] {strides = array<i32>} : memref<512xi32, #tpu.memory_space<vmem>>, vector<16xi32>,
    tpu.vector_store %arg24[%swap3A_407], %select_n3A_406 {strides = array<i32>} : memref<512xi32, #tpu.memory_space<vmem>>, vector<16xi32>,
    %add3A_409 = arith.constant 32 : i32
    %add3A_410 = arith.addi %mul3A_2, %add3A_409 : i32
    %add3A_411 = vector.broadcast %add3A_410 : i32 to vector<16xi32>
    %add3A_412 = arith.addi %add3A_411, %iota3A : vector<16xi32>
    %ge3A_413 = vector.broadcast %reduce_max3A_57 : i32 to vector<16xi32>
    %ge3A_414 = arith.cmpi sge, %add3A_412, %ge3A_413 : vector<16xi32>
    %jit3A_415 = arith.constant 0 : i32
    %broadcast_in_dim3A_416 = vector.broadcast %sub3A_145 : i32 to vector<16xi32>
    %broadcast_in_dim3A_417 = vector.broadcast %jit3A_415 : i32 to vector<16xi32>
    %select_n3A_418 = arith.select %ge3A_414, %broadcast_in_dim3A_416, %broadcast_in_dim3A_417 : vector<16xi1>, vector<16xi32>
    %add3A_419 = arith.addi %add3A_412, %select_n3A_418 : vector<16xi32>
    %ge3A_420 = vector.broadcast %reduce_max3A_71 : i32 to vector<16xi32>
    %ge3A_421 = arith.cmpi sge, %add3A_412, %ge3A_420 : vector<16xi32>
    %jit3A_422 = arith.constant 0 : i32
    %broadcast_in_dim3A_423 = vector.broadcast %sub3A_148 : i32 to vector<16xi32>
    %broadcast_in_dim3A_424 = vector.broadcast %jit3A_422 : i32 to vector<16xi32>
    %select_n3A_425 = arith.select %ge3A_421, %broadcast_in_dim3A_423, %broadcast_in_dim3A_424 : vector<16xi1>, vector<16xi32>
    %add3A_426 = arith.addi %add3A_419, %select_n3A_425 : vector<16xi32>
    %ge3A_427 = vector.broadcast %reduce_max3A_85 : i32 to vector<16xi32>
    %ge3A_428 = arith.cmpi sge, %add3A_412, %ge3A_427 : vector<16xi32>
    %jit3A_429 = arith.constant 0 : i32
    %broadcast_in_dim3A_430 = vector.broadcast %sub3A_151 : i32 to vector<16xi32>
    %broadcast_in_dim3A_431 = vector.broadcast %jit3A_429 : i32 to vector<16xi32>
    %select_n3A_432 = arith.select %ge3A_428, %broadcast_in_dim3A_430, %broadcast_in_dim3A_431 : vector<16xi1>, vector<16xi32>
    %add3A_433 = arith.addi %add3A_426, %select_n3A_432 : vector<16xi32>
    %ge3A_434 = vector.broadcast %reduce_max3A_99 : i32 to vector<16xi32>
    %ge3A_435 = arith.cmpi sge, %add3A_412, %ge3A_434 : vector<16xi32>
    %jit3A_436 = arith.constant 0 : i32
    %broadcast_in_dim3A_437 = vector.broadcast %sub3A_154 : i32 to vector<16xi32>
    %broadcast_in_dim3A_438 = vector.broadcast %jit3A_436 : i32 to vector<16xi32>
    %select_n3A_439 = arith.select %ge3A_435, %broadcast_in_dim3A_437, %broadcast_in_dim3A_438 : vector<16xi1>, vector<16xi32>
    %add3A_440 = arith.addi %add3A_433, %select_n3A_439 : vector<16xi32>
    %ge3A_441 = vector.broadcast %reduce_max3A_113 : i32 to vector<16xi32>
    %ge3A_442 = arith.cmpi sge, %add3A_412, %ge3A_441 : vector<16xi32>
    %jit3A_443 = arith.constant 0 : i32
    %broadcast_in_dim3A_444 = vector.broadcast %sub3A_157 : i32 to vector<16xi32>
    %broadcast_in_dim3A_445 = vector.broadcast %jit3A_443 : i32 to vector<16xi32>
    %select_n3A_446 = arith.select %ge3A_442, %broadcast_in_dim3A_444, %broadcast_in_dim3A_445 : vector<16xi1>, vector<16xi32>
    %add3A_447 = arith.addi %add3A_440, %select_n3A_446 : vector<16xi32>
    %ge3A_448 = vector.broadcast %reduce_max3A_127 : i32 to vector<16xi32>
    %ge3A_449 = arith.cmpi sge, %add3A_412, %ge3A_448 : vector<16xi32>
    %jit3A_450 = arith.constant 0 : i32
    %broadcast_in_dim3A_451 = vector.broadcast %sub3A_160 : i32 to vector<16xi32>
    %broadcast_in_dim3A_452 = vector.broadcast %jit3A_450 : i32 to vector<16xi32>
    %select_n3A_453 = arith.select %ge3A_449, %broadcast_in_dim3A_451, %broadcast_in_dim3A_452 : vector<16xi1>, vector<16xi32>
    %add3A_454 = arith.addi %add3A_447, %select_n3A_453 : vector<16xi32>
    %ge3A_455 = vector.broadcast %reduce_max3A_141 : i32 to vector<16xi32>
    %ge3A_456 = arith.cmpi sge, %add3A_412, %ge3A_455 : vector<16xi32>
    %jit3A_457 = arith.constant 0 : i32
    %broadcast_in_dim3A_458 = vector.broadcast %sub3A_163 : i32 to vector<16xi32>
    %broadcast_in_dim3A_459 = vector.broadcast %jit3A_457 : i32 to vector<16xi32>
    %select_n3A_460 = arith.select %ge3A_456, %broadcast_in_dim3A_458, %broadcast_in_dim3A_459 : vector<16xi1>, vector<16xi32>
    %add3A_461 = arith.addi %add3A_454, %select_n3A_460 : vector<16xi32>
    %eq3A_462 = vector.broadcast %add3A_30 : i32 to vector<16xi32>
    %eq3A_463 = arith.cmpi eq, %add3A_412, %eq3A_462 : vector<16xi32>
    %sub3A_464 = arith.constant 1 : i32
    %sub3A_465 = arith.subi %reduce_max3A_43, %sub3A_464 : i32
    %broadcast_in_dim3A_466 = vector.broadcast %sub3A_465 : i32 to vector<16xi32>
    %select_n3A_467 = arith.select %eq3A_463, %broadcast_in_dim3A_466, %add3A_461 : vector<16xi1>, vector<16xi32>
    %min3A_468 = arith.constant 16383 : i32
    %min3A_469 = vector.broadcast %min3A_468 : i32 to vector<16xi32>
    %min3A_470 = arith.minsi %select_n3A_467, %min3A_469 : vector<16xi32>
    %gather3A_471 = tpu.vector_load_idx %arg12[%min3A_470] : memref<16384xi32, #tpu.memory_space<vmem>>[vector<16xi32>], vector<16xi32>,
    %le3A_472 = vector.broadcast %add3A_30 : i32 to vector<16xi32>
    %le3A_473 = arith.cmpi sle, %add3A_412, %le3A_472 : vector<16xi32>
    %jit3A_474 = arith.constant 1 : i32
    %broadcast_in_dim3A_475 = vector.broadcast %jit3A_474 : i32 to vector<16xi32>
    %select_n3A_476 = arith.select %le3A_473, %gather3A_471, %broadcast_in_dim3A_475 : vector<16xi1>, vector<16xi32>
    %swap3A_477 = arith.constant 32 : index
    %swap3A_478 = tpu.vector_load %arg24[%swap3A_477] {strides = array<i32>} : memref<512xi32, #tpu.memory_space<vmem>>, vector<16xi32>,
    tpu.vector_store %arg24[%swap3A_477], %select_n3A_476 {strides = array<i32>} : memref<512xi32, #tpu.memory_space<vmem>>, vector<16xi32>,
    %add3A_479 = arith.constant 48 : i32
    %add3A_480 = arith.addi %mul3A_2, %add3A_479 : i32
    %add3A_481 = vector.broadcast %add3A_480 : i32 to vector<16xi32>
    %add3A_482 = arith.addi %add3A_481, %iota3A : vector<16xi32>
    %ge3A_483 = vector.broadcast %reduce_max3A_57 : i32 to vector<16xi32>
    %ge3A_484 = arith.cmpi sge, %add3A_482, %ge3A_483 : vector<16xi32>
    %jit3A_485 = arith.constant 0 : i32
    %broadcast_in_dim3A_486 = vector.broadcast %sub3A_145 : i32 to vector<16xi32>
    %broadcast_in_dim3A_487 = vector.broadcast %jit3A_485 : i32 to vector<16xi32>
    %select_n3A_488 = arith.select %ge3A_484, %broadcast_in_dim3A_486, %broadcast_in_dim3A_487 : vector<16xi1>, vector<16xi32>
    %add3A_489 = arith.addi %add3A_482, %select_n3A_488 : vector<16xi32>
    %ge3A_490 = vector.broadcast %reduce_max3A_71 : i32 to vector<16xi32>
    %ge3A_491 = arith.cmpi sge, %add3A_482, %ge3A_490 : vector<16xi32>
    %jit3A_492 = arith.constant 0 : i32
    %broadcast_in_dim3A_493 = vector.broadcast %sub3A_148 : i32 to vector<16xi32>
    %broadcast_in_dim3A_494 = vector.broadcast %jit3A_492 : i32 to vector<16xi32>
    %select_n3A_495 = arith.select %ge3A_491, %broadcast_in_dim3A_493, %broadcast_in_dim3A_494 : vector<16xi1>, vector<16xi32>
    %add3A_496 = arith.addi %add3A_489, %select_n3A_495 : vector<16xi32>
    %ge3A_497 = vector.broadcast %reduce_max3A_85 : i32 to vector<16xi32>
    %ge3A_498 = arith.cmpi sge, %add3A_482, %ge3A_497 : vector<16xi32>
    %jit3A_499 = arith.constant 0 : i32
    %broadcast_in_dim3A_500 = vector.broadcast %sub3A_151 : i32 to vector<16xi32>
    %broadcast_in_dim3A_501 = vector.broadcast %jit3A_499 : i32 to vector<16xi32>
    %select_n3A_502 = arith.select %ge3A_498, %broadcast_in_dim3A_500, %broadcast_in_dim3A_501 : vector<16xi1>, vector<16xi32>
    %add3A_503 = arith.addi %add3A_496, %select_n3A_502 : vector<16xi32>
    %ge3A_504 = vector.broadcast %reduce_max3A_99 : i32 to vector<16xi32>
    %ge3A_505 = arith.cmpi sge, %add3A_482, %ge3A_504 : vector<16xi32>
    %jit3A_506 = arith.constant 0 : i32
    %broadcast_in_dim3A_507 = vector.broadcast %sub3A_154 : i32 to vector<16xi32>
    %broadcast_in_dim3A_508 = vector.broadcast %jit3A_506 : i32 to vector<16xi32>
    %select_n3A_509 = arith.select %ge3A_505, %broadcast_in_dim3A_507, %broadcast_in_dim3A_508 : vector<16xi1>, vector<16xi32>
    %add3A_510 = arith.addi %add3A_503, %select_n3A_509 : vector<16xi32>
    %ge3A_511 = vector.broadcast %reduce_max3A_113 : i32 to vector<16xi32>
    %ge3A_512 = arith.cmpi sge, %add3A_482, %ge3A_511 : vector<16xi32>
    %jit3A_513 = arith.constant 0 : i32
    %broadcast_in_dim3A_514 = vector.broadcast %sub3A_157 : i32 to vector<16xi32>
    %broadcast_in_dim3A_515 = vector.broadcast %jit3A_513 : i32 to vector<16xi32>
    %select_n3A_516 = arith.select %ge3A_512, %broadcast_in_dim3A_514, %broadcast_in_dim3A_515 : vector<16xi1>, vector<16xi32>
    %add3A_517 = arith.addi %add3A_510, %select_n3A_516 : vector<16xi32>
    %ge3A_518 = vector.broadcast %reduce_max3A_127 : i32 to vector<16xi32>
    %ge3A_519 = arith.cmpi sge, %add3A_482, %ge3A_518 : vector<16xi32>
    %jit3A_520 = arith.constant 0 : i32
    %broadcast_in_dim3A_521 = vector.broadcast %sub3A_160 : i32 to vector<16xi32>
    %broadcast_in_dim3A_522 = vector.broadcast %jit3A_520 : i32 to vector<16xi32>
    %select_n3A_523 = arith.select %ge3A_519, %broadcast_in_dim3A_521, %broadcast_in_dim3A_522 : vector<16xi1>, vector<16xi32>
    %add3A_524 = arith.addi %add3A_517, %select_n3A_523 : vector<16xi32>
    %ge3A_525 = vector.broadcast %reduce_max3A_141 : i32 to vector<16xi32>
    %ge3A_526 = arith.cmpi sge, %add3A_482, %ge3A_525 : vector<16xi32>
    %jit3A_527 = arith.constant 0 : i32
    %broadcast_in_dim3A_528 = vector.broadcast %sub3A_163 : i32 to vector<16xi32>
    %broadcast_in_dim3A_529 = vector.broadcast %jit3A_527 : i32 to vector<16xi32>
    %select_n3A_530 = arith.select %ge3A_526, %broadcast_in_dim3A_528, %broadcast_in_dim3A_529 : vector<16xi1>, vector<16xi32>
    %add3A_531 = arith.addi %add3A_524, %select_n3A_530 : vector<16xi32>
    %eq3A_532 = vector.broadcast %add3A_30 : i32 to vector<16xi32>
    %eq3A_533 = arith.cmpi eq, %add3A_482, %eq3A_532 : vector<16xi32>
    %sub3A_534 = arith.constant 1 : i32
    %sub3A_535 = arith.subi %reduce_max3A_43, %sub3A_534 : i32
    %broadcast_in_dim3A_536 = vector.broadcast %sub3A_535 : i32 to vector<16xi32>
    %select_n3A_537 = arith.select %eq3A_533, %broadcast_in_dim3A_536, %add3A_531 : vector<16xi1>, vector<16xi32>
    %min3A_538 = arith.constant 16383 : i32
    %min3A_539 = vector.broadcast %min3A_538 : i32 to vector<16xi32>
    %min3A_540 = arith.minsi %select_n3A_537, %min3A_539 : vector<16xi32>
    %gather3A_541 = tpu.vector_load_idx %arg12[%min3A_540] : memref<16384xi32, #tpu.memory_space<vmem>>[vector<16xi32>], vector<16xi32>,
    %le3A_542 = vector.broadcast %add3A_30 : i32 to vector<16xi32>
    %le3A_543 = arith.cmpi sle, %add3A_482, %le3A_542 : vector<16xi32>
    %jit3A_544 = arith.constant 1 : i32
    %broadcast_in_dim3A_545 = vector.broadcast %jit3A_544 : i32 to vector<16xi32>
    %select_n3A_546 = arith.select %le3A_543, %gather3A_541, %broadcast_in_dim3A_545 : vector<16xi1>, vector<16xi32>
    %swap3A_547 = arith.constant 48 : index
    %swap3A_548 = tpu.vector_load %arg24[%swap3A_547] {strides = array<i32>} : memref<512xi32, #tpu.memory_space<vmem>>, vector<16xi32>,
    tpu.vector_store %arg24[%swap3A_547], %select_n3A_546 {strides = array<i32>} : memref<512xi32, #tpu.memory_space<vmem>>, vector<16xi32>,
    %add3A_549 = arith.constant 64 : i32
    %add3A_550 = arith.addi %mul3A_2, %add3A_549 : i32
    %add3A_551 = vector.broadcast %add3A_550 : i32 to vector<16xi32>
    %add3A_552 = arith.addi %add3A_551, %iota3A : vector<16xi32>
    %ge3A_553 = vector.broadcast %reduce_max3A_57 : i32 to vector<16xi32>
    %ge3A_554 = arith.cmpi sge, %add3A_552, %ge3A_553 : vector<16xi32>
    %jit3A_555 = arith.constant 0 : i32
    %broadcast_in_dim3A_556 = vector.broadcast %sub3A_145 : i32 to vector<16xi32>
    %broadcast_in_dim3A_557 = vector.broadcast %jit3A_555 : i32 to vector<16xi32>
    %select_n3A_558 = arith.select %ge3A_554, %broadcast_in_dim3A_556, %broadcast_in_dim3A_557 : vector<16xi1>, vector<16xi32>
    %add3A_559 = arith.addi %add3A_552, %select_n3A_558 : vector<16xi32>
    %ge3A_560 = vector.broadcast %reduce_max3A_71 : i32 to vector<16xi32>
    %ge3A_561 = arith.cmpi sge, %add3A_552, %ge3A_560 : vector<16xi32>
    %jit3A_562 = arith.constant 0 : i32
    %broadcast_in_dim3A_563 = vector.broadcast %sub3A_148 : i32 to vector<16xi32>
    %broadcast_in_dim3A_564 = vector.broadcast %jit3A_562 : i32 to vector<16xi32>
    %select_n3A_565 = arith.select %ge3A_561, %broadcast_in_dim3A_563, %broadcast_in_dim3A_564 : vector<16xi1>, vector<16xi32>
    %add3A_566 = arith.addi %add3A_559, %select_n3A_565 : vector<16xi32>
    %ge3A_567 = vector.broadcast %reduce_max3A_85 : i32 to vector<16xi32>
    %ge3A_568 = arith.cmpi sge, %add3A_552, %ge3A_567 : vector<16xi32>
    %jit3A_569 = arith.constant 0 : i32
    %broadcast_in_dim3A_570 = vector.broadcast %sub3A_151 : i32 to vector<16xi32>
    %broadcast_in_dim3A_571 = vector.broadcast %jit3A_569 : i32 to vector<16xi32>
    %select_n3A_572 = arith.select %ge3A_568, %broadcast_in_dim3A_570, %broadcast_in_dim3A_571 : vector<16xi1>, vector<16xi32>
    %add3A_573 = arith.addi %add3A_566, %select_n3A_572 : vector<16xi32>
    %ge3A_574 = vector.broadcast %reduce_max3A_99 : i32 to vector<16xi32>
    %ge3A_575 = arith.cmpi sge, %add3A_552, %ge3A_574 : vector<16xi32>
    %jit3A_576 = arith.constant 0 : i32
    %broadcast_in_dim3A_577 = vector.broadcast %sub3A_154 : i32 to vector<16xi32>
    %broadcast_in_dim3A_578 = vector.broadcast %jit3A_576 : i32 to vector<16xi32>
    %select_n3A_579 = arith.select %ge3A_575, %broadcast_in_dim3A_577, %broadcast_in_dim3A_578 : vector<16xi1>, vector<16xi32>
    %add3A_580 = arith.addi %add3A_573, %select_n3A_579 : vector<16xi32>
    %ge3A_581 = vector.broadcast %reduce_max3A_113 : i32 to vector<16xi32>
    %ge3A_582 = arith.cmpi sge, %add3A_552, %ge3A_581 : vector<16xi32>
    %jit3A_583 = arith.constant 0 : i32
    %broadcast_in_dim3A_584 = vector.broadcast %sub3A_157 : i32 to vector<16xi32>
    %broadcast_in_dim3A_585 = vector.broadcast %jit3A_583 : i32 to vector<16xi32>
    %select_n3A_586 = arith.select %ge3A_582, %broadcast_in_dim3A_584, %broadcast_in_dim3A_585 : vector<16xi1>, vector<16xi32>
    %add3A_587 = arith.addi %add3A_580, %select_n3A_586 : vector<16xi32>
    %ge3A_588 = vector.broadcast %reduce_max3A_127 : i32 to vector<16xi32>
    %ge3A_589 = arith.cmpi sge, %add3A_552, %ge3A_588 : vector<16xi32>
    %jit3A_590 = arith.constant 0 : i32
    %broadcast_in_dim3A_591 = vector.broadcast %sub3A_160 : i32 to vector<16xi32>
    %broadcast_in_dim3A_592 = vector.broadcast %jit3A_590 : i32 to vector<16xi32>
    %select_n3A_593 = arith.select %ge3A_589, %broadcast_in_dim3A_591, %broadcast_in_dim3A_592 : vector<16xi1>, vector<16xi32>
    %add3A_594 = arith.addi %add3A_587, %select_n3A_593 : vector<16xi32>
    %ge3A_595 = vector.broadcast %reduce_max3A_141 : i32 to vector<16xi32>
    %ge3A_596 = arith.cmpi sge, %add3A_552, %ge3A_595 : vector<16xi32>
    %jit3A_597 = arith.constant 0 : i32
    %broadcast_in_dim3A_598 = vector.broadcast %sub3A_163 : i32 to vector<16xi32>
    %broadcast_in_dim3A_599 = vector.broadcast %jit3A_597 : i32 to vector<16xi32>
    %select_n3A_600 = arith.select %ge3A_596, %broadcast_in_dim3A_598, %broadcast_in_dim3A_599 : vector<16xi1>, vector<16xi32>
    %add3A_601 = arith.addi %add3A_594, %select_n3A_600 : vector<16xi32>
    %eq3A_602 = vector.broadcast %add3A_30 : i32 to vector<16xi32>
    %eq3A_603 = arith.cmpi eq, %add3A_552, %eq3A_602 : vector<16xi32>
    %sub3A_604 = arith.constant 1 : i32
    %sub3A_605 = arith.subi %reduce_max3A_43, %sub3A_604 : i32
    %broadcast_in_dim3A_606 = vector.broadcast %sub3A_605 : i32 to vector<16xi32>
    %select_n3A_607 = arith.select %eq3A_603, %broadcast_in_dim3A_606, %add3A_601 : vector<16xi1>, vector<16xi32>
    %min3A_608 = arith.constant 16383 : i32
    %min3A_609 = vector.broadcast %min3A_608 : i32 to vector<16xi32>
    %min3A_610 = arith.minsi %select_n3A_607, %min3A_609 : vector<16xi32>
    %gather3A_611 = tpu.vector_load_idx %arg12[%min3A_610] : memref<16384xi32, #tpu.memory_space<vmem>>[vector<16xi32>], vector<16xi32>,
    %le3A_612 = vector.broadcast %add3A_30 : i32 to vector<16xi32>
    %le3A_613 = arith.cmpi sle, %add3A_552, %le3A_612 : vector<16xi32>
    %jit3A_614 = arith.constant 1 : i32
    %broadcast_in_dim3A_615 = vector.broadcast %jit3A_614 : i32 to vector<16xi32>
    %select_n3A_616 = arith.select %le3A_613, %gather3A_611, %broadcast_in_dim3A_615 : vector<16xi1>, vector<16xi32>
    %swap3A_617 = arith.constant 64 : index
    %swap3A_618 = tpu.vector_load %arg24[%swap3A_617] {strides = array<i32>} : memref<512xi32, #tpu.memory_space<vmem>>, vector<16xi32>,
    tpu.vector_store %arg24[%swap3A_617], %select_n3A_616 {strides = array<i32>} : memref<512xi32, #tpu.memory_space<vmem>>, vector<16xi32>,
    %add3A_619 = arith.constant 80 : i32
    %add3A_620 = arith.addi %mul3A_2, %add3A_619 : i32
    %add3A_621 = vector.broadcast %add3A_620 : i32 to vector<16xi32>
    %add3A_622 = arith.addi %add3A_621, %iota3A : vector<16xi32>
    %ge3A_623 = vector.broadcast %reduce_max3A_57 : i32 to vector<16xi32>
    %ge3A_624 = arith.cmpi sge, %add3A_622, %ge3A_623 : vector<16xi32>
    %jit3A_625 = arith.constant 0 : i32
    %broadcast_in_dim3A_626 = vector.broadcast %sub3A_145 : i32 to vector<16xi32>
    %broadcast_in_dim3A_627 = vector.broadcast %jit3A_625 : i32 to vector<16xi32>
    %select_n3A_628 = arith.select %ge3A_624, %broadcast_in_dim3A_626, %broadcast_in_dim3A_627 : vector<16xi1>, vector<16xi32>
    %add3A_629 = arith.addi %add3A_622, %select_n3A_628 : vector<16xi32>
    %ge3A_630 = vector.broadcast %reduce_max3A_71 : i32 to vector<16xi32>
    %ge3A_631 = arith.cmpi sge, %add3A_622, %ge3A_630 : vector<16xi32>
    %jit3A_632 = arith.constant 0 : i32
    %broadcast_in_dim3A_633 = vector.broadcast %sub3A_148 : i32 to vector<16xi32>
    %broadcast_in_dim3A_634 = vector.broadcast %jit3A_632 : i32 to vector<16xi32>
    %select_n3A_635 = arith.select %ge3A_631, %broadcast_in_dim3A_633, %broadcast_in_dim3A_634 : vector<16xi1>, vector<16xi32>
    %add3A_636 = arith.addi %add3A_629, %select_n3A_635 : vector<16xi32>
    %ge3A_637 = vector.broadcast %reduce_max3A_85 : i32 to vector<16xi32>
    %ge3A_638 = arith.cmpi sge, %add3A_622, %ge3A_637 : vector<16xi32>
    %jit3A_639 = arith.constant 0 : i32
    %broadcast_in_dim3A_640 = vector.broadcast %sub3A_151 : i32 to vector<16xi32>
    %broadcast_in_dim3A_641 = vector.broadcast %jit3A_639 : i32 to vector<16xi32>
    %select_n3A_642 = arith.select %ge3A_638, %broadcast_in_dim3A_640, %broadcast_in_dim3A_641 : vector<16xi1>, vector<16xi32>
    %add3A_643 = arith.addi %add3A_636, %select_n3A_642 : vector<16xi32>
    %ge3A_644 = vector.broadcast %reduce_max3A_99 : i32 to vector<16xi32>
    %ge3A_645 = arith.cmpi sge, %add3A_622, %ge3A_644 : vector<16xi32>
    %jit3A_646 = arith.constant 0 : i32
    %broadcast_in_dim3A_647 = vector.broadcast %sub3A_154 : i32 to vector<16xi32>
    %broadcast_in_dim3A_648 = vector.broadcast %jit3A_646 : i32 to vector<16xi32>
    %select_n3A_649 = arith.select %ge3A_645, %broadcast_in_dim3A_647, %broadcast_in_dim3A_648 : vector<16xi1>, vector<16xi32>
    %add3A_650 = arith.addi %add3A_643, %select_n3A_649 : vector<16xi32>
    %ge3A_651 = vector.broadcast %reduce_max3A_113 : i32 to vector<16xi32>
    %ge3A_652 = arith.cmpi sge, %add3A_622, %ge3A_651 : vector<16xi32>
    %jit3A_653 = arith.constant 0 : i32
    %broadcast_in_dim3A_654 = vector.broadcast %sub3A_157 : i32 to vector<16xi32>
    %broadcast_in_dim3A_655 = vector.broadcast %jit3A_653 : i32 to vector<16xi32>
    %select_n3A_656 = arith.select %ge3A_652, %broadcast_in_dim3A_654, %broadcast_in_dim3A_655 : vector<16xi1>, vector<16xi32>
    %add3A_657 = arith.addi %add3A_650, %select_n3A_656 : vector<16xi32>
    %ge3A_658 = vector.broadcast %reduce_max3A_127 : i32 to vector<16xi32>
    %ge3A_659 = arith.cmpi sge, %add3A_622, %ge3A_658 : vector<16xi32>
    %jit3A_660 = arith.constant 0 : i32
    %broadcast_in_dim3A_661 = vector.broadcast %sub3A_160 : i32 to vector<16xi32>
    %broadcast_in_dim3A_662 = vector.broadcast %jit3A_660 : i32 to vector<16xi32>
    %select_n3A_663 = arith.select %ge3A_659, %broadcast_in_dim3A_661, %broadcast_in_dim3A_662 : vector<16xi1>, vector<16xi32>
    %add3A_664 = arith.addi %add3A_657, %select_n3A_663 : vector<16xi32>
    %ge3A_665 = vector.broadcast %reduce_max3A_141 : i32 to vector<16xi32>
    %ge3A_666 = arith.cmpi sge, %add3A_622, %ge3A_665 : vector<16xi32>
    %jit3A_667 = arith.constant 0 : i32
    %broadcast_in_dim3A_668 = vector.broadcast %sub3A_163 : i32 to vector<16xi32>
    %broadcast_in_dim3A_669 = vector.broadcast %jit3A_667 : i32 to vector<16xi32>
    %select_n3A_670 = arith.select %ge3A_666, %broadcast_in_dim3A_668, %broadcast_in_dim3A_669 : vector<16xi1>, vector<16xi32>
    %add3A_671 = arith.addi %add3A_664, %select_n3A_670 : vector<16xi32>
    %eq3A_672 = vector.broadcast %add3A_30 : i32 to vector<16xi32>
    %eq3A_673 = arith.cmpi eq, %add3A_622, %eq3A_672 : vector<16xi32>
    %sub3A_674 = arith.constant 1 : i32
    %sub3A_675 = arith.subi %reduce_max3A_43, %sub3A_674 : i32
    %broadcast_in_dim3A_676 = vector.broadcast %sub3A_675 : i32 to vector<16xi32>
    %select_n3A_677 = arith.select %eq3A_673, %broadcast_in_dim3A_676, %add3A_671 : vector<16xi1>, vector<16xi32>
    %min3A_678 = arith.constant 16383 : i32
    %min3A_679 = vector.broadcast %min3A_678 : i32 to vector<16xi32>
    %min3A_680 = arith.minsi %select_n3A_677, %min3A_679 : vector<16xi32>
    %gather3A_681 = tpu.vector_load_idx %arg12[%min3A_680] : memref<16384xi32, #tpu.memory_space<vmem>>[vector<16xi32>], vector<16xi32>,
    %le3A_682 = vector.broadcast %add3A_30 : i32 to vector<16xi32>
    %le3A_683 = arith.cmpi sle, %add3A_622, %le3A_682 : vector<16xi32>
    %jit3A_684 = arith.constant 1 : i32
    %broadcast_in_dim3A_685 = vector.broadcast %jit3A_684 : i32 to vector<16xi32>
    %select_n3A_686 = arith.select %le3A_683, %gather3A_681, %broadcast_in_dim3A_685 : vector<16xi1>, vector<16xi32>
    %swap3A_687 = arith.constant 80 : index
    %swap3A_688 = tpu.vector_load %arg24[%swap3A_687] {strides = array<i32>} : memref<512xi32, #tpu.memory_space<vmem>>, vector<16xi32>,
    tpu.vector_store %arg24[%swap3A_687], %select_n3A_686 {strides = array<i32>} : memref<512xi32, #tpu.memory_space<vmem>>, vector<16xi32>,
    %add3A_689 = arith.constant 96 : i32
    %add3A_690 = arith.addi %mul3A_2, %add3A_689 : i32
    %add3A_691 = vector.broadcast %add3A_690 : i32 to vector<16xi32>
    %add3A_692 = arith.addi %add3A_691, %iota3A : vector<16xi32>
    %ge3A_693 = vector.broadcast %reduce_max3A_57 : i32 to vector<16xi32>
    %ge3A_694 = arith.cmpi sge, %add3A_692, %ge3A_693 : vector<16xi32>
    %jit3A_695 = arith.constant 0 : i32
    %broadcast_in_dim3A_696 = vector.broadcast %sub3A_145 : i32 to vector<16xi32>
    %broadcast_in_dim3A_697 = vector.broadcast %jit3A_695 : i32 to vector<16xi32>
    %select_n3A_698 = arith.select %ge3A_694, %broadcast_in_dim3A_696, %broadcast_in_dim3A_697 : vector<16xi1>, vector<16xi32>
    %add3A_699 = arith.addi %add3A_692, %select_n3A_698 : vector<16xi32>
    %ge3A_700 = vector.broadcast %reduce_max3A_71 : i32 to vector<16xi32>
    %ge3A_701 = arith.cmpi sge, %add3A_692, %ge3A_700 : vector<16xi32>
    %jit3A_702 = arith.constant 0 : i32
    %broadcast_in_dim3A_703 = vector.broadcast %sub3A_148 : i32 to vector<16xi32>
    %broadcast_in_dim3A_704 = vector.broadcast %jit3A_702 : i32 to vector<16xi32>
    %select_n3A_705 = arith.select %ge3A_701, %broadcast_in_dim3A_703, %broadcast_in_dim3A_704 : vector<16xi1>, vector<16xi32>
    %add3A_706 = arith.addi %add3A_699, %select_n3A_705 : vector<16xi32>
    %ge3A_707 = vector.broadcast %reduce_max3A_85 : i32 to vector<16xi32>
    %ge3A_708 = arith.cmpi sge, %add3A_692, %ge3A_707 : vector<16xi32>
    %jit3A_709 = arith.constant 0 : i32
    %broadcast_in_dim3A_710 = vector.broadcast %sub3A_151 : i32 to vector<16xi32>
    %broadcast_in_dim3A_711 = vector.broadcast %jit3A_709 : i32 to vector<16xi32>
    %select_n3A_712 = arith.select %ge3A_708, %broadcast_in_dim3A_710, %broadcast_in_dim3A_711 : vector<16xi1>, vector<16xi32>
    %add3A_713 = arith.addi %add3A_706, %select_n3A_712 : vector<16xi32>
    %ge3A_714 = vector.broadcast %reduce_max3A_99 : i32 to vector<16xi32>
    %ge3A_715 = arith.cmpi sge, %add3A_692, %ge3A_714 : vector<16xi32>
    %jit3A_716 = arith.constant 0 : i32
    %broadcast_in_dim3A_717 = vector.broadcast %sub3A_154 : i32 to vector<16xi32>
    %broadcast_in_dim3A_718 = vector.broadcast %jit3A_716 : i32 to vector<16xi32>
    %select_n3A_719 = arith.select %ge3A_715, %broadcast_in_dim3A_717, %broadcast_in_dim3A_718 : vector<16xi1>, vector<16xi32>
    %add3A_720 = arith.addi %add3A_713, %select_n3A_719 : vector<16xi32>
    %ge3A_721 = vector.broadcast %reduce_max3A_113 : i32 to vector<16xi32>
    %ge3A_722 = arith.cmpi sge, %add3A_692, %ge3A_721 : vector<16xi32>
    %jit3A_723 = arith.constant 0 : i32
    %broadcast_in_dim3A_724 = vector.broadcast %sub3A_157 : i32 to vector<16xi32>
    %broadcast_in_dim3A_725 = vector.broadcast %jit3A_723 : i32 to vector<16xi32>
    %select_n3A_726 = arith.select %ge3A_722, %broadcast_in_dim3A_724, %broadcast_in_dim3A_725 : vector<16xi1>, vector<16xi32>
    %add3A_727 = arith.addi %add3A_720, %select_n3A_726 : vector<16xi32>
    %ge3A_728 = vector.broadcast %reduce_max3A_127 : i32 to vector<16xi32>
    %ge3A_729 = arith.cmpi sge, %add3A_692, %ge3A_728 : vector<16xi32>
    %jit3A_730 = arith.constant 0 : i32
    %broadcast_in_dim3A_731 = vector.broadcast %sub3A_160 : i32 to vector<16xi32>
    %broadcast_in_dim3A_732 = vector.broadcast %jit3A_730 : i32 to vector<16xi32>
    %select_n3A_733 = arith.select %ge3A_729, %broadcast_in_dim3A_731, %broadcast_in_dim3A_732 : vector<16xi1>, vector<16xi32>
    %add3A_734 = arith.addi %add3A_727, %select_n3A_733 : vector<16xi32>
    %ge3A_735 = vector.broadcast %reduce_max3A_141 : i32 to vector<16xi32>
    %ge3A_736 = arith.cmpi sge, %add3A_692, %ge3A_735 : vector<16xi32>
    %jit3A_737 = arith.constant 0 : i32
    %broadcast_in_dim3A_738 = vector.broadcast %sub3A_163 : i32 to vector<16xi32>
    %broadcast_in_dim3A_739 = vector.broadcast %jit3A_737 : i32 to vector<16xi32>
    %select_n3A_740 = arith.select %ge3A_736, %broadcast_in_dim3A_738, %broadcast_in_dim3A_739 : vector<16xi1>, vector<16xi32>
    %add3A_741 = arith.addi %add3A_734, %select_n3A_740 : vector<16xi32>
    %eq3A_742 = vector.broadcast %add3A_30 : i32 to vector<16xi32>
    %eq3A_743 = arith.cmpi eq, %add3A_692, %eq3A_742 : vector<16xi32>
    %sub3A_744 = arith.constant 1 : i32
    %sub3A_745 = arith.subi %reduce_max3A_43, %sub3A_744 : i32
    %broadcast_in_dim3A_746 = vector.broadcast %sub3A_745 : i32 to vector<16xi32>
    %select_n3A_747 = arith.select %eq3A_743, %broadcast_in_dim3A_746, %add3A_741 : vector<16xi1>, vector<16xi32>
    %min3A_748 = arith.constant 16383 : i32
    %min3A_749 = vector.broadcast %min3A_748 : i32 to vector<16xi32>
    %min3A_750 = arith.minsi %select_n3A_747, %min3A_749 : vector<16xi32>
    %gather3A_751 = tpu.vector_load_idx %arg12[%min3A_750] : memref<16384xi32, #tpu.memory_space<vmem>>[vector<16xi32>], vector<16xi32>,
    %le3A_752 = vector.broadcast %add3A_30 : i32 to vector<16xi32>
    %le3A_753 = arith.cmpi sle, %add3A_692, %le3A_752 : vector<16xi32>
    %jit3A_754 = arith.constant 1 : i32
    %broadcast_in_dim3A_755 = vector.broadcast %jit3A_754 : i32 to vector<16xi32>
    %select_n3A_756 = arith.select %le3A_753, %gather3A_751, %broadcast_in_dim3A_755 : vector<16xi1>, vector<16xi32>
    %swap3A_757 = arith.constant 96 : index
    %swap3A_758 = tpu.vector_load %arg24[%swap3A_757] {strides = array<i32>} : memref<512xi32, #tpu.memory_space<vmem>>, vector<16xi32>,
    tpu.vector_store %arg24[%swap3A_757], %select_n3A_756 {strides = array<i32>} : memref<512xi32, #tpu.memory_space<vmem>>, vector<16xi32>,
    %add3A_759 = arith.constant 112 : i32
    %add3A_760 = arith.addi %mul3A_2, %add3A_759 : i32
    %add3A_761 = vector.broadcast %add3A_760 : i32 to vector<16xi32>
    %add3A_762 = arith.addi %add3A_761, %iota3A : vector<16xi32>
    %ge3A_763 = vector.broadcast %reduce_max3A_57 : i32 to vector<16xi32>
    %ge3A_764 = arith.cmpi sge, %add3A_762, %ge3A_763 : vector<16xi32>
    %jit3A_765 = arith.constant 0 : i32
    %broadcast_in_dim3A_766 = vector.broadcast %sub3A_145 : i32 to vector<16xi32>
    %broadcast_in_dim3A_767 = vector.broadcast %jit3A_765 : i32 to vector<16xi32>
    %select_n3A_768 = arith.select %ge3A_764, %broadcast_in_dim3A_766, %broadcast_in_dim3A_767 : vector<16xi1>, vector<16xi32>
    %add3A_769 = arith.addi %add3A_762, %select_n3A_768 : vector<16xi32>
    %ge3A_770 = vector.broadcast %reduce_max3A_71 : i32 to vector<16xi32>
    %ge3A_771 = arith.cmpi sge, %add3A_762, %ge3A_770 : vector<16xi32>
    %jit3A_772 = arith.constant 0 : i32
    %broadcast_in_dim3A_773 = vector.broadcast %sub3A_148 : i32 to vector<16xi32>
    %broadcast_in_dim3A_774 = vector.broadcast %jit3A_772 : i32 to vector<16xi32>
    %select_n3A_775 = arith.select %ge3A_771, %broadcast_in_dim3A_773, %broadcast_in_dim3A_774 : vector<16xi1>, vector<16xi32>
    %add3A_776 = arith.addi %add3A_769, %select_n3A_775 : vector<16xi32>
    %ge3A_777 = vector.broadcast %reduce_max3A_85 : i32 to vector<16xi32>
    %ge3A_778 = arith.cmpi sge, %add3A_762, %ge3A_777 : vector<16xi32>
    %jit3A_779 = arith.constant 0 : i32
    %broadcast_in_dim3A_780 = vector.broadcast %sub3A_151 : i32 to vector<16xi32>
    %broadcast_in_dim3A_781 = vector.broadcast %jit3A_779 : i32 to vector<16xi32>
    %select_n3A_782 = arith.select %ge3A_778, %broadcast_in_dim3A_780, %broadcast_in_dim3A_781 : vector<16xi1>, vector<16xi32>
    %add3A_783 = arith.addi %add3A_776, %select_n3A_782 : vector<16xi32>
    %ge3A_784 = vector.broadcast %reduce_max3A_99 : i32 to vector<16xi32>
    %ge3A_785 = arith.cmpi sge, %add3A_762, %ge3A_784 : vector<16xi32>
    %jit3A_786 = arith.constant 0 : i32
    %broadcast_in_dim3A_787 = vector.broadcast %sub3A_154 : i32 to vector<16xi32>
    %broadcast_in_dim3A_788 = vector.broadcast %jit3A_786 : i32 to vector<16xi32>
    %select_n3A_789 = arith.select %ge3A_785, %broadcast_in_dim3A_787, %broadcast_in_dim3A_788 : vector<16xi1>, vector<16xi32>
    %add3A_790 = arith.addi %add3A_783, %select_n3A_789 : vector<16xi32>
    %ge3A_791 = vector.broadcast %reduce_max3A_113 : i32 to vector<16xi32>
    %ge3A_792 = arith.cmpi sge, %add3A_762, %ge3A_791 : vector<16xi32>
    %jit3A_793 = arith.constant 0 : i32
    %broadcast_in_dim3A_794 = vector.broadcast %sub3A_157 : i32 to vector<16xi32>
    %broadcast_in_dim3A_795 = vector.broadcast %jit3A_793 : i32 to vector<16xi32>
    %select_n3A_796 = arith.select %ge3A_792, %broadcast_in_dim3A_794, %broadcast_in_dim3A_795 : vector<16xi1>, vector<16xi32>
    %add3A_797 = arith.addi %add3A_790, %select_n3A_796 : vector<16xi32>
    %ge3A_798 = vector.broadcast %reduce_max3A_127 : i32 to vector<16xi32>
    %ge3A_799 = arith.cmpi sge, %add3A_762, %ge3A_798 : vector<16xi32>
    %jit3A_800 = arith.constant 0 : i32
    %broadcast_in_dim3A_801 = vector.broadcast %sub3A_160 : i32 to vector<16xi32>
    %broadcast_in_dim3A_802 = vector.broadcast %jit3A_800 : i32 to vector<16xi32>
    %select_n3A_803 = arith.select %ge3A_799, %broadcast_in_dim3A_801, %broadcast_in_dim3A_802 : vector<16xi1>, vector<16xi32>
    %add3A_804 = arith.addi %add3A_797, %select_n3A_803 : vector<16xi32>
    %ge3A_805 = vector.broadcast %reduce_max3A_141 : i32 to vector<16xi32>
    %ge3A_806 = arith.cmpi sge, %add3A_762, %ge3A_805 : vector<16xi32>
    %jit3A_807 = arith.constant 0 : i32
    %broadcast_in_dim3A_808 = vector.broadcast %sub3A_163 : i32 to vector<16xi32>
    %broadcast_in_dim3A_809 = vector.broadcast %jit3A_807 : i32 to vector<16xi32>
    %select_n3A_810 = arith.select %ge3A_806, %broadcast_in_dim3A_808, %broadcast_in_dim3A_809 : vector<16xi1>, vector<16xi32>
    %add3A_811 = arith.addi %add3A_804, %select_n3A_810 : vector<16xi32>
    %eq3A_812 = vector.broadcast %add3A_30 : i32 to vector<16xi32>
    %eq3A_813 = arith.cmpi eq, %add3A_762, %eq3A_812 : vector<16xi32>
    %sub3A_814 = arith.constant 1 : i32
    %sub3A_815 = arith.subi %reduce_max3A_43, %sub3A_814 : i32
    %broadcast_in_dim3A_816 = vector.broadcast %sub3A_815 : i32 to vector<16xi32>
    %select_n3A_817 = arith.select %eq3A_813, %broadcast_in_dim3A_816, %add3A_811 : vector<16xi1>, vector<16xi32>
    %min3A_818 = arith.constant 16383 : i32
    %min3A_819 = vector.broadcast %min3A_818 : i32 to vector<16xi32>
    %min3A_820 = arith.minsi %select_n3A_817, %min3A_819 : vector<16xi32>
    %gather3A_821 = tpu.vector_load_idx %arg12[%min3A_820] : memref<16384xi32, #tpu.memory_space<vmem>>[vector<16xi32>], vector<16xi32>,
    %le3A_822 = vector.broadcast %add3A_30 : i32 to vector<16xi32>
    %le3A_823 = arith.cmpi sle, %add3A_762, %le3A_822 : vector<16xi32>
    %jit3A_824 = arith.constant 1 : i32
    %broadcast_in_dim3A_825 = vector.broadcast %jit3A_824 : i32 to vector<16xi32>
    %select_n3A_826 = arith.select %le3A_823, %gather3A_821, %broadcast_in_dim3A_825 : vector<16xi1>, vector<16xi32>
    %swap3A_827 = arith.constant 112 : index
    %swap3A_828 = tpu.vector_load %arg24[%swap3A_827] {strides = array<i32>} : memref<512xi32, #tpu.memory_space<vmem>>, vector<16xi32>,
    tpu.vector_store %arg24[%swap3A_827], %select_n3A_826 {strides = array<i32>} : memref<512xi32, #tpu.memory_space<vmem>>, vector<16xi32>,
    %add3A_829 = arith.constant 128 : i32
    %add3A_830 = arith.addi %mul3A_2, %add3A_829 : i32
    %add3A_831 = vector.broadcast %add3A_830 : i32 to vector<16xi32>
    %add3A_832 = arith.addi %add3A_831, %iota3A : vector<16xi32>
    %ge3A_833 = vector.broadcast %reduce_max3A_57 : i32 to vector<16xi32>
    %ge3A_834 = arith.cmpi sge, %add3A_832, %ge3A_833 : vector<16xi32>
    %jit3A_835 = arith.constant 0 : i32
    %broadcast_in_dim3A_836 = vector.broadcast %sub3A_145 : i32 to vector<16xi32>
    %broadcast_in_dim3A_837 = vector.broadcast %jit3A_835 : i32 to vector<16xi32>
    %select_n3A_838 = arith.select %ge3A_834, %broadcast_in_dim3A_836, %broadcast_in_dim3A_837 : vector<16xi1>, vector<16xi32>
    %add3A_839 = arith.addi %add3A_832, %select_n3A_838 : vector<16xi32>
    %ge3A_840 = vector.broadcast %reduce_max3A_71 : i32 to vector<16xi32>
    %ge3A_841 = arith.cmpi sge, %add3A_832, %ge3A_840 : vector<16xi32>
    %jit3A_842 = arith.constant 0 : i32
    %broadcast_in_dim3A_843 = vector.broadcast %sub3A_148 : i32 to vector<16xi32>
    %broadcast_in_dim3A_844 = vector.broadcast %jit3A_842 : i32 to vector<16xi32>
    %select_n3A_845 = arith.select %ge3A_841, %broadcast_in_dim3A_843, %broadcast_in_dim3A_844 : vector<16xi1>, vector<16xi32>
    %add3A_846 = arith.addi %add3A_839, %select_n3A_845 : vector<16xi32>
    %ge3A_847 = vector.broadcast %reduce_max3A_85 : i32 to vector<16xi32>
    %ge3A_848 = arith.cmpi sge, %add3A_832, %ge3A_847 : vector<16xi32>
    %jit3A_849 = arith.constant 0 : i32
    %broadcast_in_dim3A_850 = vector.broadcast %sub3A_151 : i32 to vector<16xi32>
    %broadcast_in_dim3A_851 = vector.broadcast %jit3A_849 : i32 to vector<16xi32>
    %select_n3A_852 = arith.select %ge3A_848, %broadcast_in_dim3A_850, %broadcast_in_dim3A_851 : vector<16xi1>, vector<16xi32>
    %add3A_853 = arith.addi %add3A_846, %select_n3A_852 : vector<16xi32>
    %ge3A_854 = vector.broadcast %reduce_max3A_99 : i32 to vector<16xi32>
    %ge3A_855 = arith.cmpi sge, %add3A_832, %ge3A_854 : vector<16xi32>
    %jit3A_856 = arith.constant 0 : i32
    %broadcast_in_dim3A_857 = vector.broadcast %sub3A_154 : i32 to vector<16xi32>
    %broadcast_in_dim3A_858 = vector.broadcast %jit3A_856 : i32 to vector<16xi32>
    %select_n3A_859 = arith.select %ge3A_855, %broadcast_in_dim3A_857, %broadcast_in_dim3A_858 : vector<16xi1>, vector<16xi32>
    %add3A_860 = arith.addi %add3A_853, %select_n3A_859 : vector<16xi32>
    %ge3A_861 = vector.broadcast %reduce_max3A_113 : i32 to vector<16xi32>
    %ge3A_862 = arith.cmpi sge, %add3A_832, %ge3A_861 : vector<16xi32>
    %jit3A_863 = arith.constant 0 : i32
    %broadcast_in_dim3A_864 = vector.broadcast %sub3A_157 : i32 to vector<16xi32>
    %broadcast_in_dim3A_865 = vector.broadcast %jit3A_863 : i32 to vector<16xi32>
    %select_n3A_866 = arith.select %ge3A_862, %broadcast_in_dim3A_864, %broadcast_in_dim3A_865 : vector<16xi1>, vector<16xi32>
    %add3A_867 = arith.addi %add3A_860, %select_n3A_866 : vector<16xi32>
    %ge3A_868 = vector.broadcast %reduce_max3A_127 : i32 to vector<16xi32>
    %ge3A_869 = arith.cmpi sge, %add3A_832, %ge3A_868 : vector<16xi32>
    %jit3A_870 = arith.constant 0 : i32
    %broadcast_in_dim3A_871 = vector.broadcast %sub3A_160 : i32 to vector<16xi32>
    %broadcast_in_dim3A_872 = vector.broadcast %jit3A_870 : i32 to vector<16xi32>
    %select_n3A_873 = arith.select %ge3A_869, %broadcast_in_dim3A_871, %broadcast_in_dim3A_872 : vector<16xi1>, vector<16xi32>
    %add3A_874 = arith.addi %add3A_867, %select_n3A_873 : vector<16xi32>
    %ge3A_875 = vector.broadcast %reduce_max3A_141 : i32 to vector<16xi32>
    %ge3A_876 = arith.cmpi sge, %add3A_832, %ge3A_875 : vector<16xi32>
    %jit3A_877 = arith.constant 0 : i32
    %broadcast_in_dim3A_878 = vector.broadcast %sub3A_163 : i32 to vector<16xi32>
    %broadcast_in_dim3A_879 = vector.broadcast %jit3A_877 : i32 to vector<16xi32>
    %select_n3A_880 = arith.select %ge3A_876, %broadcast_in_dim3A_878, %broadcast_in_dim3A_879 : vector<16xi1>, vector<16xi32>
    %add3A_881 = arith.addi %add3A_874, %select_n3A_880 : vector<16xi32>
    %eq3A_882 = vector.broadcast %add3A_30 : i32 to vector<16xi32>
    %eq3A_883 = arith.cmpi eq, %add3A_832, %eq3A_882 : vector<16xi32>
    %sub3A_884 = arith.constant 1 : i32
    %sub3A_885 = arith.subi %reduce_max3A_43, %sub3A_884 : i32
    %broadcast_in_dim3A_886 = vector.broadcast %sub3A_885 : i32 to vector<16xi32>
    %select_n3A_887 = arith.select %eq3A_883, %broadcast_in_dim3A_886, %add3A_881 : vector<16xi1>, vector<16xi32>
    %min3A_888 = arith.constant 16383 : i32
    %min3A_889 = vector.broadcast %min3A_888 : i32 to vector<16xi32>
    %min3A_890 = arith.minsi %select_n3A_887, %min3A_889 : vector<16xi32>
    %gather3A_891 = tpu.vector_load_idx %arg12[%min3A_890] : memref<16384xi32, #tpu.memory_space<vmem>>[vector<16xi32>], vector<16xi32>,
    %le3A_892 = vector.broadcast %add3A_30 : i32 to vector<16xi32>
    %le3A_893 = arith.cmpi sle, %add3A_832, %le3A_892 : vector<16xi32>
    %jit3A_894 = arith.constant 1 : i32
    %broadcast_in_dim3A_895 = vector.broadcast %jit3A_894 : i32 to vector<16xi32>
    %select_n3A_896 = arith.select %le3A_893, %gather3A_891, %broadcast_in_dim3A_895 : vector<16xi1>, vector<16xi32>
    %swap3A_897 = arith.constant 128 : index
    %swap3A_898 = tpu.vector_load %arg24[%swap3A_897] {strides = array<i32>} : memref<512xi32, #tpu.memory_space<vmem>>, vector<16xi32>,
    tpu.vector_store %arg24[%swap3A_897], %select_n3A_896 {strides = array<i32>} : memref<512xi32, #tpu.memory_space<vmem>>, vector<16xi32>,
    %add3A_899 = arith.constant 144 : i32
    %add3A_900 = arith.addi %mul3A_2, %add3A_899 : i32
    %add3A_901 = vector.broadcast %add3A_900 : i32 to vector<16xi32>
    %add3A_902 = arith.addi %add3A_901, %iota3A : vector<16xi32>
    %ge3A_903 = vector.broadcast %reduce_max3A_57 : i32 to vector<16xi32>
    %ge3A_904 = arith.cmpi sge, %add3A_902, %ge3A_903 : vector<16xi32>
    %jit3A_905 = arith.constant 0 : i32
    %broadcast_in_dim3A_906 = vector.broadcast %sub3A_145 : i32 to vector<16xi32>
    %broadcast_in_dim3A_907 = vector.broadcast %jit3A_905 : i32 to vector<16xi32>
    %select_n3A_908 = arith.select %ge3A_904, %broadcast_in_dim3A_906, %broadcast_in_dim3A_907 : vector<16xi1>, vector<16xi32>
    %add3A_909 = arith.addi %add3A_902, %select_n3A_908 : vector<16xi32>
    %ge3A_910 = vector.broadcast %reduce_max3A_71 : i32 to vector<16xi32>
    %ge3A_911 = arith.cmpi sge, %add3A_902, %ge3A_910 : vector<16xi32>
    %jit3A_912 = arith.constant 0 : i32
    %broadcast_in_dim3A_913 = vector.broadcast %sub3A_148 : i32 to vector<16xi32>
    %broadcast_in_dim3A_914 = vector.broadcast %jit3A_912 : i32 to vector<16xi32>
    %select_n3A_915 = arith.select %ge3A_911, %broadcast_in_dim3A_913, %broadcast_in_dim3A_914 : vector<16xi1>, vector<16xi32>
    %add3A_916 = arith.addi %add3A_909, %select_n3A_915 : vector<16xi32>
    %ge3A_917 = vector.broadcast %reduce_max3A_85 : i32 to vector<16xi32>
    %ge3A_918 = arith.cmpi sge, %add3A_902, %ge3A_917 : vector<16xi32>
    %jit3A_919 = arith.constant 0 : i32
    %broadcast_in_dim3A_920 = vector.broadcast %sub3A_151 : i32 to vector<16xi32>
    %broadcast_in_dim3A_921 = vector.broadcast %jit3A_919 : i32 to vector<16xi32>
    %select_n3A_922 = arith.select %ge3A_918, %broadcast_in_dim3A_920, %broadcast_in_dim3A_921 : vector<16xi1>, vector<16xi32>
    %add3A_923 = arith.addi %add3A_916, %select_n3A_922 : vector<16xi32>
    %ge3A_924 = vector.broadcast %reduce_max3A_99 : i32 to vector<16xi32>
    %ge3A_925 = arith.cmpi sge, %add3A_902, %ge3A_924 : vector<16xi32>
    %jit3A_926 = arith.constant 0 : i32
    %broadcast_in_dim3A_927 = vector.broadcast %sub3A_154 : i32 to vector<16xi32>
    %broadcast_in_dim3A_928 = vector.broadcast %jit3A_926 : i32 to vector<16xi32>
    %select_n3A_929 = arith.select %ge3A_925, %broadcast_in_dim3A_927, %broadcast_in_dim3A_928 : vector<16xi1>, vector<16xi32>
    %add3A_930 = arith.addi %add3A_923, %select_n3A_929 : vector<16xi32>
    %ge3A_931 = vector.broadcast %reduce_max3A_113 : i32 to vector<16xi32>
    %ge3A_932 = arith.cmpi sge, %add3A_902, %ge3A_931 : vector<16xi32>
    %jit3A_933 = arith.constant 0 : i32
    %broadcast_in_dim3A_934 = vector.broadcast %sub3A_157 : i32 to vector<16xi32>
    %broadcast_in_dim3A_935 = vector.broadcast %jit3A_933 : i32 to vector<16xi32>
    %select_n3A_936 = arith.select %ge3A_932, %broadcast_in_dim3A_934, %broadcast_in_dim3A_935 : vector<16xi1>, vector<16xi32>
    %add3A_937 = arith.addi %add3A_930, %select_n3A_936 : vector<16xi32>
    %ge3A_938 = vector.broadcast %reduce_max3A_127 : i32 to vector<16xi32>
    %ge3A_939 = arith.cmpi sge, %add3A_902, %ge3A_938 : vector<16xi32>
    %jit3A_940 = arith.constant 0 : i32
    %broadcast_in_dim3A_941 = vector.broadcast %sub3A_160 : i32 to vector<16xi32>
    %broadcast_in_dim3A_942 = vector.broadcast %jit3A_940 : i32 to vector<16xi32>
    %select_n3A_943 = arith.select %ge3A_939, %broadcast_in_dim3A_941, %broadcast_in_dim3A_942 : vector<16xi1>, vector<16xi32>
    %add3A_944 = arith.addi %add3A_937, %select_n3A_943 : vector<16xi32>
    %ge3A_945 = vector.broadcast %reduce_max3A_141 : i32 to vector<16xi32>
    %ge3A_946 = arith.cmpi sge, %add3A_902, %ge3A_945 : vector<16xi32>
    %jit3A_947 = arith.constant 0 : i32
    %broadcast_in_dim3A_948 = vector.broadcast %sub3A_163 : i32 to vector<16xi32>
    %broadcast_in_dim3A_949 = vector.broadcast %jit3A_947 : i32 to vector<16xi32>
    %select_n3A_950 = arith.select %ge3A_946, %broadcast_in_dim3A_948, %broadcast_in_dim3A_949 : vector<16xi1>, vector<16xi32>
    %add3A_951 = arith.addi %add3A_944, %select_n3A_950 : vector<16xi32>
    %eq3A_952 = vector.broadcast %add3A_30 : i32 to vector<16xi32>
    %eq3A_953 = arith.cmpi eq, %add3A_902, %eq3A_952 : vector<16xi32>
    %sub3A_954 = arith.constant 1 : i32
    %sub3A_955 = arith.subi %reduce_max3A_43, %sub3A_954 : i32
    %broadcast_in_dim3A_956 = vector.broadcast %sub3A_955 : i32 to vector<16xi32>
    %select_n3A_957 = arith.select %eq3A_953, %broadcast_in_dim3A_956, %add3A_951 : vector<16xi1>, vector<16xi32>
    %min3A_958 = arith.constant 16383 : i32
    %min3A_959 = vector.broadcast %min3A_958 : i32 to vector<16xi32>
    %min3A_960 = arith.minsi %select_n3A_957, %min3A_959 : vector<16xi32>
    %gather3A_961 = tpu.vector_load_idx %arg12[%min3A_960] : memref<16384xi32, #tpu.memory_space<vmem>>[vector<16xi32>], vector<16xi32>,
    %le3A_962 = vector.broadcast %add3A_30 : i32 to vector<16xi32>
    %le3A_963 = arith.cmpi sle, %add3A_902, %le3A_962 : vector<16xi32>
    %jit3A_964 = arith.constant 1 : i32
    %broadcast_in_dim3A_965 = vector.broadcast %jit3A_964 : i32 to vector<16xi32>
    %select_n3A_966 = arith.select %le3A_963, %gather3A_961, %broadcast_in_dim3A_965 : vector<16xi1>, vector<16xi32>
    %swap3A_967 = arith.constant 144 : index
    %swap3A_968 = tpu.vector_load %arg24[%swap3A_967] {strides = array<i32>} : memref<512xi32, #tpu.memory_space<vmem>>, vector<16xi32>,
    tpu.vector_store %arg24[%swap3A_967], %select_n3A_966 {strides = array<i32>} : memref<512xi32, #tpu.memory_space<vmem>>, vector<16xi32>,
    %add3A_969 = arith.constant 160 : i32
    %add3A_970 = arith.addi %mul3A_2, %add3A_969 : i32
    %add3A_971 = vector.broadcast %add3A_970 : i32 to vector<16xi32>
    %add3A_972 = arith.addi %add3A_971, %iota3A : vector<16xi32>
    %ge3A_973 = vector.broadcast %reduce_max3A_57 : i32 to vector<16xi32>
    %ge3A_974 = arith.cmpi sge, %add3A_972, %ge3A_973 : vector<16xi32>
    %jit3A_975 = arith.constant 0 : i32
    %broadcast_in_dim3A_976 = vector.broadcast %sub3A_145 : i32 to vector<16xi32>
    %broadcast_in_dim3A_977 = vector.broadcast %jit3A_975 : i32 to vector<16xi32>
    %select_n3A_978 = arith.select %ge3A_974, %broadcast_in_dim3A_976, %broadcast_in_dim3A_977 : vector<16xi1>, vector<16xi32>
    %add3A_979 = arith.addi %add3A_972, %select_n3A_978 : vector<16xi32>
    %ge3A_980 = vector.broadcast %reduce_max3A_71 : i32 to vector<16xi32>
    %ge3A_981 = arith.cmpi sge, %add3A_972, %ge3A_980 : vector<16xi32>
    %jit3A_982 = arith.constant 0 : i32
    %broadcast_in_dim3A_983 = vector.broadcast %sub3A_148 : i32 to vector<16xi32>
    %broadcast_in_dim3A_984 = vector.broadcast %jit3A_982 : i32 to vector<16xi32>
    %select_n3A_985 = arith.select %ge3A_981, %broadcast_in_dim3A_983, %broadcast_in_dim3A_984 : vector<16xi1>, vector<16xi32>
    %add3A_986 = arith.addi %add3A_979, %select_n3A_985 : vector<16xi32>
    %ge3A_987 = vector.broadcast %reduce_max3A_85 : i32 to vector<16xi32>
    %ge3A_988 = arith.cmpi sge, %add3A_972, %ge3A_987 : vector<16xi32>
    %jit3A_989 = arith.constant 0 : i32
    %broadcast_in_dim3A_990 = vector.broadcast %sub3A_151 : i32 to vector<16xi32>
    %broadcast_in_dim3A_991 = vector.broadcast %jit3A_989 : i32 to vector<16xi32>
    %select_n3A_992 = arith.select %ge3A_988, %broadcast_in_dim3A_990, %broadcast_in_dim3A_991 : vector<16xi1>, vector<16xi32>
    %add3A_993 = arith.addi %add3A_986, %select_n3A_992 : vector<16xi32>
    %ge3A_994 = vector.broadcast %reduce_max3A_99 : i32 to vector<16xi32>
    %ge3A_995 = arith.cmpi sge, %add3A_972, %ge3A_994 : vector<16xi32>
    %jit3A_996 = arith.constant 0 : i32
    %broadcast_in_dim3A_997 = vector.broadcast %sub3A_154 : i32 to vector<16xi32>
    %broadcast_in_dim3A_998 = vector.broadcast %jit3A_996 : i32 to vector<16xi32>
    %select_n3A_999 = arith.select %ge3A_995, %broadcast_in_dim3A_997, %broadcast_in_dim3A_998 : vector<16xi1>, vector<16xi32>
    %add3A_1000 = arith.addi %add3A_993, %select_n3A_999 : vector<16xi32>
    %ge3A_1001 = vector.broadcast %reduce_max3A_113 : i32 to vector<16xi32>
    %ge3A_1002 = arith.cmpi sge, %add3A_972, %ge3A_1001 : vector<16xi32>
    %jit3A_1003 = arith.constant 0 : i32
    %broadcast_in_dim3A_1004 = vector.broadcast %sub3A_157 : i32 to vector<16xi32>
    %broadcast_in_dim3A_1005 = vector.broadcast %jit3A_1003 : i32 to vector<16xi32>
    %select_n3A_1006 = arith.select %ge3A_1002, %broadcast_in_dim3A_1004, %broadcast_in_dim3A_1005 : vector<16xi1>, vector<16xi32>
    %add3A_1007 = arith.addi %add3A_1000, %select_n3A_1006 : vector<16xi32>
    %ge3A_1008 = vector.broadcast %reduce_max3A_127 : i32 to vector<16xi32>
    %ge3A_1009 = arith.cmpi sge, %add3A_972, %ge3A_1008 : vector<16xi32>
    %jit3A_1010 = arith.constant 0 : i32
    %broadcast_in_dim3A_1011 = vector.broadcast %sub3A_160 : i32 to vector<16xi32>
    %broadcast_in_dim3A_1012 = vector.broadcast %jit3A_1010 : i32 to vector<16xi32>
    %select_n3A_1013 = arith.select %ge3A_1009, %broadcast_in_dim3A_1011, %broadcast_in_dim3A_1012 : vector<16xi1>, vector<16xi32>
    %add3A_1014 = arith.addi %add3A_1007, %select_n3A_1013 : vector<16xi32>
    %ge3A_1015 = vector.broadcast %reduce_max3A_141 : i32 to vector<16xi32>
    %ge3A_1016 = arith.cmpi sge, %add3A_972, %ge3A_1015 : vector<16xi32>
    %jit3A_1017 = arith.constant 0 : i32
    %broadcast_in_dim3A_1018 = vector.broadcast %sub3A_163 : i32 to vector<16xi32>
    %broadcast_in_dim3A_1019 = vector.broadcast %jit3A_1017 : i32 to vector<16xi32>
    %select_n3A_1020 = arith.select %ge3A_1016, %broadcast_in_dim3A_1018, %broadcast_in_dim3A_1019 : vector<16xi1>, vector<16xi32>
    %add3A_1021 = arith.addi %add3A_1014, %select_n3A_1020 : vector<16xi32>
    %eq3A_1022 = vector.broadcast %add3A_30 : i32 to vector<16xi32>
    %eq3A_1023 = arith.cmpi eq, %add3A_972, %eq3A_1022 : vector<16xi32>
    %sub3A_1024 = arith.constant 1 : i32
    %sub3A_1025 = arith.subi %reduce_max3A_43, %sub3A_1024 : i32
    %broadcast_in_dim3A_1026 = vector.broadcast %sub3A_1025 : i32 to vector<16xi32>
    %select_n3A_1027 = arith.select %eq3A_1023, %broadcast_in_dim3A_1026, %add3A_1021 : vector<16xi1>, vector<16xi32>
    %min3A_1028 = arith.constant 16383 : i32
    %min3A_1029 = vector.broadcast %min3A_1028 : i32 to vector<16xi32>
    %min3A_1030 = arith.minsi %select_n3A_1027, %min3A_1029 : vector<16xi32>
    %gather3A_1031 = tpu.vector_load_idx %arg12[%min3A_1030] : memref<16384xi32, #tpu.memory_space<vmem>>[vector<16xi32>], vector<16xi32>,
    %le3A_1032 = vector.broadcast %add3A_30 : i32 to vector<16xi32>
    %le3A_1033 = arith.cmpi sle, %add3A_972, %le3A_1032 : vector<16xi32>
    %jit3A_1034 = arith.constant 1 : i32
    %broadcast_in_dim3A_1035 = vector.broadcast %jit3A_1034 : i32 to vector<16xi32>
    %select_n3A_1036 = arith.select %le3A_1033, %gather3A_1031, %broadcast_in_dim3A_1035 : vector<16xi1>, vector<16xi32>
    %swap3A_1037 = arith.constant 160 : index
    %swap3A_1038 = tpu.vector_load %arg24[%swap3A_1037] {strides = array<i32>} : memref<512xi32, #tpu.memory_space<vmem>>, vector<16xi32>,
    tpu.vector_store %arg24[%swap3A_1037], %select_n3A_1036 {strides = array<i32>} : memref<512xi32, #tpu.memory_space<vmem>>, vector<16xi32>,
    %add3A_1039 = arith.constant 176 : i32
    %add3A_1040 = arith.addi %mul3A_2, %add3A_1039 : i32
    %add3A_1041 = vector.broadcast %add3A_1040 : i32 to vector<16xi32>
    %add3A_1042 = arith.addi %add3A_1041, %iota3A : vector<16xi32>
    %ge3A_1043 = vector.broadcast %reduce_max3A_57 : i32 to vector<16xi32>
    %ge3A_1044 = arith.cmpi sge, %add3A_1042, %ge3A_1043 : vector<16xi32>
    %jit3A_1045 = arith.constant 0 : i32
    %broadcast_in_dim3A_1046 = vector.broadcast %sub3A_145 : i32 to vector<16xi32>
    %broadcast_in_dim3A_1047 = vector.broadcast %jit3A_1045 : i32 to vector<16xi32>
    %select_n3A_1048 = arith.select %ge3A_1044, %broadcast_in_dim3A_1046, %broadcast_in_dim3A_1047 : vector<16xi1>, vector<16xi32>
    %add3A_1049 = arith.addi %add3A_1042, %select_n3A_1048 : vector<16xi32>
    %ge3A_1050 = vector.broadcast %reduce_max3A_71 : i32 to vector<16xi32>
    %ge3A_1051 = arith.cmpi sge, %add3A_1042, %ge3A_1050 : vector<16xi32>
    %jit3A_1052 = arith.constant 0 : i32
    %broadcast_in_dim3A_1053 = vector.broadcast %sub3A_148 : i32 to vector<16xi32>
    %broadcast_in_dim3A_1054 = vector.broadcast %jit3A_1052 : i32 to vector<16xi32>
    %select_n3A_1055 = arith.select %ge3A_1051, %broadcast_in_dim3A_1053, %broadcast_in_dim3A_1054 : vector<16xi1>, vector<16xi32>
    %add3A_1056 = arith.addi %add3A_1049, %select_n3A_1055 : vector<16xi32>
    %ge3A_1057 = vector.broadcast %reduce_max3A_85 : i32 to vector<16xi32>
    %ge3A_1058 = arith.cmpi sge, %add3A_1042, %ge3A_1057 : vector<16xi32>
    %jit3A_1059 = arith.constant 0 : i32
    %broadcast_in_dim3A_1060 = vector.broadcast %sub3A_151 : i32 to vector<16xi32>
    %broadcast_in_dim3A_1061 = vector.broadcast %jit3A_1059 : i32 to vector<16xi32>
    %select_n3A_1062 = arith.select %ge3A_1058, %broadcast_in_dim3A_1060, %broadcast_in_dim3A_1061 : vector<16xi1>, vector<16xi32>
    %add3A_1063 = arith.addi %add3A_1056, %select_n3A_1062 : vector<16xi32>
    %ge3A_1064 = vector.broadcast %reduce_max3A_99 : i32 to vector<16xi32>
    %ge3A_1065 = arith.cmpi sge, %add3A_1042, %ge3A_1064 : vector<16xi32>
    %jit3A_1066 = arith.constant 0 : i32
    %broadcast_in_dim3A_1067 = vector.broadcast %sub3A_154 : i32 to vector<16xi32>
    %broadcast_in_dim3A_1068 = vector.broadcast %jit3A_1066 : i32 to vector<16xi32>
    %select_n3A_1069 = arith.select %ge3A_1065, %broadcast_in_dim3A_1067, %broadcast_in_dim3A_1068 : vector<16xi1>, vector<16xi32>
    %add3A_1070 = arith.addi %add3A_1063, %select_n3A_1069 : vector<16xi32>
    %ge3A_1071 = vector.broadcast %reduce_max3A_113 : i32 to vector<16xi32>
    %ge3A_1072 = arith.cmpi sge, %add3A_1042, %ge3A_1071 : vector<16xi32>
    %jit3A_1073 = arith.constant 0 : i32
    %broadcast_in_dim3A_1074 = vector.broadcast %sub3A_157 : i32 to vector<16xi32>
    %broadcast_in_dim3A_1075 = vector.broadcast %jit3A_1073 : i32 to vector<16xi32>
    %select_n3A_1076 = arith.select %ge3A_1072, %broadcast_in_dim3A_1074, %broadcast_in_dim3A_1075 : vector<16xi1>, vector<16xi32>
    %add3A_1077 = arith.addi %add3A_1070, %select_n3A_1076 : vector<16xi32>
    %ge3A_1078 = vector.broadcast %reduce_max3A_127 : i32 to vector<16xi32>
    %ge3A_1079 = arith.cmpi sge, %add3A_1042, %ge3A_1078 : vector<16xi32>
    %jit3A_1080 = arith.constant 0 : i32
    %broadcast_in_dim3A_1081 = vector.broadcast %sub3A_160 : i32 to vector<16xi32>
    %broadcast_in_dim3A_1082 = vector.broadcast %jit3A_1080 : i32 to vector<16xi32>
    %select_n3A_1083 = arith.select %ge3A_1079, %broadcast_in_dim3A_1081, %broadcast_in_dim3A_1082 : vector<16xi1>, vector<16xi32>
    %add3A_1084 = arith.addi %add3A_1077, %select_n3A_1083 : vector<16xi32>
    %ge3A_1085 = vector.broadcast %reduce_max3A_141 : i32 to vector<16xi32>
    %ge3A_1086 = arith.cmpi sge, %add3A_1042, %ge3A_1085 : vector<16xi32>
    %jit3A_1087 = arith.constant 0 : i32
    %broadcast_in_dim3A_1088 = vector.broadcast %sub3A_163 : i32 to vector<16xi32>
    %broadcast_in_dim3A_1089 = vector.broadcast %jit3A_1087 : i32 to vector<16xi32>
    %select_n3A_1090 = arith.select %ge3A_1086, %broadcast_in_dim3A_1088, %broadcast_in_dim3A_1089 : vector<16xi1>, vector<16xi32>
    %add3A_1091 = arith.addi %add3A_1084, %select_n3A_1090 : vector<16xi32>
    %eq3A_1092 = vector.broadcast %add3A_30 : i32 to vector<16xi32>
    %eq3A_1093 = arith.cmpi eq, %add3A_1042, %eq3A_1092 : vector<16xi32>
    %sub3A_1094 = arith.constant 1 : i32
    %sub3A_1095 = arith.subi %reduce_max3A_43, %sub3A_1094 : i32
    %broadcast_in_dim3A_1096 = vector.broadcast %sub3A_1095 : i32 to vector<16xi32>
    %select_n3A_1097 = arith.select %eq3A_1093, %broadcast_in_dim3A_1096, %add3A_1091 : vector<16xi1>, vector<16xi32>
    %min3A_1098 = arith.constant 16383 : i32
    %min3A_1099 = vector.broadcast %min3A_1098 : i32 to vector<16xi32>
    %min3A_1100 = arith.minsi %select_n3A_1097, %min3A_1099 : vector<16xi32>
    %gather3A_1101 = tpu.vector_load_idx %arg12[%min3A_1100] : memref<16384xi32, #tpu.memory_space<vmem>>[vector<16xi32>], vector<16xi32>,
    %le3A_1102 = vector.broadcast %add3A_30 : i32 to vector<16xi32>
    %le3A_1103 = arith.cmpi sle, %add3A_1042, %le3A_1102 : vector<16xi32>
    %jit3A_1104 = arith.constant 1 : i32
    %broadcast_in_dim3A_1105 = vector.broadcast %jit3A_1104 : i32 to vector<16xi32>
    %select_n3A_1106 = arith.select %le3A_1103, %gather3A_1101, %broadcast_in_dim3A_1105 : vector<16xi1>, vector<16xi32>
    %swap3A_1107 = arith.constant 176 : index
    %swap3A_1108 = tpu.vector_load %arg24[%swap3A_1107] {strides = array<i32>} : memref<512xi32, #tpu.memory_space<vmem>>, vector<16xi32>,
    tpu.vector_store %arg24[%swap3A_1107], %select_n3A_1106 {strides = array<i32>} : memref<512xi32, #tpu.memory_space<vmem>>, vector<16xi32>,
    %add3A_1109 = arith.constant 192 : i32
    %add3A_1110 = arith.addi %mul3A_2, %add3A_1109 : i32
    %add3A_1111 = vector.broadcast %add3A_1110 : i32 to vector<16xi32>
    %add3A_1112 = arith.addi %add3A_1111, %iota3A : vector<16xi32>
    %ge3A_1113 = vector.broadcast %reduce_max3A_57 : i32 to vector<16xi32>
    %ge3A_1114 = arith.cmpi sge, %add3A_1112, %ge3A_1113 : vector<16xi32>
    %jit3A_1115 = arith.constant 0 : i32
    %broadcast_in_dim3A_1116 = vector.broadcast %sub3A_145 : i32 to vector<16xi32>
    %broadcast_in_dim3A_1117 = vector.broadcast %jit3A_1115 : i32 to vector<16xi32>
    %select_n3A_1118 = arith.select %ge3A_1114, %broadcast_in_dim3A_1116, %broadcast_in_dim3A_1117 : vector<16xi1>, vector<16xi32>
    %add3A_1119 = arith.addi %add3A_1112, %select_n3A_1118 : vector<16xi32>
    %ge3A_1120 = vector.broadcast %reduce_max3A_71 : i32 to vector<16xi32>
    %ge3A_1121 = arith.cmpi sge, %add3A_1112, %ge3A_1120 : vector<16xi32>
    %jit3A_1122 = arith.constant 0 : i32
    %broadcast_in_dim3A_1123 = vector.broadcast %sub3A_148 : i32 to vector<16xi32>
    %broadcast_in_dim3A_1124 = vector.broadcast %jit3A_1122 : i32 to vector<16xi32>
    %select_n3A_1125 = arith.select %ge3A_1121, %broadcast_in_dim3A_1123, %broadcast_in_dim3A_1124 : vector<16xi1>, vector<16xi32>
    %add3A_1126 = arith.addi %add3A_1119, %select_n3A_1125 : vector<16xi32>
    %ge3A_1127 = vector.broadcast %reduce_max3A_85 : i32 to vector<16xi32>
    %ge3A_1128 = arith.cmpi sge, %add3A_1112, %ge3A_1127 : vector<16xi32>
    %jit3A_1129 = arith.constant 0 : i32
    %broadcast_in_dim3A_1130 = vector.broadcast %sub3A_151 : i32 to vector<16xi32>
    %broadcast_in_dim3A_1131 = vector.broadcast %jit3A_1129 : i32 to vector<16xi32>
    %select_n3A_1132 = arith.select %ge3A_1128, %broadcast_in_dim3A_1130, %broadcast_in_dim3A_1131 : vector<16xi1>, vector<16xi32>
    %add3A_1133 = arith.addi %add3A_1126, %select_n3A_1132 : vector<16xi32>
    %ge3A_1134 = vector.broadcast %reduce_max3A_99 : i32 to vector<16xi32>
    %ge3A_1135 = arith.cmpi sge, %add3A_1112, %ge3A_1134 : vector<16xi32>
    %jit3A_1136 = arith.constant 0 : i32
    %broadcast_in_dim3A_1137 = vector.broadcast %sub3A_154 : i32 to vector<16xi32>
    %broadcast_in_dim3A_1138 = vector.broadcast %jit3A_1136 : i32 to vector<16xi32>
    %select_n3A_1139 = arith.select %ge3A_1135, %broadcast_in_dim3A_1137, %broadcast_in_dim3A_1138 : vector<16xi1>, vector<16xi32>
    %add3A_1140 = arith.addi %add3A_1133, %select_n3A_1139 : vector<16xi32>
    %ge3A_1141 = vector.broadcast %reduce_max3A_113 : i32 to vector<16xi32>
    %ge3A_1142 = arith.cmpi sge, %add3A_1112, %ge3A_1141 : vector<16xi32>
    %jit3A_1143 = arith.constant 0 : i32
    %broadcast_in_dim3A_1144 = vector.broadcast %sub3A_157 : i32 to vector<16xi32>
    %broadcast_in_dim3A_1145 = vector.broadcast %jit3A_1143 : i32 to vector<16xi32>
    %select_n3A_1146 = arith.select %ge3A_1142, %broadcast_in_dim3A_1144, %broadcast_in_dim3A_1145 : vector<16xi1>, vector<16xi32>
    %add3A_1147 = arith.addi %add3A_1140, %select_n3A_1146 : vector<16xi32>
    %ge3A_1148 = vector.broadcast %reduce_max3A_127 : i32 to vector<16xi32>
    %ge3A_1149 = arith.cmpi sge, %add3A_1112, %ge3A_1148 : vector<16xi32>
    %jit3A_1150 = arith.constant 0 : i32
    %broadcast_in_dim3A_1151 = vector.broadcast %sub3A_160 : i32 to vector<16xi32>
    %broadcast_in_dim3A_1152 = vector.broadcast %jit3A_1150 : i32 to vector<16xi32>
    %select_n3A_1153 = arith.select %ge3A_1149, %broadcast_in_dim3A_1151, %broadcast_in_dim3A_1152 : vector<16xi1>, vector<16xi32>
    %add3A_1154 = arith.addi %add3A_1147, %select_n3A_1153 : vector<16xi32>
    %ge3A_1155 = vector.broadcast %reduce_max3A_141 : i32 to vector<16xi32>
    %ge3A_1156 = arith.cmpi sge, %add3A_1112, %ge3A_1155 : vector<16xi32>
    %jit3A_1157 = arith.constant 0 : i32
    %broadcast_in_dim3A_1158 = vector.broadcast %sub3A_163 : i32 to vector<16xi32>
    %broadcast_in_dim3A_1159 = vector.broadcast %jit3A_1157 : i32 to vector<16xi32>
    %select_n3A_1160 = arith.select %ge3A_1156, %broadcast_in_dim3A_1158, %broadcast_in_dim3A_1159 : vector<16xi1>, vector<16xi32>
    %add3A_1161 = arith.addi %add3A_1154, %select_n3A_1160 : vector<16xi32>
    %eq3A_1162 = vector.broadcast %add3A_30 : i32 to vector<16xi32>
    %eq3A_1163 = arith.cmpi eq, %add3A_1112, %eq3A_1162 : vector<16xi32>
    %sub3A_1164 = arith.constant 1 : i32
    %sub3A_1165 = arith.subi %reduce_max3A_43, %sub3A_1164 : i32
    %broadcast_in_dim3A_1166 = vector.broadcast %sub3A_1165 : i32 to vector<16xi32>
    %select_n3A_1167 = arith.select %eq3A_1163, %broadcast_in_dim3A_1166, %add3A_1161 : vector<16xi1>, vector<16xi32>
    %min3A_1168 = arith.constant 16383 : i32
    %min3A_1169 = vector.broadcast %min3A_1168 : i32 to vector<16xi32>
    %min3A_1170 = arith.minsi %select_n3A_1167, %min3A_1169 : vector<16xi32>
    %gather3A_1171 = tpu.vector_load_idx %arg12[%min3A_1170] : memref<16384xi32, #tpu.memory_space<vmem>>[vector<16xi32>], vector<16xi32>,
    %le3A_1172 = vector.broadcast %add3A_30 : i32 to vector<16xi32>
    %le3A_1173 = arith.cmpi sle, %add3A_1112, %le3A_1172 : vector<16xi32>
    %jit3A_1174 = arith.constant 1 : i32
    %broadcast_in_dim3A_1175 = vector.broadcast %jit3A_1174 : i32 to vector<16xi32>
    %select_n3A_1176 = arith.select %le3A_1173, %gather3A_1171, %broadcast_in_dim3A_1175 : vector<16xi1>, vector<16xi32>
    %swap3A_1177 = arith.constant 192 : index
    %swap3A_1178 = tpu.vector_load %arg24[%swap3A_1177] {strides = array<i32>} : memref<512xi32, #tpu.memory_space<vmem>>, vector<16xi32>,
    tpu.vector_store %arg24[%swap3A_1177], %select_n3A_1176 {strides = array<i32>} : memref<512xi32, #tpu.memory_space<vmem>>, vector<16xi32>,
    %add3A_1179 = arith.constant 208 : i32
    %add3A_1180 = arith.addi %mul3A_2, %add3A_1179 : i32
    %add3A_1181 = vector.broadcast %add3A_1180 : i32 to vector<16xi32>
    %add3A_1182 = arith.addi %add3A_1181, %iota3A : vector<16xi32>
    %ge3A_1183 = vector.broadcast %reduce_max3A_57 : i32 to vector<16xi32>
    %ge3A_1184 = arith.cmpi sge, %add3A_1182, %ge3A_1183 : vector<16xi32>
    %jit3A_1185 = arith.constant 0 : i32
    %broadcast_in_dim3A_1186 = vector.broadcast %sub3A_145 : i32 to vector<16xi32>
    %broadcast_in_dim3A_1187 = vector.broadcast %jit3A_1185 : i32 to vector<16xi32>
    %select_n3A_1188 = arith.select %ge3A_1184, %broadcast_in_dim3A_1186, %broadcast_in_dim3A_1187 : vector<16xi1>, vector<16xi32>
    %add3A_1189 = arith.addi %add3A_1182, %select_n3A_1188 : vector<16xi32>
    %ge3A_1190 = vector.broadcast %reduce_max3A_71 : i32 to vector<16xi32>
    %ge3A_1191 = arith.cmpi sge, %add3A_1182, %ge3A_1190 : vector<16xi32>
    %jit3A_1192 = arith.constant 0 : i32
    %broadcast_in_dim3A_1193 = vector.broadcast %sub3A_148 : i32 to vector<16xi32>
    %broadcast_in_dim3A_1194 = vector.broadcast %jit3A_1192 : i32 to vector<16xi32>
    %select_n3A_1195 = arith.select %ge3A_1191, %broadcast_in_dim3A_1193, %broadcast_in_dim3A_1194 : vector<16xi1>, vector<16xi32>
    %add3A_1196 = arith.addi %add3A_1189, %select_n3A_1195 : vector<16xi32>
    %ge3A_1197 = vector.broadcast %reduce_max3A_85 : i32 to vector<16xi32>
    %ge3A_1198 = arith.cmpi sge, %add3A_1182, %ge3A_1197 : vector<16xi32>
    %jit3A_1199 = arith.constant 0 : i32
    %broadcast_in_dim3A_1200 = vector.broadcast %sub3A_151 : i32 to vector<16xi32>
    %broadcast_in_dim3A_1201 = vector.broadcast %jit3A_1199 : i32 to vector<16xi32>
    %select_n3A_1202 = arith.select %ge3A_1198, %broadcast_in_dim3A_1200, %broadcast_in_dim3A_1201 : vector<16xi1>, vector<16xi32>
    %add3A_1203 = arith.addi %add3A_1196, %select_n3A_1202 : vector<16xi32>
    %ge3A_1204 = vector.broadcast %reduce_max3A_99 : i32 to vector<16xi32>
    %ge3A_1205 = arith.cmpi sge, %add3A_1182, %ge3A_1204 : vector<16xi32>
    %jit3A_1206 = arith.constant 0 : i32
    %broadcast_in_dim3A_1207 = vector.broadcast %sub3A_154 : i32 to vector<16xi32>
    %broadcast_in_dim3A_1208 = vector.broadcast %jit3A_1206 : i32 to vector<16xi32>
    %select_n3A_1209 = arith.select %ge3A_1205, %broadcast_in_dim3A_1207, %broadcast_in_dim3A_1208 : vector<16xi1>, vector<16xi32>
    %add3A_1210 = arith.addi %add3A_1203, %select_n3A_1209 : vector<16xi32>
    %ge3A_1211 = vector.broadcast %reduce_max3A_113 : i32 to vector<16xi32>
    %ge3A_1212 = arith.cmpi sge, %add3A_1182, %ge3A_1211 : vector<16xi32>
    %jit3A_1213 = arith.constant 0 : i32
    %broadcast_in_dim3A_1214 = vector.broadcast %sub3A_157 : i32 to vector<16xi32>
    %broadcast_in_dim3A_1215 = vector.broadcast %jit3A_1213 : i32 to vector<16xi32>
    %select_n3A_1216 = arith.select %ge3A_1212, %broadcast_in_dim3A_1214, %broadcast_in_dim3A_1215 : vector<16xi1>, vector<16xi32>
    %add3A_1217 = arith.addi %add3A_1210, %select_n3A_1216 : vector<16xi32>
    %ge3A_1218 = vector.broadcast %reduce_max3A_127 : i32 to vector<16xi32>
    %ge3A_1219 = arith.cmpi sge, %add3A_1182, %ge3A_1218 : vector<16xi32>
    %jit3A_1220 = arith.constant 0 : i32
    %broadcast_in_dim3A_1221 = vector.broadcast %sub3A_160 : i32 to vector<16xi32>
    %broadcast_in_dim3A_1222 = vector.broadcast %jit3A_1220 : i32 to vector<16xi32>
    %select_n3A_1223 = arith.select %ge3A_1219, %broadcast_in_dim3A_1221, %broadcast_in_dim3A_1222 : vector<16xi1>, vector<16xi32>
    %add3A_1224 = arith.addi %add3A_1217, %select_n3A_1223 : vector<16xi32>
    %ge3A_1225 = vector.broadcast %reduce_max3A_141 : i32 to vector<16xi32>
    %ge3A_1226 = arith.cmpi sge, %add3A_1182, %ge3A_1225 : vector<16xi32>
    %jit3A_1227 = arith.constant 0 : i32
    %broadcast_in_dim3A_1228 = vector.broadcast %sub3A_163 : i32 to vector<16xi32>
    %broadcast_in_dim3A_1229 = vector.broadcast %jit3A_1227 : i32 to vector<16xi32>
    %select_n3A_1230 = arith.select %ge3A_1226, %broadcast_in_dim3A_1228, %broadcast_in_dim3A_1229 : vector<16xi1>, vector<16xi32>
    %add3A_1231 = arith.addi %add3A_1224, %select_n3A_1230 : vector<16xi32>
    %eq3A_1232 = vector.broadcast %add3A_30 : i32 to vector<16xi32>
    %eq3A_1233 = arith.cmpi eq, %add3A_1182, %eq3A_1232 : vector<16xi32>
    %sub3A_1234 = arith.constant 1 : i32
    %sub3A_1235 = arith.subi %reduce_max3A_43, %sub3A_1234 : i32
    %broadcast_in_dim3A_1236 = vector.broadcast %sub3A_1235 : i32 to vector<16xi32>
    %select_n3A_1237 = arith.select %eq3A_1233, %broadcast_in_dim3A_1236, %add3A_1231 : vector<16xi1>, vector<16xi32>
    %min3A_1238 = arith.constant 16383 : i32
    %min3A_1239 = vector.broadcast %min3A_1238 : i32 to vector<16xi32>
    %min3A_1240 = arith.minsi %select_n3A_1237, %min3A_1239 : vector<16xi32>
    %gather3A_1241 = tpu.vector_load_idx %arg12[%min3A_1240] : memref<16384xi32, #tpu.memory_space<vmem>>[vector<16xi32>], vector<16xi32>,
    %le3A_1242 = vector.broadcast %add3A_30 : i32 to vector<16xi32>
    %le3A_1243 = arith.cmpi sle, %add3A_1182, %le3A_1242 : vector<16xi32>
    %jit3A_1244 = arith.constant 1 : i32
    %broadcast_in_dim3A_1245 = vector.broadcast %jit3A_1244 : i32 to vector<16xi32>
    %select_n3A_1246 = arith.select %le3A_1243, %gather3A_1241, %broadcast_in_dim3A_1245 : vector<16xi1>, vector<16xi32>
    %swap3A_1247 = arith.constant 208 : index
    %swap3A_1248 = tpu.vector_load %arg24[%swap3A_1247] {strides = array<i32>} : memref<512xi32, #tpu.memory_space<vmem>>, vector<16xi32>,
    tpu.vector_store %arg24[%swap3A_1247], %select_n3A_1246 {strides = array<i32>} : memref<512xi32, #tpu.memory_space<vmem>>, vector<16xi32>,
    %add3A_1249 = arith.constant 224 : i32
    %add3A_1250 = arith.addi %mul3A_2, %add3A_1249 : i32
    %add3A_1251 = vector.broadcast %add3A_1250 : i32 to vector<16xi32>
    %add3A_1252 = arith.addi %add3A_1251, %iota3A : vector<16xi32>
    %ge3A_1253 = vector.broadcast %reduce_max3A_57 : i32 to vector<16xi32>
    %ge3A_1254 = arith.cmpi sge, %add3A_1252, %ge3A_1253 : vector<16xi32>
    %jit3A_1255 = arith.constant 0 : i32
    %broadcast_in_dim3A_1256 = vector.broadcast %sub3A_145 : i32 to vector<16xi32>
    %broadcast_in_dim3A_1257 = vector.broadcast %jit3A_1255 : i32 to vector<16xi32>
    %select_n3A_1258 = arith.select %ge3A_1254, %broadcast_in_dim3A_1256, %broadcast_in_dim3A_1257 : vector<16xi1>, vector<16xi32>
    %add3A_1259 = arith.addi %add3A_1252, %select_n3A_1258 : vector<16xi32>
    %ge3A_1260 = vector.broadcast %reduce_max3A_71 : i32 to vector<16xi32>
    %ge3A_1261 = arith.cmpi sge, %add3A_1252, %ge3A_1260 : vector<16xi32>
    %jit3A_1262 = arith.constant 0 : i32
    %broadcast_in_dim3A_1263 = vector.broadcast %sub3A_148 : i32 to vector<16xi32>
    %broadcast_in_dim3A_1264 = vector.broadcast %jit3A_1262 : i32 to vector<16xi32>
    %select_n3A_1265 = arith.select %ge3A_1261, %broadcast_in_dim3A_1263, %broadcast_in_dim3A_1264 : vector<16xi1>, vector<16xi32>
    %add3A_1266 = arith.addi %add3A_1259, %select_n3A_1265 : vector<16xi32>
    %ge3A_1267 = vector.broadcast %reduce_max3A_85 : i32 to vector<16xi32>
    %ge3A_1268 = arith.cmpi sge, %add3A_1252, %ge3A_1267 : vector<16xi32>
    %jit3A_1269 = arith.constant 0 : i32
    %broadcast_in_dim3A_1270 = vector.broadcast %sub3A_151 : i32 to vector<16xi32>
    %broadcast_in_dim3A_1271 = vector.broadcast %jit3A_1269 : i32 to vector<16xi32>
    %select_n3A_1272 = arith.select %ge3A_1268, %broadcast_in_dim3A_1270, %broadcast_in_dim3A_1271 : vector<16xi1>, vector<16xi32>
    %add3A_1273 = arith.addi %add3A_1266, %select_n3A_1272 : vector<16xi32>
    %ge3A_1274 = vector.broadcast %reduce_max3A_99 : i32 to vector<16xi32>
    %ge3A_1275 = arith.cmpi sge, %add3A_1252, %ge3A_1274 : vector<16xi32>
    %jit3A_1276 = arith.constant 0 : i32
    %broadcast_in_dim3A_1277 = vector.broadcast %sub3A_154 : i32 to vector<16xi32>
    %broadcast_in_dim3A_1278 = vector.broadcast %jit3A_1276 : i32 to vector<16xi32>
    %select_n3A_1279 = arith.select %ge3A_1275, %broadcast_in_dim3A_1277, %broadcast_in_dim3A_1278 : vector<16xi1>, vector<16xi32>
    %add3A_1280 = arith.addi %add3A_1273, %select_n3A_1279 : vector<16xi32>
    %ge3A_1281 = vector.broadcast %reduce_max3A_113 : i32 to vector<16xi32>
    %ge3A_1282 = arith.cmpi sge, %add3A_1252, %ge3A_1281 : vector<16xi32>
    %jit3A_1283 = arith.constant 0 : i32
    %broadcast_in_dim3A_1284 = vector.broadcast %sub3A_157 : i32 to vector<16xi32>
    %broadcast_in_dim3A_1285 = vector.broadcast %jit3A_1283 : i32 to vector<16xi32>
    %select_n3A_1286 = arith.select %ge3A_1282, %broadcast_in_dim3A_1284, %broadcast_in_dim3A_1285 : vector<16xi1>, vector<16xi32>
    %add3A_1287 = arith.addi %add3A_1280, %select_n3A_1286 : vector<16xi32>
    %ge3A_1288 = vector.broadcast %reduce_max3A_127 : i32 to vector<16xi32>
    %ge3A_1289 = arith.cmpi sge, %add3A_1252, %ge3A_1288 : vector<16xi32>
    %jit3A_1290 = arith.constant 0 : i32
    %broadcast_in_dim3A_1291 = vector.broadcast %sub3A_160 : i32 to vector<16xi32>
    %broadcast_in_dim3A_1292 = vector.broadcast %jit3A_1290 : i32 to vector<16xi32>
    %select_n3A_1293 = arith.select %ge3A_1289, %broadcast_in_dim3A_1291, %broadcast_in_dim3A_1292 : vector<16xi1>, vector<16xi32>
    %add3A_1294 = arith.addi %add3A_1287, %select_n3A_1293 : vector<16xi32>
    %ge3A_1295 = vector.broadcast %reduce_max3A_141 : i32 to vector<16xi32>
    %ge3A_1296 = arith.cmpi sge, %add3A_1252, %ge3A_1295 : vector<16xi32>
    %jit3A_1297 = arith.constant 0 : i32
    %broadcast_in_dim3A_1298 = vector.broadcast %sub3A_163 : i32 to vector<16xi32>
    %broadcast_in_dim3A_1299 = vector.broadcast %jit3A_1297 : i32 to vector<16xi32>
    %select_n3A_1300 = arith.select %ge3A_1296, %broadcast_in_dim3A_1298, %broadcast_in_dim3A_1299 : vector<16xi1>, vector<16xi32>
    %add3A_1301 = arith.addi %add3A_1294, %select_n3A_1300 : vector<16xi32>
    %eq3A_1302 = vector.broadcast %add3A_30 : i32 to vector<16xi32>
    %eq3A_1303 = arith.cmpi eq, %add3A_1252, %eq3A_1302 : vector<16xi32>
    %sub3A_1304 = arith.constant 1 : i32
    %sub3A_1305 = arith.subi %reduce_max3A_43, %sub3A_1304 : i32
    %broadcast_in_dim3A_1306 = vector.broadcast %sub3A_1305 : i32 to vector<16xi32>
    %select_n3A_1307 = arith.select %eq3A_1303, %broadcast_in_dim3A_1306, %add3A_1301 : vector<16xi1>, vector<16xi32>
    %min3A_1308 = arith.constant 16383 : i32
    %min3A_1309 = vector.broadcast %min3A_1308 : i32 to vector<16xi32>
    %min3A_1310 = arith.minsi %select_n3A_1307, %min3A_1309 : vector<16xi32>
    %gather3A_1311 = tpu.vector_load_idx %arg12[%min3A_1310] : memref<16384xi32, #tpu.memory_space<vmem>>[vector<16xi32>], vector<16xi32>,
    %le3A_1312 = vector.broadcast %add3A_30 : i32 to vector<16xi32>
    %le3A_1313 = arith.cmpi sle, %add3A_1252, %le3A_1312 : vector<16xi32>
    %jit3A_1314 = arith.constant 1 : i32
    %broadcast_in_dim3A_1315 = vector.broadcast %jit3A_1314 : i32 to vector<16xi32>
    %select_n3A_1316 = arith.select %le3A_1313, %gather3A_1311, %broadcast_in_dim3A_1315 : vector<16xi1>, vector<16xi32>
    %swap3A_1317 = arith.constant 224 : index
    %swap3A_1318 = tpu.vector_load %arg24[%swap3A_1317] {strides = array<i32>} : memref<512xi32, #tpu.memory_space<vmem>>, vector<16xi32>,
    tpu.vector_store %arg24[%swap3A_1317], %select_n3A_1316 {strides = array<i32>} : memref<512xi32, #tpu.memory_space<vmem>>, vector<16xi32>,
    %add3A_1319 = arith.constant 240 : i32
    %add3A_1320 = arith.addi %mul3A_2, %add3A_1319 : i32
    %add3A_1321 = vector.broadcast %add3A_1320 : i32 to vector<16xi32>
    %add3A_1322 = arith.addi %add3A_1321, %iota3A : vector<16xi32>
    %ge3A_1323 = vector.broadcast %reduce_max3A_57 : i32 to vector<16xi32>
    %ge3A_1324 = arith.cmpi sge, %add3A_1322, %ge3A_1323 : vector<16xi32>
    %jit3A_1325 = arith.constant 0 : i32
    %broadcast_in_dim3A_1326 = vector.broadcast %sub3A_145 : i32 to vector<16xi32>
    %broadcast_in_dim3A_1327 = vector.broadcast %jit3A_1325 : i32 to vector<16xi32>
    %select_n3A_1328 = arith.select %ge3A_1324, %broadcast_in_dim3A_1326, %broadcast_in_dim3A_1327 : vector<16xi1>, vector<16xi32>
    %add3A_1329 = arith.addi %add3A_1322, %select_n3A_1328 : vector<16xi32>
    %ge3A_1330 = vector.broadcast %reduce_max3A_71 : i32 to vector<16xi32>
    %ge3A_1331 = arith.cmpi sge, %add3A_1322, %ge3A_1330 : vector<16xi32>
    %jit3A_1332 = arith.constant 0 : i32
    %broadcast_in_dim3A_1333 = vector.broadcast %sub3A_148 : i32 to vector<16xi32>
    %broadcast_in_dim3A_1334 = vector.broadcast %jit3A_1332 : i32 to vector<16xi32>
    %select_n3A_1335 = arith.select %ge3A_1331, %broadcast_in_dim3A_1333, %broadcast_in_dim3A_1334 : vector<16xi1>, vector<16xi32>
    %add3A_1336 = arith.addi %add3A_1329, %select_n3A_1335 : vector<16xi32>
    %ge3A_1337 = vector.broadcast %reduce_max3A_85 : i32 to vector<16xi32>
    %ge3A_1338 = arith.cmpi sge, %add3A_1322, %ge3A_1337 : vector<16xi32>
    %jit3A_1339 = arith.constant 0 : i32
    %broadcast_in_dim3A_1340 = vector.broadcast %sub3A_151 : i32 to vector<16xi32>
    %broadcast_in_dim3A_1341 = vector.broadcast %jit3A_1339 : i32 to vector<16xi32>
    %select_n3A_1342 = arith.select %ge3A_1338, %broadcast_in_dim3A_1340, %broadcast_in_dim3A_1341 : vector<16xi1>, vector<16xi32>
    %add3A_1343 = arith.addi %add3A_1336, %select_n3A_1342 : vector<16xi32>
    %ge3A_1344 = vector.broadcast %reduce_max3A_99 : i32 to vector<16xi32>
    %ge3A_1345 = arith.cmpi sge, %add3A_1322, %ge3A_1344 : vector<16xi32>
    %jit3A_1346 = arith.constant 0 : i32
    %broadcast_in_dim3A_1347 = vector.broadcast %sub3A_154 : i32 to vector<16xi32>
    %broadcast_in_dim3A_1348 = vector.broadcast %jit3A_1346 : i32 to vector<16xi32>
    %select_n3A_1349 = arith.select %ge3A_1345, %broadcast_in_dim3A_1347, %broadcast_in_dim3A_1348 : vector<16xi1>, vector<16xi32>
    %add3A_1350 = arith.addi %add3A_1343, %select_n3A_1349 : vector<16xi32>
    %ge3A_1351 = vector.broadcast %reduce_max3A_113 : i32 to vector<16xi32>
    %ge3A_1352 = arith.cmpi sge, %add3A_1322, %ge3A_1351 : vector<16xi32>
    %jit3A_1353 = arith.constant 0 : i32
    %broadcast_in_dim3A_1354 = vector.broadcast %sub3A_157 : i32 to vector<16xi32>
    %broadcast_in_dim3A_1355 = vector.broadcast %jit3A_1353 : i32 to vector<16xi32>
    %select_n3A_1356 = arith.select %ge3A_1352, %broadcast_in_dim3A_1354, %broadcast_in_dim3A_1355 : vector<16xi1>, vector<16xi32>
    %add3A_1357 = arith.addi %add3A_1350, %select_n3A_1356 : vector<16xi32>
    %ge3A_1358 = vector.broadcast %reduce_max3A_127 : i32 to vector<16xi32>
    %ge3A_1359 = arith.cmpi sge, %add3A_1322, %ge3A_1358 : vector<16xi32>
    %jit3A_1360 = arith.constant 0 : i32
    %broadcast_in_dim3A_1361 = vector.broadcast %sub3A_160 : i32 to vector<16xi32>
    %broadcast_in_dim3A_1362 = vector.broadcast %jit3A_1360 : i32 to vector<16xi32>
    %select_n3A_1363 = arith.select %ge3A_1359, %broadcast_in_dim3A_1361, %broadcast_in_dim3A_1362 : vector<16xi1>, vector<16xi32>
    %add3A_1364 = arith.addi %add3A_1357, %select_n3A_1363 : vector<16xi32>
    %ge3A_1365 = vector.broadcast %reduce_max3A_141 : i32 to vector<16xi32>
    %ge3A_1366 = arith.cmpi sge, %add3A_1322, %ge3A_1365 : vector<16xi32>
    %jit3A_1367 = arith.constant 0 : i32
    %broadcast_in_dim3A_1368 = vector.broadcast %sub3A_163 : i32 to vector<16xi32>
    %broadcast_in_dim3A_1369 = vector.broadcast %jit3A_1367 : i32 to vector<16xi32>
    %select_n3A_1370 = arith.select %ge3A_1366, %broadcast_in_dim3A_1368, %broadcast_in_dim3A_1369 : vector<16xi1>, vector<16xi32>
    %add3A_1371 = arith.addi %add3A_1364, %select_n3A_1370 : vector<16xi32>
    %eq3A_1372 = vector.broadcast %add3A_30 : i32 to vector<16xi32>
    %eq3A_1373 = arith.cmpi eq, %add3A_1322, %eq3A_1372 : vector<16xi32>
    %sub3A_1374 = arith.constant 1 : i32
    %sub3A_1375 = arith.subi %reduce_max3A_43, %sub3A_1374 : i32
    %broadcast_in_dim3A_1376 = vector.broadcast %sub3A_1375 : i32 to vector<16xi32>
    %select_n3A_1377 = arith.select %eq3A_1373, %broadcast_in_dim3A_1376, %add3A_1371 : vector<16xi1>, vector<16xi32>
    %min3A_1378 = arith.constant 16383 : i32
    %min3A_1379 = vector.broadcast %min3A_1378 : i32 to vector<16xi32>
    %min3A_1380 = arith.minsi %select_n3A_1377, %min3A_1379 : vector<16xi32>
    %gather3A_1381 = tpu.vector_load_idx %arg12[%min3A_1380] : memref<16384xi32, #tpu.memory_space<vmem>>[vector<16xi32>], vector<16xi32>,
    %le3A_1382 = vector.broadcast %add3A_30 : i32 to vector<16xi32>
    %le3A_1383 = arith.cmpi sle, %add3A_1322, %le3A_1382 : vector<16xi32>
    %jit3A_1384 = arith.constant 1 : i32
    %broadcast_in_dim3A_1385 = vector.broadcast %jit3A_1384 : i32 to vector<16xi32>
    %select_n3A_1386 = arith.select %le3A_1383, %gather3A_1381, %broadcast_in_dim3A_1385 : vector<16xi1>, vector<16xi32>
    %swap3A_1387 = arith.constant 240 : index
    %swap3A_1388 = tpu.vector_load %arg24[%swap3A_1387] {strides = array<i32>} : memref<512xi32, #tpu.memory_space<vmem>>, vector<16xi32>,
    tpu.vector_store %arg24[%swap3A_1387], %select_n3A_1386 {strides = array<i32>} : memref<512xi32, #tpu.memory_space<vmem>>, vector<16xi32>,
    %add3A_1389 = arith.constant 256 : i32
    %add3A_1390 = arith.addi %mul3A_2, %add3A_1389 : i32
    %add3A_1391 = vector.broadcast %add3A_1390 : i32 to vector<16xi32>
    %add3A_1392 = arith.addi %add3A_1391, %iota3A : vector<16xi32>
    %ge3A_1393 = vector.broadcast %reduce_max3A_57 : i32 to vector<16xi32>
    %ge3A_1394 = arith.cmpi sge, %add3A_1392, %ge3A_1393 : vector<16xi32>
    %jit3A_1395 = arith.constant 0 : i32
    %broadcast_in_dim3A_1396 = vector.broadcast %sub3A_145 : i32 to vector<16xi32>
    %broadcast_in_dim3A_1397 = vector.broadcast %jit3A_1395 : i32 to vector<16xi32>
    %select_n3A_1398 = arith.select %ge3A_1394, %broadcast_in_dim3A_1396, %broadcast_in_dim3A_1397 : vector<16xi1>, vector<16xi32>
    %add3A_1399 = arith.addi %add3A_1392, %select_n3A_1398 : vector<16xi32>
    %ge3A_1400 = vector.broadcast %reduce_max3A_71 : i32 to vector<16xi32>
    %ge3A_1401 = arith.cmpi sge, %add3A_1392, %ge3A_1400 : vector<16xi32>
    %jit3A_1402 = arith.constant 0 : i32
    %broadcast_in_dim3A_1403 = vector.broadcast %sub3A_148 : i32 to vector<16xi32>
    %broadcast_in_dim3A_1404 = vector.broadcast %jit3A_1402 : i32 to vector<16xi32>
    %select_n3A_1405 = arith.select %ge3A_1401, %broadcast_in_dim3A_1403, %broadcast_in_dim3A_1404 : vector<16xi1>, vector<16xi32>
    %add3A_1406 = arith.addi %add3A_1399, %select_n3A_1405 : vector<16xi32>
    %ge3A_1407 = vector.broadcast %reduce_max3A_85 : i32 to vector<16xi32>
    %ge3A_1408 = arith.cmpi sge, %add3A_1392, %ge3A_1407 : vector<16xi32>
    %jit3A_1409 = arith.constant 0 : i32
    %broadcast_in_dim3A_1410 = vector.broadcast %sub3A_151 : i32 to vector<16xi32>
    %broadcast_in_dim3A_1411 = vector.broadcast %jit3A_1409 : i32 to vector<16xi32>
    %select_n3A_1412 = arith.select %ge3A_1408, %broadcast_in_dim3A_1410, %broadcast_in_dim3A_1411 : vector<16xi1>, vector<16xi32>
    %add3A_1413 = arith.addi %add3A_1406, %select_n3A_1412 : vector<16xi32>
    %ge3A_1414 = vector.broadcast %reduce_max3A_99 : i32 to vector<16xi32>
    %ge3A_1415 = arith.cmpi sge, %add3A_1392, %ge3A_1414 : vector<16xi32>
    %jit3A_1416 = arith.constant 0 : i32
    %broadcast_in_dim3A_1417 = vector.broadcast %sub3A_154 : i32 to vector<16xi32>
    %broadcast_in_dim3A_1418 = vector.broadcast %jit3A_1416 : i32 to vector<16xi32>
    %select_n3A_1419 = arith.select %ge3A_1415, %broadcast_in_dim3A_1417, %broadcast_in_dim3A_1418 : vector<16xi1>, vector<16xi32>
    %add3A_1420 = arith.addi %add3A_1413, %select_n3A_1419 : vector<16xi32>
    %ge3A_1421 = vector.broadcast %reduce_max3A_113 : i32 to vector<16xi32>
    %ge3A_1422 = arith.cmpi sge, %add3A_1392, %ge3A_1421 : vector<16xi32>
    %jit3A_1423 = arith.constant 0 : i32
    %broadcast_in_dim3A_1424 = vector.broadcast %sub3A_157 : i32 to vector<16xi32>
    %broadcast_in_dim3A_1425 = vector.broadcast %jit3A_1423 : i32 to vector<16xi32>
    %select_n3A_1426 = arith.select %ge3A_1422, %broadcast_in_dim3A_1424, %broadcast_in_dim3A_1425 : vector<16xi1>, vector<16xi32>
    %add3A_1427 = arith.addi %add3A_1420, %select_n3A_1426 : vector<16xi32>
    %ge3A_1428 = vector.broadcast %reduce_max3A_127 : i32 to vector<16xi32>
    %ge3A_1429 = arith.cmpi sge, %add3A_1392, %ge3A_1428 : vector<16xi32>
    %jit3A_1430 = arith.constant 0 : i32
    %broadcast_in_dim3A_1431 = vector.broadcast %sub3A_160 : i32 to vector<16xi32>
    %broadcast_in_dim3A_1432 = vector.broadcast %jit3A_1430 : i32 to vector<16xi32>
    %select_n3A_1433 = arith.select %ge3A_1429, %broadcast_in_dim3A_1431, %broadcast_in_dim3A_1432 : vector<16xi1>, vector<16xi32>
    %add3A_1434 = arith.addi %add3A_1427, %select_n3A_1433 : vector<16xi32>
    %ge3A_1435 = vector.broadcast %reduce_max3A_141 : i32 to vector<16xi32>
    %ge3A_1436 = arith.cmpi sge, %add3A_1392, %ge3A_1435 : vector<16xi32>
    %jit3A_1437 = arith.constant 0 : i32
    %broadcast_in_dim3A_1438 = vector.broadcast %sub3A_163 : i32 to vector<16xi32>
    %broadcast_in_dim3A_1439 = vector.broadcast %jit3A_1437 : i32 to vector<16xi32>
    %select_n3A_1440 = arith.select %ge3A_1436, %broadcast_in_dim3A_1438, %broadcast_in_dim3A_1439 : vector<16xi1>, vector<16xi32>
    %add3A_1441 = arith.addi %add3A_1434, %select_n3A_1440 : vector<16xi32>
    %eq3A_1442 = vector.broadcast %add3A_30 : i32 to vector<16xi32>
    %eq3A_1443 = arith.cmpi eq, %add3A_1392, %eq3A_1442 : vector<16xi32>
    %sub3A_1444 = arith.constant 1 : i32
    %sub3A_1445 = arith.subi %reduce_max3A_43, %sub3A_1444 : i32
    %broadcast_in_dim3A_1446 = vector.broadcast %sub3A_1445 : i32 to vector<16xi32>
    %select_n3A_1447 = arith.select %eq3A_1443, %broadcast_in_dim3A_1446, %add3A_1441 : vector<16xi1>, vector<16xi32>
    %min3A_1448 = arith.constant 16383 : i32
    %min3A_1449 = vector.broadcast %min3A_1448 : i32 to vector<16xi32>
    %min3A_1450 = arith.minsi %select_n3A_1447, %min3A_1449 : vector<16xi32>
    %gather3A_1451 = tpu.vector_load_idx %arg12[%min3A_1450] : memref<16384xi32, #tpu.memory_space<vmem>>[vector<16xi32>], vector<16xi32>,
    %le3A_1452 = vector.broadcast %add3A_30 : i32 to vector<16xi32>
    %le3A_1453 = arith.cmpi sle, %add3A_1392, %le3A_1452 : vector<16xi32>
    %jit3A_1454 = arith.constant 1 : i32
    %broadcast_in_dim3A_1455 = vector.broadcast %jit3A_1454 : i32 to vector<16xi32>
    %select_n3A_1456 = arith.select %le3A_1453, %gather3A_1451, %broadcast_in_dim3A_1455 : vector<16xi1>, vector<16xi32>
    %swap3A_1457 = arith.constant 256 : index
    %swap3A_1458 = tpu.vector_load %arg24[%swap3A_1457] {strides = array<i32>} : memref<512xi32, #tpu.memory_space<vmem>>, vector<16xi32>,
    tpu.vector_store %arg24[%swap3A_1457], %select_n3A_1456 {strides = array<i32>} : memref<512xi32, #tpu.memory_space<vmem>>, vector<16xi32>,
    %add3A_1459 = arith.constant 272 : i32
    %add3A_1460 = arith.addi %mul3A_2, %add3A_1459 : i32
    %add3A_1461 = vector.broadcast %add3A_1460 : i32 to vector<16xi32>
    %add3A_1462 = arith.addi %add3A_1461, %iota3A : vector<16xi32>
    %ge3A_1463 = vector.broadcast %reduce_max3A_57 : i32 to vector<16xi32>
    %ge3A_1464 = arith.cmpi sge, %add3A_1462, %ge3A_1463 : vector<16xi32>
    %jit3A_1465 = arith.constant 0 : i32
    %broadcast_in_dim3A_1466 = vector.broadcast %sub3A_145 : i32 to vector<16xi32>
    %broadcast_in_dim3A_1467 = vector.broadcast %jit3A_1465 : i32 to vector<16xi32>
    %select_n3A_1468 = arith.select %ge3A_1464, %broadcast_in_dim3A_1466, %broadcast_in_dim3A_1467 : vector<16xi1>, vector<16xi32>
    %add3A_1469 = arith.addi %add3A_1462, %select_n3A_1468 : vector<16xi32>
    %ge3A_1470 = vector.broadcast %reduce_max3A_71 : i32 to vector<16xi32>
    %ge3A_1471 = arith.cmpi sge, %add3A_1462, %ge3A_1470 : vector<16xi32>
    %jit3A_1472 = arith.constant 0 : i32
    %broadcast_in_dim3A_1473 = vector.broadcast %sub3A_148 : i32 to vector<16xi32>
    %broadcast_in_dim3A_1474 = vector.broadcast %jit3A_1472 : i32 to vector<16xi32>
    %select_n3A_1475 = arith.select %ge3A_1471, %broadcast_in_dim3A_1473, %broadcast_in_dim3A_1474 : vector<16xi1>, vector<16xi32>
    %add3A_1476 = arith.addi %add3A_1469, %select_n3A_1475 : vector<16xi32>
    %ge3A_1477 = vector.broadcast %reduce_max3A_85 : i32 to vector<16xi32>
    %ge3A_1478 = arith.cmpi sge, %add3A_1462, %ge3A_1477 : vector<16xi32>
    %jit3A_1479 = arith.constant 0 : i32
    %broadcast_in_dim3A_1480 = vector.broadcast %sub3A_151 : i32 to vector<16xi32>
    %broadcast_in_dim3A_1481 = vector.broadcast %jit3A_1479 : i32 to vector<16xi32>
    %select_n3A_1482 = arith.select %ge3A_1478, %broadcast_in_dim3A_1480, %broadcast_in_dim3A_1481 : vector<16xi1>, vector<16xi32>
    %add3A_1483 = arith.addi %add3A_1476, %select_n3A_1482 : vector<16xi32>
    %ge3A_1484 = vector.broadcast %reduce_max3A_99 : i32 to vector<16xi32>
    %ge3A_1485 = arith.cmpi sge, %add3A_1462, %ge3A_1484 : vector<16xi32>
    %jit3A_1486 = arith.constant 0 : i32
    %broadcast_in_dim3A_1487 = vector.broadcast %sub3A_154 : i32 to vector<16xi32>
    %broadcast_in_dim3A_1488 = vector.broadcast %jit3A_1486 : i32 to vector<16xi32>
    %select_n3A_1489 = arith.select %ge3A_1485, %broadcast_in_dim3A_1487, %broadcast_in_dim3A_1488 : vector<16xi1>, vector<16xi32>
    %add3A_1490 = arith.addi %add3A_1483, %select_n3A_1489 : vector<16xi32>
    %ge3A_1491 = vector.broadcast %reduce_max3A_113 : i32 to vector<16xi32>
    %ge3A_1492 = arith.cmpi sge, %add3A_1462, %ge3A_1491 : vector<16xi32>
    %jit3A_1493 = arith.constant 0 : i32
    %broadcast_in_dim3A_1494 = vector.broadcast %sub3A_157 : i32 to vector<16xi32>
    %broadcast_in_dim3A_1495 = vector.broadcast %jit3A_1493 : i32 to vector<16xi32>
    %select_n3A_1496 = arith.select %ge3A_1492, %broadcast_in_dim3A_1494, %broadcast_in_dim3A_1495 : vector<16xi1>, vector<16xi32>
    %add3A_1497 = arith.addi %add3A_1490, %select_n3A_1496 : vector<16xi32>
    %ge3A_1498 = vector.broadcast %reduce_max3A_127 : i32 to vector<16xi32>
    %ge3A_1499 = arith.cmpi sge, %add3A_1462, %ge3A_1498 : vector<16xi32>
    %jit3A_1500 = arith.constant 0 : i32
    %broadcast_in_dim3A_1501 = vector.broadcast %sub3A_160 : i32 to vector<16xi32>
    %broadcast_in_dim3A_1502 = vector.broadcast %jit3A_1500 : i32 to vector<16xi32>
    %select_n3A_1503 = arith.select %ge3A_1499, %broadcast_in_dim3A_1501, %broadcast_in_dim3A_1502 : vector<16xi1>, vector<16xi32>
    %add3A_1504 = arith.addi %add3A_1497, %select_n3A_1503 : vector<16xi32>
    %ge3A_1505 = vector.broadcast %reduce_max3A_141 : i32 to vector<16xi32>
    %ge3A_1506 = arith.cmpi sge, %add3A_1462, %ge3A_1505 : vector<16xi32>
    %jit3A_1507 = arith.constant 0 : i32
    %broadcast_in_dim3A_1508 = vector.broadcast %sub3A_163 : i32 to vector<16xi32>
    %broadcast_in_dim3A_1509 = vector.broadcast %jit3A_1507 : i32 to vector<16xi32>
    %select_n3A_1510 = arith.select %ge3A_1506, %broadcast_in_dim3A_1508, %broadcast_in_dim3A_1509 : vector<16xi1>, vector<16xi32>
    %add3A_1511 = arith.addi %add3A_1504, %select_n3A_1510 : vector<16xi32>
    %eq3A_1512 = vector.broadcast %add3A_30 : i32 to vector<16xi32>
    %eq3A_1513 = arith.cmpi eq, %add3A_1462, %eq3A_1512 : vector<16xi32>
    %sub3A_1514 = arith.constant 1 : i32
    %sub3A_1515 = arith.subi %reduce_max3A_43, %sub3A_1514 : i32
    %broadcast_in_dim3A_1516 = vector.broadcast %sub3A_1515 : i32 to vector<16xi32>
    %select_n3A_1517 = arith.select %eq3A_1513, %broadcast_in_dim3A_1516, %add3A_1511 : vector<16xi1>, vector<16xi32>
    %min3A_1518 = arith.constant 16383 : i32
    %min3A_1519 = vector.broadcast %min3A_1518 : i32 to vector<16xi32>
    %min3A_1520 = arith.minsi %select_n3A_1517, %min3A_1519 : vector<16xi32>
    %gather3A_1521 = tpu.vector_load_idx %arg12[%min3A_1520] : memref<16384xi32, #tpu.memory_space<vmem>>[vector<16xi32>], vector<16xi32>,
    %le3A_1522 = vector.broadcast %add3A_30 : i32 to vector<16xi32>
    %le3A_1523 = arith.cmpi sle, %add3A_1462, %le3A_1522 : vector<16xi32>
    %jit3A_1524 = arith.constant 1 : i32
    %broadcast_in_dim3A_1525 = vector.broadcast %jit3A_1524 : i32 to vector<16xi32>
    %select_n3A_1526 = arith.select %le3A_1523, %gather3A_1521, %broadcast_in_dim3A_1525 : vector<16xi1>, vector<16xi32>
    %swap3A_1527 = arith.constant 272 : index
    %swap3A_1528 = tpu.vector_load %arg24[%swap3A_1527] {strides = array<i32>} : memref<512xi32, #tpu.memory_space<vmem>>, vector<16xi32>,
    tpu.vector_store %arg24[%swap3A_1527], %select_n3A_1526 {strides = array<i32>} : memref<512xi32, #tpu.memory_space<vmem>>, vector<16xi32>,
    %add3A_1529 = arith.constant 288 : i32
    %add3A_1530 = arith.addi %mul3A_2, %add3A_1529 : i32
    %add3A_1531 = vector.broadcast %add3A_1530 : i32 to vector<16xi32>
    %add3A_1532 = arith.addi %add3A_1531, %iota3A : vector<16xi32>
    %ge3A_1533 = vector.broadcast %reduce_max3A_57 : i32 to vector<16xi32>
    %ge3A_1534 = arith.cmpi sge, %add3A_1532, %ge3A_1533 : vector<16xi32>
    %jit3A_1535 = arith.constant 0 : i32
    %broadcast_in_dim3A_1536 = vector.broadcast %sub3A_145 : i32 to vector<16xi32>
    %broadcast_in_dim3A_1537 = vector.broadcast %jit3A_1535 : i32 to vector<16xi32>
    %select_n3A_1538 = arith.select %ge3A_1534, %broadcast_in_dim3A_1536, %broadcast_in_dim3A_1537 : vector<16xi1>, vector<16xi32>
    %add3A_1539 = arith.addi %add3A_1532, %select_n3A_1538 : vector<16xi32>
    %ge3A_1540 = vector.broadcast %reduce_max3A_71 : i32 to vector<16xi32>
    %ge3A_1541 = arith.cmpi sge, %add3A_1532, %ge3A_1540 : vector<16xi32>
    %jit3A_1542 = arith.constant 0 : i32
    %broadcast_in_dim3A_1543 = vector.broadcast %sub3A_148 : i32 to vector<16xi32>
    %broadcast_in_dim3A_1544 = vector.broadcast %jit3A_1542 : i32 to vector<16xi32>
    %select_n3A_1545 = arith.select %ge3A_1541, %broadcast_in_dim3A_1543, %broadcast_in_dim3A_1544 : vector<16xi1>, vector<16xi32>
    %add3A_1546 = arith.addi %add3A_1539, %select_n3A_1545 : vector<16xi32>
    %ge3A_1547 = vector.broadcast %reduce_max3A_85 : i32 to vector<16xi32>
    %ge3A_1548 = arith.cmpi sge, %add3A_1532, %ge3A_1547 : vector<16xi32>
    %jit3A_1549 = arith.constant 0 : i32
    %broadcast_in_dim3A_1550 = vector.broadcast %sub3A_151 : i32 to vector<16xi32>
    %broadcast_in_dim3A_1551 = vector.broadcast %jit3A_1549 : i32 to vector<16xi32>
    %select_n3A_1552 = arith.select %ge3A_1548, %broadcast_in_dim3A_1550, %broadcast_in_dim3A_1551 : vector<16xi1>, vector<16xi32>
    %add3A_1553 = arith.addi %add3A_1546, %select_n3A_1552 : vector<16xi32>
    %ge3A_1554 = vector.broadcast %reduce_max3A_99 : i32 to vector<16xi32>
    %ge3A_1555 = arith.cmpi sge, %add3A_1532, %ge3A_1554 : vector<16xi32>
    %jit3A_1556 = arith.constant 0 : i32
    %broadcast_in_dim3A_1557 = vector.broadcast %sub3A_154 : i32 to vector<16xi32>
    %broadcast_in_dim3A_1558 = vector.broadcast %jit3A_1556 : i32 to vector<16xi32>
    %select_n3A_1559 = arith.select %ge3A_1555, %broadcast_in_dim3A_1557, %broadcast_in_dim3A_1558 : vector<16xi1>, vector<16xi32>
    %add3A_1560 = arith.addi %add3A_1553, %select_n3A_1559 : vector<16xi32>
    %ge3A_1561 = vector.broadcast %reduce_max3A_113 : i32 to vector<16xi32>
    %ge3A_1562 = arith.cmpi sge, %add3A_1532, %ge3A_1561 : vector<16xi32>
    %jit3A_1563 = arith.constant 0 : i32
    %broadcast_in_dim3A_1564 = vector.broadcast %sub3A_157 : i32 to vector<16xi32>
    %broadcast_in_dim3A_1565 = vector.broadcast %jit3A_1563 : i32 to vector<16xi32>
    %select_n3A_1566 = arith.select %ge3A_1562, %broadcast_in_dim3A_1564, %broadcast_in_dim3A_1565 : vector<16xi1>, vector<16xi32>
    %add3A_1567 = arith.addi %add3A_1560, %select_n3A_1566 : vector<16xi32>
    %ge3A_1568 = vector.broadcast %reduce_max3A_127 : i32 to vector<16xi32>
    %ge3A_1569 = arith.cmpi sge, %add3A_1532, %ge3A_1568 : vector<16xi32>
    %jit3A_1570 = arith.constant 0 : i32
    %broadcast_in_dim3A_1571 = vector.broadcast %sub3A_160 : i32 to vector<16xi32>
    %broadcast_in_dim3A_1572 = vector.broadcast %jit3A_1570 : i32 to vector<16xi32>
    %select_n3A_1573 = arith.select %ge3A_1569, %broadcast_in_dim3A_1571, %broadcast_in_dim3A_1572 : vector<16xi1>, vector<16xi32>
    %add3A_1574 = arith.addi %add3A_1567, %select_n3A_1573 : vector<16xi32>
    %ge3A_1575 = vector.broadcast %reduce_max3A_141 : i32 to vector<16xi32>
    %ge3A_1576 = arith.cmpi sge, %add3A_1532, %ge3A_1575 : vector<16xi32>
    %jit3A_1577 = arith.constant 0 : i32
    %broadcast_in_dim3A_1578 = vector.broadcast %sub3A_163 : i32 to vector<16xi32>
    %broadcast_in_dim3A_1579 = vector.broadcast %jit3A_1577 : i32 to vector<16xi32>
    %select_n3A_1580 = arith.select %ge3A_1576, %broadcast_in_dim3A_1578, %broadcast_in_dim3A_1579 : vector<16xi1>, vector<16xi32>
    %add3A_1581 = arith.addi %add3A_1574, %select_n3A_1580 : vector<16xi32>
    %eq3A_1582 = vector.broadcast %add3A_30 : i32 to vector<16xi32>
    %eq3A_1583 = arith.cmpi eq, %add3A_1532, %eq3A_1582 : vector<16xi32>
    %sub3A_1584 = arith.constant 1 : i32
    %sub3A_1585 = arith.subi %reduce_max3A_43, %sub3A_1584 : i32
    %broadcast_in_dim3A_1586 = vector.broadcast %sub3A_1585 : i32 to vector<16xi32>
    %select_n3A_1587 = arith.select %eq3A_1583, %broadcast_in_dim3A_1586, %add3A_1581 : vector<16xi1>, vector<16xi32>
    %min3A_1588 = arith.constant 16383 : i32
    %min3A_1589 = vector.broadcast %min3A_1588 : i32 to vector<16xi32>
    %min3A_1590 = arith.minsi %select_n3A_1587, %min3A_1589 : vector<16xi32>
    %gather3A_1591 = tpu.vector_load_idx %arg12[%min3A_1590] : memref<16384xi32, #tpu.memory_space<vmem>>[vector<16xi32>], vector<16xi32>,
    %le3A_1592 = vector.broadcast %add3A_30 : i32 to vector<16xi32>
    %le3A_1593 = arith.cmpi sle, %add3A_1532, %le3A_1592 : vector<16xi32>
    %jit3A_1594 = arith.constant 1 : i32
    %broadcast_in_dim3A_1595 = vector.broadcast %jit3A_1594 : i32 to vector<16xi32>
    %select_n3A_1596 = arith.select %le3A_1593, %gather3A_1591, %broadcast_in_dim3A_1595 : vector<16xi1>, vector<16xi32>
    %swap3A_1597 = arith.constant 288 : index
    %swap3A_1598 = tpu.vector_load %arg24[%swap3A_1597] {strides = array<i32>} : memref<512xi32, #tpu.memory_space<vmem>>, vector<16xi32>,
    tpu.vector_store %arg24[%swap3A_1597], %select_n3A_1596 {strides = array<i32>} : memref<512xi32, #tpu.memory_space<vmem>>, vector<16xi32>,
    %add3A_1599 = arith.constant 304 : i32
    %add3A_1600 = arith.addi %mul3A_2, %add3A_1599 : i32
    %add3A_1601 = vector.broadcast %add3A_1600 : i32 to vector<16xi32>
    %add3A_1602 = arith.addi %add3A_1601, %iota3A : vector<16xi32>
    %ge3A_1603 = vector.broadcast %reduce_max3A_57 : i32 to vector<16xi32>
    %ge3A_1604 = arith.cmpi sge, %add3A_1602, %ge3A_1603 : vector<16xi32>
    %jit3A_1605 = arith.constant 0 : i32
    %broadcast_in_dim3A_1606 = vector.broadcast %sub3A_145 : i32 to vector<16xi32>
    %broadcast_in_dim3A_1607 = vector.broadcast %jit3A_1605 : i32 to vector<16xi32>
    %select_n3A_1608 = arith.select %ge3A_1604, %broadcast_in_dim3A_1606, %broadcast_in_dim3A_1607 : vector<16xi1>, vector<16xi32>
    %add3A_1609 = arith.addi %add3A_1602, %select_n3A_1608 : vector<16xi32>
    %ge3A_1610 = vector.broadcast %reduce_max3A_71 : i32 to vector<16xi32>
    %ge3A_1611 = arith.cmpi sge, %add3A_1602, %ge3A_1610 : vector<16xi32>
    %jit3A_1612 = arith.constant 0 : i32
    %broadcast_in_dim3A_1613 = vector.broadcast %sub3A_148 : i32 to vector<16xi32>
    %broadcast_in_dim3A_1614 = vector.broadcast %jit3A_1612 : i32 to vector<16xi32>
    %select_n3A_1615 = arith.select %ge3A_1611, %broadcast_in_dim3A_1613, %broadcast_in_dim3A_1614 : vector<16xi1>, vector<16xi32>
    %add3A_1616 = arith.addi %add3A_1609, %select_n3A_1615 : vector<16xi32>
    %ge3A_1617 = vector.broadcast %reduce_max3A_85 : i32 to vector<16xi32>
    %ge3A_1618 = arith.cmpi sge, %add3A_1602, %ge3A_1617 : vector<16xi32>
    %jit3A_1619 = arith.constant 0 : i32
    %broadcast_in_dim3A_1620 = vector.broadcast %sub3A_151 : i32 to vector<16xi32>
    %broadcast_in_dim3A_1621 = vector.broadcast %jit3A_1619 : i32 to vector<16xi32>
    %select_n3A_1622 = arith.select %ge3A_1618, %broadcast_in_dim3A_1620, %broadcast_in_dim3A_1621 : vector<16xi1>, vector<16xi32>
    %add3A_1623 = arith.addi %add3A_1616, %select_n3A_1622 : vector<16xi32>
    %ge3A_1624 = vector.broadcast %reduce_max3A_99 : i32 to vector<16xi32>
    %ge3A_1625 = arith.cmpi sge, %add3A_1602, %ge3A_1624 : vector<16xi32>
    %jit3A_1626 = arith.constant 0 : i32
    %broadcast_in_dim3A_1627 = vector.broadcast %sub3A_154 : i32 to vector<16xi32>
    %broadcast_in_dim3A_1628 = vector.broadcast %jit3A_1626 : i32 to vector<16xi32>
    %select_n3A_1629 = arith.select %ge3A_1625, %broadcast_in_dim3A_1627, %broadcast_in_dim3A_1628 : vector<16xi1>, vector<16xi32>
    %add3A_1630 = arith.addi %add3A_1623, %select_n3A_1629 : vector<16xi32>
    %ge3A_1631 = vector.broadcast %reduce_max3A_113 : i32 to vector<16xi32>
    %ge3A_1632 = arith.cmpi sge, %add3A_1602, %ge3A_1631 : vector<16xi32>
    %jit3A_1633 = arith.constant 0 : i32
    %broadcast_in_dim3A_1634 = vector.broadcast %sub3A_157 : i32 to vector<16xi32>
    %broadcast_in_dim3A_1635 = vector.broadcast %jit3A_1633 : i32 to vector<16xi32>
    %select_n3A_1636 = arith.select %ge3A_1632, %broadcast_in_dim3A_1634, %broadcast_in_dim3A_1635 : vector<16xi1>, vector<16xi32>
    %add3A_1637 = arith.addi %add3A_1630, %select_n3A_1636 : vector<16xi32>
    %ge3A_1638 = vector.broadcast %reduce_max3A_127 : i32 to vector<16xi32>
    %ge3A_1639 = arith.cmpi sge, %add3A_1602, %ge3A_1638 : vector<16xi32>
    %jit3A_1640 = arith.constant 0 : i32
    %broadcast_in_dim3A_1641 = vector.broadcast %sub3A_160 : i32 to vector<16xi32>
    %broadcast_in_dim3A_1642 = vector.broadcast %jit3A_1640 : i32 to vector<16xi32>
    %select_n3A_1643 = arith.select %ge3A_1639, %broadcast_in_dim3A_1641, %broadcast_in_dim3A_1642 : vector<16xi1>, vector<16xi32>
    %add3A_1644 = arith.addi %add3A_1637, %select_n3A_1643 : vector<16xi32>
    %ge3A_1645 = vector.broadcast %reduce_max3A_141 : i32 to vector<16xi32>
    %ge3A_1646 = arith.cmpi sge, %add3A_1602, %ge3A_1645 : vector<16xi32>
    %jit3A_1647 = arith.constant 0 : i32
    %broadcast_in_dim3A_1648 = vector.broadcast %sub3A_163 : i32 to vector<16xi32>
    %broadcast_in_dim3A_1649 = vector.broadcast %jit3A_1647 : i32 to vector<16xi32>
    %select_n3A_1650 = arith.select %ge3A_1646, %broadcast_in_dim3A_1648, %broadcast_in_dim3A_1649 : vector<16xi1>, vector<16xi32>
    %add3A_1651 = arith.addi %add3A_1644, %select_n3A_1650 : vector<16xi32>
    %eq3A_1652 = vector.broadcast %add3A_30 : i32 to vector<16xi32>
    %eq3A_1653 = arith.cmpi eq, %add3A_1602, %eq3A_1652 : vector<16xi32>
    %sub3A_1654 = arith.constant 1 : i32
    %sub3A_1655 = arith.subi %reduce_max3A_43, %sub3A_1654 : i32
    %broadcast_in_dim3A_1656 = vector.broadcast %sub3A_1655 : i32 to vector<16xi32>
    %select_n3A_1657 = arith.select %eq3A_1653, %broadcast_in_dim3A_1656, %add3A_1651 : vector<16xi1>, vector<16xi32>
    %min3A_1658 = arith.constant 16383 : i32
    %min3A_1659 = vector.broadcast %min3A_1658 : i32 to vector<16xi32>
    %min3A_1660 = arith.minsi %select_n3A_1657, %min3A_1659 : vector<16xi32>
    %gather3A_1661 = tpu.vector_load_idx %arg12[%min3A_1660] : memref<16384xi32, #tpu.memory_space<vmem>>[vector<16xi32>], vector<16xi32>,
    %le3A_1662 = vector.broadcast %add3A_30 : i32 to vector<16xi32>
    %le3A_1663 = arith.cmpi sle, %add3A_1602, %le3A_1662 : vector<16xi32>
    %jit3A_1664 = arith.constant 1 : i32
    %broadcast_in_dim3A_1665 = vector.broadcast %jit3A_1664 : i32 to vector<16xi32>
    %select_n3A_1666 = arith.select %le3A_1663, %gather3A_1661, %broadcast_in_dim3A_1665 : vector<16xi1>, vector<16xi32>
    %swap3A_1667 = arith.constant 304 : index
    %swap3A_1668 = tpu.vector_load %arg24[%swap3A_1667] {strides = array<i32>} : memref<512xi32, #tpu.memory_space<vmem>>, vector<16xi32>,
    tpu.vector_store %arg24[%swap3A_1667], %select_n3A_1666 {strides = array<i32>} : memref<512xi32, #tpu.memory_space<vmem>>, vector<16xi32>,
    %add3A_1669 = arith.constant 320 : i32
    %add3A_1670 = arith.addi %mul3A_2, %add3A_1669 : i32
    %add3A_1671 = vector.broadcast %add3A_1670 : i32 to vector<16xi32>
    %add3A_1672 = arith.addi %add3A_1671, %iota3A : vector<16xi32>
    %ge3A_1673 = vector.broadcast %reduce_max3A_57 : i32 to vector<16xi32>
    %ge3A_1674 = arith.cmpi sge, %add3A_1672, %ge3A_1673 : vector<16xi32>
    %jit3A_1675 = arith.constant 0 : i32
    %broadcast_in_dim3A_1676 = vector.broadcast %sub3A_145 : i32 to vector<16xi32>
    %broadcast_in_dim3A_1677 = vector.broadcast %jit3A_1675 : i32 to vector<16xi32>
    %select_n3A_1678 = arith.select %ge3A_1674, %broadcast_in_dim3A_1676, %broadcast_in_dim3A_1677 : vector<16xi1>, vector<16xi32>
    %add3A_1679 = arith.addi %add3A_1672, %select_n3A_1678 : vector<16xi32>
    %ge3A_1680 = vector.broadcast %reduce_max3A_71 : i32 to vector<16xi32>
    %ge3A_1681 = arith.cmpi sge, %add3A_1672, %ge3A_1680 : vector<16xi32>
    %jit3A_1682 = arith.constant 0 : i32
    %broadcast_in_dim3A_1683 = vector.broadcast %sub3A_148 : i32 to vector<16xi32>
    %broadcast_in_dim3A_1684 = vector.broadcast %jit3A_1682 : i32 to vector<16xi32>
    %select_n3A_1685 = arith.select %ge3A_1681, %broadcast_in_dim3A_1683, %broadcast_in_dim3A_1684 : vector<16xi1>, vector<16xi32>
    %add3A_1686 = arith.addi %add3A_1679, %select_n3A_1685 : vector<16xi32>
    %ge3A_1687 = vector.broadcast %reduce_max3A_85 : i32 to vector<16xi32>
    %ge3A_1688 = arith.cmpi sge, %add3A_1672, %ge3A_1687 : vector<16xi32>
    %jit3A_1689 = arith.constant 0 : i32
    %broadcast_in_dim3A_1690 = vector.broadcast %sub3A_151 : i32 to vector<16xi32>
    %broadcast_in_dim3A_1691 = vector.broadcast %jit3A_1689 : i32 to vector<16xi32>
    %select_n3A_1692 = arith.select %ge3A_1688, %broadcast_in_dim3A_1690, %broadcast_in_dim3A_1691 : vector<16xi1>, vector<16xi32>
    %add3A_1693 = arith.addi %add3A_1686, %select_n3A_1692 : vector<16xi32>
    %ge3A_1694 = vector.broadcast %reduce_max3A_99 : i32 to vector<16xi32>
    %ge3A_1695 = arith.cmpi sge, %add3A_1672, %ge3A_1694 : vector<16xi32>
    %jit3A_1696 = arith.constant 0 : i32
    %broadcast_in_dim3A_1697 = vector.broadcast %sub3A_154 : i32 to vector<16xi32>
    %broadcast_in_dim3A_1698 = vector.broadcast %jit3A_1696 : i32 to vector<16xi32>
    %select_n3A_1699 = arith.select %ge3A_1695, %broadcast_in_dim3A_1697, %broadcast_in_dim3A_1698 : vector<16xi1>, vector<16xi32>
    %add3A_1700 = arith.addi %add3A_1693, %select_n3A_1699 : vector<16xi32>
    %ge3A_1701 = vector.broadcast %reduce_max3A_113 : i32 to vector<16xi32>
    %ge3A_1702 = arith.cmpi sge, %add3A_1672, %ge3A_1701 : vector<16xi32>
    %jit3A_1703 = arith.constant 0 : i32
    %broadcast_in_dim3A_1704 = vector.broadcast %sub3A_157 : i32 to vector<16xi32>
    %broadcast_in_dim3A_1705 = vector.broadcast %jit3A_1703 : i32 to vector<16xi32>
    %select_n3A_1706 = arith.select %ge3A_1702, %broadcast_in_dim3A_1704, %broadcast_in_dim3A_1705 : vector<16xi1>, vector<16xi32>
    %add3A_1707 = arith.addi %add3A_1700, %select_n3A_1706 : vector<16xi32>
    %ge3A_1708 = vector.broadcast %reduce_max3A_127 : i32 to vector<16xi32>
    %ge3A_1709 = arith.cmpi sge, %add3A_1672, %ge3A_1708 : vector<16xi32>
    %jit3A_1710 = arith.constant 0 : i32
    %broadcast_in_dim3A_1711 = vector.broadcast %sub3A_160 : i32 to vector<16xi32>
    %broadcast_in_dim3A_1712 = vector.broadcast %jit3A_1710 : i32 to vector<16xi32>
    %select_n3A_1713 = arith.select %ge3A_1709, %broadcast_in_dim3A_1711, %broadcast_in_dim3A_1712 : vector<16xi1>, vector<16xi32>
    %add3A_1714 = arith.addi %add3A_1707, %select_n3A_1713 : vector<16xi32>
    %ge3A_1715 = vector.broadcast %reduce_max3A_141 : i32 to vector<16xi32>
    %ge3A_1716 = arith.cmpi sge, %add3A_1672, %ge3A_1715 : vector<16xi32>
    %jit3A_1717 = arith.constant 0 : i32
    %broadcast_in_dim3A_1718 = vector.broadcast %sub3A_163 : i32 to vector<16xi32>
    %broadcast_in_dim3A_1719 = vector.broadcast %jit3A_1717 : i32 to vector<16xi32>
    %select_n3A_1720 = arith.select %ge3A_1716, %broadcast_in_dim3A_1718, %broadcast_in_dim3A_1719 : vector<16xi1>, vector<16xi32>
    %add3A_1721 = arith.addi %add3A_1714, %select_n3A_1720 : vector<16xi32>
    %eq3A_1722 = vector.broadcast %add3A_30 : i32 to vector<16xi32>
    %eq3A_1723 = arith.cmpi eq, %add3A_1672, %eq3A_1722 : vector<16xi32>
    %sub3A_1724 = arith.constant 1 : i32
    %sub3A_1725 = arith.subi %reduce_max3A_43, %sub3A_1724 : i32
    %broadcast_in_dim3A_1726 = vector.broadcast %sub3A_1725 : i32 to vector<16xi32>
    %select_n3A_1727 = arith.select %eq3A_1723, %broadcast_in_dim3A_1726, %add3A_1721 : vector<16xi1>, vector<16xi32>
    %min3A_1728 = arith.constant 16383 : i32
    %min3A_1729 = vector.broadcast %min3A_1728 : i32 to vector<16xi32>
    %min3A_1730 = arith.minsi %select_n3A_1727, %min3A_1729 : vector<16xi32>
    %gather3A_1731 = tpu.vector_load_idx %arg12[%min3A_1730] : memref<16384xi32, #tpu.memory_space<vmem>>[vector<16xi32>], vector<16xi32>,
    %le3A_1732 = vector.broadcast %add3A_30 : i32 to vector<16xi32>
    %le3A_1733 = arith.cmpi sle, %add3A_1672, %le3A_1732 : vector<16xi32>
    %jit3A_1734 = arith.constant 1 : i32
    %broadcast_in_dim3A_1735 = vector.broadcast %jit3A_1734 : i32 to vector<16xi32>
    %select_n3A_1736 = arith.select %le3A_1733, %gather3A_1731, %broadcast_in_dim3A_1735 : vector<16xi1>, vector<16xi32>
    %swap3A_1737 = arith.constant 320 : index
    %swap3A_1738 = tpu.vector_load %arg24[%swap3A_1737] {strides = array<i32>} : memref<512xi32, #tpu.memory_space<vmem>>, vector<16xi32>,
    tpu.vector_store %arg24[%swap3A_1737], %select_n3A_1736 {strides = array<i32>} : memref<512xi32, #tpu.memory_space<vmem>>, vector<16xi32>,
    %add3A_1739 = arith.constant 336 : i32
    %add3A_1740 = arith.addi %mul3A_2, %add3A_1739 : i32
    %add3A_1741 = vector.broadcast %add3A_1740 : i32 to vector<16xi32>
    %add3A_1742 = arith.addi %add3A_1741, %iota3A : vector<16xi32>
    %ge3A_1743 = vector.broadcast %reduce_max3A_57 : i32 to vector<16xi32>
    %ge3A_1744 = arith.cmpi sge, %add3A_1742, %ge3A_1743 : vector<16xi32>
    %jit3A_1745 = arith.constant 0 : i32
    %broadcast_in_dim3A_1746 = vector.broadcast %sub3A_145 : i32 to vector<16xi32>
    %broadcast_in_dim3A_1747 = vector.broadcast %jit3A_1745 : i32 to vector<16xi32>
    %select_n3A_1748 = arith.select %ge3A_1744, %broadcast_in_dim3A_1746, %broadcast_in_dim3A_1747 : vector<16xi1>, vector<16xi32>
    %add3A_1749 = arith.addi %add3A_1742, %select_n3A_1748 : vector<16xi32>
    %ge3A_1750 = vector.broadcast %reduce_max3A_71 : i32 to vector<16xi32>
    %ge3A_1751 = arith.cmpi sge, %add3A_1742, %ge3A_1750 : vector<16xi32>
    %jit3A_1752 = arith.constant 0 : i32
    %broadcast_in_dim3A_1753 = vector.broadcast %sub3A_148 : i32 to vector<16xi32>
    %broadcast_in_dim3A_1754 = vector.broadcast %jit3A_1752 : i32 to vector<16xi32>
    %select_n3A_1755 = arith.select %ge3A_1751, %broadcast_in_dim3A_1753, %broadcast_in_dim3A_1754 : vector<16xi1>, vector<16xi32>
    %add3A_1756 = arith.addi %add3A_1749, %select_n3A_1755 : vector<16xi32>
    %ge3A_1757 = vector.broadcast %reduce_max3A_85 : i32 to vector<16xi32>
    %ge3A_1758 = arith.cmpi sge, %add3A_1742, %ge3A_1757 : vector<16xi32>
    %jit3A_1759 = arith.constant 0 : i32
    %broadcast_in_dim3A_1760 = vector.broadcast %sub3A_151 : i32 to vector<16xi32>
    %broadcast_in_dim3A_1761 = vector.broadcast %jit3A_1759 : i32 to vector<16xi32>
    %select_n3A_1762 = arith.select %ge3A_1758, %broadcast_in_dim3A_1760, %broadcast_in_dim3A_1761 : vector<16xi1>, vector<16xi32>
    %add3A_1763 = arith.addi %add3A_1756, %select_n3A_1762 : vector<16xi32>
    %ge3A_1764 = vector.broadcast %reduce_max3A_99 : i32 to vector<16xi32>
    %ge3A_1765 = arith.cmpi sge, %add3A_1742, %ge3A_1764 : vector<16xi32>
    %jit3A_1766 = arith.constant 0 : i32
    %broadcast_in_dim3A_1767 = vector.broadcast %sub3A_154 : i32 to vector<16xi32>
    %broadcast_in_dim3A_1768 = vector.broadcast %jit3A_1766 : i32 to vector<16xi32>
    %select_n3A_1769 = arith.select %ge3A_1765, %broadcast_in_dim3A_1767, %broadcast_in_dim3A_1768 : vector<16xi1>, vector<16xi32>
    %add3A_1770 = arith.addi %add3A_1763, %select_n3A_1769 : vector<16xi32>
    %ge3A_1771 = vector.broadcast %reduce_max3A_113 : i32 to vector<16xi32>
    %ge3A_1772 = arith.cmpi sge, %add3A_1742, %ge3A_1771 : vector<16xi32>
    %jit3A_1773 = arith.constant 0 : i32
    %broadcast_in_dim3A_1774 = vector.broadcast %sub3A_157 : i32 to vector<16xi32>
    %broadcast_in_dim3A_1775 = vector.broadcast %jit3A_1773 : i32 to vector<16xi32>
    %select_n3A_1776 = arith.select %ge3A_1772, %broadcast_in_dim3A_1774, %broadcast_in_dim3A_1775 : vector<16xi1>, vector<16xi32>
    %add3A_1777 = arith.addi %add3A_1770, %select_n3A_1776 : vector<16xi32>
    %ge3A_1778 = vector.broadcast %reduce_max3A_127 : i32 to vector<16xi32>
    %ge3A_1779 = arith.cmpi sge, %add3A_1742, %ge3A_1778 : vector<16xi32>
    %jit3A_1780 = arith.constant 0 : i32
    %broadcast_in_dim3A_1781 = vector.broadcast %sub3A_160 : i32 to vector<16xi32>
    %broadcast_in_dim3A_1782 = vector.broadcast %jit3A_1780 : i32 to vector<16xi32>
    %select_n3A_1783 = arith.select %ge3A_1779, %broadcast_in_dim3A_1781, %broadcast_in_dim3A_1782 : vector<16xi1>, vector<16xi32>
    %add3A_1784 = arith.addi %add3A_1777, %select_n3A_1783 : vector<16xi32>
    %ge3A_1785 = vector.broadcast %reduce_max3A_141 : i32 to vector<16xi32>
    %ge3A_1786 = arith.cmpi sge, %add3A_1742, %ge3A_1785 : vector<16xi32>
    %jit3A_1787 = arith.constant 0 : i32
    %broadcast_in_dim3A_1788 = vector.broadcast %sub3A_163 : i32 to vector<16xi32>
    %broadcast_in_dim3A_1789 = vector.broadcast %jit3A_1787 : i32 to vector<16xi32>
    %select_n3A_1790 = arith.select %ge3A_1786, %broadcast_in_dim3A_1788, %broadcast_in_dim3A_1789 : vector<16xi1>, vector<16xi32>
    %add3A_1791 = arith.addi %add3A_1784, %select_n3A_1790 : vector<16xi32>
    %eq3A_1792 = vector.broadcast %add3A_30 : i32 to vector<16xi32>
    %eq3A_1793 = arith.cmpi eq, %add3A_1742, %eq3A_1792 : vector<16xi32>
    %sub3A_1794 = arith.constant 1 : i32
    %sub3A_1795 = arith.subi %reduce_max3A_43, %sub3A_1794 : i32
    %broadcast_in_dim3A_1796 = vector.broadcast %sub3A_1795 : i32 to vector<16xi32>
    %select_n3A_1797 = arith.select %eq3A_1793, %broadcast_in_dim3A_1796, %add3A_1791 : vector<16xi1>, vector<16xi32>
    %min3A_1798 = arith.constant 16383 : i32
    %min3A_1799 = vector.broadcast %min3A_1798 : i32 to vector<16xi32>
    %min3A_1800 = arith.minsi %select_n3A_1797, %min3A_1799 : vector<16xi32>
    %gather3A_1801 = tpu.vector_load_idx %arg12[%min3A_1800] : memref<16384xi32, #tpu.memory_space<vmem>>[vector<16xi32>], vector<16xi32>,
    %le3A_1802 = vector.broadcast %add3A_30 : i32 to vector<16xi32>
    %le3A_1803 = arith.cmpi sle, %add3A_1742, %le3A_1802 : vector<16xi32>
    %jit3A_1804 = arith.constant 1 : i32
    %broadcast_in_dim3A_1805 = vector.broadcast %jit3A_1804 : i32 to vector<16xi32>
    %select_n3A_1806 = arith.select %le3A_1803, %gather3A_1801, %broadcast_in_dim3A_1805 : vector<16xi1>, vector<16xi32>
    %swap3A_1807 = arith.constant 336 : index
    %swap3A_1808 = tpu.vector_load %arg24[%swap3A_1807] {strides = array<i32>} : memref<512xi32, #tpu.memory_space<vmem>>, vector<16xi32>,
    tpu.vector_store %arg24[%swap3A_1807], %select_n3A_1806 {strides = array<i32>} : memref<512xi32, #tpu.memory_space<vmem>>, vector<16xi32>,
    %add3A_1809 = arith.constant 352 : i32
    %add3A_1810 = arith.addi %mul3A_2, %add3A_1809 : i32
    %add3A_1811 = vector.broadcast %add3A_1810 : i32 to vector<16xi32>
    %add3A_1812 = arith.addi %add3A_1811, %iota3A : vector<16xi32>
    %ge3A_1813 = vector.broadcast %reduce_max3A_57 : i32 to vector<16xi32>
    %ge3A_1814 = arith.cmpi sge, %add3A_1812, %ge3A_1813 : vector<16xi32>
    %jit3A_1815 = arith.constant 0 : i32
    %broadcast_in_dim3A_1816 = vector.broadcast %sub3A_145 : i32 to vector<16xi32>
    %broadcast_in_dim3A_1817 = vector.broadcast %jit3A_1815 : i32 to vector<16xi32>
    %select_n3A_1818 = arith.select %ge3A_1814, %broadcast_in_dim3A_1816, %broadcast_in_dim3A_1817 : vector<16xi1>, vector<16xi32>
    %add3A_1819 = arith.addi %add3A_1812, %select_n3A_1818 : vector<16xi32>
    %ge3A_1820 = vector.broadcast %reduce_max3A_71 : i32 to vector<16xi32>
    %ge3A_1821 = arith.cmpi sge, %add3A_1812, %ge3A_1820 : vector<16xi32>
    %jit3A_1822 = arith.constant 0 : i32
    %broadcast_in_dim3A_1823 = vector.broadcast %sub3A_148 : i32 to vector<16xi32>
    %broadcast_in_dim3A_1824 = vector.broadcast %jit3A_1822 : i32 to vector<16xi32>
    %select_n3A_1825 = arith.select %ge3A_1821, %broadcast_in_dim3A_1823, %broadcast_in_dim3A_1824 : vector<16xi1>, vector<16xi32>
    %add3A_1826 = arith.addi %add3A_1819, %select_n3A_1825 : vector<16xi32>
    %ge3A_1827 = vector.broadcast %reduce_max3A_85 : i32 to vector<16xi32>
    %ge3A_1828 = arith.cmpi sge, %add3A_1812, %ge3A_1827 : vector<16xi32>
    %jit3A_1829 = arith.constant 0 : i32
    %broadcast_in_dim3A_1830 = vector.broadcast %sub3A_151 : i32 to vector<16xi32>
    %broadcast_in_dim3A_1831 = vector.broadcast %jit3A_1829 : i32 to vector<16xi32>
    %select_n3A_1832 = arith.select %ge3A_1828, %broadcast_in_dim3A_1830, %broadcast_in_dim3A_1831 : vector<16xi1>, vector<16xi32>
    %add3A_1833 = arith.addi %add3A_1826, %select_n3A_1832 : vector<16xi32>
    %ge3A_1834 = vector.broadcast %reduce_max3A_99 : i32 to vector<16xi32>
    %ge3A_1835 = arith.cmpi sge, %add3A_1812, %ge3A_1834 : vector<16xi32>
    %jit3A_1836 = arith.constant 0 : i32
    %broadcast_in_dim3A_1837 = vector.broadcast %sub3A_154 : i32 to vector<16xi32>
    %broadcast_in_dim3A_1838 = vector.broadcast %jit3A_1836 : i32 to vector<16xi32>
    %select_n3A_1839 = arith.select %ge3A_1835, %broadcast_in_dim3A_1837, %broadcast_in_dim3A_1838 : vector<16xi1>, vector<16xi32>
    %add3A_1840 = arith.addi %add3A_1833, %select_n3A_1839 : vector<16xi32>
    %ge3A_1841 = vector.broadcast %reduce_max3A_113 : i32 to vector<16xi32>
    %ge3A_1842 = arith.cmpi sge, %add3A_1812, %ge3A_1841 : vector<16xi32>
    %jit3A_1843 = arith.constant 0 : i32
    %broadcast_in_dim3A_1844 = vector.broadcast %sub3A_157 : i32 to vector<16xi32>
    %broadcast_in_dim3A_1845 = vector.broadcast %jit3A_1843 : i32 to vector<16xi32>
    %select_n3A_1846 = arith.select %ge3A_1842, %broadcast_in_dim3A_1844, %broadcast_in_dim3A_1845 : vector<16xi1>, vector<16xi32>
    %add3A_1847 = arith.addi %add3A_1840, %select_n3A_1846 : vector<16xi32>
    %ge3A_1848 = vector.broadcast %reduce_max3A_127 : i32 to vector<16xi32>
    %ge3A_1849 = arith.cmpi sge, %add3A_1812, %ge3A_1848 : vector<16xi32>
    %jit3A_1850 = arith.constant 0 : i32
    %broadcast_in_dim3A_1851 = vector.broadcast %sub3A_160 : i32 to vector<16xi32>
    %broadcast_in_dim3A_1852 = vector.broadcast %jit3A_1850 : i32 to vector<16xi32>
    %select_n3A_1853 = arith.select %ge3A_1849, %broadcast_in_dim3A_1851, %broadcast_in_dim3A_1852 : vector<16xi1>, vector<16xi32>
    %add3A_1854 = arith.addi %add3A_1847, %select_n3A_1853 : vector<16xi32>
    %ge3A_1855 = vector.broadcast %reduce_max3A_141 : i32 to vector<16xi32>
    %ge3A_1856 = arith.cmpi sge, %add3A_1812, %ge3A_1855 : vector<16xi32>
    %jit3A_1857 = arith.constant 0 : i32
    %broadcast_in_dim3A_1858 = vector.broadcast %sub3A_163 : i32 to vector<16xi32>
    %broadcast_in_dim3A_1859 = vector.broadcast %jit3A_1857 : i32 to vector<16xi32>
    %select_n3A_1860 = arith.select %ge3A_1856, %broadcast_in_dim3A_1858, %broadcast_in_dim3A_1859 : vector<16xi1>, vector<16xi32>
    %add3A_1861 = arith.addi %add3A_1854, %select_n3A_1860 : vector<16xi32>
    %eq3A_1862 = vector.broadcast %add3A_30 : i32 to vector<16xi32>
    %eq3A_1863 = arith.cmpi eq, %add3A_1812, %eq3A_1862 : vector<16xi32>
    %sub3A_1864 = arith.constant 1 : i32
    %sub3A_1865 = arith.subi %reduce_max3A_43, %sub3A_1864 : i32
    %broadcast_in_dim3A_1866 = vector.broadcast %sub3A_1865 : i32 to vector<16xi32>
    %select_n3A_1867 = arith.select %eq3A_1863, %broadcast_in_dim3A_1866, %add3A_1861 : vector<16xi1>, vector<16xi32>
    %min3A_1868 = arith.constant 16383 : i32
    %min3A_1869 = vector.broadcast %min3A_1868 : i32 to vector<16xi32>
    %min3A_1870 = arith.minsi %select_n3A_1867, %min3A_1869 : vector<16xi32>
    %gather3A_1871 = tpu.vector_load_idx %arg12[%min3A_1870] : memref<16384xi32, #tpu.memory_space<vmem>>[vector<16xi32>], vector<16xi32>,
    %le3A_1872 = vector.broadcast %add3A_30 : i32 to vector<16xi32>
    %le3A_1873 = arith.cmpi sle, %add3A_1812, %le3A_1872 : vector<16xi32>
    %jit3A_1874 = arith.constant 1 : i32
    %broadcast_in_dim3A_1875 = vector.broadcast %jit3A_1874 : i32 to vector<16xi32>
    %select_n3A_1876 = arith.select %le3A_1873, %gather3A_1871, %broadcast_in_dim3A_1875 : vector<16xi1>, vector<16xi32>
    %swap3A_1877 = arith.constant 352 : index
    %swap3A_1878 = tpu.vector_load %arg24[%swap3A_1877] {strides = array<i32>} : memref<512xi32, #tpu.memory_space<vmem>>, vector<16xi32>,
    tpu.vector_store %arg24[%swap3A_1877], %select_n3A_1876 {strides = array<i32>} : memref<512xi32, #tpu.memory_space<vmem>>, vector<16xi32>,
    %add3A_1879 = arith.constant 368 : i32
    %add3A_1880 = arith.addi %mul3A_2, %add3A_1879 : i32
    %add3A_1881 = vector.broadcast %add3A_1880 : i32 to vector<16xi32>
    %add3A_1882 = arith.addi %add3A_1881, %iota3A : vector<16xi32>
    %ge3A_1883 = vector.broadcast %reduce_max3A_57 : i32 to vector<16xi32>
    %ge3A_1884 = arith.cmpi sge, %add3A_1882, %ge3A_1883 : vector<16xi32>
    %jit3A_1885 = arith.constant 0 : i32
    %broadcast_in_dim3A_1886 = vector.broadcast %sub3A_145 : i32 to vector<16xi32>
    %broadcast_in_dim3A_1887 = vector.broadcast %jit3A_1885 : i32 to vector<16xi32>
    %select_n3A_1888 = arith.select %ge3A_1884, %broadcast_in_dim3A_1886, %broadcast_in_dim3A_1887 : vector<16xi1>, vector<16xi32>
    %add3A_1889 = arith.addi %add3A_1882, %select_n3A_1888 : vector<16xi32>
    %ge3A_1890 = vector.broadcast %reduce_max3A_71 : i32 to vector<16xi32>
    %ge3A_1891 = arith.cmpi sge, %add3A_1882, %ge3A_1890 : vector<16xi32>
    %jit3A_1892 = arith.constant 0 : i32
    %broadcast_in_dim3A_1893 = vector.broadcast %sub3A_148 : i32 to vector<16xi32>
    %broadcast_in_dim3A_1894 = vector.broadcast %jit3A_1892 : i32 to vector<16xi32>
    %select_n3A_1895 = arith.select %ge3A_1891, %broadcast_in_dim3A_1893, %broadcast_in_dim3A_1894 : vector<16xi1>, vector<16xi32>
    %add3A_1896 = arith.addi %add3A_1889, %select_n3A_1895 : vector<16xi32>
    %ge3A_1897 = vector.broadcast %reduce_max3A_85 : i32 to vector<16xi32>
    %ge3A_1898 = arith.cmpi sge, %add3A_1882, %ge3A_1897 : vector<16xi32>
    %jit3A_1899 = arith.constant 0 : i32
    %broadcast_in_dim3A_1900 = vector.broadcast %sub3A_151 : i32 to vector<16xi32>
    %broadcast_in_dim3A_1901 = vector.broadcast %jit3A_1899 : i32 to vector<16xi32>
    %select_n3A_1902 = arith.select %ge3A_1898, %broadcast_in_dim3A_1900, %broadcast_in_dim3A_1901 : vector<16xi1>, vector<16xi32>
    %add3A_1903 = arith.addi %add3A_1896, %select_n3A_1902 : vector<16xi32>
    %ge3A_1904 = vector.broadcast %reduce_max3A_99 : i32 to vector<16xi32>
    %ge3A_1905 = arith.cmpi sge, %add3A_1882, %ge3A_1904 : vector<16xi32>
    %jit3A_1906 = arith.constant 0 : i32
    %broadcast_in_dim3A_1907 = vector.broadcast %sub3A_154 : i32 to vector<16xi32>
    %broadcast_in_dim3A_1908 = vector.broadcast %jit3A_1906 : i32 to vector<16xi32>
    %select_n3A_1909 = arith.select %ge3A_1905, %broadcast_in_dim3A_1907, %broadcast_in_dim3A_1908 : vector<16xi1>, vector<16xi32>
    %add3A_1910 = arith.addi %add3A_1903, %select_n3A_1909 : vector<16xi32>
    %ge3A_1911 = vector.broadcast %reduce_max3A_113 : i32 to vector<16xi32>
    %ge3A_1912 = arith.cmpi sge, %add3A_1882, %ge3A_1911 : vector<16xi32>
    %jit3A_1913 = arith.constant 0 : i32
    %broadcast_in_dim3A_1914 = vector.broadcast %sub3A_157 : i32 to vector<16xi32>
    %broadcast_in_dim3A_1915 = vector.broadcast %jit3A_1913 : i32 to vector<16xi32>
    %select_n3A_1916 = arith.select %ge3A_1912, %broadcast_in_dim3A_1914, %broadcast_in_dim3A_1915 : vector<16xi1>, vector<16xi32>
    %add3A_1917 = arith.addi %add3A_1910, %select_n3A_1916 : vector<16xi32>
    %ge3A_1918 = vector.broadcast %reduce_max3A_127 : i32 to vector<16xi32>
    %ge3A_1919 = arith.cmpi sge, %add3A_1882, %ge3A_1918 : vector<16xi32>
    %jit3A_1920 = arith.constant 0 : i32
    %broadcast_in_dim3A_1921 = vector.broadcast %sub3A_160 : i32 to vector<16xi32>
    %broadcast_in_dim3A_1922 = vector.broadcast %jit3A_1920 : i32 to vector<16xi32>
    %select_n3A_1923 = arith.select %ge3A_1919, %broadcast_in_dim3A_1921, %broadcast_in_dim3A_1922 : vector<16xi1>, vector<16xi32>
    %add3A_1924 = arith.addi %add3A_1917, %select_n3A_1923 : vector<16xi32>
    %ge3A_1925 = vector.broadcast %reduce_max3A_141 : i32 to vector<16xi32>
    %ge3A_1926 = arith.cmpi sge, %add3A_1882, %ge3A_1925 : vector<16xi32>
    %jit3A_1927 = arith.constant 0 : i32
    %broadcast_in_dim3A_1928 = vector.broadcast %sub3A_163 : i32 to vector<16xi32>
    %broadcast_in_dim3A_1929 = vector.broadcast %jit3A_1927 : i32 to vector<16xi32>
    %select_n3A_1930 = arith.select %ge3A_1926, %broadcast_in_dim3A_1928, %broadcast_in_dim3A_1929 : vector<16xi1>, vector<16xi32>
    %add3A_1931 = arith.addi %add3A_1924, %select_n3A_1930 : vector<16xi32>
    %eq3A_1932 = vector.broadcast %add3A_30 : i32 to vector<16xi32>
    %eq3A_1933 = arith.cmpi eq, %add3A_1882, %eq3A_1932 : vector<16xi32>
    %sub3A_1934 = arith.constant 1 : i32
    %sub3A_1935 = arith.subi %reduce_max3A_43, %sub3A_1934 : i32
    %broadcast_in_dim3A_1936 = vector.broadcast %sub3A_1935 : i32 to vector<16xi32>
    %select_n3A_1937 = arith.select %eq3A_1933, %broadcast_in_dim3A_1936, %add3A_1931 : vector<16xi1>, vector<16xi32>
    %min3A_1938 = arith.constant 16383 : i32
    %min3A_1939 = vector.broadcast %min3A_1938 : i32 to vector<16xi32>
    %min3A_1940 = arith.minsi %select_n3A_1937, %min3A_1939 : vector<16xi32>
    %gather3A_1941 = tpu.vector_load_idx %arg12[%min3A_1940] : memref<16384xi32, #tpu.memory_space<vmem>>[vector<16xi32>], vector<16xi32>,
    %le3A_1942 = vector.broadcast %add3A_30 : i32 to vector<16xi32>
    %le3A_1943 = arith.cmpi sle, %add3A_1882, %le3A_1942 : vector<16xi32>
    %jit3A_1944 = arith.constant 1 : i32
    %broadcast_in_dim3A_1945 = vector.broadcast %jit3A_1944 : i32 to vector<16xi32>
    %select_n3A_1946 = arith.select %le3A_1943, %gather3A_1941, %broadcast_in_dim3A_1945 : vector<16xi1>, vector<16xi32>
    %swap3A_1947 = arith.constant 368 : index
    %swap3A_1948 = tpu.vector_load %arg24[%swap3A_1947] {strides = array<i32>} : memref<512xi32, #tpu.memory_space<vmem>>, vector<16xi32>,
    tpu.vector_store %arg24[%swap3A_1947], %select_n3A_1946 {strides = array<i32>} : memref<512xi32, #tpu.memory_space<vmem>>, vector<16xi32>,
    %add3A_1949 = arith.constant 384 : i32
    %add3A_1950 = arith.addi %mul3A_2, %add3A_1949 : i32
    %add3A_1951 = vector.broadcast %add3A_1950 : i32 to vector<16xi32>
    %add3A_1952 = arith.addi %add3A_1951, %iota3A : vector<16xi32>
    %ge3A_1953 = vector.broadcast %reduce_max3A_57 : i32 to vector<16xi32>
    %ge3A_1954 = arith.cmpi sge, %add3A_1952, %ge3A_1953 : vector<16xi32>
    %jit3A_1955 = arith.constant 0 : i32
    %broadcast_in_dim3A_1956 = vector.broadcast %sub3A_145 : i32 to vector<16xi32>
    %broadcast_in_dim3A_1957 = vector.broadcast %jit3A_1955 : i32 to vector<16xi32>
    %select_n3A_1958 = arith.select %ge3A_1954, %broadcast_in_dim3A_1956, %broadcast_in_dim3A_1957 : vector<16xi1>, vector<16xi32>
    %add3A_1959 = arith.addi %add3A_1952, %select_n3A_1958 : vector<16xi32>
    %ge3A_1960 = vector.broadcast %reduce_max3A_71 : i32 to vector<16xi32>
    %ge3A_1961 = arith.cmpi sge, %add3A_1952, %ge3A_1960 : vector<16xi32>
    %jit3A_1962 = arith.constant 0 : i32
    %broadcast_in_dim3A_1963 = vector.broadcast %sub3A_148 : i32 to vector<16xi32>
    %broadcast_in_dim3A_1964 = vector.broadcast %jit3A_1962 : i32 to vector<16xi32>
    %select_n3A_1965 = arith.select %ge3A_1961, %broadcast_in_dim3A_1963, %broadcast_in_dim3A_1964 : vector<16xi1>, vector<16xi32>
    %add3A_1966 = arith.addi %add3A_1959, %select_n3A_1965 : vector<16xi32>
    %ge3A_1967 = vector.broadcast %reduce_max3A_85 : i32 to vector<16xi32>
    %ge3A_1968 = arith.cmpi sge, %add3A_1952, %ge3A_1967 : vector<16xi32>
    %jit3A_1969 = arith.constant 0 : i32
    %broadcast_in_dim3A_1970 = vector.broadcast %sub3A_151 : i32 to vector<16xi32>
    %broadcast_in_dim3A_1971 = vector.broadcast %jit3A_1969 : i32 to vector<16xi32>
    %select_n3A_1972 = arith.select %ge3A_1968, %broadcast_in_dim3A_1970, %broadcast_in_dim3A_1971 : vector<16xi1>, vector<16xi32>
    %add3A_1973 = arith.addi %add3A_1966, %select_n3A_1972 : vector<16xi32>
    %ge3A_1974 = vector.broadcast %reduce_max3A_99 : i32 to vector<16xi32>
    %ge3A_1975 = arith.cmpi sge, %add3A_1952, %ge3A_1974 : vector<16xi32>
    %jit3A_1976 = arith.constant 0 : i32
    %broadcast_in_dim3A_1977 = vector.broadcast %sub3A_154 : i32 to vector<16xi32>
    %broadcast_in_dim3A_1978 = vector.broadcast %jit3A_1976 : i32 to vector<16xi32>
    %select_n3A_1979 = arith.select %ge3A_1975, %broadcast_in_dim3A_1977, %broadcast_in_dim3A_1978 : vector<16xi1>, vector<16xi32>
    %add3A_1980 = arith.addi %add3A_1973, %select_n3A_1979 : vector<16xi32>
    %ge3A_1981 = vector.broadcast %reduce_max3A_113 : i32 to vector<16xi32>
    %ge3A_1982 = arith.cmpi sge, %add3A_1952, %ge3A_1981 : vector<16xi32>
    %jit3A_1983 = arith.constant 0 : i32
    %broadcast_in_dim3A_1984 = vector.broadcast %sub3A_157 : i32 to vector<16xi32>
    %broadcast_in_dim3A_1985 = vector.broadcast %jit3A_1983 : i32 to vector<16xi32>
    %select_n3A_1986 = arith.select %ge3A_1982, %broadcast_in_dim3A_1984, %broadcast_in_dim3A_1985 : vector<16xi1>, vector<16xi32>
    %add3A_1987 = arith.addi %add3A_1980, %select_n3A_1986 : vector<16xi32>
    %ge3A_1988 = vector.broadcast %reduce_max3A_127 : i32 to vector<16xi32>
    %ge3A_1989 = arith.cmpi sge, %add3A_1952, %ge3A_1988 : vector<16xi32>
    %jit3A_1990 = arith.constant 0 : i32
    %broadcast_in_dim3A_1991 = vector.broadcast %sub3A_160 : i32 to vector<16xi32>
    %broadcast_in_dim3A_1992 = vector.broadcast %jit3A_1990 : i32 to vector<16xi32>
    %select_n3A_1993 = arith.select %ge3A_1989, %broadcast_in_dim3A_1991, %broadcast_in_dim3A_1992 : vector<16xi1>, vector<16xi32>
    %add3A_1994 = arith.addi %add3A_1987, %select_n3A_1993 : vector<16xi32>
    %ge3A_1995 = vector.broadcast %reduce_max3A_141 : i32 to vector<16xi32>
    %ge3A_1996 = arith.cmpi sge, %add3A_1952, %ge3A_1995 : vector<16xi32>
    %jit3A_1997 = arith.constant 0 : i32
    %broadcast_in_dim3A_1998 = vector.broadcast %sub3A_163 : i32 to vector<16xi32>
    %broadcast_in_dim3A_1999 = vector.broadcast %jit3A_1997 : i32 to vector<16xi32>
    %select_n3A_2000 = arith.select %ge3A_1996, %broadcast_in_dim3A_1998, %broadcast_in_dim3A_1999 : vector<16xi1>, vector<16xi32>
    %add3A_2001 = arith.addi %add3A_1994, %select_n3A_2000 : vector<16xi32>
    %eq3A_2002 = vector.broadcast %add3A_30 : i32 to vector<16xi32>
    %eq3A_2003 = arith.cmpi eq, %add3A_1952, %eq3A_2002 : vector<16xi32>
    %sub3A_2004 = arith.constant 1 : i32
    %sub3A_2005 = arith.subi %reduce_max3A_43, %sub3A_2004 : i32
    %broadcast_in_dim3A_2006 = vector.broadcast %sub3A_2005 : i32 to vector<16xi32>
    %select_n3A_2007 = arith.select %eq3A_2003, %broadcast_in_dim3A_2006, %add3A_2001 : vector<16xi1>, vector<16xi32>
    %min3A_2008 = arith.constant 16383 : i32
    %min3A_2009 = vector.broadcast %min3A_2008 : i32 to vector<16xi32>
    %min3A_2010 = arith.minsi %select_n3A_2007, %min3A_2009 : vector<16xi32>
    %gather3A_2011 = tpu.vector_load_idx %arg12[%min3A_2010] : memref<16384xi32, #tpu.memory_space<vmem>>[vector<16xi32>], vector<16xi32>,
    %le3A_2012 = vector.broadcast %add3A_30 : i32 to vector<16xi32>
    %le3A_2013 = arith.cmpi sle, %add3A_1952, %le3A_2012 : vector<16xi32>
    %jit3A_2014 = arith.constant 1 : i32
    %broadcast_in_dim3A_2015 = vector.broadcast %jit3A_2014 : i32 to vector<16xi32>
    %select_n3A_2016 = arith.select %le3A_2013, %gather3A_2011, %broadcast_in_dim3A_2015 : vector<16xi1>, vector<16xi32>
    %swap3A_2017 = arith.constant 384 : index
    %swap3A_2018 = tpu.vector_load %arg24[%swap3A_2017] {strides = array<i32>} : memref<512xi32, #tpu.memory_space<vmem>>, vector<16xi32>,
    tpu.vector_store %arg24[%swap3A_2017], %select_n3A_2016 {strides = array<i32>} : memref<512xi32, #tpu.memory_space<vmem>>, vector<16xi32>,
    %add3A_2019 = arith.constant 400 : i32
    %add3A_2020 = arith.addi %mul3A_2, %add3A_2019 : i32
    %add3A_2021 = vector.broadcast %add3A_2020 : i32 to vector<16xi32>
    %add3A_2022 = arith.addi %add3A_2021, %iota3A : vector<16xi32>
    %ge3A_2023 = vector.broadcast %reduce_max3A_57 : i32 to vector<16xi32>
    %ge3A_2024 = arith.cmpi sge, %add3A_2022, %ge3A_2023 : vector<16xi32>
    %jit3A_2025 = arith.constant 0 : i32
    %broadcast_in_dim3A_2026 = vector.broadcast %sub3A_145 : i32 to vector<16xi32>
    %broadcast_in_dim3A_2027 = vector.broadcast %jit3A_2025 : i32 to vector<16xi32>
    %select_n3A_2028 = arith.select %ge3A_2024, %broadcast_in_dim3A_2026, %broadcast_in_dim3A_2027 : vector<16xi1>, vector<16xi32>
    %add3A_2029 = arith.addi %add3A_2022, %select_n3A_2028 : vector<16xi32>
    %ge3A_2030 = vector.broadcast %reduce_max3A_71 : i32 to vector<16xi32>
    %ge3A_2031 = arith.cmpi sge, %add3A_2022, %ge3A_2030 : vector<16xi32>
    %jit3A_2032 = arith.constant 0 : i32
    %broadcast_in_dim3A_2033 = vector.broadcast %sub3A_148 : i32 to vector<16xi32>
    %broadcast_in_dim3A_2034 = vector.broadcast %jit3A_2032 : i32 to vector<16xi32>
    %select_n3A_2035 = arith.select %ge3A_2031, %broadcast_in_dim3A_2033, %broadcast_in_dim3A_2034 : vector<16xi1>, vector<16xi32>
    %add3A_2036 = arith.addi %add3A_2029, %select_n3A_2035 : vector<16xi32>
    %ge3A_2037 = vector.broadcast %reduce_max3A_85 : i32 to vector<16xi32>
    %ge3A_2038 = arith.cmpi sge, %add3A_2022, %ge3A_2037 : vector<16xi32>
    %jit3A_2039 = arith.constant 0 : i32
    %broadcast_in_dim3A_2040 = vector.broadcast %sub3A_151 : i32 to vector<16xi32>
    %broadcast_in_dim3A_2041 = vector.broadcast %jit3A_2039 : i32 to vector<16xi32>
    %select_n3A_2042 = arith.select %ge3A_2038, %broadcast_in_dim3A_2040, %broadcast_in_dim3A_2041 : vector<16xi1>, vector<16xi32>
    %add3A_2043 = arith.addi %add3A_2036, %select_n3A_2042 : vector<16xi32>
    %ge3A_2044 = vector.broadcast %reduce_max3A_99 : i32 to vector<16xi32>
    %ge3A_2045 = arith.cmpi sge, %add3A_2022, %ge3A_2044 : vector<16xi32>
    %jit3A_2046 = arith.constant 0 : i32
    %broadcast_in_dim3A_2047 = vector.broadcast %sub3A_154 : i32 to vector<16xi32>
    %broadcast_in_dim3A_2048 = vector.broadcast %jit3A_2046 : i32 to vector<16xi32>
    %select_n3A_2049 = arith.select %ge3A_2045, %broadcast_in_dim3A_2047, %broadcast_in_dim3A_2048 : vector<16xi1>, vector<16xi32>
    %add3A_2050 = arith.addi %add3A_2043, %select_n3A_2049 : vector<16xi32>
    %ge3A_2051 = vector.broadcast %reduce_max3A_113 : i32 to vector<16xi32>
    %ge3A_2052 = arith.cmpi sge, %add3A_2022, %ge3A_2051 : vector<16xi32>
    %jit3A_2053 = arith.constant 0 : i32
    %broadcast_in_dim3A_2054 = vector.broadcast %sub3A_157 : i32 to vector<16xi32>
    %broadcast_in_dim3A_2055 = vector.broadcast %jit3A_2053 : i32 to vector<16xi32>
    %select_n3A_2056 = arith.select %ge3A_2052, %broadcast_in_dim3A_2054, %broadcast_in_dim3A_2055 : vector<16xi1>, vector<16xi32>
    %add3A_2057 = arith.addi %add3A_2050, %select_n3A_2056 : vector<16xi32>
    %ge3A_2058 = vector.broadcast %reduce_max3A_127 : i32 to vector<16xi32>
    %ge3A_2059 = arith.cmpi sge, %add3A_2022, %ge3A_2058 : vector<16xi32>
    %jit3A_2060 = arith.constant 0 : i32
    %broadcast_in_dim3A_2061 = vector.broadcast %sub3A_160 : i32 to vector<16xi32>
    %broadcast_in_dim3A_2062 = vector.broadcast %jit3A_2060 : i32 to vector<16xi32>
    %select_n3A_2063 = arith.select %ge3A_2059, %broadcast_in_dim3A_2061, %broadcast_in_dim3A_2062 : vector<16xi1>, vector<16xi32>
    %add3A_2064 = arith.addi %add3A_2057, %select_n3A_2063 : vector<16xi32>
    %ge3A_2065 = vector.broadcast %reduce_max3A_141 : i32 to vector<16xi32>
    %ge3A_2066 = arith.cmpi sge, %add3A_2022, %ge3A_2065 : vector<16xi32>
    %jit3A_2067 = arith.constant 0 : i32
    %broadcast_in_dim3A_2068 = vector.broadcast %sub3A_163 : i32 to vector<16xi32>
    %broadcast_in_dim3A_2069 = vector.broadcast %jit3A_2067 : i32 to vector<16xi32>
    %select_n3A_2070 = arith.select %ge3A_2066, %broadcast_in_dim3A_2068, %broadcast_in_dim3A_2069 : vector<16xi1>, vector<16xi32>
    %add3A_2071 = arith.addi %add3A_2064, %select_n3A_2070 : vector<16xi32>
    %eq3A_2072 = vector.broadcast %add3A_30 : i32 to vector<16xi32>
    %eq3A_2073 = arith.cmpi eq, %add3A_2022, %eq3A_2072 : vector<16xi32>
    %sub3A_2074 = arith.constant 1 : i32
    %sub3A_2075 = arith.subi %reduce_max3A_43, %sub3A_2074 : i32
    %broadcast_in_dim3A_2076 = vector.broadcast %sub3A_2075 : i32 to vector<16xi32>
    %select_n3A_2077 = arith.select %eq3A_2073, %broadcast_in_dim3A_2076, %add3A_2071 : vector<16xi1>, vector<16xi32>
    %min3A_2078 = arith.constant 16383 : i32
    %min3A_2079 = vector.broadcast %min3A_2078 : i32 to vector<16xi32>
    %min3A_2080 = arith.minsi %select_n3A_2077, %min3A_2079 : vector<16xi32>
    %gather3A_2081 = tpu.vector_load_idx %arg12[%min3A_2080] : memref<16384xi32, #tpu.memory_space<vmem>>[vector<16xi32>], vector<16xi32>,
    %le3A_2082 = vector.broadcast %add3A_30 : i32 to vector<16xi32>
    %le3A_2083 = arith.cmpi sle, %add3A_2022, %le3A_2082 : vector<16xi32>
    %jit3A_2084 = arith.constant 1 : i32
    %broadcast_in_dim3A_2085 = vector.broadcast %jit3A_2084 : i32 to vector<16xi32>
    %select_n3A_2086 = arith.select %le3A_2083, %gather3A_2081, %broadcast_in_dim3A_2085 : vector<16xi1>, vector<16xi32>
    %swap3A_2087 = arith.constant 400 : index
    %swap3A_2088 = tpu.vector_load %arg24[%swap3A_2087] {strides = array<i32>} : memref<512xi32, #tpu.memory_space<vmem>>, vector<16xi32>,
    tpu.vector_store %arg24[%swap3A_2087], %select_n3A_2086 {strides = array<i32>} : memref<512xi32, #tpu.memory_space<vmem>>, vector<16xi32>,
    %add3A_2089 = arith.constant 416 : i32
    %add3A_2090 = arith.addi %mul3A_2, %add3A_2089 : i32
    %add3A_2091 = vector.broadcast %add3A_2090 : i32 to vector<16xi32>
    %add3A_2092 = arith.addi %add3A_2091, %iota3A : vector<16xi32>
    %ge3A_2093 = vector.broadcast %reduce_max3A_57 : i32 to vector<16xi32>
    %ge3A_2094 = arith.cmpi sge, %add3A_2092, %ge3A_2093 : vector<16xi32>
    %jit3A_2095 = arith.constant 0 : i32
    %broadcast_in_dim3A_2096 = vector.broadcast %sub3A_145 : i32 to vector<16xi32>
    %broadcast_in_dim3A_2097 = vector.broadcast %jit3A_2095 : i32 to vector<16xi32>
    %select_n3A_2098 = arith.select %ge3A_2094, %broadcast_in_dim3A_2096, %broadcast_in_dim3A_2097 : vector<16xi1>, vector<16xi32>
    %add3A_2099 = arith.addi %add3A_2092, %select_n3A_2098 : vector<16xi32>
    %ge3A_2100 = vector.broadcast %reduce_max3A_71 : i32 to vector<16xi32>
    %ge3A_2101 = arith.cmpi sge, %add3A_2092, %ge3A_2100 : vector<16xi32>
    %jit3A_2102 = arith.constant 0 : i32
    %broadcast_in_dim3A_2103 = vector.broadcast %sub3A_148 : i32 to vector<16xi32>
    %broadcast_in_dim3A_2104 = vector.broadcast %jit3A_2102 : i32 to vector<16xi32>
    %select_n3A_2105 = arith.select %ge3A_2101, %broadcast_in_dim3A_2103, %broadcast_in_dim3A_2104 : vector<16xi1>, vector<16xi32>
    %add3A_2106 = arith.addi %add3A_2099, %select_n3A_2105 : vector<16xi32>
    %ge3A_2107 = vector.broadcast %reduce_max3A_85 : i32 to vector<16xi32>
    %ge3A_2108 = arith.cmpi sge, %add3A_2092, %ge3A_2107 : vector<16xi32>
    %jit3A_2109 = arith.constant 0 : i32
    %broadcast_in_dim3A_2110 = vector.broadcast %sub3A_151 : i32 to vector<16xi32>
    %broadcast_in_dim3A_2111 = vector.broadcast %jit3A_2109 : i32 to vector<16xi32>
    %select_n3A_2112 = arith.select %ge3A_2108, %broadcast_in_dim3A_2110, %broadcast_in_dim3A_2111 : vector<16xi1>, vector<16xi32>
    %add3A_2113 = arith.addi %add3A_2106, %select_n3A_2112 : vector<16xi32>
    %ge3A_2114 = vector.broadcast %reduce_max3A_99 : i32 to vector<16xi32>
    %ge3A_2115 = arith.cmpi sge, %add3A_2092, %ge3A_2114 : vector<16xi32>
    %jit3A_2116 = arith.constant 0 : i32
    %broadcast_in_dim3A_2117 = vector.broadcast %sub3A_154 : i32 to vector<16xi32>
    %broadcast_in_dim3A_2118 = vector.broadcast %jit3A_2116 : i32 to vector<16xi32>
    %select_n3A_2119 = arith.select %ge3A_2115, %broadcast_in_dim3A_2117, %broadcast_in_dim3A_2118 : vector<16xi1>, vector<16xi32>
    %add3A_2120 = arith.addi %add3A_2113, %select_n3A_2119 : vector<16xi32>
    %ge3A_2121 = vector.broadcast %reduce_max3A_113 : i32 to vector<16xi32>
    %ge3A_2122 = arith.cmpi sge, %add3A_2092, %ge3A_2121 : vector<16xi32>
    %jit3A_2123 = arith.constant 0 : i32
    %broadcast_in_dim3A_2124 = vector.broadcast %sub3A_157 : i32 to vector<16xi32>
    %broadcast_in_dim3A_2125 = vector.broadcast %jit3A_2123 : i32 to vector<16xi32>
    %select_n3A_2126 = arith.select %ge3A_2122, %broadcast_in_dim3A_2124, %broadcast_in_dim3A_2125 : vector<16xi1>, vector<16xi32>
    %add3A_2127 = arith.addi %add3A_2120, %select_n3A_2126 : vector<16xi32>
    %ge3A_2128 = vector.broadcast %reduce_max3A_127 : i32 to vector<16xi32>
    %ge3A_2129 = arith.cmpi sge, %add3A_2092, %ge3A_2128 : vector<16xi32>
    %jit3A_2130 = arith.constant 0 : i32
    %broadcast_in_dim3A_2131 = vector.broadcast %sub3A_160 : i32 to vector<16xi32>
    %broadcast_in_dim3A_2132 = vector.broadcast %jit3A_2130 : i32 to vector<16xi32>
    %select_n3A_2133 = arith.select %ge3A_2129, %broadcast_in_dim3A_2131, %broadcast_in_dim3A_2132 : vector<16xi1>, vector<16xi32>
    %add3A_2134 = arith.addi %add3A_2127, %select_n3A_2133 : vector<16xi32>
    %ge3A_2135 = vector.broadcast %reduce_max3A_141 : i32 to vector<16xi32>
    %ge3A_2136 = arith.cmpi sge, %add3A_2092, %ge3A_2135 : vector<16xi32>
    %jit3A_2137 = arith.constant 0 : i32
    %broadcast_in_dim3A_2138 = vector.broadcast %sub3A_163 : i32 to vector<16xi32>
    %broadcast_in_dim3A_2139 = vector.broadcast %jit3A_2137 : i32 to vector<16xi32>
    %select_n3A_2140 = arith.select %ge3A_2136, %broadcast_in_dim3A_2138, %broadcast_in_dim3A_2139 : vector<16xi1>, vector<16xi32>
    %add3A_2141 = arith.addi %add3A_2134, %select_n3A_2140 : vector<16xi32>
    %eq3A_2142 = vector.broadcast %add3A_30 : i32 to vector<16xi32>
    %eq3A_2143 = arith.cmpi eq, %add3A_2092, %eq3A_2142 : vector<16xi32>
    %sub3A_2144 = arith.constant 1 : i32
    %sub3A_2145 = arith.subi %reduce_max3A_43, %sub3A_2144 : i32
    %broadcast_in_dim3A_2146 = vector.broadcast %sub3A_2145 : i32 to vector<16xi32>
    %select_n3A_2147 = arith.select %eq3A_2143, %broadcast_in_dim3A_2146, %add3A_2141 : vector<16xi1>, vector<16xi32>
    %min3A_2148 = arith.constant 16383 : i32
    %min3A_2149 = vector.broadcast %min3A_2148 : i32 to vector<16xi32>
    %min3A_2150 = arith.minsi %select_n3A_2147, %min3A_2149 : vector<16xi32>
    %gather3A_2151 = tpu.vector_load_idx %arg12[%min3A_2150] : memref<16384xi32, #tpu.memory_space<vmem>>[vector<16xi32>], vector<16xi32>,
    %le3A_2152 = vector.broadcast %add3A_30 : i32 to vector<16xi32>
    %le3A_2153 = arith.cmpi sle, %add3A_2092, %le3A_2152 : vector<16xi32>
    %jit3A_2154 = arith.constant 1 : i32
    %broadcast_in_dim3A_2155 = vector.broadcast %jit3A_2154 : i32 to vector<16xi32>
    %select_n3A_2156 = arith.select %le3A_2153, %gather3A_2151, %broadcast_in_dim3A_2155 : vector<16xi1>, vector<16xi32>
    %swap3A_2157 = arith.constant 416 : index
    %swap3A_2158 = tpu.vector_load %arg24[%swap3A_2157] {strides = array<i32>} : memref<512xi32, #tpu.memory_space<vmem>>, vector<16xi32>,
    tpu.vector_store %arg24[%swap3A_2157], %select_n3A_2156 {strides = array<i32>} : memref<512xi32, #tpu.memory_space<vmem>>, vector<16xi32>,
    %add3A_2159 = arith.constant 432 : i32
    %add3A_2160 = arith.addi %mul3A_2, %add3A_2159 : i32
    %add3A_2161 = vector.broadcast %add3A_2160 : i32 to vector<16xi32>
    %add3A_2162 = arith.addi %add3A_2161, %iota3A : vector<16xi32>
    %ge3A_2163 = vector.broadcast %reduce_max3A_57 : i32 to vector<16xi32>
    %ge3A_2164 = arith.cmpi sge, %add3A_2162, %ge3A_2163 : vector<16xi32>
    %jit3A_2165 = arith.constant 0 : i32
    %broadcast_in_dim3A_2166 = vector.broadcast %sub3A_145 : i32 to vector<16xi32>
    %broadcast_in_dim3A_2167 = vector.broadcast %jit3A_2165 : i32 to vector<16xi32>
    %select_n3A_2168 = arith.select %ge3A_2164, %broadcast_in_dim3A_2166, %broadcast_in_dim3A_2167 : vector<16xi1>, vector<16xi32>
    %add3A_2169 = arith.addi %add3A_2162, %select_n3A_2168 : vector<16xi32>
    %ge3A_2170 = vector.broadcast %reduce_max3A_71 : i32 to vector<16xi32>
    %ge3A_2171 = arith.cmpi sge, %add3A_2162, %ge3A_2170 : vector<16xi32>
    %jit3A_2172 = arith.constant 0 : i32
    %broadcast_in_dim3A_2173 = vector.broadcast %sub3A_148 : i32 to vector<16xi32>
    %broadcast_in_dim3A_2174 = vector.broadcast %jit3A_2172 : i32 to vector<16xi32>
    %select_n3A_2175 = arith.select %ge3A_2171, %broadcast_in_dim3A_2173, %broadcast_in_dim3A_2174 : vector<16xi1>, vector<16xi32>
    %add3A_2176 = arith.addi %add3A_2169, %select_n3A_2175 : vector<16xi32>
    %ge3A_2177 = vector.broadcast %reduce_max3A_85 : i32 to vector<16xi32>
    %ge3A_2178 = arith.cmpi sge, %add3A_2162, %ge3A_2177 : vector<16xi32>
    %jit3A_2179 = arith.constant 0 : i32
    %broadcast_in_dim3A_2180 = vector.broadcast %sub3A_151 : i32 to vector<16xi32>
    %broadcast_in_dim3A_2181 = vector.broadcast %jit3A_2179 : i32 to vector<16xi32>
    %select_n3A_2182 = arith.select %ge3A_2178, %broadcast_in_dim3A_2180, %broadcast_in_dim3A_2181 : vector<16xi1>, vector<16xi32>
    %add3A_2183 = arith.addi %add3A_2176, %select_n3A_2182 : vector<16xi32>
    %ge3A_2184 = vector.broadcast %reduce_max3A_99 : i32 to vector<16xi32>
    %ge3A_2185 = arith.cmpi sge, %add3A_2162, %ge3A_2184 : vector<16xi32>
    %jit3A_2186 = arith.constant 0 : i32
    %broadcast_in_dim3A_2187 = vector.broadcast %sub3A_154 : i32 to vector<16xi32>
    %broadcast_in_dim3A_2188 = vector.broadcast %jit3A_2186 : i32 to vector<16xi32>
    %select_n3A_2189 = arith.select %ge3A_2185, %broadcast_in_dim3A_2187, %broadcast_in_dim3A_2188 : vector<16xi1>, vector<16xi32>
    %add3A_2190 = arith.addi %add3A_2183, %select_n3A_2189 : vector<16xi32>
    %ge3A_2191 = vector.broadcast %reduce_max3A_113 : i32 to vector<16xi32>
    %ge3A_2192 = arith.cmpi sge, %add3A_2162, %ge3A_2191 : vector<16xi32>
    %jit3A_2193 = arith.constant 0 : i32
    %broadcast_in_dim3A_2194 = vector.broadcast %sub3A_157 : i32 to vector<16xi32>
    %broadcast_in_dim3A_2195 = vector.broadcast %jit3A_2193 : i32 to vector<16xi32>
    %select_n3A_2196 = arith.select %ge3A_2192, %broadcast_in_dim3A_2194, %broadcast_in_dim3A_2195 : vector<16xi1>, vector<16xi32>
    %add3A_2197 = arith.addi %add3A_2190, %select_n3A_2196 : vector<16xi32>
    %ge3A_2198 = vector.broadcast %reduce_max3A_127 : i32 to vector<16xi32>
    %ge3A_2199 = arith.cmpi sge, %add3A_2162, %ge3A_2198 : vector<16xi32>
    %jit3A_2200 = arith.constant 0 : i32
    %broadcast_in_dim3A_2201 = vector.broadcast %sub3A_160 : i32 to vector<16xi32>
    %broadcast_in_dim3A_2202 = vector.broadcast %jit3A_2200 : i32 to vector<16xi32>
    %select_n3A_2203 = arith.select %ge3A_2199, %broadcast_in_dim3A_2201, %broadcast_in_dim3A_2202 : vector<16xi1>, vector<16xi32>
    %add3A_2204 = arith.addi %add3A_2197, %select_n3A_2203 : vector<16xi32>
    %ge3A_2205 = vector.broadcast %reduce_max3A_141 : i32 to vector<16xi32>
    %ge3A_2206 = arith.cmpi sge, %add3A_2162, %ge3A_2205 : vector<16xi32>
    %jit3A_2207 = arith.constant 0 : i32
    %broadcast_in_dim3A_2208 = vector.broadcast %sub3A_163 : i32 to vector<16xi32>
    %broadcast_in_dim3A_2209 = vector.broadcast %jit3A_2207 : i32 to vector<16xi32>
    %select_n3A_2210 = arith.select %ge3A_2206, %broadcast_in_dim3A_2208, %broadcast_in_dim3A_2209 : vector<16xi1>, vector<16xi32>
    %add3A_2211 = arith.addi %add3A_2204, %select_n3A_2210 : vector<16xi32>
    %eq3A_2212 = vector.broadcast %add3A_30 : i32 to vector<16xi32>
    %eq3A_2213 = arith.cmpi eq, %add3A_2162, %eq3A_2212 : vector<16xi32>
    %sub3A_2214 = arith.constant 1 : i32
    %sub3A_2215 = arith.subi %reduce_max3A_43, %sub3A_2214 : i32
    %broadcast_in_dim3A_2216 = vector.broadcast %sub3A_2215 : i32 to vector<16xi32>
    %select_n3A_2217 = arith.select %eq3A_2213, %broadcast_in_dim3A_2216, %add3A_2211 : vector<16xi1>, vector<16xi32>
    %min3A_2218 = arith.constant 16383 : i32
    %min3A_2219 = vector.broadcast %min3A_2218 : i32 to vector<16xi32>
    %min3A_2220 = arith.minsi %select_n3A_2217, %min3A_2219 : vector<16xi32>
    %gather3A_2221 = tpu.vector_load_idx %arg12[%min3A_2220] : memref<16384xi32, #tpu.memory_space<vmem>>[vector<16xi32>], vector<16xi32>,
    %le3A_2222 = vector.broadcast %add3A_30 : i32 to vector<16xi32>
    %le3A_2223 = arith.cmpi sle, %add3A_2162, %le3A_2222 : vector<16xi32>
    %jit3A_2224 = arith.constant 1 : i32
    %broadcast_in_dim3A_2225 = vector.broadcast %jit3A_2224 : i32 to vector<16xi32>
    %select_n3A_2226 = arith.select %le3A_2223, %gather3A_2221, %broadcast_in_dim3A_2225 : vector<16xi1>, vector<16xi32>
    %swap3A_2227 = arith.constant 432 : index
    %swap3A_2228 = tpu.vector_load %arg24[%swap3A_2227] {strides = array<i32>} : memref<512xi32, #tpu.memory_space<vmem>>, vector<16xi32>,
    tpu.vector_store %arg24[%swap3A_2227], %select_n3A_2226 {strides = array<i32>} : memref<512xi32, #tpu.memory_space<vmem>>, vector<16xi32>,
    %add3A_2229 = arith.constant 448 : i32
    %add3A_2230 = arith.addi %mul3A_2, %add3A_2229 : i32
    %add3A_2231 = vector.broadcast %add3A_2230 : i32 to vector<16xi32>
    %add3A_2232 = arith.addi %add3A_2231, %iota3A : vector<16xi32>
    %ge3A_2233 = vector.broadcast %reduce_max3A_57 : i32 to vector<16xi32>
    %ge3A_2234 = arith.cmpi sge, %add3A_2232, %ge3A_2233 : vector<16xi32>
    %jit3A_2235 = arith.constant 0 : i32
    %broadcast_in_dim3A_2236 = vector.broadcast %sub3A_145 : i32 to vector<16xi32>
    %broadcast_in_dim3A_2237 = vector.broadcast %jit3A_2235 : i32 to vector<16xi32>
    %select_n3A_2238 = arith.select %ge3A_2234, %broadcast_in_dim3A_2236, %broadcast_in_dim3A_2237 : vector<16xi1>, vector<16xi32>
    %add3A_2239 = arith.addi %add3A_2232, %select_n3A_2238 : vector<16xi32>
    %ge3A_2240 = vector.broadcast %reduce_max3A_71 : i32 to vector<16xi32>
    %ge3A_2241 = arith.cmpi sge, %add3A_2232, %ge3A_2240 : vector<16xi32>
    %jit3A_2242 = arith.constant 0 : i32
    %broadcast_in_dim3A_2243 = vector.broadcast %sub3A_148 : i32 to vector<16xi32>
    %broadcast_in_dim3A_2244 = vector.broadcast %jit3A_2242 : i32 to vector<16xi32>
    %select_n3A_2245 = arith.select %ge3A_2241, %broadcast_in_dim3A_2243, %broadcast_in_dim3A_2244 : vector<16xi1>, vector<16xi32>
    %add3A_2246 = arith.addi %add3A_2239, %select_n3A_2245 : vector<16xi32>
    %ge3A_2247 = vector.broadcast %reduce_max3A_85 : i32 to vector<16xi32>
    %ge3A_2248 = arith.cmpi sge, %add3A_2232, %ge3A_2247 : vector<16xi32>
    %jit3A_2249 = arith.constant 0 : i32
    %broadcast_in_dim3A_2250 = vector.broadcast %sub3A_151 : i32 to vector<16xi32>
    %broadcast_in_dim3A_2251 = vector.broadcast %jit3A_2249 : i32 to vector<16xi32>
    %select_n3A_2252 = arith.select %ge3A_2248, %broadcast_in_dim3A_2250, %broadcast_in_dim3A_2251 : vector<16xi1>, vector<16xi32>
    %add3A_2253 = arith.addi %add3A_2246, %select_n3A_2252 : vector<16xi32>
    %ge3A_2254 = vector.broadcast %reduce_max3A_99 : i32 to vector<16xi32>
    %ge3A_2255 = arith.cmpi sge, %add3A_2232, %ge3A_2254 : vector<16xi32>
    %jit3A_2256 = arith.constant 0 : i32
    %broadcast_in_dim3A_2257 = vector.broadcast %sub3A_154 : i32 to vector<16xi32>
    %broadcast_in_dim3A_2258 = vector.broadcast %jit3A_2256 : i32 to vector<16xi32>
    %select_n3A_2259 = arith.select %ge3A_2255, %broadcast_in_dim3A_2257, %broadcast_in_dim3A_2258 : vector<16xi1>, vector<16xi32>
    %add3A_2260 = arith.addi %add3A_2253, %select_n3A_2259 : vector<16xi32>
    %ge3A_2261 = vector.broadcast %reduce_max3A_113 : i32 to vector<16xi32>
    %ge3A_2262 = arith.cmpi sge, %add3A_2232, %ge3A_2261 : vector<16xi32>
    %jit3A_2263 = arith.constant 0 : i32
    %broadcast_in_dim3A_2264 = vector.broadcast %sub3A_157 : i32 to vector<16xi32>
    %broadcast_in_dim3A_2265 = vector.broadcast %jit3A_2263 : i32 to vector<16xi32>
    %select_n3A_2266 = arith.select %ge3A_2262, %broadcast_in_dim3A_2264, %broadcast_in_dim3A_2265 : vector<16xi1>, vector<16xi32>
    %add3A_2267 = arith.addi %add3A_2260, %select_n3A_2266 : vector<16xi32>
    %ge3A_2268 = vector.broadcast %reduce_max3A_127 : i32 to vector<16xi32>
    %ge3A_2269 = arith.cmpi sge, %add3A_2232, %ge3A_2268 : vector<16xi32>
    %jit3A_2270 = arith.constant 0 : i32
    %broadcast_in_dim3A_2271 = vector.broadcast %sub3A_160 : i32 to vector<16xi32>
    %broadcast_in_dim3A_2272 = vector.broadcast %jit3A_2270 : i32 to vector<16xi32>
    %select_n3A_2273 = arith.select %ge3A_2269, %broadcast_in_dim3A_2271, %broadcast_in_dim3A_2272 : vector<16xi1>, vector<16xi32>
    %add3A_2274 = arith.addi %add3A_2267, %select_n3A_2273 : vector<16xi32>
    %ge3A_2275 = vector.broadcast %reduce_max3A_141 : i32 to vector<16xi32>
    %ge3A_2276 = arith.cmpi sge, %add3A_2232, %ge3A_2275 : vector<16xi32>
    %jit3A_2277 = arith.constant 0 : i32
    %broadcast_in_dim3A_2278 = vector.broadcast %sub3A_163 : i32 to vector<16xi32>
    %broadcast_in_dim3A_2279 = vector.broadcast %jit3A_2277 : i32 to vector<16xi32>
    %select_n3A_2280 = arith.select %ge3A_2276, %broadcast_in_dim3A_2278, %broadcast_in_dim3A_2279 : vector<16xi1>, vector<16xi32>
    %add3A_2281 = arith.addi %add3A_2274, %select_n3A_2280 : vector<16xi32>
    %eq3A_2282 = vector.broadcast %add3A_30 : i32 to vector<16xi32>
    %eq3A_2283 = arith.cmpi eq, %add3A_2232, %eq3A_2282 : vector<16xi32>
    %sub3A_2284 = arith.constant 1 : i32
    %sub3A_2285 = arith.subi %reduce_max3A_43, %sub3A_2284 : i32
    %broadcast_in_dim3A_2286 = vector.broadcast %sub3A_2285 : i32 to vector<16xi32>
    %select_n3A_2287 = arith.select %eq3A_2283, %broadcast_in_dim3A_2286, %add3A_2281 : vector<16xi1>, vector<16xi32>
    %min3A_2288 = arith.constant 16383 : i32
    %min3A_2289 = vector.broadcast %min3A_2288 : i32 to vector<16xi32>
    %min3A_2290 = arith.minsi %select_n3A_2287, %min3A_2289 : vector<16xi32>
    %gather3A_2291 = tpu.vector_load_idx %arg12[%min3A_2290] : memref<16384xi32, #tpu.memory_space<vmem>>[vector<16xi32>], vector<16xi32>,
    %le3A_2292 = vector.broadcast %add3A_30 : i32 to vector<16xi32>
    %le3A_2293 = arith.cmpi sle, %add3A_2232, %le3A_2292 : vector<16xi32>
    %jit3A_2294 = arith.constant 1 : i32
    %broadcast_in_dim3A_2295 = vector.broadcast %jit3A_2294 : i32 to vector<16xi32>
    %select_n3A_2296 = arith.select %le3A_2293, %gather3A_2291, %broadcast_in_dim3A_2295 : vector<16xi1>, vector<16xi32>
    %swap3A_2297 = arith.constant 448 : index
    %swap3A_2298 = tpu.vector_load %arg24[%swap3A_2297] {strides = array<i32>} : memref<512xi32, #tpu.memory_space<vmem>>, vector<16xi32>,
    tpu.vector_store %arg24[%swap3A_2297], %select_n3A_2296 {strides = array<i32>} : memref<512xi32, #tpu.memory_space<vmem>>, vector<16xi32>,
    %add3A_2299 = arith.constant 464 : i32
    %add3A_2300 = arith.addi %mul3A_2, %add3A_2299 : i32
    %add3A_2301 = vector.broadcast %add3A_2300 : i32 to vector<16xi32>
    %add3A_2302 = arith.addi %add3A_2301, %iota3A : vector<16xi32>
    %ge3A_2303 = vector.broadcast %reduce_max3A_57 : i32 to vector<16xi32>
    %ge3A_2304 = arith.cmpi sge, %add3A_2302, %ge3A_2303 : vector<16xi32>
    %jit3A_2305 = arith.constant 0 : i32
    %broadcast_in_dim3A_2306 = vector.broadcast %sub3A_145 : i32 to vector<16xi32>
    %broadcast_in_dim3A_2307 = vector.broadcast %jit3A_2305 : i32 to vector<16xi32>
    %select_n3A_2308 = arith.select %ge3A_2304, %broadcast_in_dim3A_2306, %broadcast_in_dim3A_2307 : vector<16xi1>, vector<16xi32>
    %add3A_2309 = arith.addi %add3A_2302, %select_n3A_2308 : vector<16xi32>
    %ge3A_2310 = vector.broadcast %reduce_max3A_71 : i32 to vector<16xi32>
    %ge3A_2311 = arith.cmpi sge, %add3A_2302, %ge3A_2310 : vector<16xi32>
    %jit3A_2312 = arith.constant 0 : i32
    %broadcast_in_dim3A_2313 = vector.broadcast %sub3A_148 : i32 to vector<16xi32>
    %broadcast_in_dim3A_2314 = vector.broadcast %jit3A_2312 : i32 to vector<16xi32>
    %select_n3A_2315 = arith.select %ge3A_2311, %broadcast_in_dim3A_2313, %broadcast_in_dim3A_2314 : vector<16xi1>, vector<16xi32>
    %add3A_2316 = arith.addi %add3A_2309, %select_n3A_2315 : vector<16xi32>
    %ge3A_2317 = vector.broadcast %reduce_max3A_85 : i32 to vector<16xi32>
    %ge3A_2318 = arith.cmpi sge, %add3A_2302, %ge3A_2317 : vector<16xi32>
    %jit3A_2319 = arith.constant 0 : i32
    %broadcast_in_dim3A_2320 = vector.broadcast %sub3A_151 : i32 to vector<16xi32>
    %broadcast_in_dim3A_2321 = vector.broadcast %jit3A_2319 : i32 to vector<16xi32>
    %select_n3A_2322 = arith.select %ge3A_2318, %broadcast_in_dim3A_2320, %broadcast_in_dim3A_2321 : vector<16xi1>, vector<16xi32>
    %add3A_2323 = arith.addi %add3A_2316, %select_n3A_2322 : vector<16xi32>
    %ge3A_2324 = vector.broadcast %reduce_max3A_99 : i32 to vector<16xi32>
    %ge3A_2325 = arith.cmpi sge, %add3A_2302, %ge3A_2324 : vector<16xi32>
    %jit3A_2326 = arith.constant 0 : i32
    %broadcast_in_dim3A_2327 = vector.broadcast %sub3A_154 : i32 to vector<16xi32>
    %broadcast_in_dim3A_2328 = vector.broadcast %jit3A_2326 : i32 to vector<16xi32>
    %select_n3A_2329 = arith.select %ge3A_2325, %broadcast_in_dim3A_2327, %broadcast_in_dim3A_2328 : vector<16xi1>, vector<16xi32>
    %add3A_2330 = arith.addi %add3A_2323, %select_n3A_2329 : vector<16xi32>
    %ge3A_2331 = vector.broadcast %reduce_max3A_113 : i32 to vector<16xi32>
    %ge3A_2332 = arith.cmpi sge, %add3A_2302, %ge3A_2331 : vector<16xi32>
    %jit3A_2333 = arith.constant 0 : i32
    %broadcast_in_dim3A_2334 = vector.broadcast %sub3A_157 : i32 to vector<16xi32>
    %broadcast_in_dim3A_2335 = vector.broadcast %jit3A_2333 : i32 to vector<16xi32>
    %select_n3A_2336 = arith.select %ge3A_2332, %broadcast_in_dim3A_2334, %broadcast_in_dim3A_2335 : vector<16xi1>, vector<16xi32>
    %add3A_2337 = arith.addi %add3A_2330, %select_n3A_2336 : vector<16xi32>
    %ge3A_2338 = vector.broadcast %reduce_max3A_127 : i32 to vector<16xi32>
    %ge3A_2339 = arith.cmpi sge, %add3A_2302, %ge3A_2338 : vector<16xi32>
    %jit3A_2340 = arith.constant 0 : i32
    %broadcast_in_dim3A_2341 = vector.broadcast %sub3A_160 : i32 to vector<16xi32>
    %broadcast_in_dim3A_2342 = vector.broadcast %jit3A_2340 : i32 to vector<16xi32>
    %select_n3A_2343 = arith.select %ge3A_2339, %broadcast_in_dim3A_2341, %broadcast_in_dim3A_2342 : vector<16xi1>, vector<16xi32>
    %add3A_2344 = arith.addi %add3A_2337, %select_n3A_2343 : vector<16xi32>
    %ge3A_2345 = vector.broadcast %reduce_max3A_141 : i32 to vector<16xi32>
    %ge3A_2346 = arith.cmpi sge, %add3A_2302, %ge3A_2345 : vector<16xi32>
    %jit3A_2347 = arith.constant 0 : i32
    %broadcast_in_dim3A_2348 = vector.broadcast %sub3A_163 : i32 to vector<16xi32>
    %broadcast_in_dim3A_2349 = vector.broadcast %jit3A_2347 : i32 to vector<16xi32>
    %select_n3A_2350 = arith.select %ge3A_2346, %broadcast_in_dim3A_2348, %broadcast_in_dim3A_2349 : vector<16xi1>, vector<16xi32>
    %add3A_2351 = arith.addi %add3A_2344, %select_n3A_2350 : vector<16xi32>
    %eq3A_2352 = vector.broadcast %add3A_30 : i32 to vector<16xi32>
    %eq3A_2353 = arith.cmpi eq, %add3A_2302, %eq3A_2352 : vector<16xi32>
    %sub3A_2354 = arith.constant 1 : i32
    %sub3A_2355 = arith.subi %reduce_max3A_43, %sub3A_2354 : i32
    %broadcast_in_dim3A_2356 = vector.broadcast %sub3A_2355 : i32 to vector<16xi32>
    %select_n3A_2357 = arith.select %eq3A_2353, %broadcast_in_dim3A_2356, %add3A_2351 : vector<16xi1>, vector<16xi32>
    %min3A_2358 = arith.constant 16383 : i32
    %min3A_2359 = vector.broadcast %min3A_2358 : i32 to vector<16xi32>
    %min3A_2360 = arith.minsi %select_n3A_2357, %min3A_2359 : vector<16xi32>
    %gather3A_2361 = tpu.vector_load_idx %arg12[%min3A_2360] : memref<16384xi32, #tpu.memory_space<vmem>>[vector<16xi32>], vector<16xi32>,
    %le3A_2362 = vector.broadcast %add3A_30 : i32 to vector<16xi32>
    %le3A_2363 = arith.cmpi sle, %add3A_2302, %le3A_2362 : vector<16xi32>
    %jit3A_2364 = arith.constant 1 : i32
    %broadcast_in_dim3A_2365 = vector.broadcast %jit3A_2364 : i32 to vector<16xi32>
    %select_n3A_2366 = arith.select %le3A_2363, %gather3A_2361, %broadcast_in_dim3A_2365 : vector<16xi1>, vector<16xi32>
    %swap3A_2367 = arith.constant 464 : index
    %swap3A_2368 = tpu.vector_load %arg24[%swap3A_2367] {strides = array<i32>} : memref<512xi32, #tpu.memory_space<vmem>>, vector<16xi32>,
    tpu.vector_store %arg24[%swap3A_2367], %select_n3A_2366 {strides = array<i32>} : memref<512xi32, #tpu.memory_space<vmem>>, vector<16xi32>,
    %add3A_2369 = arith.constant 480 : i32
    %add3A_2370 = arith.addi %mul3A_2, %add3A_2369 : i32
    %add3A_2371 = vector.broadcast %add3A_2370 : i32 to vector<16xi32>
    %add3A_2372 = arith.addi %add3A_2371, %iota3A : vector<16xi32>
    %ge3A_2373 = vector.broadcast %reduce_max3A_57 : i32 to vector<16xi32>
    %ge3A_2374 = arith.cmpi sge, %add3A_2372, %ge3A_2373 : vector<16xi32>
    %jit3A_2375 = arith.constant 0 : i32
    %broadcast_in_dim3A_2376 = vector.broadcast %sub3A_145 : i32 to vector<16xi32>
    %broadcast_in_dim3A_2377 = vector.broadcast %jit3A_2375 : i32 to vector<16xi32>
    %select_n3A_2378 = arith.select %ge3A_2374, %broadcast_in_dim3A_2376, %broadcast_in_dim3A_2377 : vector<16xi1>, vector<16xi32>
    %add3A_2379 = arith.addi %add3A_2372, %select_n3A_2378 : vector<16xi32>
    %ge3A_2380 = vector.broadcast %reduce_max3A_71 : i32 to vector<16xi32>
    %ge3A_2381 = arith.cmpi sge, %add3A_2372, %ge3A_2380 : vector<16xi32>
    %jit3A_2382 = arith.constant 0 : i32
    %broadcast_in_dim3A_2383 = vector.broadcast %sub3A_148 : i32 to vector<16xi32>
    %broadcast_in_dim3A_2384 = vector.broadcast %jit3A_2382 : i32 to vector<16xi32>
    %select_n3A_2385 = arith.select %ge3A_2381, %broadcast_in_dim3A_2383, %broadcast_in_dim3A_2384 : vector<16xi1>, vector<16xi32>
    %add3A_2386 = arith.addi %add3A_2379, %select_n3A_2385 : vector<16xi32>
    %ge3A_2387 = vector.broadcast %reduce_max3A_85 : i32 to vector<16xi32>
    %ge3A_2388 = arith.cmpi sge, %add3A_2372, %ge3A_2387 : vector<16xi32>
    %jit3A_2389 = arith.constant 0 : i32
    %broadcast_in_dim3A_2390 = vector.broadcast %sub3A_151 : i32 to vector<16xi32>
    %broadcast_in_dim3A_2391 = vector.broadcast %jit3A_2389 : i32 to vector<16xi32>
    %select_n3A_2392 = arith.select %ge3A_2388, %broadcast_in_dim3A_2390, %broadcast_in_dim3A_2391 : vector<16xi1>, vector<16xi32>
    %add3A_2393 = arith.addi %add3A_2386, %select_n3A_2392 : vector<16xi32>
    %ge3A_2394 = vector.broadcast %reduce_max3A_99 : i32 to vector<16xi32>
    %ge3A_2395 = arith.cmpi sge, %add3A_2372, %ge3A_2394 : vector<16xi32>
    %jit3A_2396 = arith.constant 0 : i32
    %broadcast_in_dim3A_2397 = vector.broadcast %sub3A_154 : i32 to vector<16xi32>
    %broadcast_in_dim3A_2398 = vector.broadcast %jit3A_2396 : i32 to vector<16xi32>
    %select_n3A_2399 = arith.select %ge3A_2395, %broadcast_in_dim3A_2397, %broadcast_in_dim3A_2398 : vector<16xi1>, vector<16xi32>
    %add3A_2400 = arith.addi %add3A_2393, %select_n3A_2399 : vector<16xi32>
    %ge3A_2401 = vector.broadcast %reduce_max3A_113 : i32 to vector<16xi32>
    %ge3A_2402 = arith.cmpi sge, %add3A_2372, %ge3A_2401 : vector<16xi32>
    %jit3A_2403 = arith.constant 0 : i32
    %broadcast_in_dim3A_2404 = vector.broadcast %sub3A_157 : i32 to vector<16xi32>
    %broadcast_in_dim3A_2405 = vector.broadcast %jit3A_2403 : i32 to vector<16xi32>
    %select_n3A_2406 = arith.select %ge3A_2402, %broadcast_in_dim3A_2404, %broadcast_in_dim3A_2405 : vector<16xi1>, vector<16xi32>
    %add3A_2407 = arith.addi %add3A_2400, %select_n3A_2406 : vector<16xi32>
    %ge3A_2408 = vector.broadcast %reduce_max3A_127 : i32 to vector<16xi32>
    %ge3A_2409 = arith.cmpi sge, %add3A_2372, %ge3A_2408 : vector<16xi32>
    %jit3A_2410 = arith.constant 0 : i32
    %broadcast_in_dim3A_2411 = vector.broadcast %sub3A_160 : i32 to vector<16xi32>
    %broadcast_in_dim3A_2412 = vector.broadcast %jit3A_2410 : i32 to vector<16xi32>
    %select_n3A_2413 = arith.select %ge3A_2409, %broadcast_in_dim3A_2411, %broadcast_in_dim3A_2412 : vector<16xi1>, vector<16xi32>
    %add3A_2414 = arith.addi %add3A_2407, %select_n3A_2413 : vector<16xi32>
    %ge3A_2415 = vector.broadcast %reduce_max3A_141 : i32 to vector<16xi32>
    %ge3A_2416 = arith.cmpi sge, %add3A_2372, %ge3A_2415 : vector<16xi32>
    %jit3A_2417 = arith.constant 0 : i32
    %broadcast_in_dim3A_2418 = vector.broadcast %sub3A_163 : i32 to vector<16xi32>
    %broadcast_in_dim3A_2419 = vector.broadcast %jit3A_2417 : i32 to vector<16xi32>
    %select_n3A_2420 = arith.select %ge3A_2416, %broadcast_in_dim3A_2418, %broadcast_in_dim3A_2419 : vector<16xi1>, vector<16xi32>
    %add3A_2421 = arith.addi %add3A_2414, %select_n3A_2420 : vector<16xi32>
    %eq3A_2422 = vector.broadcast %add3A_30 : i32 to vector<16xi32>
    %eq3A_2423 = arith.cmpi eq, %add3A_2372, %eq3A_2422 : vector<16xi32>
    %sub3A_2424 = arith.constant 1 : i32
    %sub3A_2425 = arith.subi %reduce_max3A_43, %sub3A_2424 : i32
    %broadcast_in_dim3A_2426 = vector.broadcast %sub3A_2425 : i32 to vector<16xi32>
    %select_n3A_2427 = arith.select %eq3A_2423, %broadcast_in_dim3A_2426, %add3A_2421 : vector<16xi1>, vector<16xi32>
    %min3A_2428 = arith.constant 16383 : i32
    %min3A_2429 = vector.broadcast %min3A_2428 : i32 to vector<16xi32>
    %min3A_2430 = arith.minsi %select_n3A_2427, %min3A_2429 : vector<16xi32>
    %gather3A_2431 = tpu.vector_load_idx %arg12[%min3A_2430] : memref<16384xi32, #tpu.memory_space<vmem>>[vector<16xi32>], vector<16xi32>,
    %le3A_2432 = vector.broadcast %add3A_30 : i32 to vector<16xi32>
    %le3A_2433 = arith.cmpi sle, %add3A_2372, %le3A_2432 : vector<16xi32>
    %jit3A_2434 = arith.constant 1 : i32
    %broadcast_in_dim3A_2435 = vector.broadcast %jit3A_2434 : i32 to vector<16xi32>
    %select_n3A_2436 = arith.select %le3A_2433, %gather3A_2431, %broadcast_in_dim3A_2435 : vector<16xi1>, vector<16xi32>
    %swap3A_2437 = arith.constant 480 : index
    %swap3A_2438 = tpu.vector_load %arg24[%swap3A_2437] {strides = array<i32>} : memref<512xi32, #tpu.memory_space<vmem>>, vector<16xi32>,
    tpu.vector_store %arg24[%swap3A_2437], %select_n3A_2436 {strides = array<i32>} : memref<512xi32, #tpu.memory_space<vmem>>, vector<16xi32>,
    %add3A_2439 = arith.constant 496 : i32
    %add3A_2440 = arith.addi %mul3A_2, %add3A_2439 : i32
    %add3A_2441 = vector.broadcast %add3A_2440 : i32 to vector<16xi32>
    %add3A_2442 = arith.addi %add3A_2441, %iota3A : vector<16xi32>
    %ge3A_2443 = vector.broadcast %reduce_max3A_57 : i32 to vector<16xi32>
    %ge3A_2444 = arith.cmpi sge, %add3A_2442, %ge3A_2443 : vector<16xi32>
    %jit3A_2445 = arith.constant 0 : i32
    %broadcast_in_dim3A_2446 = vector.broadcast %sub3A_145 : i32 to vector<16xi32>
    %broadcast_in_dim3A_2447 = vector.broadcast %jit3A_2445 : i32 to vector<16xi32>
    %select_n3A_2448 = arith.select %ge3A_2444, %broadcast_in_dim3A_2446, %broadcast_in_dim3A_2447 : vector<16xi1>, vector<16xi32>
    %add3A_2449 = arith.addi %add3A_2442, %select_n3A_2448 : vector<16xi32>
    %ge3A_2450 = vector.broadcast %reduce_max3A_71 : i32 to vector<16xi32>
    %ge3A_2451 = arith.cmpi sge, %add3A_2442, %ge3A_2450 : vector<16xi32>
    %jit3A_2452 = arith.constant 0 : i32
    %broadcast_in_dim3A_2453 = vector.broadcast %sub3A_148 : i32 to vector<16xi32>
    %broadcast_in_dim3A_2454 = vector.broadcast %jit3A_2452 : i32 to vector<16xi32>
    %select_n3A_2455 = arith.select %ge3A_2451, %broadcast_in_dim3A_2453, %broadcast_in_dim3A_2454 : vector<16xi1>, vector<16xi32>
    %add3A_2456 = arith.addi %add3A_2449, %select_n3A_2455 : vector<16xi32>
    %ge3A_2457 = vector.broadcast %reduce_max3A_85 : i32 to vector<16xi32>
    %ge3A_2458 = arith.cmpi sge, %add3A_2442, %ge3A_2457 : vector<16xi32>
    %jit3A_2459 = arith.constant 0 : i32
    %broadcast_in_dim3A_2460 = vector.broadcast %sub3A_151 : i32 to vector<16xi32>
    %broadcast_in_dim3A_2461 = vector.broadcast %jit3A_2459 : i32 to vector<16xi32>
    %select_n3A_2462 = arith.select %ge3A_2458, %broadcast_in_dim3A_2460, %broadcast_in_dim3A_2461 : vector<16xi1>, vector<16xi32>
    %add3A_2463 = arith.addi %add3A_2456, %select_n3A_2462 : vector<16xi32>
    %ge3A_2464 = vector.broadcast %reduce_max3A_99 : i32 to vector<16xi32>
    %ge3A_2465 = arith.cmpi sge, %add3A_2442, %ge3A_2464 : vector<16xi32>
    %jit3A_2466 = arith.constant 0 : i32
    %broadcast_in_dim3A_2467 = vector.broadcast %sub3A_154 : i32 to vector<16xi32>
    %broadcast_in_dim3A_2468 = vector.broadcast %jit3A_2466 : i32 to vector<16xi32>
    %select_n3A_2469 = arith.select %ge3A_2465, %broadcast_in_dim3A_2467, %broadcast_in_dim3A_2468 : vector<16xi1>, vector<16xi32>
    %add3A_2470 = arith.addi %add3A_2463, %select_n3A_2469 : vector<16xi32>
    %ge3A_2471 = vector.broadcast %reduce_max3A_113 : i32 to vector<16xi32>
    %ge3A_2472 = arith.cmpi sge, %add3A_2442, %ge3A_2471 : vector<16xi32>
    %jit3A_2473 = arith.constant 0 : i32
    %broadcast_in_dim3A_2474 = vector.broadcast %sub3A_157 : i32 to vector<16xi32>
    %broadcast_in_dim3A_2475 = vector.broadcast %jit3A_2473 : i32 to vector<16xi32>
    %select_n3A_2476 = arith.select %ge3A_2472, %broadcast_in_dim3A_2474, %broadcast_in_dim3A_2475 : vector<16xi1>, vector<16xi32>
    %add3A_2477 = arith.addi %add3A_2470, %select_n3A_2476 : vector<16xi32>
    %ge3A_2478 = vector.broadcast %reduce_max3A_127 : i32 to vector<16xi32>
    %ge3A_2479 = arith.cmpi sge, %add3A_2442, %ge3A_2478 : vector<16xi32>
    %jit3A_2480 = arith.constant 0 : i32
    %broadcast_in_dim3A_2481 = vector.broadcast %sub3A_160 : i32 to vector<16xi32>
    %broadcast_in_dim3A_2482 = vector.broadcast %jit3A_2480 : i32 to vector<16xi32>
    %select_n3A_2483 = arith.select %ge3A_2479, %broadcast_in_dim3A_2481, %broadcast_in_dim3A_2482 : vector<16xi1>, vector<16xi32>
    %add3A_2484 = arith.addi %add3A_2477, %select_n3A_2483 : vector<16xi32>
    %ge3A_2485 = vector.broadcast %reduce_max3A_141 : i32 to vector<16xi32>
    %ge3A_2486 = arith.cmpi sge, %add3A_2442, %ge3A_2485 : vector<16xi32>
    %jit3A_2487 = arith.constant 0 : i32
    %broadcast_in_dim3A_2488 = vector.broadcast %sub3A_163 : i32 to vector<16xi32>
    %broadcast_in_dim3A_2489 = vector.broadcast %jit3A_2487 : i32 to vector<16xi32>
    %select_n3A_2490 = arith.select %ge3A_2486, %broadcast_in_dim3A_2488, %broadcast_in_dim3A_2489 : vector<16xi1>, vector<16xi32>
    %add3A_2491 = arith.addi %add3A_2484, %select_n3A_2490 : vector<16xi32>
    %eq3A_2492 = vector.broadcast %add3A_30 : i32 to vector<16xi32>
    %eq3A_2493 = arith.cmpi eq, %add3A_2442, %eq3A_2492 : vector<16xi32>
    %sub3A_2494 = arith.constant 1 : i32
    %sub3A_2495 = arith.subi %reduce_max3A_43, %sub3A_2494 : i32
    %broadcast_in_dim3A_2496 = vector.broadcast %sub3A_2495 : i32 to vector<16xi32>
    %select_n3A_2497 = arith.select %eq3A_2493, %broadcast_in_dim3A_2496, %add3A_2491 : vector<16xi1>, vector<16xi32>
    %min3A_2498 = arith.constant 16383 : i32
    %min3A_2499 = vector.broadcast %min3A_2498 : i32 to vector<16xi32>
    %min3A_2500 = arith.minsi %select_n3A_2497, %min3A_2499 : vector<16xi32>
    %gather3A_2501 = tpu.vector_load_idx %arg12[%min3A_2500] : memref<16384xi32, #tpu.memory_space<vmem>>[vector<16xi32>], vector<16xi32>,
    %le3A_2502 = vector.broadcast %add3A_30 : i32 to vector<16xi32>
    %le3A_2503 = arith.cmpi sle, %add3A_2442, %le3A_2502 : vector<16xi32>
    %jit3A_2504 = arith.constant 1 : i32
    %broadcast_in_dim3A_2505 = vector.broadcast %jit3A_2504 : i32 to vector<16xi32>
    %select_n3A_2506 = arith.select %le3A_2503, %gather3A_2501, %broadcast_in_dim3A_2505 : vector<16xi1>, vector<16xi32>
    %swap3A_2507 = arith.constant 496 : index
    %swap3A_2508 = tpu.vector_load %arg24[%swap3A_2507] {strides = array<i32>} : memref<512xi32, #tpu.memory_space<vmem>>, vector<16xi32>,
    tpu.vector_store %arg24[%swap3A_2507], %select_n3A_2506 {strides = array<i32>} : memref<512xi32, #tpu.memory_space<vmem>>, vector<16xi32>,
    "tpu.region"() ({
      %run_scoped3A = tpu.sem_alloc : memref<!tpu.dma_semaphore, #tpu.memory_space<semaphore_mem>>
      %dma_start3A_2915 = tpu.memref_slice %arg7[%mul3A_2] : memref<16384xi32, #tpu.memory_space<hbm>> -> memref<512xi32, #tpu.memory_space<hbm>>
      %dma_start3A_2916 = tpu.memref_slice %arg7[%mul3A_2] : memref<16384xi32, #tpu.memory_space<hbm>> -> memref<512xi32, #tpu.memory_space<hbm>>
      tpu.enqueue_dma source(%arg24 : memref<512xi32, #tpu.memory_space<vmem>>) target(%dma_start3A_2916 : memref<512xi32, #tpu.memory_space<hbm>>) target_semaphore(%run_scoped3A : memref<!tpu.dma_semaphore, #tpu.memory_space<semaphore_mem>>)
      %dma_wait3A_2917 = tpu.memref_slice %arg7[%mul3A_2] : memref<16384xi32, #tpu.memory_space<hbm>> -> memref<512xi32, #tpu.memory_space<hbm>>
      %dma_wait3A_2918 = tpu.memref_slice %arg7[%mul3A_2] : memref<16384xi32, #tpu.memory_space<hbm>> -> memref<512xi32, #tpu.memory_space<hbm>>
      tpu.wait_dma2 semaphore(%run_scoped3A : memref<!tpu.dma_semaphore, #tpu.memory_space<semaphore_mem>>) src(%arg24 : memref<512xi32, #tpu.memory_space<vmem>>) dst(%dma_wait3A_2918 : memref<512xi32, #tpu.memory_space<hbm>>)
      tpu.yield
    }) : () -> ()
    %shift_right_arithmetic3A = arith.constant 11 : i32
    %shift_right_arithmetic3A_2509 = arith.shrsi %mul3A_2, %shift_right_arithmetic3A : i32
    %eq3A_2510 = vector.broadcast %shift_right_arithmetic3A_2509 : i32 to vector<16xi32>
    %eq3A_2511 = arith.cmpi eq, %iota3A, %eq3A_2510 : vector<16xi32>
    %jit3A_2512 = arith.constant 0 : i32
    %broadcast_in_dim3A_2513 = vector.broadcast %jit3A_2512 : i32 to vector<16xi32>
    %select_n3A_2514 = arith.select %eq3A_2511, %get3A_10, %broadcast_in_dim3A_2513 : vector<16xi1>, vector<16xi32>
    %reduce_max3A_2515 = arith.constant true
    %reduce_max3A_2516 = vector.broadcast %reduce_max3A_2515 : i1 to vector<16xi1>
    %reduce_max3A_2517 = arith.constant -2147483648 : i32
    %reduce_max3A_2518 = vector.broadcast %reduce_max3A_2517 : i32 to vector<16xi32>
    %reduce_max3A_2519 = arith.xori %select_n3A_2514, %reduce_max3A_2518 : vector<16xi32>
    %reduce_max3A_2520 = tpu.scan <max>, %reduce_max3A_2519 masked %reduce_max3A_2516 : vector<16xi32>, vector<16xi1> -> vector<16xi32>
    %reduce_max3A_2521 = arith.xori %reduce_max3A_2520, %reduce_max3A_2518 : vector<16xi32>
    %reduce_max3A_2522 = vector.extract %reduce_max3A_2521[15] : i32 from vector<16xi32>
    %add3A_2523 = arith.constant 0 : i32
    %add3A_2524 = arith.addi %mul3A_2, %add3A_2523 : i32
    %add3A_2525 = vector.broadcast %add3A_2524 : i32 to vector<16xi32>
    %add3A_2526 = arith.addi %add3A_2525, %iota3A : vector<16xi32>
    %and3A_2527 = arith.constant 2047 : i32
    %and3A_2528 = vector.broadcast %and3A_2527 : i32 to vector<16xi32>
    %and3A_2529 = arith.andi %add3A_2526, %and3A_2528 : vector<16xi32>
    %lt3A_2530 = vector.broadcast %reduce_max3A_2522 : i32 to vector<16xi32>
    %lt3A_2531 = arith.cmpi slt, %and3A_2529, %lt3A_2530 : vector<16xi32>
    %convert_element_type3A_2532 = arith.extui %lt3A_2531 : vector<16xi1> to vector<16xi32>
    %swap3A_2533 = arith.constant 0 : index
    %swap3A_2534 = tpu.vector_load %arg25[%swap3A_2533] {strides = array<i32>} : memref<512xi32, #tpu.memory_space<vmem>>, vector<16xi32>,
    tpu.vector_store %arg25[%swap3A_2533], %convert_element_type3A_2532 {strides = array<i32>} : memref<512xi32, #tpu.memory_space<vmem>>, vector<16xi32>,
    %add3A_2535 = arith.constant 16 : i32
    %add3A_2536 = arith.addi %mul3A_2, %add3A_2535 : i32
    %add3A_2537 = vector.broadcast %add3A_2536 : i32 to vector<16xi32>
    %add3A_2538 = arith.addi %add3A_2537, %iota3A : vector<16xi32>
    %and3A_2539 = arith.constant 2047 : i32
    %and3A_2540 = vector.broadcast %and3A_2539 : i32 to vector<16xi32>
    %and3A_2541 = arith.andi %add3A_2538, %and3A_2540 : vector<16xi32>
    %lt3A_2542 = vector.broadcast %reduce_max3A_2522 : i32 to vector<16xi32>
    %lt3A_2543 = arith.cmpi slt, %and3A_2541, %lt3A_2542 : vector<16xi32>
    %convert_element_type3A_2544 = arith.extui %lt3A_2543 : vector<16xi1> to vector<16xi32>
    %swap3A_2545 = arith.constant 16 : index
    %swap3A_2546 = tpu.vector_load %arg25[%swap3A_2545] {strides = array<i32>} : memref<512xi32, #tpu.memory_space<vmem>>, vector<16xi32>,
    tpu.vector_store %arg25[%swap3A_2545], %convert_element_type3A_2544 {strides = array<i32>} : memref<512xi32, #tpu.memory_space<vmem>>, vector<16xi32>,
    %add3A_2547 = arith.constant 32 : i32
    %add3A_2548 = arith.addi %mul3A_2, %add3A_2547 : i32
    %add3A_2549 = vector.broadcast %add3A_2548 : i32 to vector<16xi32>
    %add3A_2550 = arith.addi %add3A_2549, %iota3A : vector<16xi32>
    %and3A_2551 = arith.constant 2047 : i32
    %and3A_2552 = vector.broadcast %and3A_2551 : i32 to vector<16xi32>
    %and3A_2553 = arith.andi %add3A_2550, %and3A_2552 : vector<16xi32>
    %lt3A_2554 = vector.broadcast %reduce_max3A_2522 : i32 to vector<16xi32>
    %lt3A_2555 = arith.cmpi slt, %and3A_2553, %lt3A_2554 : vector<16xi32>
    %convert_element_type3A_2556 = arith.extui %lt3A_2555 : vector<16xi1> to vector<16xi32>
    %swap3A_2557 = arith.constant 32 : index
    %swap3A_2558 = tpu.vector_load %arg25[%swap3A_2557] {strides = array<i32>} : memref<512xi32, #tpu.memory_space<vmem>>, vector<16xi32>,
    tpu.vector_store %arg25[%swap3A_2557], %convert_element_type3A_2556 {strides = array<i32>} : memref<512xi32, #tpu.memory_space<vmem>>, vector<16xi32>,
    %add3A_2559 = arith.constant 48 : i32
    %add3A_2560 = arith.addi %mul3A_2, %add3A_2559 : i32
    %add3A_2561 = vector.broadcast %add3A_2560 : i32 to vector<16xi32>
    %add3A_2562 = arith.addi %add3A_2561, %iota3A : vector<16xi32>
    %and3A_2563 = arith.constant 2047 : i32
    %and3A_2564 = vector.broadcast %and3A_2563 : i32 to vector<16xi32>
    %and3A_2565 = arith.andi %add3A_2562, %and3A_2564 : vector<16xi32>
    %lt3A_2566 = vector.broadcast %reduce_max3A_2522 : i32 to vector<16xi32>
    %lt3A_2567 = arith.cmpi slt, %and3A_2565, %lt3A_2566 : vector<16xi32>
    %convert_element_type3A_2568 = arith.extui %lt3A_2567 : vector<16xi1> to vector<16xi32>
    %swap3A_2569 = arith.constant 48 : index
    %swap3A_2570 = tpu.vector_load %arg25[%swap3A_2569] {strides = array<i32>} : memref<512xi32, #tpu.memory_space<vmem>>, vector<16xi32>,
    tpu.vector_store %arg25[%swap3A_2569], %convert_element_type3A_2568 {strides = array<i32>} : memref<512xi32, #tpu.memory_space<vmem>>, vector<16xi32>,
    %add3A_2571 = arith.constant 64 : i32
    %add3A_2572 = arith.addi %mul3A_2, %add3A_2571 : i32
    %add3A_2573 = vector.broadcast %add3A_2572 : i32 to vector<16xi32>
    %add3A_2574 = arith.addi %add3A_2573, %iota3A : vector<16xi32>
    %and3A_2575 = arith.constant 2047 : i32
    %and3A_2576 = vector.broadcast %and3A_2575 : i32 to vector<16xi32>
    %and3A_2577 = arith.andi %add3A_2574, %and3A_2576 : vector<16xi32>
    %lt3A_2578 = vector.broadcast %reduce_max3A_2522 : i32 to vector<16xi32>
    %lt3A_2579 = arith.cmpi slt, %and3A_2577, %lt3A_2578 : vector<16xi32>
    %convert_element_type3A_2580 = arith.extui %lt3A_2579 : vector<16xi1> to vector<16xi32>
    %swap3A_2581 = arith.constant 64 : index
    %swap3A_2582 = tpu.vector_load %arg25[%swap3A_2581] {strides = array<i32>} : memref<512xi32, #tpu.memory_space<vmem>>, vector<16xi32>,
    tpu.vector_store %arg25[%swap3A_2581], %convert_element_type3A_2580 {strides = array<i32>} : memref<512xi32, #tpu.memory_space<vmem>>, vector<16xi32>,
    %add3A_2583 = arith.constant 80 : i32
    %add3A_2584 = arith.addi %mul3A_2, %add3A_2583 : i32
    %add3A_2585 = vector.broadcast %add3A_2584 : i32 to vector<16xi32>
    %add3A_2586 = arith.addi %add3A_2585, %iota3A : vector<16xi32>
    %and3A_2587 = arith.constant 2047 : i32
    %and3A_2588 = vector.broadcast %and3A_2587 : i32 to vector<16xi32>
    %and3A_2589 = arith.andi %add3A_2586, %and3A_2588 : vector<16xi32>
    %lt3A_2590 = vector.broadcast %reduce_max3A_2522 : i32 to vector<16xi32>
    %lt3A_2591 = arith.cmpi slt, %and3A_2589, %lt3A_2590 : vector<16xi32>
    %convert_element_type3A_2592 = arith.extui %lt3A_2591 : vector<16xi1> to vector<16xi32>
    %swap3A_2593 = arith.constant 80 : index
    %swap3A_2594 = tpu.vector_load %arg25[%swap3A_2593] {strides = array<i32>} : memref<512xi32, #tpu.memory_space<vmem>>, vector<16xi32>,
    tpu.vector_store %arg25[%swap3A_2593], %convert_element_type3A_2592 {strides = array<i32>} : memref<512xi32, #tpu.memory_space<vmem>>, vector<16xi32>,
    %add3A_2595 = arith.constant 96 : i32
    %add3A_2596 = arith.addi %mul3A_2, %add3A_2595 : i32
    %add3A_2597 = vector.broadcast %add3A_2596 : i32 to vector<16xi32>
    %add3A_2598 = arith.addi %add3A_2597, %iota3A : vector<16xi32>
    %and3A_2599 = arith.constant 2047 : i32
    %and3A_2600 = vector.broadcast %and3A_2599 : i32 to vector<16xi32>
    %and3A_2601 = arith.andi %add3A_2598, %and3A_2600 : vector<16xi32>
    %lt3A_2602 = vector.broadcast %reduce_max3A_2522 : i32 to vector<16xi32>
    %lt3A_2603 = arith.cmpi slt, %and3A_2601, %lt3A_2602 : vector<16xi32>
    %convert_element_type3A_2604 = arith.extui %lt3A_2603 : vector<16xi1> to vector<16xi32>
    %swap3A_2605 = arith.constant 96 : index
    %swap3A_2606 = tpu.vector_load %arg25[%swap3A_2605] {strides = array<i32>} : memref<512xi32, #tpu.memory_space<vmem>>, vector<16xi32>,
    tpu.vector_store %arg25[%swap3A_2605], %convert_element_type3A_2604 {strides = array<i32>} : memref<512xi32, #tpu.memory_space<vmem>>, vector<16xi32>,
    %add3A_2607 = arith.constant 112 : i32
    %add3A_2608 = arith.addi %mul3A_2, %add3A_2607 : i32
    %add3A_2609 = vector.broadcast %add3A_2608 : i32 to vector<16xi32>
    %add3A_2610 = arith.addi %add3A_2609, %iota3A : vector<16xi32>
    %and3A_2611 = arith.constant 2047 : i32
    %and3A_2612 = vector.broadcast %and3A_2611 : i32 to vector<16xi32>
    %and3A_2613 = arith.andi %add3A_2610, %and3A_2612 : vector<16xi32>
    %lt3A_2614 = vector.broadcast %reduce_max3A_2522 : i32 to vector<16xi32>
    %lt3A_2615 = arith.cmpi slt, %and3A_2613, %lt3A_2614 : vector<16xi32>
    %convert_element_type3A_2616 = arith.extui %lt3A_2615 : vector<16xi1> to vector<16xi32>
    %swap3A_2617 = arith.constant 112 : index
    %swap3A_2618 = tpu.vector_load %arg25[%swap3A_2617] {strides = array<i32>} : memref<512xi32, #tpu.memory_space<vmem>>, vector<16xi32>,
    tpu.vector_store %arg25[%swap3A_2617], %convert_element_type3A_2616 {strides = array<i32>} : memref<512xi32, #tpu.memory_space<vmem>>, vector<16xi32>,
    %add3A_2619 = arith.constant 128 : i32
    %add3A_2620 = arith.addi %mul3A_2, %add3A_2619 : i32
    %add3A_2621 = vector.broadcast %add3A_2620 : i32 to vector<16xi32>
    %add3A_2622 = arith.addi %add3A_2621, %iota3A : vector<16xi32>
    %and3A_2623 = arith.constant 2047 : i32
    %and3A_2624 = vector.broadcast %and3A_2623 : i32 to vector<16xi32>
    %and3A_2625 = arith.andi %add3A_2622, %and3A_2624 : vector<16xi32>
    %lt3A_2626 = vector.broadcast %reduce_max3A_2522 : i32 to vector<16xi32>
    %lt3A_2627 = arith.cmpi slt, %and3A_2625, %lt3A_2626 : vector<16xi32>
    %convert_element_type3A_2628 = arith.extui %lt3A_2627 : vector<16xi1> to vector<16xi32>
    %swap3A_2629 = arith.constant 128 : index
    %swap3A_2630 = tpu.vector_load %arg25[%swap3A_2629] {strides = array<i32>} : memref<512xi32, #tpu.memory_space<vmem>>, vector<16xi32>,
    tpu.vector_store %arg25[%swap3A_2629], %convert_element_type3A_2628 {strides = array<i32>} : memref<512xi32, #tpu.memory_space<vmem>>, vector<16xi32>,
    %add3A_2631 = arith.constant 144 : i32
    %add3A_2632 = arith.addi %mul3A_2, %add3A_2631 : i32
    %add3A_2633 = vector.broadcast %add3A_2632 : i32 to vector<16xi32>
    %add3A_2634 = arith.addi %add3A_2633, %iota3A : vector<16xi32>
    %and3A_2635 = arith.constant 2047 : i32
    %and3A_2636 = vector.broadcast %and3A_2635 : i32 to vector<16xi32>
    %and3A_2637 = arith.andi %add3A_2634, %and3A_2636 : vector<16xi32>
    %lt3A_2638 = vector.broadcast %reduce_max3A_2522 : i32 to vector<16xi32>
    %lt3A_2639 = arith.cmpi slt, %and3A_2637, %lt3A_2638 : vector<16xi32>
    %convert_element_type3A_2640 = arith.extui %lt3A_2639 : vector<16xi1> to vector<16xi32>
    %swap3A_2641 = arith.constant 144 : index
    %swap3A_2642 = tpu.vector_load %arg25[%swap3A_2641] {strides = array<i32>} : memref<512xi32, #tpu.memory_space<vmem>>, vector<16xi32>,
    tpu.vector_store %arg25[%swap3A_2641], %convert_element_type3A_2640 {strides = array<i32>} : memref<512xi32, #tpu.memory_space<vmem>>, vector<16xi32>,
    %add3A_2643 = arith.constant 160 : i32
    %add3A_2644 = arith.addi %mul3A_2, %add3A_2643 : i32
    %add3A_2645 = vector.broadcast %add3A_2644 : i32 to vector<16xi32>
    %add3A_2646 = arith.addi %add3A_2645, %iota3A : vector<16xi32>
    %and3A_2647 = arith.constant 2047 : i32
    %and3A_2648 = vector.broadcast %and3A_2647 : i32 to vector<16xi32>
    %and3A_2649 = arith.andi %add3A_2646, %and3A_2648 : vector<16xi32>
    %lt3A_2650 = vector.broadcast %reduce_max3A_2522 : i32 to vector<16xi32>
    %lt3A_2651 = arith.cmpi slt, %and3A_2649, %lt3A_2650 : vector<16xi32>
    %convert_element_type3A_2652 = arith.extui %lt3A_2651 : vector<16xi1> to vector<16xi32>
    %swap3A_2653 = arith.constant 160 : index
    %swap3A_2654 = tpu.vector_load %arg25[%swap3A_2653] {strides = array<i32>} : memref<512xi32, #tpu.memory_space<vmem>>, vector<16xi32>,
    tpu.vector_store %arg25[%swap3A_2653], %convert_element_type3A_2652 {strides = array<i32>} : memref<512xi32, #tpu.memory_space<vmem>>, vector<16xi32>,
    %add3A_2655 = arith.constant 176 : i32
    %add3A_2656 = arith.addi %mul3A_2, %add3A_2655 : i32
    %add3A_2657 = vector.broadcast %add3A_2656 : i32 to vector<16xi32>
    %add3A_2658 = arith.addi %add3A_2657, %iota3A : vector<16xi32>
    %and3A_2659 = arith.constant 2047 : i32
    %and3A_2660 = vector.broadcast %and3A_2659 : i32 to vector<16xi32>
    %and3A_2661 = arith.andi %add3A_2658, %and3A_2660 : vector<16xi32>
    %lt3A_2662 = vector.broadcast %reduce_max3A_2522 : i32 to vector<16xi32>
    %lt3A_2663 = arith.cmpi slt, %and3A_2661, %lt3A_2662 : vector<16xi32>
    %convert_element_type3A_2664 = arith.extui %lt3A_2663 : vector<16xi1> to vector<16xi32>
    %swap3A_2665 = arith.constant 176 : index
    %swap3A_2666 = tpu.vector_load %arg25[%swap3A_2665] {strides = array<i32>} : memref<512xi32, #tpu.memory_space<vmem>>, vector<16xi32>,
    tpu.vector_store %arg25[%swap3A_2665], %convert_element_type3A_2664 {strides = array<i32>} : memref<512xi32, #tpu.memory_space<vmem>>, vector<16xi32>,
    %add3A_2667 = arith.constant 192 : i32
    %add3A_2668 = arith.addi %mul3A_2, %add3A_2667 : i32
    %add3A_2669 = vector.broadcast %add3A_2668 : i32 to vector<16xi32>
    %add3A_2670 = arith.addi %add3A_2669, %iota3A : vector<16xi32>
    %and3A_2671 = arith.constant 2047 : i32
    %and3A_2672 = vector.broadcast %and3A_2671 : i32 to vector<16xi32>
    %and3A_2673 = arith.andi %add3A_2670, %and3A_2672 : vector<16xi32>
    %lt3A_2674 = vector.broadcast %reduce_max3A_2522 : i32 to vector<16xi32>
    %lt3A_2675 = arith.cmpi slt, %and3A_2673, %lt3A_2674 : vector<16xi32>
    %convert_element_type3A_2676 = arith.extui %lt3A_2675 : vector<16xi1> to vector<16xi32>
    %swap3A_2677 = arith.constant 192 : index
    %swap3A_2678 = tpu.vector_load %arg25[%swap3A_2677] {strides = array<i32>} : memref<512xi32, #tpu.memory_space<vmem>>, vector<16xi32>,
    tpu.vector_store %arg25[%swap3A_2677], %convert_element_type3A_2676 {strides = array<i32>} : memref<512xi32, #tpu.memory_space<vmem>>, vector<16xi32>,
    %add3A_2679 = arith.constant 208 : i32
    %add3A_2680 = arith.addi %mul3A_2, %add3A_2679 : i32
    %add3A_2681 = vector.broadcast %add3A_2680 : i32 to vector<16xi32>
    %add3A_2682 = arith.addi %add3A_2681, %iota3A : vector<16xi32>
    %and3A_2683 = arith.constant 2047 : i32
    %and3A_2684 = vector.broadcast %and3A_2683 : i32 to vector<16xi32>
    %and3A_2685 = arith.andi %add3A_2682, %and3A_2684 : vector<16xi32>
    %lt3A_2686 = vector.broadcast %reduce_max3A_2522 : i32 to vector<16xi32>
    %lt3A_2687 = arith.cmpi slt, %and3A_2685, %lt3A_2686 : vector<16xi32>
    %convert_element_type3A_2688 = arith.extui %lt3A_2687 : vector<16xi1> to vector<16xi32>
    %swap3A_2689 = arith.constant 208 : index
    %swap3A_2690 = tpu.vector_load %arg25[%swap3A_2689] {strides = array<i32>} : memref<512xi32, #tpu.memory_space<vmem>>, vector<16xi32>,
    tpu.vector_store %arg25[%swap3A_2689], %convert_element_type3A_2688 {strides = array<i32>} : memref<512xi32, #tpu.memory_space<vmem>>, vector<16xi32>,
    %add3A_2691 = arith.constant 224 : i32
    %add3A_2692 = arith.addi %mul3A_2, %add3A_2691 : i32
    %add3A_2693 = vector.broadcast %add3A_2692 : i32 to vector<16xi32>
    %add3A_2694 = arith.addi %add3A_2693, %iota3A : vector<16xi32>
    %and3A_2695 = arith.constant 2047 : i32
    %and3A_2696 = vector.broadcast %and3A_2695 : i32 to vector<16xi32>
    %and3A_2697 = arith.andi %add3A_2694, %and3A_2696 : vector<16xi32>
    %lt3A_2698 = vector.broadcast %reduce_max3A_2522 : i32 to vector<16xi32>
    %lt3A_2699 = arith.cmpi slt, %and3A_2697, %lt3A_2698 : vector<16xi32>
    %convert_element_type3A_2700 = arith.extui %lt3A_2699 : vector<16xi1> to vector<16xi32>
    %swap3A_2701 = arith.constant 224 : index
    %swap3A_2702 = tpu.vector_load %arg25[%swap3A_2701] {strides = array<i32>} : memref<512xi32, #tpu.memory_space<vmem>>, vector<16xi32>,
    tpu.vector_store %arg25[%swap3A_2701], %convert_element_type3A_2700 {strides = array<i32>} : memref<512xi32, #tpu.memory_space<vmem>>, vector<16xi32>,
    %add3A_2703 = arith.constant 240 : i32
    %add3A_2704 = arith.addi %mul3A_2, %add3A_2703 : i32
    %add3A_2705 = vector.broadcast %add3A_2704 : i32 to vector<16xi32>
    %add3A_2706 = arith.addi %add3A_2705, %iota3A : vector<16xi32>
    %and3A_2707 = arith.constant 2047 : i32
    %and3A_2708 = vector.broadcast %and3A_2707 : i32 to vector<16xi32>
    %and3A_2709 = arith.andi %add3A_2706, %and3A_2708 : vector<16xi32>
    %lt3A_2710 = vector.broadcast %reduce_max3A_2522 : i32 to vector<16xi32>
    %lt3A_2711 = arith.cmpi slt, %and3A_2709, %lt3A_2710 : vector<16xi32>
    %convert_element_type3A_2712 = arith.extui %lt3A_2711 : vector<16xi1> to vector<16xi32>
    %swap3A_2713 = arith.constant 240 : index
    %swap3A_2714 = tpu.vector_load %arg25[%swap3A_2713] {strides = array<i32>} : memref<512xi32, #tpu.memory_space<vmem>>, vector<16xi32>,
    tpu.vector_store %arg25[%swap3A_2713], %convert_element_type3A_2712 {strides = array<i32>} : memref<512xi32, #tpu.memory_space<vmem>>, vector<16xi32>,
    %add3A_2715 = arith.constant 256 : i32
    %add3A_2716 = arith.addi %mul3A_2, %add3A_2715 : i32
    %add3A_2717 = vector.broadcast %add3A_2716 : i32 to vector<16xi32>
    %add3A_2718 = arith.addi %add3A_2717, %iota3A : vector<16xi32>
    %and3A_2719 = arith.constant 2047 : i32
    %and3A_2720 = vector.broadcast %and3A_2719 : i32 to vector<16xi32>
    %and3A_2721 = arith.andi %add3A_2718, %and3A_2720 : vector<16xi32>
    %lt3A_2722 = vector.broadcast %reduce_max3A_2522 : i32 to vector<16xi32>
    %lt3A_2723 = arith.cmpi slt, %and3A_2721, %lt3A_2722 : vector<16xi32>
    %convert_element_type3A_2724 = arith.extui %lt3A_2723 : vector<16xi1> to vector<16xi32>
    %swap3A_2725 = arith.constant 256 : index
    %swap3A_2726 = tpu.vector_load %arg25[%swap3A_2725] {strides = array<i32>} : memref<512xi32, #tpu.memory_space<vmem>>, vector<16xi32>,
    tpu.vector_store %arg25[%swap3A_2725], %convert_element_type3A_2724 {strides = array<i32>} : memref<512xi32, #tpu.memory_space<vmem>>, vector<16xi32>,
    %add3A_2727 = arith.constant 272 : i32
    %add3A_2728 = arith.addi %mul3A_2, %add3A_2727 : i32
    %add3A_2729 = vector.broadcast %add3A_2728 : i32 to vector<16xi32>
    %add3A_2730 = arith.addi %add3A_2729, %iota3A : vector<16xi32>
    %and3A_2731 = arith.constant 2047 : i32
    %and3A_2732 = vector.broadcast %and3A_2731 : i32 to vector<16xi32>
    %and3A_2733 = arith.andi %add3A_2730, %and3A_2732 : vector<16xi32>
    %lt3A_2734 = vector.broadcast %reduce_max3A_2522 : i32 to vector<16xi32>
    %lt3A_2735 = arith.cmpi slt, %and3A_2733, %lt3A_2734 : vector<16xi32>
    %convert_element_type3A_2736 = arith.extui %lt3A_2735 : vector<16xi1> to vector<16xi32>
    %swap3A_2737 = arith.constant 272 : index
    %swap3A_2738 = tpu.vector_load %arg25[%swap3A_2737] {strides = array<i32>} : memref<512xi32, #tpu.memory_space<vmem>>, vector<16xi32>,
    tpu.vector_store %arg25[%swap3A_2737], %convert_element_type3A_2736 {strides = array<i32>} : memref<512xi32, #tpu.memory_space<vmem>>, vector<16xi32>,
    %add3A_2739 = arith.constant 288 : i32
    %add3A_2740 = arith.addi %mul3A_2, %add3A_2739 : i32
    %add3A_2741 = vector.broadcast %add3A_2740 : i32 to vector<16xi32>
    %add3A_2742 = arith.addi %add3A_2741, %iota3A : vector<16xi32>
    %and3A_2743 = arith.constant 2047 : i32
    %and3A_2744 = vector.broadcast %and3A_2743 : i32 to vector<16xi32>
    %and3A_2745 = arith.andi %add3A_2742, %and3A_2744 : vector<16xi32>
    %lt3A_2746 = vector.broadcast %reduce_max3A_2522 : i32 to vector<16xi32>
    %lt3A_2747 = arith.cmpi slt, %and3A_2745, %lt3A_2746 : vector<16xi32>
    %convert_element_type3A_2748 = arith.extui %lt3A_2747 : vector<16xi1> to vector<16xi32>
    %swap3A_2749 = arith.constant 288 : index
    %swap3A_2750 = tpu.vector_load %arg25[%swap3A_2749] {strides = array<i32>} : memref<512xi32, #tpu.memory_space<vmem>>, vector<16xi32>,
    tpu.vector_store %arg25[%swap3A_2749], %convert_element_type3A_2748 {strides = array<i32>} : memref<512xi32, #tpu.memory_space<vmem>>, vector<16xi32>,
    %add3A_2751 = arith.constant 304 : i32
    %add3A_2752 = arith.addi %mul3A_2, %add3A_2751 : i32
    %add3A_2753 = vector.broadcast %add3A_2752 : i32 to vector<16xi32>
    %add3A_2754 = arith.addi %add3A_2753, %iota3A : vector<16xi32>
    %and3A_2755 = arith.constant 2047 : i32
    %and3A_2756 = vector.broadcast %and3A_2755 : i32 to vector<16xi32>
    %and3A_2757 = arith.andi %add3A_2754, %and3A_2756 : vector<16xi32>
    %lt3A_2758 = vector.broadcast %reduce_max3A_2522 : i32 to vector<16xi32>
    %lt3A_2759 = arith.cmpi slt, %and3A_2757, %lt3A_2758 : vector<16xi32>
    %convert_element_type3A_2760 = arith.extui %lt3A_2759 : vector<16xi1> to vector<16xi32>
    %swap3A_2761 = arith.constant 304 : index
    %swap3A_2762 = tpu.vector_load %arg25[%swap3A_2761] {strides = array<i32>} : memref<512xi32, #tpu.memory_space<vmem>>, vector<16xi32>,
    tpu.vector_store %arg25[%swap3A_2761], %convert_element_type3A_2760 {strides = array<i32>} : memref<512xi32, #tpu.memory_space<vmem>>, vector<16xi32>,
    %add3A_2763 = arith.constant 320 : i32
    %add3A_2764 = arith.addi %mul3A_2, %add3A_2763 : i32
    %add3A_2765 = vector.broadcast %add3A_2764 : i32 to vector<16xi32>
    %add3A_2766 = arith.addi %add3A_2765, %iota3A : vector<16xi32>
    %and3A_2767 = arith.constant 2047 : i32
    %and3A_2768 = vector.broadcast %and3A_2767 : i32 to vector<16xi32>
    %and3A_2769 = arith.andi %add3A_2766, %and3A_2768 : vector<16xi32>
    %lt3A_2770 = vector.broadcast %reduce_max3A_2522 : i32 to vector<16xi32>
    %lt3A_2771 = arith.cmpi slt, %and3A_2769, %lt3A_2770 : vector<16xi32>
    %convert_element_type3A_2772 = arith.extui %lt3A_2771 : vector<16xi1> to vector<16xi32>
    %swap3A_2773 = arith.constant 320 : index
    %swap3A_2774 = tpu.vector_load %arg25[%swap3A_2773] {strides = array<i32>} : memref<512xi32, #tpu.memory_space<vmem>>, vector<16xi32>,
    tpu.vector_store %arg25[%swap3A_2773], %convert_element_type3A_2772 {strides = array<i32>} : memref<512xi32, #tpu.memory_space<vmem>>, vector<16xi32>,
    %add3A_2775 = arith.constant 336 : i32
    %add3A_2776 = arith.addi %mul3A_2, %add3A_2775 : i32
    %add3A_2777 = vector.broadcast %add3A_2776 : i32 to vector<16xi32>
    %add3A_2778 = arith.addi %add3A_2777, %iota3A : vector<16xi32>
    %and3A_2779 = arith.constant 2047 : i32
    %and3A_2780 = vector.broadcast %and3A_2779 : i32 to vector<16xi32>
    %and3A_2781 = arith.andi %add3A_2778, %and3A_2780 : vector<16xi32>
    %lt3A_2782 = vector.broadcast %reduce_max3A_2522 : i32 to vector<16xi32>
    %lt3A_2783 = arith.cmpi slt, %and3A_2781, %lt3A_2782 : vector<16xi32>
    %convert_element_type3A_2784 = arith.extui %lt3A_2783 : vector<16xi1> to vector<16xi32>
    %swap3A_2785 = arith.constant 336 : index
    %swap3A_2786 = tpu.vector_load %arg25[%swap3A_2785] {strides = array<i32>} : memref<512xi32, #tpu.memory_space<vmem>>, vector<16xi32>,
    tpu.vector_store %arg25[%swap3A_2785], %convert_element_type3A_2784 {strides = array<i32>} : memref<512xi32, #tpu.memory_space<vmem>>, vector<16xi32>,
    %add3A_2787 = arith.constant 352 : i32
    %add3A_2788 = arith.addi %mul3A_2, %add3A_2787 : i32
    %add3A_2789 = vector.broadcast %add3A_2788 : i32 to vector<16xi32>
    %add3A_2790 = arith.addi %add3A_2789, %iota3A : vector<16xi32>
    %and3A_2791 = arith.constant 2047 : i32
    %and3A_2792 = vector.broadcast %and3A_2791 : i32 to vector<16xi32>
    %and3A_2793 = arith.andi %add3A_2790, %and3A_2792 : vector<16xi32>
    %lt3A_2794 = vector.broadcast %reduce_max3A_2522 : i32 to vector<16xi32>
    %lt3A_2795 = arith.cmpi slt, %and3A_2793, %lt3A_2794 : vector<16xi32>
    %convert_element_type3A_2796 = arith.extui %lt3A_2795 : vector<16xi1> to vector<16xi32>
    %swap3A_2797 = arith.constant 352 : index
    %swap3A_2798 = tpu.vector_load %arg25[%swap3A_2797] {strides = array<i32>} : memref<512xi32, #tpu.memory_space<vmem>>, vector<16xi32>,
    tpu.vector_store %arg25[%swap3A_2797], %convert_element_type3A_2796 {strides = array<i32>} : memref<512xi32, #tpu.memory_space<vmem>>, vector<16xi32>,
    %add3A_2799 = arith.constant 368 : i32
    %add3A_2800 = arith.addi %mul3A_2, %add3A_2799 : i32
    %add3A_2801 = vector.broadcast %add3A_2800 : i32 to vector<16xi32>
    %add3A_2802 = arith.addi %add3A_2801, %iota3A : vector<16xi32>
    %and3A_2803 = arith.constant 2047 : i32
    %and3A_2804 = vector.broadcast %and3A_2803 : i32 to vector<16xi32>
    %and3A_2805 = arith.andi %add3A_2802, %and3A_2804 : vector<16xi32>
    %lt3A_2806 = vector.broadcast %reduce_max3A_2522 : i32 to vector<16xi32>
    %lt3A_2807 = arith.cmpi slt, %and3A_2805, %lt3A_2806 : vector<16xi32>
    %convert_element_type3A_2808 = arith.extui %lt3A_2807 : vector<16xi1> to vector<16xi32>
    %swap3A_2809 = arith.constant 368 : index
    %swap3A_2810 = tpu.vector_load %arg25[%swap3A_2809] {strides = array<i32>} : memref<512xi32, #tpu.memory_space<vmem>>, vector<16xi32>,
    tpu.vector_store %arg25[%swap3A_2809], %convert_element_type3A_2808 {strides = array<i32>} : memref<512xi32, #tpu.memory_space<vmem>>, vector<16xi32>,
    %add3A_2811 = arith.constant 384 : i32
    %add3A_2812 = arith.addi %mul3A_2, %add3A_2811 : i32
    %add3A_2813 = vector.broadcast %add3A_2812 : i32 to vector<16xi32>
    %add3A_2814 = arith.addi %add3A_2813, %iota3A : vector<16xi32>
    %and3A_2815 = arith.constant 2047 : i32
    %and3A_2816 = vector.broadcast %and3A_2815 : i32 to vector<16xi32>
    %and3A_2817 = arith.andi %add3A_2814, %and3A_2816 : vector<16xi32>
    %lt3A_2818 = vector.broadcast %reduce_max3A_2522 : i32 to vector<16xi32>
    %lt3A_2819 = arith.cmpi slt, %and3A_2817, %lt3A_2818 : vector<16xi32>
    %convert_element_type3A_2820 = arith.extui %lt3A_2819 : vector<16xi1> to vector<16xi32>
    %swap3A_2821 = arith.constant 384 : index
    %swap3A_2822 = tpu.vector_load %arg25[%swap3A_2821] {strides = array<i32>} : memref<512xi32, #tpu.memory_space<vmem>>, vector<16xi32>,
    tpu.vector_store %arg25[%swap3A_2821], %convert_element_type3A_2820 {strides = array<i32>} : memref<512xi32, #tpu.memory_space<vmem>>, vector<16xi32>,
    %add3A_2823 = arith.constant 400 : i32
    %add3A_2824 = arith.addi %mul3A_2, %add3A_2823 : i32
    %add3A_2825 = vector.broadcast %add3A_2824 : i32 to vector<16xi32>
    %add3A_2826 = arith.addi %add3A_2825, %iota3A : vector<16xi32>
    %and3A_2827 = arith.constant 2047 : i32
    %and3A_2828 = vector.broadcast %and3A_2827 : i32 to vector<16xi32>
    %and3A_2829 = arith.andi %add3A_2826, %and3A_2828 : vector<16xi32>
    %lt3A_2830 = vector.broadcast %reduce_max3A_2522 : i32 to vector<16xi32>
    %lt3A_2831 = arith.cmpi slt, %and3A_2829, %lt3A_2830 : vector<16xi32>
    %convert_element_type3A_2832 = arith.extui %lt3A_2831 : vector<16xi1> to vector<16xi32>
    %swap3A_2833 = arith.constant 400 : index
    %swap3A_2834 = tpu.vector_load %arg25[%swap3A_2833] {strides = array<i32>} : memref<512xi32, #tpu.memory_space<vmem>>, vector<16xi32>,
    tpu.vector_store %arg25[%swap3A_2833], %convert_element_type3A_2832 {strides = array<i32>} : memref<512xi32, #tpu.memory_space<vmem>>, vector<16xi32>,
    %add3A_2835 = arith.constant 416 : i32
    %add3A_2836 = arith.addi %mul3A_2, %add3A_2835 : i32
    %add3A_2837 = vector.broadcast %add3A_2836 : i32 to vector<16xi32>
    %add3A_2838 = arith.addi %add3A_2837, %iota3A : vector<16xi32>
    %and3A_2839 = arith.constant 2047 : i32
    %and3A_2840 = vector.broadcast %and3A_2839 : i32 to vector<16xi32>
    %and3A_2841 = arith.andi %add3A_2838, %and3A_2840 : vector<16xi32>
    %lt3A_2842 = vector.broadcast %reduce_max3A_2522 : i32 to vector<16xi32>
    %lt3A_2843 = arith.cmpi slt, %and3A_2841, %lt3A_2842 : vector<16xi32>
    %convert_element_type3A_2844 = arith.extui %lt3A_2843 : vector<16xi1> to vector<16xi32>
    %swap3A_2845 = arith.constant 416 : index
    %swap3A_2846 = tpu.vector_load %arg25[%swap3A_2845] {strides = array<i32>} : memref<512xi32, #tpu.memory_space<vmem>>, vector<16xi32>,
    tpu.vector_store %arg25[%swap3A_2845], %convert_element_type3A_2844 {strides = array<i32>} : memref<512xi32, #tpu.memory_space<vmem>>, vector<16xi32>,
    %add3A_2847 = arith.constant 432 : i32
    %add3A_2848 = arith.addi %mul3A_2, %add3A_2847 : i32
    %add3A_2849 = vector.broadcast %add3A_2848 : i32 to vector<16xi32>
    %add3A_2850 = arith.addi %add3A_2849, %iota3A : vector<16xi32>
    %and3A_2851 = arith.constant 2047 : i32
    %and3A_2852 = vector.broadcast %and3A_2851 : i32 to vector<16xi32>
    %and3A_2853 = arith.andi %add3A_2850, %and3A_2852 : vector<16xi32>
    %lt3A_2854 = vector.broadcast %reduce_max3A_2522 : i32 to vector<16xi32>
    %lt3A_2855 = arith.cmpi slt, %and3A_2853, %lt3A_2854 : vector<16xi32>
    %convert_element_type3A_2856 = arith.extui %lt3A_2855 : vector<16xi1> to vector<16xi32>
    %swap3A_2857 = arith.constant 432 : index
    %swap3A_2858 = tpu.vector_load %arg25[%swap3A_2857] {strides = array<i32>} : memref<512xi32, #tpu.memory_space<vmem>>, vector<16xi32>,
    tpu.vector_store %arg25[%swap3A_2857], %convert_element_type3A_2856 {strides = array<i32>} : memref<512xi32, #tpu.memory_space<vmem>>, vector<16xi32>,
    %add3A_2859 = arith.constant 448 : i32
    %add3A_2860 = arith.addi %mul3A_2, %add3A_2859 : i32
    %add3A_2861 = vector.broadcast %add3A_2860 : i32 to vector<16xi32>
    %add3A_2862 = arith.addi %add3A_2861, %iota3A : vector<16xi32>
    %and3A_2863 = arith.constant 2047 : i32
    %and3A_2864 = vector.broadcast %and3A_2863 : i32 to vector<16xi32>
    %and3A_2865 = arith.andi %add3A_2862, %and3A_2864 : vector<16xi32>
    %lt3A_2866 = vector.broadcast %reduce_max3A_2522 : i32 to vector<16xi32>
    %lt3A_2867 = arith.cmpi slt, %and3A_2865, %lt3A_2866 : vector<16xi32>
    %convert_element_type3A_2868 = arith.extui %lt3A_2867 : vector<16xi1> to vector<16xi32>
    %swap3A_2869 = arith.constant 448 : index
    %swap3A_2870 = tpu.vector_load %arg25[%swap3A_2869] {strides = array<i32>} : memref<512xi32, #tpu.memory_space<vmem>>, vector<16xi32>,
    tpu.vector_store %arg25[%swap3A_2869], %convert_element_type3A_2868 {strides = array<i32>} : memref<512xi32, #tpu.memory_space<vmem>>, vector<16xi32>,
    %add3A_2871 = arith.constant 464 : i32
    %add3A_2872 = arith.addi %mul3A_2, %add3A_2871 : i32
    %add3A_2873 = vector.broadcast %add3A_2872 : i32 to vector<16xi32>
    %add3A_2874 = arith.addi %add3A_2873, %iota3A : vector<16xi32>
    %and3A_2875 = arith.constant 2047 : i32
    %and3A_2876 = vector.broadcast %and3A_2875 : i32 to vector<16xi32>
    %and3A_2877 = arith.andi %add3A_2874, %and3A_2876 : vector<16xi32>
    %lt3A_2878 = vector.broadcast %reduce_max3A_2522 : i32 to vector<16xi32>
    %lt3A_2879 = arith.cmpi slt, %and3A_2877, %lt3A_2878 : vector<16xi32>
    %convert_element_type3A_2880 = arith.extui %lt3A_2879 : vector<16xi1> to vector<16xi32>
    %swap3A_2881 = arith.constant 464 : index
    %swap3A_2882 = tpu.vector_load %arg25[%swap3A_2881] {strides = array<i32>} : memref<512xi32, #tpu.memory_space<vmem>>, vector<16xi32>,
    tpu.vector_store %arg25[%swap3A_2881], %convert_element_type3A_2880 {strides = array<i32>} : memref<512xi32, #tpu.memory_space<vmem>>, vector<16xi32>,
    %add3A_2883 = arith.constant 480 : i32
    %add3A_2884 = arith.addi %mul3A_2, %add3A_2883 : i32
    %add3A_2885 = vector.broadcast %add3A_2884 : i32 to vector<16xi32>
    %add3A_2886 = arith.addi %add3A_2885, %iota3A : vector<16xi32>
    %and3A_2887 = arith.constant 2047 : i32
    %and3A_2888 = vector.broadcast %and3A_2887 : i32 to vector<16xi32>
    %and3A_2889 = arith.andi %add3A_2886, %and3A_2888 : vector<16xi32>
    %lt3A_2890 = vector.broadcast %reduce_max3A_2522 : i32 to vector<16xi32>
    %lt3A_2891 = arith.cmpi slt, %and3A_2889, %lt3A_2890 : vector<16xi32>
    %convert_element_type3A_2892 = arith.extui %lt3A_2891 : vector<16xi1> to vector<16xi32>
    %swap3A_2893 = arith.constant 480 : index
    %swap3A_2894 = tpu.vector_load %arg25[%swap3A_2893] {strides = array<i32>} : memref<512xi32, #tpu.memory_space<vmem>>, vector<16xi32>,
    tpu.vector_store %arg25[%swap3A_2893], %convert_element_type3A_2892 {strides = array<i32>} : memref<512xi32, #tpu.memory_space<vmem>>, vector<16xi32>,
    %add3A_2895 = arith.constant 496 : i32
    %add3A_2896 = arith.addi %mul3A_2, %add3A_2895 : i32
    %add3A_2897 = vector.broadcast %add3A_2896 : i32 to vector<16xi32>
    %add3A_2898 = arith.addi %add3A_2897, %iota3A : vector<16xi32>
    %and3A_2899 = arith.constant 2047 : i32
    %and3A_2900 = vector.broadcast %and3A_2899 : i32 to vector<16xi32>
    %and3A_2901 = arith.andi %add3A_2898, %and3A_2900 : vector<16xi32>
    %lt3A_2902 = vector.broadcast %reduce_max3A_2522 : i32 to vector<16xi32>
    %lt3A_2903 = arith.cmpi slt, %and3A_2901, %lt3A_2902 : vector<16xi32>
    %convert_element_type3A_2904 = arith.extui %lt3A_2903 : vector<16xi1> to vector<16xi32>
    %swap3A_2905 = arith.constant 496 : index
    %swap3A_2906 = tpu.vector_load %arg25[%swap3A_2905] {strides = array<i32>} : memref<512xi32, #tpu.memory_space<vmem>>, vector<16xi32>,
    tpu.vector_store %arg25[%swap3A_2905], %convert_element_type3A_2904 {strides = array<i32>} : memref<512xi32, #tpu.memory_space<vmem>>, vector<16xi32>,
    "tpu.region"() ({
      %run_scoped3A = tpu.sem_alloc : memref<!tpu.dma_semaphore, #tpu.memory_space<semaphore_mem>>
      %dma_start3A_2915 = tpu.memref_slice %arg8[%mul3A_2] : memref<16384xi32, #tpu.memory_space<hbm>> -> memref<512xi32, #tpu.memory_space<hbm>>
      %dma_start3A_2916 = tpu.memref_slice %arg8[%mul3A_2] : memref<16384xi32, #tpu.memory_space<hbm>> -> memref<512xi32, #tpu.memory_space<hbm>>
      tpu.enqueue_dma source(%arg25 : memref<512xi32, #tpu.memory_space<vmem>>) target(%dma_start3A_2916 : memref<512xi32, #tpu.memory_space<hbm>>) target_semaphore(%run_scoped3A : memref<!tpu.dma_semaphore, #tpu.memory_space<semaphore_mem>>)
      %dma_wait3A_2917 = tpu.memref_slice %arg8[%mul3A_2] : memref<16384xi32, #tpu.memory_space<hbm>> -> memref<512xi32, #tpu.memory_space<hbm>>
      %dma_wait3A_2918 = tpu.memref_slice %arg8[%mul3A_2] : memref<16384xi32, #tpu.memory_space<hbm>> -> memref<512xi32, #tpu.memory_space<hbm>>
      tpu.wait_dma2 semaphore(%run_scoped3A : memref<!tpu.dma_semaphore, #tpu.memory_space<semaphore_mem>>) src(%arg25 : memref<512xi32, #tpu.memory_space<vmem>>) dst(%dma_wait3A_2918 : memref<512xi32, #tpu.memory_space<hbm>>)
      tpu.yield
    }) : () -> ()
    %eq3A_2907 = arith.constant 0 : i32
    %eq3A_2908 = arith.cmpi eq, %add3A, %eq3A_2907 : i32
    %convert_element_type3A_2909 = arith.extui %eq3A_2908 : i1 to i32
    %cond3A_2910 = arith.constant 0 : i32
    %cond3A_2911 = arith.cmpi ne, %convert_element_type3A_2909, %cond3A_2910 : i32
    scf.if %cond3A_2911 {
      "tpu.region"() ({
        %run_scoped3A = tpu.sem_alloc : memref<!tpu.dma_semaphore, #tpu.memory_space<semaphore_mem>>
        tpu.enqueue_dma source(%arg11 : memref<16xi32, #tpu.memory_space<vmem>>) target(%arg9 : memref<16xi32, #tpu.memory_space<hbm>>) target_semaphore(%run_scoped3A : memref<!tpu.dma_semaphore, #tpu.memory_space<semaphore_mem>>)
        tpu.wait_dma2 semaphore(%run_scoped3A : memref<!tpu.dma_semaphore, #tpu.memory_space<semaphore_mem>>) src(%arg11 : memref<16xi32, #tpu.memory_space<vmem>>) dst(%arg9 : memref<16xi32, #tpu.memory_space<hbm>>)
        tpu.yield
      }) : () -> ()
    } else {
    }
    %dma_wait3A = arith.constant 0 : i32
    %dma_wait3A_2912 = tpu.memref_slice %arg10[%mul3A_2, %dma_wait3A] : memref<16384x1024xf32, #tpu.memory_space<hbm>> -> memref<512x1024xf32, #tpu.memory_space<hbm>>
    %dma_wait3A_2913 = arith.constant 0 : i32
    %dma_wait3A_2914 = tpu.memref_slice %arg2[%mul3A_2, %dma_wait3A_2913] : memref<16384x1024xf32, #tpu.memory_space<hbm>> -> memref<512x1024xf32, #tpu.memory_space<hbm>>
    tpu.wait_dma2 semaphore(%arg32 : memref<!tpu.dma_semaphore, #tpu.memory_space<semaphore_mem>>) src(%dma_wait3A_2914 : memref<512x1024xf32, #tpu.memory_space<hbm>>) dst(%dma_wait3A_2912 : memref<512x1024xf32, #tpu.memory_space<hbm>>)
    return
  }
}

</mosaic_0001>

<sc_bundles>
// kernel: kernel.3.cloned.1.call-start
scs
__scs_entry_jumppad:
0x0: {  	(pc) =	sbr.rel $0x88, $3  }
0x1: {  	(tag) =	ssettag $0x0;
	lr =	simm.s32 $0x1  }
0x2: {  	[smem:$0x3F9E] =	sst lr;
	_ =	strace $0xD0000000  }
0x3: {  	_ = 	snop  }
0x4: {  	_ = 	snop  }
0x5: {  	_ = 	snop  }
0x6: {  	_ = 	snop  }
0x7: {  	_ = 	snop  }
__scs_overlays_trampoline_lowered:
0x8: {  	[smem:$0x3FAD] =	sst s0  }
0x9: {  	[smem:$0x3FAE] =	sst s1  }
0xa: {  	[smem:$0x3FAF] =	sst s2  }
0xb: {  	[smem:$0x3FB0] =	sst s3  }
0xc: {  	[smem:$0x3FB1] =	sst s4  }
0xd: {  	[smem:$0x3FB2] =	sst s5  }
0xe: {  	[smem:$0x3FB3] =	sst s6  }
0xf: {  	[smem:$0x3FB4] =	sst s7  }
0x10: {  	[smem:$0x3FB5] =	sst s8  }
0x11: {  	[smem:$0x3FB6] =	sst s9;
	s0 =	simm.s32 @!p0 $0x0  }
0x12: {  	s1 =	sld [smem:$0x3F9C];
	s0 =	simm.s32 @p0 $0x1  }
0x13: {  	[smem:$0x3FB7] =	sst s0;
	s0 =	simm.s32 @!p1 $0x0  }
0x14: {  	s2 =	sld [smem:$0x3F9B];
	s0 =	simm.s32 @p1 $0x1  }
0x15: {  	[smem:$0x3FB8] =	sst s0;
	s0 =	simm.s32 @!p2 $0x0  }
0x16: {  	s3 =	sld [smem:$0x3FDB];
	s0 =	simm.s32 @p2 $0x1  }
0x17: {  	s4 =	simm.s32 $0x1BF5;
	[smem:$0x3FBA] =	sst s0  }
0x18: {  	s0 =	sld [smem:$0x3F9D];
	_ =	swait.ge [sflag:s4], $0x0  }
0x19: {  	s7 =	sld [smem:$0x3F9E]  }
0x1a: {  	s8 =	sadd.s32 $0xFFFFE003, lr  }
0x1b: {  	s9 =	sadd.s32 $0xFFFFFEF7, lr;
	s5 =	simm.s32 $0xFFFFFFFF;
	p2 =	slt.u32 s8, $0xFFFFF086  }
0x1c: {  	p1 =	slt.u32 s9, $0xF7A;
	s5 =	simm.s32 @!p2 $0x0  }
0x1d: {  	s5 =	simm.s32 @p1 $0x1;
	p0 =	seq.s32 s7, s2  }
0x1e: {  	s7 =	smul.u32 @!p0 $0xF7A, s2;
	p2 =	seq.s32 @!p0 s5, $0x0  }
0x1f: {  	s9 =	smul.u32 $0xF7A, s1;
	s8 =	simm.s32 @!p0 $0x1BF5;
	p2 =	por !p2, p0  }
0x20: {  	[sflag:s8] =	ssyncset.s32 @!p0 $0xFFFFF086;
	s6 =	sadd.s32 @!p0 s3, s7;
	s7 =	simm.s32 @!p0 $0x108  }
0x21: {  	s3 =	sadd.s32 s3, s9;
	s6 =	sadd.s32 @!p0 $0x88, s6;
	s7 =	simm.s32 @p2 $0x1082  }
0x22: {  	[simem:s7], [sflag:s8] =	dma.local @!p0 [hbm:s6], $0xF7A  }
0x23: {  	s9 =	sor.u32 $0xD0000000, s2;
	s6 =	simm.s32 $0x108;
	_ =	swait.ge @!p0 [sflag:s8], $0x0  }
0x24: {  	s3 =	sadd.s32 $0x88, s3;
	s6 =	simm.s32 @!p1 $0x1082;
	[sflag:s4] =	ssyncset.s32 $0xFFFFF086  }
0x25: {  	[simem:s6], [sflag:s4] =	dma.local [hbm:s3], $0xF7A  }
0x26: {  	[smem:$0x3F9E] =	sst s1;
	(tag) =	ssettag s2;
	_ =	strace s9  }
0x27: {  	s1 =	sld [smem:$0x3FAE]  }
0x28: {  	s2 =	sld [smem:$0x3FAF]  }
0x29: {  	s4 =	sld [smem:$0x3FB1]  }
0x2a: {  	p0 =	seq.s32 s5, $0x0;
	s5 =	sld [smem:$0x3FB2]  }
0x2b: {  	s6 =	sld [smem:$0x3FB3]  }
0x2c: {  	s7 =	sld [smem:$0x3FB4]  }
0x2d: {  	s3 =	simm.s32 $0x108;
	s8 =	sld [smem:$0x3FB5]  }
0x2e: {  	s3 =	simm.s32 @!p0 $0x1082;
	s9 =	sld [smem:$0x3FB6]  }
0x2f: {  	lr =	sadd.s32 s0, s3;
	s0 =	sld [smem:$0x3FAD]  }
0x30: {  	s3 =	sld [smem:$0x3FB0]  }
0x31: {  	[smem:$0x3FB9] =	sst s10  }
0x32: {  	s10 =	sld [smem:$0x3FB7];
	_ =	sdelay $0x3  }
0x33: {  	p0 =	seq.s32 s10, $0x1;
	s10 =	sld [smem:$0x3FB9];
	_ =	sdelay $0x3  }
0x34: {  	[smem:$0x3FB9] =	sst s10  }
0x35: {  	s10 =	sld [smem:$0x3FB8];
	_ =	sdelay $0x3  }
0x36: {  	p1 =	seq.s32 s10, $0x1;
	s10 =	sld [smem:$0x3FB9];
	_ =	sdelay $0x3  }
0x37: {  	[smem:$0x3FB9] =	sst s10  }
0x38: {  	s10 =	sld [smem:$0x3FBA]  }
0x39: {  	_ = 	snop;
	(pc) =	sbr.ind lr, $3  }
0x3a: {  	_ = 	snop  }
0x3b: {  	_ = 	snop  }
0x3c: {  	p2 =	seq.s32 s10, $0x1;
	s10 =	sld [smem:$0x3FB9]  }
0x3d: {  	_ =	shalt  }
0x3e: {  	_ =	shalt  }
0x3f: {  	_ =	shalt  }
0x40: {  	_ =	shalt  }
0x41: {  	_ =	shalt  }
0x42: {  	_ =	shalt  }
0x43: {  	_ =	shalt  }
0x44: {  	_ =	shalt  }
0x45: {  	_ =	shalt  }
0x46: {  	_ =	shalt  }
0x47: {  	_ =	shalt  }
0x48: {  	_ =	shalt  }
0x49: {  	_ =	shalt  }
0x4a: {  	_ =	shalt  }
0x4b: {  	_ =	shalt  }
0x4c: {  	_ =	shalt  }
0x4d: {  	_ =	shalt  }
0x4e: {  	_ =	shalt  }
0x4f: {  	_ =	shalt  }
0x50: {  	_ =	shalt  }
0x51: {  	_ =	shalt  }
0x52: {  	_ =	shalt  }
0x53: {  	_ =	shalt  }
0x54: {  	_ =	shalt  }
0x55: {  	_ =	shalt  }
0x56: {  	_ =	shalt  }
0x57: {  	_ =	shalt  }
0x58: {  	_ =	shalt  }
0x59: {  	_ =	shalt  }
0x5a: {  	_ =	shalt  }
0x5b: {  	_ =	shalt  }
0x5c: {  	_ =	shalt  }
0x5d: {  	_ =	shalt  }
0x5e: {  	_ =	shalt  }
0x5f: {  	_ =	shalt  }
0x60: {  	_ =	shalt  }
0x61: {  	_ =	shalt  }
0x62: {  	_ =	shalt  }
0x63: {  	_ =	shalt  }
0x64: {  	_ =	shalt  }
0x65: {  	_ =	shalt  }
0x66: {  	_ =	shalt  }
0x67: {  	_ =	shalt  }
0x68: {  	_ =	shalt  }
0x69: {  	_ =	shalt  }
0x6a: {  	_ =	shalt  }
0x6b: {  	_ =	shalt  }
0x6c: {  	_ =	shalt  }
0x6d: {  	_ =	shalt  }
0x6e: {  	_ =	shalt  }
0x6f: {  	_ =	shalt  }
0x70: {  	_ =	shalt  }
0x71: {  	_ =	shalt  }
0x72: {  	_ =	shalt  }
0x73: {  	_ =	shalt  }
0x74: {  	_ =	shalt  }
0x75: {  	_ =	shalt  }
0x76: {  	_ =	shalt  }
0x77: {  	_ =	shalt  }
0x78: {  	_ =	shalt  }
0x79: {  	_ =	shalt  }
0x7a: {  	_ =	shalt  }
0x7b: {  	_ =	shalt  }
0x7c: {  	_ =	shalt  }
0x7d: {  	_ =	shalt  }
0x7e: {  	_ =	shalt  }
0x7f: {  	_ =	shalt  }
0x80: {  	_ =	shalt  }
0x81: {  	_ =	shalt  }
0x82: {  	_ =	shalt  }
0x83: {  	_ =	shalt  }
0x84: {  	_ =	shalt  }
0x85: {  	_ =	shalt  }
0x86: {  	_ =	shalt  }
0x87: {  	_ =	shalt  }
.Lfunc_end0:
.L_simem_size_0:
called_computation.1_lowered:
.L_overlay_start_0:
0x88: {  	s2 =	sld [smem:$0x3FD9]  }
0x89: {  	s3 =	sld [smem:$0x3FFE];
	_ =	sdelay $0x1  }
0x8a: {  	s1 =	srdreg.scid  }
0x8b: {  	s0 =	sand.u32 $0x1, s1  }
0x8c: {  	s14 =	sshll.u32 s0, $0xA;
	s2 =	sadd.s32 s3, s2  }
0x8d: {  	s2 =	sadd.s32 s2, s14  }
0x8e: {  	[smem:$0x3FC5] =	sst s2  }
0x8f: {  	_ = 	snop  }
0x90: {  	s2 =	sld [smem:$0x3FD0];
	_ =	sdelay $0x2  }
0x91: {  	s4 =	simm.s32 $0xA;
	s5 =	simm.s32 $0x10;
	s15 =	sld [smem:$0x3FC9]  }
0x92: {  	[smem:s5], [sflag:s4] =	dma.local [hbm:s2], $0x1  }
0x93: {  	_ =	swait.eq [sflag:s4], $0x1  }
0x94: {  	s16 =	sld [smem:$0x10]  }
0x95: {  	s17 =	sld [smem:$0x11]  }
0x96: {  	s6 =	sld [smem:$0x12];
	[sflag:s4] =	ssyncset.done $0x0  }
0x97: {  	s7 =	sld [smem:$0x13];
	[sflag:s4] =	ssyncadd.s32 $0xFFFFFFFF  }
0x98: {  	s18 =	sld [smem:$0x14];
	(tm) =	ssettm $0x1  }
0x99: {  	s8 =	sld [smem:$0x3FFB];
	_ =	sdelay $0x3  }
0x9a: {  	_ =	strace s8  }
0x9b: {  	s8 =	sld [smem:$0x3FFC];
	_ =	sdelay $0x3  }
0x9c: {  	_ =	strace s8  }
0x9d: {  	s8 =	sld [smem:$0x3FFD];
	_ =	sdelay $0x3  }
0x9e: {  	_ =	strace s8  }
0x9f: {  	_ =	strace $0x8FFFFFFF  }
0xa0: {  	s19 =	sld [smem:$0x3FDB];
	_ =	sdelay $0x1  }
0xa1: {  	s9 =	simm.s32 $_scs_section_size  }
0xa2: {  	s10 =	simm.s32 $_size__tile_overlayer_lowered;
	s11 =	simm.s32 $_tile_overlayer_lowered  }
0xa3: {  	s22 =	simm.s32 $0x1BFF;
	s21 =	sshll.u32 s11, $0x1;
	s8 =	sadd.s32 s9, s19  }
0xa4: {  	s12 =	simm.s32 $0x0;
	s20 =	sshll.u32 s10, $0x1;
	s10 =	sadd.s32 s21, s8  }
0xa5: {  	[timem:s12], [sflag:s22] =	dma.local [hbm:s10], s20  }
0xa6: {  	_ =	swait.ge [sflag:s22], s20  }
0xa7: {  	s9 =	ssub.s32 $0x0, s20;
	[sflag:s22] =	ssyncset.done $0x0  }
0xa8: {  	[sflag:s22] =	ssyncadd.s32 s9;
	_ =	sdelay $0x1  }
0xa9: {  	s23 =	simm.s32 $0x1B8B  }
0xaa: {  	_ =	swait.ge [sflag:s23], $0x1  }
0xab: {  	[sflag:s23] =	ssyncset.done $0x0  }
0xac: {  	s25 =	simm.s32 $0x1B8E;
	s24 =	sld [smem:$0x3FFE];
	[sflag:s23] =	ssyncadd.s32 $0xFFFFFFFF  }
0xad: {  	s26 =	simm.s32 $execute0_lowered;
	[smem:$0x3FD2] =	sst s25  }
0xae: {  	s10 =	sshll.u32 s26, $0x1;
	_ =	strace $0x80000046;
	[dreg:$0x1] =	wrdreg $0xFFFFFFFF  }
0xaf: {  	s28 =	simm.s32 $_size_execute0_lowered;
	s8 =	sadd.s32 s8, s10;
	[dreg:$0x0] =	wrdreg $0x0  }
0xb0: {  	s10 =	sshll.u32 s28, $0x1;
	[dreg:$0x2] =	wrdreg s8  }
0xb1: {  	[dreg:$0x3] =	wrdreg s10  }
0xb2: {  	[dreg:$0x4] =	wrdreg $0xC0  }
0xb3: {  	_ =	task [dreg:s12], $0x5FFFF  }
0xb4: {  	[dreg:$0x1] =	wrdreg $0xFFFFFFFF  }
0xb5: {  	[dreg:$0x0] =	wrdreg $0x60  }
0xb6: {  	[dreg:$0x2] =	wrdreg s15  }
0xb7: {  	[dreg:$0x3] =	wrdreg s7  }
0xb8: {  	[dreg:$0x4] =	wrdreg s24  }
0xb9: {  	[dreg:$0x5] =	wrdreg s16  }
0xba: {  	[dreg:$0x6] =	wrdreg s17  }
0xbb: {  	[dreg:$0x7] =	wrdreg s18  }
0xbc: {  	[dreg:$0x8] =	wrdreg s6  }
0xbd: {  	[dreg:$0x9] =	wrdreg $0x9  }
0xbe: {  	_ =	task.clear_ibuf [dreg:s12], $0xAFFFF;
	_ =	strace $0x90000046  }
0xbf: {  	s29 =	simm.s32 $0x9;
	_ =	strace $0x80000048  }
0xc0: {  	_ =	swait.ge [sflag:s29], $0x1  }
0xc1: {  	[sflag:s29] =	ssyncadd.s32 $0xFFFFFFFF  }
0xc2: {  	_ =	strace $0x90000048  }
0xc3: {  	_ =	sfence  }
0xc4: {  	s30 =	sld [smem:$0x0];
	_ =	sdelay $0x2  }
0xc5: {  	s31 =	sshll.u32 s1, $0xD;
	s1 =	sshrl.u32 s1, $0x2  }
0xc6: {  	s3 =	sand.u32 $0x4000, s31;
	s1 =	sadd.s32 s1, s30  }
0xc7: {  	s0 =	sor.u32 s3, s0;
	s1 =	sshll.u32 s1, $0x11  }
0xc8: {  	s0 =	sor.u32 s1, s0  }
0xc9: {  	s0 =	sadd.s32 $0x8F2B, s0  }
0xca: {  	[sflag:s0] =	ssyncadd.remote.s32 $0x1  }
0xcb: {  	_ =	sfence.sel $0xFFFF  }
0xcc: {  	[dreg:$0x0] =	wrdreg $0xFFFFFFFF;
	(pc) =	sbr.abs _section_cstart, $3  }
0xcd: {  	[dreg:$0x1] =	wrdreg $0xFFFFFFFF  }
0xce: {  	_ =	task.clear_ibuf [dreg:s12], $0x2FFFF;
	_ =	strace $0x9FFFFFFF  }
0xcf: {  	(tm) =	ssettm $0x7FFFFFFF  }
tec
execute0_lowered:
.L_overlay_start_1:
0x0: {  	(tag) =	ssettag $0x1  }
0x1: {  	s30 =	rddreg [dreg:$0x0]  }
0x2: {  	s1 =	rddreg [dreg:$0x2]  }
0x3: {  	s2 =	rddreg [dreg:$0x4]  }
0x4: {  	s3 =	rddreg [dreg:$0x6]  }
0x5: {  	s4 =	srdreg.scid;
	s0 =	stileid.u32  }
0x6: {  	s6 =	simm.s32 $0x0;
	s4 =	sand.u32 $0x1, s4;
	s5 =	sshll.u32 s0, $0x1  }
0x7: {  	[smem:$0x7FF] =	sst s6;
	s7 =	sadd.s32 $0xE00, s1;
	s5 =	sor.u32 s4, s5  }
0x8: {  	v0 =	vlaneseq.u32;
	s19 =	sshll.u32 s0, $0x6;
	s24 =	sshll.u32 s0, $0xA;
	s20 =	sshll.u32 s5, $0x9  }
0x9: {  	_ =	strace $0x80000047;
	[dreg:$0x9] =	wrdreg s7;
	s25 =	sor.u32 $0x10, s20;
	v33 =	vor.u32 s20, v0  }
0xa: {  	s31 =	sshll.u32 s5, $0x6;
	s18 =	sshll.u32 s5, $0x10;
	s26 =	sor.u32 $0x20, s20;
	v1 =	vor.u32 s25, v0;
	v36 =	vand.u32 $0x60F, v33  }
0xb: {  	s13 =	sshllo.u32 s5, $0x9;
	p0 =	sne.s32 s5, $0x0;
	s5 =	sor.u32 $0x30, s20;
	v2 =	vor.u32 s26, v0;
	[tilespmem:$0x1FE20] =	vst v36;
	v59 =	vand.u32 $0x61F, v1  }
0xc: {  	s9 =	ssub.s32 $0x2, s4;
	s21 =	sor.u32 $0x1C07, s19;
	s7 =	sor.u32 $0x40, s20;
	v3 =	vor.u32 s5, v0;
	v60 =	vand.u32 $0x62F, v2;
	[tilespmem:$0x1FE30] =	vst v59  }
0xd: {  	s23 =	sshll.u32 s4, $0x9;
	s11 =	sshrl.u32 s9, $0x1;
	s19 =	sor.u32 $0x70, s20;
	v4 =	vor.u32 s7, v0;
	v61 =	vand.u32 $0x63F, v3;
	[tilespmem:$0x1FE40] =	vst v60  }
0xe: {  	[dreg:$0xd] =	wrdreg s21;
	s9 =	ssub.s32 s9, s11;
	s21 =	sor.u32 $0x80, s20;
	v7 =	vor.u32 s19, v0;
	v62 =	vand.u32 $0x64F, v4;
	[tilespmem:$0x1FE50] =	vst v61  }
0xf: {  	s10 =	sadd.s32 s31, s1;
	s4 =	smax.u32 s9, $0x1;
	s9 =	sor.u32 $0x50, s20;
	v8 =	vor.u32 s21, v0;
	v41 =	vand.u32 $0x67F, v7;
	[tilespmem:$0x1FE60] =	vst v62  }
0x10: {  	s22 =	sadd.s32 s2, s31;
	s31 =	sadd.s32 $0x1000, s10;
	s10 =	sor.u32 $0x60, s20;
	v5 =	vor.u32 s9, v0;
	v42 =	vand.u32 $0x68F, v8;
	[tilespmem:$0x1FE90] =	vst v41  }
0x11: {  	s12 =	sadd.s32 s30, s18;
	[dreg:$0xf] =	wrdreg s22;
	s22 =	sor.u32 $0x90, s20;
	v6 =	vor.u32 s10, v0;
	v63 =	vand.u32 $0x65F, v5;
	[tilespmem:$0x1FEA0] =	vst v42  }
0x12: {  	[dreg:$0xb] =	wrdreg s12;
	s12 =	sor.u32 s23, s24;
	s23 =	sor.u32 $0xA0, s20;
	v9 =	vor.u32 s22, v0;
	v40 =	vand.u32 $0x66F, v6;
	[tilespmem:$0x1FE70] =	vst v63  }
0x13: {  	s24 =	sor.u32 $0xB0, s20;
	v10 =	vor.u32 s23, v0;
	v43 =	vand.u32 $0x69F, v9;
	[tilespmem:$0x1FE80] =	vst v40  }
0x14: {  	s25 =	sor.u32 $0xC0, s20;
	v11 =	vor.u32 s24, v0;
	v44 =	vand.u32 $0x6AF, v10;
	[tilespmem:$0x1FEB0] =	vst v43  }
0x15: {  	s26 =	sor.u32 $0xD0, s20;
	v12 =	vor.u32 s25, v0;
	v45 =	vand.u32 $0x6BF, v11;
	[tilespmem:$0x1FEC0] =	vst v44  }
0x16: {  	s29 =	simm.s32 $0x4080;
	s19 =	sor.u32 $0x100, s20;
	v13 =	vor.u32 s26, v0;
	v46 =	vand.u32 $0x6CF, v12;
	[tilespmem:$0x1FED0] =	vst v45  }
0x17: {  	s28 =	simm.s32 $0x0;
	s8 =	sadd.s32 $0x1800, s1;
	s21 =	sor.u32 $0x110, s20;
	v16 =	vor.u32 s19, v0;
	v47 =	vand.u32 $0x6DF, v13;
	[tilespmem:$0x1FEE0] =	vst v46  }
0x18: {  	s14 =	sadd.s32 $0x1900, s1;
	[dreg:$0x11] =	wrdreg s31;
	s31 =	sor.u32 $0xE0, s20;
	v17 =	vor.u32 s21, v0;
	v50 =	vand.u32 $0x70F, v16;
	[tilespmem:$0x1FEF0] =	vst v47  }
0x19: {  	vm1 =	vmmov $0xff;
	s15 =	sadd.s32 $0x1A00, s1;
	s17 =	sadd.s32 $0x200, s30;
	s10 =	sor.u32 $0xF0, s20;
	v14 =	vor.u32 s31, v0;
	v51 =	vand.u32 $0x71F, v17;
	[tilespmem:$0x1FF20] =	vst v50  }
0x1a: {  	vm2 =	vmmov $0x1;
	s16 =	sadd.s32 $0x1B00, s1;
	[smem:$0x7FC] =	sst s17;
	s22 =	sor.u32 $0x120, s20;
	v15 =	vor.u32 s10, v0;
	v48 =	vand.u32 $0x6EF, v14;
	[tilespmem:$0x1FF30] =	vst v51  }
0x1b: {  	vm3 =	vcmask $0x308;
	s3 =	sadd.s32 s3, s18;
	s11 =	smin.u32 s13, $0x3FF1;
	s23 =	sor.u32 $0x130, s20;
	v18 =	vor.u32 s22, v0;
	v49 =	vand.u32 $0x6FF, v15;
	[tilespmem:$0x1FF00] =	vst v48  }
0x1c: {  	vm4 =	vcmask $0x70C;
	s13 =	sadd.s32 $0x100, s30;
	[dreg:$0xa] =	wrdreg s20;
	s24 =	sor.u32 $0x140, s20;
	v19 =	vor.u32 s23, v0;
	v52 =	vand.u32 $0x72F, v18;
	[tilespmem:$0x1FF10] =	vst v49  }
0x1d: {  	vm5 =	vcmask $0xB10;
	s18 =	sadd.s32 $0x300, s30;
	[dreg:$0xc] =	wrdreg s3;
	s25 =	sor.u32 $0x150, s20;
	v20 =	vor.u32 s24, v0;
	v53 =	vand.u32 $0x73F, v19;
	[tilespmem:$0x1FF40] =	vst v52  }
0x1e: {  	vm6 =	vcmask $0xF14;
	s2 =	simm.s32 $0x6880;
	[dreg:$0xe] =	wrdreg s11;
	s26 =	sor.u32 $0x160, s20;
	v21 =	vor.u32 s25, v0;
	v54 =	vand.u32 $0x74F, v20;
	[tilespmem:$0x1FF50] =	vst v53  }
0x1f: {  	vm7 =	vcmask $0x1318;
	s3 =	simm.s32 $0x7080;
	[dreg:$0x12] =	wrdreg s4;
	s4 =	sor.u32 $0x180, s20;
	v22 =	vor.u32 s26, v0;
	v55 =	vand.u32 $0x75F, v21;
	[tilespmem:$0x1FF60] =	vst v54  }
0x20: {  	vm8 =	vcmask $0x171C;
	s7 =	simm.s32 $0x8880;
	[smem:$0x7FB] =	sst s13;
	s9 =	sor.u32 $0x190, s20;
	v24 =	vor.u32 s4, v0;
	v56 =	vand.u32 $0x76F, v22;
	[tilespmem:$0x1FF70] =	vst v55  }
0x21: {  	v32 =	vmov s11;
	s11 =	simm.s32 $0x9880;
	[smem:$0x7FD] =	sst s18;
	s19 =	sor.u32 $0x1B0, s20;
	v25 =	vor.u32 s9, v0;
	v58 =	vand.u32 $0x78F, v24;
	[tilespmem:$0x1FF80] =	vst v56  }
0x22: {  	vm9 =	vcmask $0x1B20;
	[dreg:$0x10] =	wrdreg s12;
	s21 =	sor.u32 $0x1C0, s20;
	s31 =	sor.u32 $0x170, s20;
	v27 =	vor.u32 s19, v0;
	v59 =	vand.u32 $0x79F, v25;
	[tilespmem:$0x1FFA0] =	vst v58  }
0x23: {  	vm10 =	vmmov $0xffff;
	s10 =	sor.u32 $0x1A0, s20;
	s22 =	sor.u32 $0x1D0, s20;
	s23 =	sor.u32 $0x1E0, s20;
	v28 =	vor.u32 s21, v0;
	v61 =	vand.u32 $0x7BF, v27;
	[tilespmem:$0x1FFB0] =	vst v59  }
.Ltmp0:
0x24: {  	v38 =	vimm.s32 $0x0;
	s24 =	sor.u32 $0x1F0, s20;
	s25 =	sshrl.u32 s0, $0x1;
	v23 =	vor.u32 s31, v0;
	v62 =	vand.u32 $0x7CF, v28;
	[tilespmem:$0x1FFD0] =	vst v61;
	(pc) =	sbr.rel .LBB2_1-.Ltmp0, $4  }
0x25: {  	v34 =	vmov s20;
	s26 =	ssub.s32 $0x80000002, s12;
	s21 =	simm.s32 $0x8;
	s4 =	simm.s32 $0x7880;
	v26 =	vor.u32 s10, v0;
	v57 =	vand.u32 $0x77F, v23;
	[tilespmem:$0x1FFE0] =	vst v62  }
0x26: {  	s20 =	simm.s32 $0xA880;
	[dreg:$0x13] =	wrdreg s26;
	s31 =	sor.u32 $0x30, s12;
	v29 =	vor.u32 s22, v0;
	v30 =	vor.u32 s23, v0;
	v60 =	vand.u32 $0x7AF, v26;
	[tilespmem:$0x1FF90] =	vst v57  }
0x27: {  	v31 =	vor.u32 s24, v0;
	s26 =	simm.s32 $0x80;
	v35 =	vmov s25;
	s24 =	simm.s32 $0x9080;
	s12 =	simm.s32 $0xA080;
	v63 =	vand.u32 $0x7DF, v29;
	[tilespmem:$0x1FFC0] =	vst v60  }
0x28: {  	s22 =	simm.s32 $0xB080;
	s23 =	simm.s32 $0xB880;
	[dreg:$0x14] =	wrdreg s31;
	vm0 =	veq.s32 v35, v0;
	v36 =	vand.u32 $0x7EF, v30;
	v37 =	vand.u32 $0x7FF, v31;
	[tilespmem:$0x1FFF0] =	vst v63  }
.LBB2_15:
0x29: {  	vm11 =	vlt.s32 v33, v50  }
0x2a: {  	v35 =	vsel vm11, $0x0, v52;
	vm11 =	vlt.s32 v33, v54  }
0x2b: {  	v35 =	vadd.s32 v33, v35;
	v56 =	vsel vm11, $0x0, v46;
	vm11 =	vlt.s32 v33, v55  }
0x2c: {  	v35 =	vadd.s32 v56, v35;
	v60 =	vsel vm11, $0x0, v51;
	vm11 =	vlt.s32 v33, v47  }
0x2d: {  	v35 =	vadd.s32 v60, v35;
	v61 =	vsel vm11, $0x0, v48;
	vm11 =	vlt.s32 v33, v53  }
0x2e: {  	v35 =	vadd.s32 v61, v35;
	v62 =	vsel vm11, $0x0, v43;
	vm11 =	vlt.s32 v33, v45  }
0x2f: {  	v35 =	vadd.s32 v62, v35;
	v63 =	vsel vm11, $0x0, v44;
	vm11 =	vlt.s32 v33, v49  }
0x30: {  	v35 =	vadd.s32 v63, v35;
	v60 =	vsel vm11, $0x0, v42  }
0x31: {  	vm11 =	veq.s32 v33, v40;
	v35 =	vadd.s32 v60, v35  }
0x32: {  	v35 =	vsel vm11, v41, v35  }
0x33: {  	vm11 =	vlt.s32 v35, $0x3FFF  }
0x34: {  	v35 =	vnsel vm11, $0x3FFF, v35;
	vm11 =	vlt.s32 v1, v50  }
0x35: {  	v61 =	vsel vm11, $0x0, v52;
	vm11 =	vlt.s32 v1, v54  }
0x36: {  	v56 =	vadd.s32 v1, v61;
	v57 =	vsel vm11, $0x0, v46;
	vm11 =	vlt.s32 v1, v55  }
0x37: {  	v56 =	vadd.s32 v57, v56;
	v62 =	vsel vm11, $0x0, v51;
	vm11 =	vlt.s32 v1, v47  }
0x38: {  	s26 =	simm.s32 $0x80;
	v56 =	vadd.s32 v62, v56;
	v63 =	vsel vm11, $0x0, v48;
	vm11 =	vlt.s32 v1, v53  }
0x39: {  	v35 =	vld.idx.msk [tilespmem:v35+s26+$0x0], $0xffff;
	v56 =	vadd.s32 v63, v56;
	v60 =	vsel vm11, $0x0, v43;
	vm11 =	vlt.s32 v1, v45  }
0x3a: {  	v56 =	vadd.s32 v60, v56;
	v61 =	vsel vm11, $0x0, v44;
	vm11 =	vlt.s32 v1, v49  }
0x3b: {  	v56 =	vadd.s32 v61, v56;
	v62 =	vsel vm11, $0x0, v42  }
0x3c: {  	vm11 =	veq.s32 v1, v40;
	v56 =	vadd.s32 v62, v56  }
0x3d: {  	vm12 =	vgt.s32 v33, v40;
	v56 =	vsel vm11, v41, v56  }
0x3e: {  	v35 =	vsel vm12, $0x1, v35;
	vm11 =	vlt.s32 v56, $0x3FFF;
	vm12 =	vlt.s32 v2, v50  }
0x3f: {  	v56 =	vnsel vm11, $0x3FFF, v56;
	v63 =	vsel vm12, $0x0, v52;
	vm11 =	vlt.s32 v2, v54  }
0x40: {  	v57 =	vadd.s32 v2, v63;
	v58 =	vsel vm11, $0x0, v46;
	vm11 =	vlt.s32 v2, v55  }
0x41: {  	v57 =	vadd.s32 v58, v57;
	v60 =	vsel vm11, $0x0, v51;
	vm11 =	vlt.s32 v2, v47  }
0x42: {  	v57 =	vadd.s32 v60, v57;
	v61 =	vsel vm11, $0x0, v48;
	vm11 =	vlt.s32 v2, v53  }
0x43: {  	v57 =	vadd.s32 v61, v57;
	v62 =	vsel vm11, $0x0, v43;
	vm11 =	vlt.s32 v2, v45  }
0x44: {  	[tilespmem:$0x18480] =	vst v35;
	v63 =	vadd.s32 v62, v57;
	v60 =	vsel vm11, $0x0, v44;
	vm11 =	vlt.s32 v2, v49  }
0x45: {  	v56 =	vld.idx.msk [tilespmem:v56+s26+$0x0], $0xffff;
	v35 =	vadd.s32 v60, v63;
	v61 =	vsel vm11, $0x0, v42  }
0x46: {  	vm11 =	veq.s32 v2, v40;
	v35 =	vadd.s32 v61, v35  }
0x47: {  	v35 =	vsel vm11, v41, v35  }
0x48: {  	vm11 =	vlt.s32 v35, $0x3FFF  }
0x49: {  	vm12 =	vgt.s32 v1, v40;
	v35 =	vnsel vm11, $0x3FFF, v35;
	vm11 =	vlt.s32 v3, v50  }
0x4a: {  	v56 =	vsel vm12, $0x1, v56;
	v62 =	vsel vm11, $0x0, v52;
	vm11 =	vlt.s32 v3, v54  }
0x4b: {  	v57 =	vadd.s32 v3, v62;
	v63 =	vsel vm11, $0x0, v46;
	vm11 =	vlt.s32 v3, v55  }
0x4c: {  	v57 =	vadd.s32 v63, v57;
	v60 =	vsel vm11, $0x0, v51;
	vm11 =	vlt.s32 v3, v47  }
0x4d: {  	[tilespmem:$0x18490] =	vst v56;
	v61 =	vadd.s32 v60, v57;
	v62 =	vsel vm11, $0x0, v48;
	vm11 =	vlt.s32 v3, v53  }
0x4e: {  	v35 =	vld.idx.msk [tilespmem:v35+s26+$0x0], $0xffff;
	v56 =	vadd.s32 v62, v61;
	v63 =	vsel vm11, $0x0, v43;
	vm11 =	vlt.s32 v3, v45  }
0x4f: {  	v56 =	vadd.s32 v63, v56;
	v60 =	vsel vm11, $0x0, v44;
	vm11 =	vlt.s32 v3, v49  }
0x50: {  	v56 =	vadd.s32 v60, v56;
	v61 =	vsel vm11, $0x0, v42  }
0x51: {  	vm11 =	veq.s32 v3, v40;
	v56 =	vadd.s32 v61, v56  }
0x52: {  	vm12 =	vgt.s32 v2, v40;
	v56 =	vsel vm11, v41, v56  }
0x53: {  	v35 =	vsel vm12, $0x1, v35;
	vm11 =	vlt.s32 v56, $0x3FFF;
	vm12 =	vlt.s32 v4, v50  }
0x54: {  	v56 =	vnsel vm11, $0x3FFF, v56;
	v62 =	vsel vm12, $0x0, v52;
	vm11 =	vlt.s32 v4, v54  }
0x55: {  	v57 =	vadd.s32 v4, v62;
	v63 =	vsel vm11, $0x0, v46;
	vm11 =	vlt.s32 v4, v55  }
0x56: {  	v57 =	vadd.s32 v63, v57;
	v60 =	vsel vm11, $0x0, v51;
	vm11 =	vlt.s32 v4, v47  }
0x57: {  	v57 =	vadd.s32 v60, v57;
	v61 =	vsel vm11, $0x0, v48;
	vm11 =	vlt.s32 v4, v53  }
0x58: {  	v57 =	vadd.s32 v61, v57;
	v62 =	vsel vm11, $0x0, v43;
	vm11 =	vlt.s32 v4, v45  }
0x59: {  	[tilespmem:$0x184A0] =	vst v35;
	v63 =	vadd.s32 v62, v57;
	v60 =	vsel vm11, $0x0, v44;
	vm11 =	vlt.s32 v4, v49  }
0x5a: {  	v56 =	vld.idx.msk [tilespmem:v56+s26+$0x0], $0xffff;
	v35 =	vadd.s32 v60, v63;
	v61 =	vsel vm11, $0x0, v42  }
0x5b: {  	vm11 =	veq.s32 v4, v40;
	v35 =	vadd.s32 v61, v35  }
0x5c: {  	v35 =	vsel vm11, v41, v35  }
0x5d: {  	vm11 =	vlt.s32 v35, $0x3FFF  }
0x5e: {  	vm12 =	vgt.s32 v3, v40;
	v35 =	vnsel vm11, $0x3FFF, v35;
	vm11 =	vlt.s32 v5, v50  }
0x5f: {  	v56 =	vsel vm12, $0x1, v56;
	v62 =	vsel vm11, $0x0, v52;
	vm11 =	vlt.s32 v5, v54  }
0x60: {  	v57 =	vadd.s32 v5, v62;
	v63 =	vsel vm11, $0x0, v46;
	vm11 =	vlt.s32 v5, v55  }
0x61: {  	v57 =	vadd.s32 v63, v57;
	v60 =	vsel vm11, $0x0, v51;
	vm11 =	vlt.s32 v5, v47  }
0x62: {  	[tilespmem:$0x184B0] =	vst v56;
	v61 =	vadd.s32 v60, v57;
	v62 =	vsel vm11, $0x0, v48;
	vm11 =	vlt.s32 v5, v53  }
0x63: {  	v35 =	vld.idx.msk [tilespmem:v35+s26+$0x0], $0xffff;
	v56 =	vadd.s32 v62, v61;
	v63 =	vsel vm11, $0x0, v43;
	vm11 =	vlt.s32 v5, v45  }
0x64: {  	v56 =	vadd.s32 v63, v56;
	v60 =	vsel vm11, $0x0, v44;
	vm11 =	vlt.s32 v5, v49  }
0x65: {  	v56 =	vadd.s32 v60, v56;
	v61 =	vsel vm11, $0x0, v42  }
0x66: {  	vm11 =	veq.s32 v5, v40;
	v56 =	vadd.s32 v61, v56  }
0x67: {  	vm12 =	vgt.s32 v4, v40;
	v56 =	vsel vm11, v41, v56  }
0x68: {  	v35 =	vsel vm12, $0x1, v35;
	vm11 =	vlt.s32 v56, $0x3FFF;
	vm12 =	vlt.s32 v6, v50  }
0x69: {  	v56 =	vnsel vm11, $0x3FFF, v56;
	v62 =	vsel vm12, $0x0, v52;
	vm11 =	vlt.s32 v6, v54  }
0x6a: {  	v57 =	vadd.s32 v6, v62;
	v63 =	vsel vm11, $0x0, v46;
	vm11 =	vlt.s32 v6, v55  }
0x6b: {  	v57 =	vadd.s32 v63, v57;
	v60 =	vsel vm11, $0x0, v51;
	vm11 =	vlt.s32 v6, v47  }
0x6c: {  	v57 =	vadd.s32 v60, v57;
	v61 =	vsel vm11, $0x0, v48;
	vm11 =	vlt.s32 v6, v53  }
0x6d: {  	v57 =	vadd.s32 v61, v57;
	v62 =	vsel vm11, $0x0, v43;
	vm11 =	vlt.s32 v6, v45  }
0x6e: {  	[tilespmem:$0x184C0] =	vst v35;
	v63 =	vadd.s32 v62, v57;
	v60 =	vsel vm11, $0x0, v44;
	vm11 =	vlt.s32 v6, v49  }
0x6f: {  	v56 =	vld.idx.msk [tilespmem:v56+s26+$0x0], $0xffff;
	v35 =	vadd.s32 v60, v63;
	v61 =	vsel vm11, $0x0, v42  }
0x70: {  	vm11 =	veq.s32 v6, v40;
	v35 =	vadd.s32 v61, v35  }
0x71: {  	v35 =	vsel vm11, v41, v35  }
0x72: {  	vm11 =	vlt.s32 v35, $0x3FFF  }
0x73: {  	vm12 =	vgt.s32 v5, v40;
	v35 =	vnsel vm11, $0x3FFF, v35;
	vm11 =	vlt.s32 v7, v50  }
0x74: {  	v56 =	vsel vm12, $0x1, v56;
	v62 =	vsel vm11, $0x0, v52;
	vm11 =	vlt.s32 v7, v54  }
0x75: {  	v57 =	vadd.s32 v7, v62;
	v63 =	vsel vm11, $0x0, v46;
	vm11 =	vlt.s32 v7, v55  }
0x76: {  	v57 =	vadd.s32 v63, v57;
	v60 =	vsel vm11, $0x0, v51;
	vm11 =	vlt.s32 v7, v47  }
0x77: {  	[tilespmem:$0x184D0] =	vst v56;
	v61 =	vadd.s32 v60, v57;
	v62 =	vsel vm11, $0x0, v48;
	vm11 =	vlt.s32 v7, v53  }
0x78: {  	v35 =	vld.idx.msk [tilespmem:v35+s26+$0x0], $0xffff;
	v56 =	vadd.s32 v62, v61;
	v63 =	vsel vm11, $0x0, v43;
	vm11 =	vlt.s32 v7, v45  }
0x79: {  	v56 =	vadd.s32 v63, v56;
	v60 =	vsel vm11, $0x0, v44;
	vm11 =	vlt.s32 v7, v49  }
0x7a: {  	v56 =	vadd.s32 v60, v56;
	v61 =	vsel vm11, $0x0, v42  }
0x7b: {  	vm11 =	veq.s32 v7, v40;
	v56 =	vadd.s32 v61, v56  }
0x7c: {  	vm12 =	vgt.s32 v6, v40;
	v56 =	vsel vm11, v41, v56  }
0x7d: {  	v35 =	vsel vm12, $0x1, v35;
	vm11 =	vlt.s32 v56, $0x3FFF;
	vm12 =	vlt.s32 v8, v50  }
0x7e: {  	v56 =	vnsel vm11, $0x3FFF, v56;
	v62 =	vsel vm12, $0x0, v52;
	vm11 =	vlt.s32 v8, v54  }
0x7f: {  	v57 =	vadd.s32 v8, v62;
	v63 =	vsel vm11, $0x0, v46;
	vm11 =	vlt.s32 v8, v55  }
0x80: {  	v57 =	vadd.s32 v63, v57;
	v60 =	vsel vm11, $0x0, v51;
	vm11 =	vlt.s32 v8, v47  }
0x81: {  	v57 =	vadd.s32 v60, v57;
	v61 =	vsel vm11, $0x0, v48;
	vm11 =	vlt.s32 v8, v53  }
0x82: {  	v57 =	vadd.s32 v61, v57;
	v62 =	vsel vm11, $0x0, v43;
	vm11 =	vlt.s32 v8, v45  }
0x83: {  	[tilespmem:$0x184E0] =	vst v35;
	v63 =	vadd.s32 v62, v57;
	v60 =	vsel vm11, $0x0, v44;
	vm11 =	vlt.s32 v8, v49  }
0x84: {  	v56 =	vld.idx.msk [tilespmem:v56+s26+$0x0], $0xffff;
	v35 =	vadd.s32 v60, v63;
	v61 =	vsel vm11, $0x0, v42  }
0x85: {  	vm11 =	veq.s32 v8, v40;
	v35 =	vadd.s32 v61, v35  }
0x86: {  	v35 =	vsel vm11, v41, v35  }
0x87: {  	vm11 =	vlt.s32 v35, $0x3FFF  }
0x88: {  	vm12 =	vgt.s32 v7, v40;
	v35 =	vnsel vm11, $0x3FFF, v35;
	vm11 =	vlt.s32 v9, v50  }
0x89: {  	v56 =	vsel vm12, $0x1, v56;
	v62 =	vsel vm11, $0x0, v52;
	vm11 =	vlt.s32 v9, v54  }
0x8a: {  	v57 =	vadd.s32 v9, v62;
	v63 =	vsel vm11, $0x0, v46;
	vm11 =	vlt.s32 v9, v55  }
0x8b: {  	v57 =	vadd.s32 v63, v57;
	v60 =	vsel vm11, $0x0, v51;
	vm11 =	vlt.s32 v9, v47  }
0x8c: {  	[tilespmem:$0x184F0] =	vst v56;
	v61 =	vadd.s32 v60, v57;
	v62 =	vsel vm11, $0x0, v48;
	vm11 =	vlt.s32 v9, v53  }
0x8d: {  	v35 =	vld.idx.msk [tilespmem:v35+s26+$0x0], $0xffff;
	v56 =	vadd.s32 v62, v61;
	v63 =	vsel vm11, $0x0, v43;
	vm11 =	vlt.s32 v9, v45  }
0x8e: {  	v56 =	vadd.s32 v63, v56;
	v60 =	vsel vm11, $0x0, v44;
	vm11 =	vlt.s32 v9, v49  }
0x8f: {  	v56 =	vadd.s32 v60, v56;
	v61 =	vsel vm11, $0x0, v42  }
0x90: {  	vm11 =	veq.s32 v9, v40;
	v56 =	vadd.s32 v61, v56  }
0x91: {  	vm12 =	vgt.s32 v8, v40;
	v56 =	vsel vm11, v41, v56  }
0x92: {  	v35 =	vsel vm12, $0x1, v35;
	vm11 =	vlt.s32 v56, $0x3FFF;
	vm12 =	vlt.s32 v10, v50  }
0x93: {  	v56 =	vnsel vm11, $0x3FFF, v56;
	v62 =	vsel vm12, $0x0, v52;
	vm11 =	vlt.s32 v10, v54  }
0x94: {  	v57 =	vadd.s32 v10, v62;
	v63 =	vsel vm11, $0x0, v46;
	vm11 =	vlt.s32 v10, v55  }
0x95: {  	v57 =	vadd.s32 v63, v57;
	v60 =	vsel vm11, $0x0, v51;
	vm11 =	vlt.s32 v10, v47  }
0x96: {  	v57 =	vadd.s32 v60, v57;
	v61 =	vsel vm11, $0x0, v48;
	vm11 =	vlt.s32 v10, v53  }
0x97: {  	v57 =	vadd.s32 v61, v57;
	v62 =	vsel vm11, $0x0, v43;
	vm11 =	vlt.s32 v10, v45  }
0x98: {  	[tilespmem:$0x18500] =	vst v35;
	v63 =	vadd.s32 v62, v57;
	v60 =	vsel vm11, $0x0, v44;
	vm11 =	vlt.s32 v10, v49  }
0x99: {  	v56 =	vld.idx.msk [tilespmem:v56+s26+$0x0], $0xffff;
	v35 =	vadd.s32 v60, v63;
	v61 =	vsel vm11, $0x0, v42  }
0x9a: {  	vm11 =	veq.s32 v10, v40;
	v35 =	vadd.s32 v61, v35  }
0x9b: {  	v35 =	vsel vm11, v41, v35  }
0x9c: {  	vm11 =	vlt.s32 v35, $0x3FFF  }
0x9d: {  	vm12 =	vgt.s32 v9, v40;
	v35 =	vnsel vm11, $0x3FFF, v35;
	vm11 =	vlt.s32 v11, v50  }
0x9e: {  	v56 =	vsel vm12, $0x1, v56;
	v62 =	vsel vm11, $0x0, v52;
	vm11 =	vlt.s32 v11, v54  }
0x9f: {  	v57 =	vadd.s32 v11, v62;
	v63 =	vsel vm11, $0x0, v46;
	vm11 =	vlt.s32 v11, v55  }
0xa0: {  	v57 =	vadd.s32 v63, v57;
	v60 =	vsel vm11, $0x0, v51;
	vm11 =	vlt.s32 v11, v47  }
0xa1: {  	[tilespmem:$0x18510] =	vst v56;
	v61 =	vadd.s32 v60, v57;
	v62 =	vsel vm11, $0x0, v48;
	vm11 =	vlt.s32 v11, v53  }
0xa2: {  	v35 =	vld.idx.msk [tilespmem:v35+s26+$0x0], $0xffff;
	v56 =	vadd.s32 v62, v61;
	v63 =	vsel vm11, $0x0, v43;
	vm11 =	vlt.s32 v11, v45  }
0xa3: {  	v56 =	vadd.s32 v63, v56;
	v60 =	vsel vm11, $0x0, v44;
	vm11 =	vlt.s32 v11, v49  }
0xa4: {  	v56 =	vadd.s32 v60, v56;
	v61 =	vsel vm11, $0x0, v42  }
0xa5: {  	vm11 =	veq.s32 v11, v40;
	v56 =	vadd.s32 v61, v56  }
0xa6: {  	vm12 =	vgt.s32 v10, v40;
	v56 =	vsel vm11, v41, v56  }
0xa7: {  	v35 =	vsel vm12, $0x1, v35;
	vm11 =	vlt.s32 v56, $0x3FFF;
	vm12 =	vlt.s32 v12, v50  }
0xa8: {  	v56 =	vnsel vm11, $0x3FFF, v56;
	v62 =	vsel vm12, $0x0, v52;
	vm11 =	vlt.s32 v12, v54  }
0xa9: {  	v57 =	vadd.s32 v12, v62;
	v63 =	vsel vm11, $0x0, v46;
	vm11 =	vlt.s32 v12, v55  }
0xaa: {  	v57 =	vadd.s32 v63, v57;
	v60 =	vsel vm11, $0x0, v51;
	vm11 =	vlt.s32 v12, v47  }
0xab: {  	v57 =	vadd.s32 v60, v57;
	v61 =	vsel vm11, $0x0, v48;
	vm11 =	vlt.s32 v12, v53  }
0xac: {  	v57 =	vadd.s32 v61, v57;
	v62 =	vsel vm11, $0x0, v43;
	vm11 =	vlt.s32 v12, v45  }
0xad: {  	[tilespmem:$0x18520] =	vst v35;
	v63 =	vadd.s32 v62, v57;
	v60 =	vsel vm11, $0x0, v44;
	vm11 =	vlt.s32 v12, v49  }
0xae: {  	v56 =	vld.idx.msk [tilespmem:v56+s26+$0x0], $0xffff;
	v35 =	vadd.s32 v60, v63;
	v61 =	vsel vm11, $0x0, v42  }
0xaf: {  	vm11 =	veq.s32 v12, v40;
	v35 =	vadd.s32 v61, v35  }
0xb0: {  	v35 =	vsel vm11, v41, v35  }
0xb1: {  	vm11 =	vlt.s32 v35, $0x3FFF  }
0xb2: {  	vm12 =	vgt.s32 v11, v40;
	v35 =	vnsel vm11, $0x3FFF, v35;
	vm11 =	vlt.s32 v13, v50  }
0xb3: {  	v56 =	vsel vm12, $0x1, v56;
	v62 =	vsel vm11, $0x0, v52;
	vm11 =	vlt.s32 v13, v54  }
0xb4: {  	v57 =	vadd.s32 v13, v62;
	v63 =	vsel vm11, $0x0, v46;
	vm11 =	vlt.s32 v13, v55  }
0xb5: {  	v57 =	vadd.s32 v63, v57;
	v60 =	vsel vm11, $0x0, v51;
	vm11 =	vlt.s32 v13, v47  }
0xb6: {  	[tilespmem:$0x18530] =	vst v56;
	v61 =	vadd.s32 v60, v57;
	v62 =	vsel vm11, $0x0, v48;
	vm11 =	vlt.s32 v13, v53  }
0xb7: {  	v35 =	vld.idx.msk [tilespmem:v35+s26+$0x0], $0xffff;
	v56 =	vadd.s32 v62, v61;
	v63 =	vsel vm11, $0x0, v43;
	vm11 =	vlt.s32 v13, v45  }
0xb8: {  	v56 =	vadd.s32 v63, v56;
	v60 =	vsel vm11, $0x0, v44;
	vm11 =	vlt.s32 v13, v49  }
0xb9: {  	v56 =	vadd.s32 v60, v56;
	v61 =	vsel vm11, $0x0, v42  }
0xba: {  	vm11 =	veq.s32 v13, v40;
	v56 =	vadd.s32 v61, v56  }
0xbb: {  	vm12 =	vgt.s32 v12, v40;
	v56 =	vsel vm11, v41, v56  }
0xbc: {  	v35 =	vsel vm12, $0x1, v35;
	vm11 =	vlt.s32 v56, $0x3FFF;
	vm12 =	vlt.s32 v14, v50  }
0xbd: {  	v56 =	vnsel vm11, $0x3FFF, v56;
	v62 =	vsel vm12, $0x0, v52;
	vm11 =	vlt.s32 v14, v54  }
0xbe: {  	v57 =	vadd.s32 v14, v62;
	v63 =	vsel vm11, $0x0, v46;
	vm11 =	vlt.s32 v14, v55  }
0xbf: {  	v57 =	vadd.s32 v63, v57;
	v60 =	vsel vm11, $0x0, v51;
	vm11 =	vlt.s32 v14, v47  }
0xc0: {  	v57 =	vadd.s32 v60, v57;
	v61 =	vsel vm11, $0x0, v48;
	vm11 =	vlt.s32 v14, v53  }
0xc1: {  	v57 =	vadd.s32 v61, v57;
	v62 =	vsel vm11, $0x0, v43;
	vm11 =	vlt.s32 v14, v45  }
0xc2: {  	[tilespmem:$0x18540] =	vst v35;
	v63 =	vadd.s32 v62, v57;
	v60 =	vsel vm11, $0x0, v44;
	vm11 =	vlt.s32 v14, v49  }
0xc3: {  	v56 =	vld.idx.msk [tilespmem:v56+s26+$0x0], $0xffff;
	v35 =	vadd.s32 v60, v63;
	v61 =	vsel vm11, $0x0, v42  }
0xc4: {  	vm11 =	veq.s32 v14, v40;
	v35 =	vadd.s32 v61, v35  }
0xc5: {  	v35 =	vsel vm11, v41, v35  }
0xc6: {  	vm11 =	vlt.s32 v35, $0x3FFF  }
0xc7: {  	vm12 =	vgt.s32 v13, v40;
	v35 =	vnsel vm11, $0x3FFF, v35;
	vm11 =	vlt.s32 v15, v50  }
0xc8: {  	v56 =	vsel vm12, $0x1, v56;
	v62 =	vsel vm11, $0x0, v52;
	vm11 =	vlt.s32 v15, v54  }
0xc9: {  	v57 =	vadd.s32 v15, v62;
	v63 =	vsel vm11, $0x0, v46;
	vm11 =	vlt.s32 v15, v55  }
0xca: {  	v57 =	vadd.s32 v63, v57;
	v60 =	vsel vm11, $0x0, v51;
	vm11 =	vlt.s32 v15, v47  }
0xcb: {  	[tilespmem:$0x18550] =	vst v56;
	v61 =	vadd.s32 v60, v57;
	v62 =	vsel vm11, $0x0, v48;
	vm11 =	vlt.s32 v15, v53  }
0xcc: {  	v35 =	vld.idx.msk [tilespmem:v35+s26+$0x0], $0xffff;
	v56 =	vadd.s32 v62, v61;
	v63 =	vsel vm11, $0x0, v43;
	vm11 =	vlt.s32 v15, v45  }
0xcd: {  	v56 =	vadd.s32 v63, v56;
	v60 =	vsel vm11, $0x0, v44;
	vm11 =	vlt.s32 v15, v49  }
0xce: {  	v56 =	vadd.s32 v60, v56;
	v61 =	vsel vm11, $0x0, v42  }
0xcf: {  	vm11 =	veq.s32 v15, v40;
	v56 =	vadd.s32 v61, v56  }
0xd0: {  	vm12 =	vgt.s32 v14, v40;
	v56 =	vsel vm11, v41, v56  }
0xd1: {  	v35 =	vsel vm12, $0x1, v35;
	vm11 =	vlt.s32 v56, $0x3FFF;
	vm12 =	vlt.s32 v16, v50  }
0xd2: {  	v56 =	vnsel vm11, $0x3FFF, v56;
	v62 =	vsel vm12, $0x0, v52;
	vm11 =	vlt.s32 v16, v54  }
0xd3: {  	v57 =	vadd.s32 v16, v62;
	v63 =	vsel vm11, $0x0, v46;
	vm11 =	vlt.s32 v16, v55  }
0xd4: {  	v57 =	vadd.s32 v63, v57;
	v60 =	vsel vm11, $0x0, v51;
	vm11 =	vlt.s32 v16, v47  }
0xd5: {  	v57 =	vadd.s32 v60, v57;
	v61 =	vsel vm11, $0x0, v48;
	vm11 =	vlt.s32 v16, v53  }
0xd6: {  	v57 =	vadd.s32 v61, v57;
	v62 =	vsel vm11, $0x0, v43;
	vm11 =	vlt.s32 v16, v45  }
0xd7: {  	[tilespmem:$0x18560] =	vst v35;
	v63 =	vadd.s32 v62, v57;
	v60 =	vsel vm11, $0x0, v44;
	vm11 =	vlt.s32 v16, v49  }
0xd8: {  	v56 =	vld.idx.msk [tilespmem:v56+s26+$0x0], $0xffff;
	v35 =	vadd.s32 v60, v63;
	v61 =	vsel vm11, $0x0, v42  }
0xd9: {  	vm11 =	veq.s32 v16, v40;
	v35 =	vadd.s32 v61, v35  }
0xda: {  	v35 =	vsel vm11, v41, v35  }
0xdb: {  	vm11 =	vlt.s32 v35, $0x3FFF  }
0xdc: {  	vm12 =	vgt.s32 v15, v40;
	v35 =	vnsel vm11, $0x3FFF, v35;
	vm11 =	vlt.s32 v17, v50  }
0xdd: {  	v56 =	vsel vm12, $0x1, v56;
	v62 =	vsel vm11, $0x0, v52;
	vm11 =	vlt.s32 v17, v54  }
0xde: {  	v57 =	vadd.s32 v17, v62;
	v63 =	vsel vm11, $0x0, v46;
	vm11 =	vlt.s32 v17, v55  }
0xdf: {  	v57 =	vadd.s32 v63, v57;
	v60 =	vsel vm11, $0x0, v51;
	vm11 =	vlt.s32 v17, v47  }
0xe0: {  	[tilespmem:$0x18570] =	vst v56;
	v61 =	vadd.s32 v60, v57;
	v62 =	vsel vm11, $0x0, v48;
	vm11 =	vlt.s32 v17, v53  }
0xe1: {  	v35 =	vld.idx.msk [tilespmem:v35+s26+$0x0], $0xffff;
	v56 =	vadd.s32 v62, v61;
	v63 =	vsel vm11, $0x0, v43;
	vm11 =	vlt.s32 v17, v45  }
0xe2: {  	v56 =	vadd.s32 v63, v56;
	v60 =	vsel vm11, $0x0, v44;
	vm11 =	vlt.s32 v17, v49  }
0xe3: {  	v56 =	vadd.s32 v60, v56;
	v61 =	vsel vm11, $0x0, v42  }
0xe4: {  	vm11 =	veq.s32 v17, v40;
	v56 =	vadd.s32 v61, v56  }
0xe5: {  	vm12 =	vgt.s32 v16, v40;
	v56 =	vsel vm11, v41, v56  }
0xe6: {  	v35 =	vsel vm12, $0x1, v35;
	vm11 =	vlt.s32 v56, $0x3FFF;
	vm12 =	vlt.s32 v18, v50  }
0xe7: {  	v56 =	vnsel vm11, $0x3FFF, v56;
	v62 =	vsel vm12, $0x0, v52;
	vm11 =	vlt.s32 v18, v54  }
0xe8: {  	v57 =	vadd.s32 v18, v62;
	v63 =	vsel vm11, $0x0, v46;
	vm11 =	vlt.s32 v18, v55  }
0xe9: {  	v57 =	vadd.s32 v63, v57;
	v60 =	vsel vm11, $0x0, v51;
	vm11 =	vlt.s32 v18, v47  }
0xea: {  	v57 =	vadd.s32 v60, v57;
	v61 =	vsel vm11, $0x0, v48;
	vm11 =	vlt.s32 v18, v53  }
0xeb: {  	v57 =	vadd.s32 v61, v57;
	v62 =	vsel vm11, $0x0, v43;
	vm11 =	vlt.s32 v18, v45  }
0xec: {  	[tilespmem:$0x18580] =	vst v35;
	v63 =	vadd.s32 v62, v57;
	v60 =	vsel vm11, $0x0, v44;
	vm11 =	vlt.s32 v18, v49  }
0xed: {  	v56 =	vld.idx.msk [tilespmem:v56+s26+$0x0], $0xffff;
	v35 =	vadd.s32 v60, v63;
	v61 =	vsel vm11, $0x0, v42  }
0xee: {  	vm11 =	veq.s32 v18, v40;
	v35 =	vadd.s32 v61, v35  }
0xef: {  	v35 =	vsel vm11, v41, v35  }
0xf0: {  	vm11 =	vlt.s32 v35, $0x3FFF  }
0xf1: {  	vm12 =	vgt.s32 v17, v40;
	v35 =	vnsel vm11, $0x3FFF, v35;
	vm11 =	vlt.s32 v19, v50  }
0xf2: {  	v56 =	vsel vm12, $0x1, v56;
	v62 =	vsel vm11, $0x0, v52;
	vm11 =	vlt.s32 v19, v54  }
0xf3: {  	v57 =	vadd.s32 v19, v62;
	v63 =	vsel vm11, $0x0, v46;
	vm11 =	vlt.s32 v19, v55  }
0xf4: {  	v57 =	vadd.s32 v63, v57;
	v60 =	vsel vm11, $0x0, v51;
	vm11 =	vlt.s32 v19, v47  }
0xf5: {  	[tilespmem:$0x18590] =	vst v56;
	v61 =	vadd.s32 v60, v57;
	v62 =	vsel vm11, $0x0, v48;
	vm11 =	vlt.s32 v19, v53  }
0xf6: {  	v35 =	vld.idx.msk [tilespmem:v35+s26+$0x0], $0xffff;
	v56 =	vadd.s32 v62, v61;
	v63 =	vsel vm11, $0x0, v43;
	vm11 =	vlt.s32 v19, v45  }
0xf7: {  	v56 =	vadd.s32 v63, v56;
	v60 =	vsel vm11, $0x0, v44;
	vm11 =	vlt.s32 v19, v49  }
0xf8: {  	v56 =	vadd.s32 v60, v56;
	v61 =	vsel vm11, $0x0, v42  }
0xf9: {  	vm11 =	veq.s32 v19, v40;
	v56 =	vadd.s32 v61, v56  }
0xfa: {  	vm12 =	vgt.s32 v18, v40;
	v56 =	vsel vm11, v41, v56  }
0xfb: {  	v35 =	vsel vm12, $0x1, v35;
	vm11 =	vlt.s32 v56, $0x3FFF;
	vm12 =	vlt.s32 v20, v50  }
0xfc: {  	v56 =	vnsel vm11, $0x3FFF, v56;
	v62 =	vsel vm12, $0x0, v52;
	vm11 =	vlt.s32 v20, v54  }
0xfd: {  	v57 =	vadd.s32 v20, v62;
	v63 =	vsel vm11, $0x0, v46;
	vm11 =	vlt.s32 v20, v55  }
0xfe: {  	v57 =	vadd.s32 v63, v57;
	v60 =	vsel vm11, $0x0, v51;
	vm11 =	vlt.s32 v20, v47  }
0xff: {  	v57 =	vadd.s32 v60, v57;
	v61 =	vsel vm11, $0x0, v48;
	vm11 =	vlt.s32 v20, v53  }
0x100: {  	v57 =	vadd.s32 v61, v57;
	v62 =	vsel vm11, $0x0, v43;
	vm11 =	vlt.s32 v20, v45  }
0x101: {  	[tilespmem:$0x185A0] =	vst v35;
	v63 =	vadd.s32 v62, v57;
	v60 =	vsel vm11, $0x0, v44;
	vm11 =	vlt.s32 v20, v49  }
0x102: {  	v56 =	vld.idx.msk [tilespmem:v56+s26+$0x0], $0xffff;
	v35 =	vadd.s32 v60, v63;
	v61 =	vsel vm11, $0x0, v42  }
0x103: {  	vm11 =	veq.s32 v20, v40;
	v35 =	vadd.s32 v61, v35  }
0x104: {  	v35 =	vsel vm11, v41, v35  }
0x105: {  	vm11 =	vlt.s32 v35, $0x3FFF  }
0x106: {  	vm12 =	vgt.s32 v19, v40;
	v35 =	vnsel vm11, $0x3FFF, v35;
	vm11 =	vlt.s32 v21, v50  }
0x107: {  	v56 =	vsel vm12, $0x1, v56;
	v62 =	vsel vm11, $0x0, v52;
	vm11 =	vlt.s32 v21, v54  }
0x108: {  	v57 =	vadd.s32 v21, v62;
	v63 =	vsel vm11, $0x0, v46;
	vm11 =	vlt.s32 v21, v55  }
0x109: {  	v57 =	vadd.s32 v63, v57;
	v60 =	vsel vm11, $0x0, v51;
	vm11 =	vlt.s32 v21, v47  }
0x10a: {  	[tilespmem:$0x185B0] =	vst v56;
	v61 =	vadd.s32 v60, v57;
	v62 =	vsel vm11, $0x0, v48;
	vm11 =	vlt.s32 v21, v53  }
0x10b: {  	v35 =	vld.idx.msk [tilespmem:v35+s26+$0x0], $0xffff;
	v56 =	vadd.s32 v62, v61;
	v63 =	vsel vm11, $0x0, v43;
	vm11 =	vlt.s32 v21, v45  }
0x10c: {  	v56 =	vadd.s32 v63, v56;
	v60 =	vsel vm11, $0x0, v44;
	vm11 =	vlt.s32 v21, v49  }
0x10d: {  	v56 =	vadd.s32 v60, v56;
	v61 =	vsel vm11, $0x0, v42  }
0x10e: {  	vm11 =	veq.s32 v21, v40;
	v56 =	vadd.s32 v61, v56  }
0x10f: {  	vm12 =	vgt.s32 v20, v40;
	v56 =	vsel vm11, v41, v56  }
0x110: {  	v35 =	vsel vm12, $0x1, v35;
	vm11 =	vlt.s32 v56, $0x3FFF;
	vm12 =	vlt.s32 v22, v50  }
0x111: {  	v56 =	vnsel vm11, $0x3FFF, v56;
	v62 =	vsel vm12, $0x0, v52;
	vm11 =	vlt.s32 v22, v54  }
0x112: {  	v57 =	vadd.s32 v22, v62;
	v63 =	vsel vm11, $0x0, v46;
	vm11 =	vlt.s32 v22, v55  }
0x113: {  	v57 =	vadd.s32 v63, v57;
	v60 =	vsel vm11, $0x0, v51;
	vm11 =	vlt.s32 v22, v47  }
0x114: {  	v57 =	vadd.s32 v60, v57;
	v61 =	vsel vm11, $0x0, v48;
	vm11 =	vlt.s32 v22, v53  }
0x115: {  	v57 =	vadd.s32 v61, v57;
	v62 =	vsel vm11, $0x0, v43;
	vm11 =	vlt.s32 v22, v45  }
0x116: {  	[tilespmem:$0x185C0] =	vst v35;
	v63 =	vadd.s32 v62, v57;
	v60 =	vsel vm11, $0x0, v44;
	vm11 =	vlt.s32 v22, v49  }
0x117: {  	v56 =	vld.idx.msk [tilespmem:v56+s26+$0x0], $0xffff;
	v35 =	vadd.s32 v60, v63;
	v61 =	vsel vm11, $0x0, v42  }
0x118: {  	vm11 =	veq.s32 v22, v40;
	v35 =	vadd.s32 v61, v35  }
0x119: {  	v35 =	vsel vm11, v41, v35  }
0x11a: {  	vm11 =	vlt.s32 v35, $0x3FFF  }
0x11b: {  	vm12 =	vgt.s32 v21, v40;
	v35 =	vnsel vm11, $0x3FFF, v35;
	vm11 =	vlt.s32 v23, v50  }
0x11c: {  	v56 =	vsel vm12, $0x1, v56;
	v62 =	vsel vm11, $0x0, v52;
	vm11 =	vlt.s32 v23, v54  }
0x11d: {  	v57 =	vadd.s32 v23, v62;
	v63 =	vsel vm11, $0x0, v46;
	vm11 =	vlt.s32 v23, v55  }
0x11e: {  	v57 =	vadd.s32 v63, v57;
	v60 =	vsel vm11, $0x0, v51;
	vm11 =	vlt.s32 v23, v47  }
0x11f: {  	[tilespmem:$0x185D0] =	vst v56;
	v61 =	vadd.s32 v60, v57;
	v62 =	vsel vm11, $0x0, v48;
	vm11 =	vlt.s32 v23, v53  }
0x120: {  	v35 =	vld.idx.msk [tilespmem:v35+s26+$0x0], $0xffff;
	v56 =	vadd.s32 v62, v61;
	v63 =	vsel vm11, $0x0, v43;
	vm11 =	vlt.s32 v23, v45  }
0x121: {  	v56 =	vadd.s32 v63, v56;
	v60 =	vsel vm11, $0x0, v44;
	vm11 =	vlt.s32 v23, v49  }
0x122: {  	v56 =	vadd.s32 v60, v56;
	v61 =	vsel vm11, $0x0, v42  }
0x123: {  	vm11 =	veq.s32 v23, v40;
	v56 =	vadd.s32 v61, v56  }
0x124: {  	vm12 =	vgt.s32 v22, v40;
	v56 =	vsel vm11, v41, v56  }
0x125: {  	v35 =	vsel vm12, $0x1, v35;
	vm11 =	vlt.s32 v56, $0x3FFF;
	vm12 =	vlt.s32 v24, v50  }
0x126: {  	v56 =	vnsel vm11, $0x3FFF, v56;
	v62 =	vsel vm12, $0x0, v52;
	vm11 =	vlt.s32 v24, v54  }
0x127: {  	v57 =	vadd.s32 v24, v62;
	v63 =	vsel vm11, $0x0, v46;
	vm11 =	vlt.s32 v24, v55  }
0x128: {  	v57 =	vadd.s32 v63, v57;
	v60 =	vsel vm11, $0x0, v51;
	vm11 =	vlt.s32 v24, v47  }
0x129: {  	v57 =	vadd.s32 v60, v57;
	v61 =	vsel vm11, $0x0, v48;
	vm11 =	vlt.s32 v24, v53  }
0x12a: {  	v57 =	vadd.s32 v61, v57;
	v62 =	vsel vm11, $0x0, v43;
	vm11 =	vlt.s32 v24, v45  }
0x12b: {  	v57 =	vadd.s32 v62, v57;
	v63 =	vsel vm11, $0x0, v44;
	vm11 =	vlt.s32 v24, v49  }
0x12c: {  	v57 =	vadd.s32 v63, v57;
	v60 =	vsel vm11, $0x0, v42  }
0x12d: {  	vm13 =	vlt.s32 v25, v50;
	vm11 =	veq.s32 v24, v40;
	v57 =	vadd.s32 v60, v57  }
0x12e: {  	v61 =	vsel vm13, $0x0, v52;
	v57 =	vsel vm11, v41, v57;
	vm11 =	vlt.s32 v25, v54  }
0x12f: {  	v58 =	vadd.s32 v25, v61;
	v59 =	vsel vm11, $0x0, v46;
	vm11 =	vlt.s32 v25, v55  }
0x130: {  	v62 =	vadd.s32 v59, v58;
	v63 =	vsel vm11, $0x0, v51;
	vm11 =	vlt.s32 v25, v47  }
0x131: {  	[tilespmem:$0x185E0] =	vst v35;
	v35 =	vadd.s32 v63, v62;
	v60 =	vsel vm11, $0x0, v48;
	vm11 =	vlt.s32 v25, v53  }
0x132: {  	v56 =	vld.idx.msk [tilespmem:v56+s26+$0x0], $0xffff;
	v35 =	vadd.s32 v60, v35;
	v61 =	vsel vm11, $0x0, v43;
	vm11 =	vlt.s32 v25, v45  }
0x133: {  	v35 =	vadd.s32 v61, v35;
	v62 =	vsel vm11, $0x0, v44;
	vm11 =	vlt.s32 v25, v49  }
0x134: {  	vm12 =	vgt.s32 v23, v40;
	v35 =	vadd.s32 v62, v35;
	v63 =	vsel vm11, $0x0, v42  }
0x135: {  	vm13 =	vlt.s32 v57, $0x3FFF;
	vm11 =	veq.s32 v25, v40;
	v35 =	vadd.s32 v63, v35  }
0x136: {  	v57 =	vnsel vm13, $0x3FFF, v57;
	v35 =	vsel vm11, v41, v35;
	vm11 =	vlt.s32 v26, v50  }
0x137: {  	v56 =	vsel vm12, $0x1, v56;
	v60 =	vsel vm11, $0x0, v52  }
0x138: {  	vm12 =	vlt.s32 v35, $0x3FFF;
	vm11 =	vlt.s32 v26, v54;
	v58 =	vadd.s32 v26, v60  }
0x139: {  	v61 =	vsel vm11, $0x0, v46;
	vm11 =	vlt.s32 v26, v55;
	v35 =	vnsel vm12, $0x3FFF, v35  }
0x13a: {  	[tilespmem:$0x185F0] =	vst v56;
	v62 =	vadd.s32 v61, v58;
	v63 =	vsel vm11, $0x0, v51;
	vm11 =	vlt.s32 v26, v47  }
0x13b: {  	v57 =	vld.idx.msk [tilespmem:v57+s26+$0x0], $0xffff;
	v56 =	vadd.s32 v63, v62;
	v60 =	vsel vm11, $0x0, v48;
	vm11 =	vlt.s32 v26, v53  }
0x13c: {  	v56 =	vadd.s32 v60, v56;
	v61 =	vsel vm11, $0x0, v43;
	vm11 =	vlt.s32 v26, v45  }
0x13d: {  	v56 =	vadd.s32 v61, v56;
	v62 =	vsel vm11, $0x0, v44;
	vm11 =	vlt.s32 v26, v49  }
0x13e: {  	v56 =	vadd.s32 v62, v56;
	v63 =	vsel vm11, $0x0, v42  }
0x13f: {  	vm12 =	veq.s32 v26, v40;
	vm11 =	vgt.s32 v24, v40;
	v56 =	vadd.s32 v63, v56  }
0x140: {  	v57 =	vsel vm11, $0x1, v57;
	v56 =	vsel vm12, v41, v56  }
0x141: {  	vm13 =	vlt.s32 v27, v50;
	[tilespmem:$0x18600] =	vst v57;
	vm12 =	vlt.s32 v56, $0x3FFF  }
0x142: {  	v60 =	vsel vm13, $0x0, v52;
	v35 =	vld.idx.msk [tilespmem:v35+s26+$0x0], $0xffff;
	v56 =	vnsel vm12, $0x3FFF, v56;
	vm12 =	vlt.s32 v27, v54  }
0x143: {  	v57 =	vadd.s32 v27, v60;
	v61 =	vsel vm12, $0x0, v46;
	vm12 =	vlt.s32 v27, v55  }
0x144: {  	v57 =	vadd.s32 v61, v57;
	v62 =	vsel vm12, $0x0, v51;
	vm12 =	vlt.s32 v27, v47  }
0x145: {  	v57 =	vadd.s32 v62, v57;
	v63 =	vsel vm12, $0x0, v48  }
0x146: {  	vm11 =	vgt.s32 v25, v40;
	vm12 =	vlt.s32 v27, v53;
	v57 =	vadd.s32 v63, v57  }
0x147: {  	v60 =	vsel vm12, $0x0, v43;
	vm12 =	vlt.s32 v27, v45;
	v35 =	vsel vm11, $0x1, v35  }
0x148: {  	v57 =	vadd.s32 v60, v57;
	v61 =	vsel vm12, $0x0, v44;
	vm12 =	vlt.s32 v27, v49;
	[tilespmem:$0x18610] =	vst v35  }
0x149: {  	v57 =	vadd.s32 v61, v57;
	v62 =	vsel vm12, $0x0, v42;
	v56 =	vld.idx.msk [tilespmem:v56+s26+$0x0], $0xffff  }
0x14a: {  	vm11 =	veq.s32 v27, v40;
	v63 =	vadd.s32 v62, v57  }
0x14b: {  	v35 =	vsel vm11, v41, v63  }
0x14c: {  	vm11 =	vlt.s32 v35, $0x3FFF  }
0x14d: {  	vm13 =	vlt.s32 v31, v55;
	v35 =	vnsel vm11, $0x3FFF, v35;
	vm11 =	vgt.s32 v26, v40  }
0x14e: {  	vm12 =	vlt.s32 v28, v50;
	v56 =	vsel vm11, $0x1, v56;
	vm11 =	vlt.s32 v28, v54  }
0x14f: {  	v60 =	vsel vm12, $0x0, v52;
	v62 =	vsel vm11, $0x0, v46;
	vm11 =	vlt.s32 v28, v55  }
0x150: {  	v61 =	vadd.s32 v28, v60;
	v63 =	vsel vm11, $0x0, v51;
	vm11 =	vlt.s32 v28, v47  }
0x151: {  	[tilespmem:$0x18620] =	vst v56;
	v56 =	vadd.s32 v62, v61;
	v60 =	vsel vm11, $0x0, v48;
	vm11 =	vlt.s32 v28, v53  }
0x152: {  	v56 =	vadd.s32 v63, v56;
	v35 =	vld.idx.msk [tilespmem:v35+s26+$0x0], $0xffff;
	v61 =	vsel vm11, $0x0, v43;
	vm11 =	vlt.s32 v28, v45  }
0x153: {  	v56 =	vadd.s32 v60, v56;
	v62 =	vsel vm11, $0x0, v44;
	vm11 =	vlt.s32 v28, v49  }
0x154: {  	v56 =	vadd.s32 v61, v56;
	v63 =	vsel vm11, $0x0, v42;
	vm11 =	vlt.s32 v29, v50  }
0x155: {  	vm12 =	vgt.s32 v27, v40;
	v56 =	vadd.s32 v62, v56;
	v60 =	vsel vm11, $0x0, v52  }
0x156: {  	v56 =	vadd.s32 v63, v56;
	vm11 =	vlt.s32 v29, v54;
	v57 =	vadd.s32 v29, v60  }
0x157: {  	v61 =	vsel vm11, $0x0, v46;
	vm11 =	vlt.s32 v29, v55;
	v35 =	vsel vm12, $0x1, v35  }
0x158: {  	v57 =	vadd.s32 v61, v57;
	v62 =	vsel vm11, $0x0, v51;
	vm11 =	vlt.s32 v29, v47  }
0x159: {  	vm12 =	veq.s32 v28, v40;
	v57 =	vadd.s32 v62, v57;
	v63 =	vsel vm11, $0x0, v48  }
0x15a: {  	vm11 =	vlt.s32 v29, v53;
	v56 =	vsel vm12, v41, v56;
	vm12 =	veq.s32 v29, v40  }
0x15b: {  	v57 =	vadd.s32 v63, v57;
	v60 =	vsel vm11, $0x0, v43;
	vm11 =	vlt.s32 v29, v45  }
0x15c: {  	v57 =	vadd.s32 v60, v57;
	v61 =	vsel vm11, $0x0, v44;
	vm11 =	vlt.s32 v29, v49  }
0x15d: {  	v57 =	vadd.s32 v61, v57;
	v62 =	vsel vm11, $0x0, v42;
	vm11 =	vlt.s32 v56, $0x3FFF  }
0x15e: {  	v57 =	vadd.s32 v62, v57;
	v56 =	vnsel vm11, $0x3FFF, v56;
	vm11 =	vlt.s32 v30, v50  }
0x15f: {  	v57 =	vsel vm12, v41, v57;
	v63 =	vsel vm11, $0x0, v52;
	vm11 =	vlt.s32 v30, v54  }
0x160: {  	v58 =	vadd.s32 v30, v63;
	v60 =	vsel vm11, $0x0, v46;
	vm11 =	vlt.s32 v30, v55  }
0x161: {  	vm12 =	vlt.s32 v57, $0x3FFF;
	v58 =	vadd.s32 v60, v58;
	v61 =	vsel vm11, $0x0, v51  }
0x162: {  	[tilespmem:$0x18630] =	vst v35;
	vm11 =	vlt.s32 v30, v47;
	v57 =	vnsel vm12, $0x3FFF, v57;
	vm12 =	vlt.s32 v31, v54  }
0x163: {  	v62 =	vadd.s32 v61, v58;
	v63 =	vsel vm11, $0x0, v48;
	vm11 =	vlt.s32 v30, v53;
	v56 =	vld.idx.msk [tilespmem:v56+s26+$0x0], $0xffff  }
0x164: {  	v55 =	vsel vm12, $0x0, v46;
	v60 =	vsel vm11, $0x0, v43;
	vm11 =	vlt.s32 v30, v45  }
0x165: {  	vm12 =	vlt.s32 v31, v47;
	v61 =	vsel vm11, $0x0, v44;
	vm11 =	vlt.s32 v30, v49  }
0x166: {  	v35 =	vadd.s32 v63, v62;
	v62 =	vsel vm11, $0x0, v42;
	vm11 =	vlt.s32 v31, v50  }
0x167: {  	v35 =	vadd.s32 v60, v35;
	v50 =	vsel vm11, $0x0, v52;
	vm11 =	vgt.s32 v28, v40  }
0x168: {  	v59 =	vsel vm12, $0x0, v48;
	v35 =	vadd.s32 v61, v35;
	v63 =	vsel vm11, $0x1, v56  }
0x169: {  	v35 =	vadd.s32 v62, v35;
	v50 =	vadd.s32 v31, v50;
	vm11 =	veq.s32 v30, v40;
	[tilespmem:$0x18640] =	vst v63  }
0x16a: {  	v46 =	vadd.s32 v55, v50;
	v56 =	vsel vm13, $0x0, v51;
	v35 =	vsel vm11, v41, v35;
	v58 =	vld.idx.msk [tilespmem:v57+s26+$0x0], $0xffff  }
0x16b: {  	v46 =	vadd.s32 v56, v46;
	vm11 =	vlt.s32 v31, v53;
	vm12 =	vlt.s32 v35, $0x3FFF  }
0x16c: {  	v46 =	vadd.s32 v59, v46;
	v60 =	vsel vm11, $0x0, v43;
	v35 =	vnsel vm12, $0x3FFF, v35  }
0x16d: {  	vm11 =	vlt.s32 v31, v45;
	v43 =	vadd.s32 v60, v46  }
0x16e: {  	vm12 =	vlt.s32 v31, v49;
	v61 =	vsel vm11, $0x0, v44;
	vm11 =	vgt.s32 v29, v40  }
0x16f: {  	v43 =	vadd.s32 v61, v43;
	v63 =	vsel vm12, $0x0, v42;
	v62 =	vsel vm11, $0x1, v58  }
0x170: {  	v42 =	vadd.s32 v63, v43;
	vm11 =	veq.s32 v31, v40;
	[tilespmem:$0x18650] =	vst v62  }
0x171: {  	v45 =	vsel vm11, v41, v42;
	v35 =	vld.idx.msk [tilespmem:v35+s26+$0x0], $0xffff  }
0x172: {  	vm11 =	vlt.s32 v45, $0x3FFF  }
0x173: {  	v41 =	vnsel vm11, $0x3FFF, v45;
	_ =	sdelay $0x1  }
0x174: {  	vm11 =	vgt.s32 v30, v40  }
0x175: {  	v35 =	vsel vm11, $0x1, v35  }
0x176: {  	[tilespmem:$0x18660] =	vst v35  }
0x177: {  	v35 =	vld.idx.msk [tilespmem:v41+s26+$0x0], $0xffff;
	_ =	sdelay $0x3  }
0x178: {  	vm11 =	vgt.s32 v31, v40  }
0x179: {  	v35 =	vsel vm11, $0x1, v35  }
0x17a: {  	s0 =	rddreg [dreg:$0xf];
	s9 =	simm.s32 $0x18480;
	s21 =	simm.s32 $0x8;
	[tilespmem:$0x18670] =	vst v35  }
0x17b: {  	v46 =	vxor.u32 $0x80000000, v39;
	[hbm4b:s0+s6] =	stream.linear.scatter [tilespmem:s9], [sflag:$0x8], $0x200, $0x38;
	[tilespmem:$0x18880] =	vst v63  }
0x17c: {  	v35 =	vnsel vm0, $0x80000000, v46;
	_ =	swait.ge [sflag:s21], $0x200  }
0x17d: {  	(xrf0) =	vmax.scan.msk.u32 $0xffff, v35;
	_ =	sdelay $0x5  }
0x17e: {  	v35, _, _ =	vpop (xrf0)  }
0x17f: {  	(v2sf) =	vpush v35, $0xF;
	_ =	sdelay $0xb  }
0x180: {  	v47 =	vld [tilespmem:$0x1FE20]  }
0x181: {  	v48 =	vld [tilespmem:$0x1FE30]  }
0x182: {  	v50 =	vld [tilespmem:$0x1FE40]  }
0x183: {  	v52 =	vld [tilespmem:$0x1FE50];
	s17 =	spop (v2sf)  }
0x184: {  	v54 =	vld [tilespmem:$0x1FE60];
	s13 =	sxor.u32 $0x80000000, s17  }
0x185: {  	[sflag:s21] =	ssyncset.done $0x0;
	v56 =	vld [tilespmem:$0x1FE70];
	vm11 =	vlt.s32 v47, s13  }
0x186: {  	v58 =	vld [tilespmem:$0x1FE80];
	[sflag:s21] =	ssyncadd.s32 $0xFFFFFE00;
	v35 =	vsel vm11, $0x1, v38;
	vm11 =	vlt.s32 v48, s13  }
0x187: {  	v60 =	vld [tilespmem:$0x1FE90];
	[tilespmem:$0x18680] =	vst v35;
	v49 =	vsel vm11, $0x1, v38;
	vm11 =	vlt.s32 v50, s13  }
0x188: {  	v62 =	vld [tilespmem:$0x1FEA0];
	[tilespmem:$0x18690] =	vst v49;
	v51 =	vsel vm11, $0x1, v38;
	vm11 =	vlt.s32 v52, s13  }
0x189: {  	v42 =	vld [tilespmem:$0x1FEB0];
	[tilespmem:$0x186A0] =	vst v51;
	v53 =	vsel vm11, $0x1, v38;
	vm11 =	vlt.s32 v54, s13  }
0x18a: {  	v44 =	vld [tilespmem:$0x1FEC0];
	[tilespmem:$0x186B0] =	vst v53;
	v55 =	vsel vm11, $0x1, v38;
	vm11 =	vlt.s32 v56, s13  }
0x18b: {  	v46 =	vld [tilespmem:$0x1FED0];
	[tilespmem:$0x186C0] =	vst v55;
	v57 =	vsel vm11, $0x1, v38;
	vm11 =	vlt.s32 v58, s13  }
0x18c: {  	v48 =	vld [tilespmem:$0x1FEE0];
	[tilespmem:$0x186D0] =	vst v57;
	v59 =	vsel vm11, $0x1, v38;
	vm11 =	vlt.s32 v60, s13  }
0x18d: {  	v50 =	vld [tilespmem:$0x1FEF0];
	[tilespmem:$0x186E0] =	vst v59;
	v61 =	vsel vm11, $0x1, v38;
	vm11 =	vlt.s32 v62, s13  }
0x18e: {  	v52 =	vld [tilespmem:$0x1FF00];
	[tilespmem:$0x186F0] =	vst v61;
	v63 =	vsel vm11, $0x1, v38;
	vm11 =	vlt.s32 v42, s13  }
0x18f: {  	v54 =	vld [tilespmem:$0x1FF10];
	[tilespmem:$0x18700] =	vst v63;
	v43 =	vsel vm11, $0x1, v38;
	vm11 =	vlt.s32 v44, s13  }
0x190: {  	v56 =	vld [tilespmem:$0x1FF20];
	[tilespmem:$0x18710] =	vst v43;
	v45 =	vsel vm11, $0x1, v38;
	vm11 =	vlt.s32 v46, s13  }
0x191: {  	v58 =	vld [tilespmem:$0x1FF30];
	[tilespmem:$0x18720] =	vst v45;
	v47 =	vsel vm11, $0x1, v38;
	vm11 =	vlt.s32 v48, s13  }
0x192: {  	v60 =	vld [tilespmem:$0x1FF40];
	[tilespmem:$0x18730] =	vst v47;
	v49 =	vsel vm11, $0x1, v38;
	vm11 =	vlt.s32 v50, s13  }
0x193: {  	v62 =	vld [tilespmem:$0x1FF50];
	[tilespmem:$0x18740] =	vst v49;
	v51 =	vsel vm11, $0x1, v38;
	vm11 =	vlt.s32 v52, s13  }
0x194: {  	v42 =	vld [tilespmem:$0x1FF60];
	[tilespmem:$0x18750] =	vst v51;
	v53 =	vsel vm11, $0x1, v38;
	vm11 =	vlt.s32 v54, s13  }
0x195: {  	v44 =	vld [tilespmem:$0x1FF70];
	[tilespmem:$0x18760] =	vst v53;
	v55 =	vsel vm11, $0x1, v38;
	vm11 =	vlt.s32 v56, s13  }
0x196: {  	v46 =	vld [tilespmem:$0x1FF80];
	[tilespmem:$0x18770] =	vst v55;
	v57 =	vsel vm11, $0x1, v38;
	vm11 =	vlt.s32 v58, s13  }
0x197: {  	v48 =	vld [tilespmem:$0x1FF90];
	[tilespmem:$0x18780] =	vst v57;
	v59 =	vsel vm11, $0x1, v38;
	vm11 =	vlt.s32 v60, s13  }
0x198: {  	v50 =	vld [tilespmem:$0x1FFA0];
	[tilespmem:$0x18790] =	vst v59;
	v61 =	vsel vm11, $0x1, v38;
	vm11 =	vlt.s32 v62, s13  }
0x199: {  	v52 =	vld [tilespmem:$0x1FFB0];
	[tilespmem:$0x187A0] =	vst v61;
	v63 =	vsel vm11, $0x1, v38;
	vm11 =	vlt.s32 v42, s13  }
0x19a: {  	v54 =	vld [tilespmem:$0x1FFC0];
	[tilespmem:$0x187B0] =	vst v63;
	v43 =	vsel vm11, $0x1, v38;
	vm11 =	vlt.s32 v44, s13  }
0x19b: {  	v56 =	vld [tilespmem:$0x1FFD0];
	[tilespmem:$0x187C0] =	vst v43;
	v45 =	vsel vm11, $0x1, v38;
	vm11 =	vlt.s32 v46, s13  }
0x19c: {  	v58 =	vld [tilespmem:$0x1FFE0];
	[tilespmem:$0x187D0] =	vst v45;
	v47 =	vsel vm11, $0x1, v38;
	vm11 =	vlt.s32 v48, s13  }
0x19d: {  	v60 =	vld [tilespmem:$0x1FFF0];
	[tilespmem:$0x187E0] =	vst v47;
	v49 =	vsel vm11, $0x1, v38;
	vm11 =	vlt.s32 v50, s13  }
0x19e: {  	[tilespmem:$0x187F0] =	vst v49;
	v51 =	vsel vm11, $0x1, v38;
	vm11 =	vlt.s32 v52, s13  }
0x19f: {  	[tilespmem:$0x18800] =	vst v51;
	v53 =	vsel vm11, $0x1, v38;
	vm11 =	vlt.s32 v54, s13  }
0x1a0: {  	[tilespmem:$0x18810] =	vst v53;
	v55 =	vsel vm11, $0x1, v38;
	vm11 =	vlt.s32 v56, s13  }
0x1a1: {  	[tilespmem:$0x18820] =	vst v55;
	v57 =	vsel vm11, $0x1, v38;
	vm11 =	vlt.s32 v58, s13  }
0x1a2: {  	[tilespmem:$0x18830] =	vst v57;
	v59 =	vsel vm11, $0x1, v38;
	vm11 =	vlt.s32 v60, s13  }
0x1a3: {  	[tilespmem:$0x18840] =	vst v59;
	v61 =	vsel vm11, $0x1, v38;
	vm11 =	vlt.s32 v36, s13  }
0x1a4: {  	[tilespmem:$0x18850] =	vst v61;
	v62 =	vsel vm11, $0x1, v38;
	vm11 =	vlt.s32 v37, s13  }
0x1a5: {  	[tilespmem:$0x18860] =	vst v62;
	v63 =	vsel vm11, $0x1, v38  }
0x1a6: {  	s19 =	simm.s32 $0x18680;
	s18 =	rddreg [dreg:$0x11];
	[tilespmem:$0x18870] =	vst v63  }
0x1a7: {  	[hbm4b:s18+s6] =	stream.linear.scatter [tilespmem:s19], [sflag:$0x8], $0x200, $0x38;
	[tilespmem:$0x18880] =	vst v63  }
0x1a8: {  	_ =	swait.ge [sflag:s21], $0x200  }
0x1a9: {  	[sflag:s21] =	ssyncset.done $0x0  }
0x1aa: {  	[sflag:s21] =	ssyncadd.s32 $0xFFFFFE00  }
0x1ab: {  	s0 =	simm.s32 @!p0 $0x0;
	s9 =	rddreg [dreg:$0x5]  }
0x1ac: {  	[hbm4b:s9+s0] =	stream.linear.scatter @!p0 [tilespmem:s0], [sflag:$0x8], $0x80, $0x38;
	[tilespmem:$0x18880] =	vst v63  }
0x1ad: {  	s0 =	simm.s32 @!p0 $0x8  }
0x1ae: {  	_ =	swait.ge @!p0 [sflag:s0], $0x80  }
0x1af: {  	[sflag:s0] =	ssyncset.done @!p0 $0x0  }
0x1b0: {  	s25 =	simm.s32 $0x7;
	[sflag:s0] =	ssyncadd.s32 @!p0 $0xFFFFFF80  }
0x1b1: {  	_ =	swait.ge [sflag:s25], $0x10000  }
0x1b2: {  	s28 =	sadd.s32 $0x1, s28;
	s31 =	rddreg [dreg:$0x12]  }
0x1b3: {  	p1 =	sne.s32 s28, s31  }
.Ltmp1:
0x1b4: {  	_ = 	snop;
	(pc) =	sbr.rel @!p1 .LBB2_16-.Ltmp1, $3  }
0x1b5: {  	_ =	sdelay $0x1  }
0x1b6: {  	[sflag:s25] =	ssyncset.done $0x0  }
0x1b7: {  	[sflag:s25] =	ssyncadd.s32 $0xFFFF0000  }
.LBB2_1:
0x1b8: {  	[dreg:$0x15] =	wrdreg s28  }
0x1b9: {  	s0 =	rddreg [dreg:$0xb]  }
0x1ba: {  	s9 =	rddreg [dreg:$0xc]  }
0x1bb: {  	s13 =	rddreg [dreg:$0xd]  }
0x1bc: {  	[hbm:s9], [sflag:s13] =	dma.local [hbm:s0], $0x10000  }
0x1bd: {  	s0 =	rddreg [dreg:$0x9]  }
0x1be: {  	[tilespmem:s6], [sflag:$0x8] =	stream.linear.gather [hbm4b:s0+s6], $0x80, $0x38;
	[tilespmem:$0x18880] =	vst v63  }
0x1bf: {  	_ =	swait.ge [sflag:s21], $0x80  }
0x1c0: {  	[sflag:s21] =	ssyncset.done $0x0  }
0x1c1: {  	[sflag:s21] =	ssyncadd.s32 $0xFFFFFF80  }
0x1c2: {  	s28 =	rddreg [dreg:$0x1]  }
0x1c3: {  	[tilespmem:s26], [sflag:$0x8] =	stream.linear.gather [hbm4b:s28+s6], $0x4000, $0x38;
	[tilespmem:$0x18880] =	vst v63  }
0x1c4: {  	_ =	swait.ge [sflag:s21], $0x4000  }
0x1c5: {  	[sflag:s21] =	ssyncset.done $0x0  }
0x1c6: {  	[sflag:s21] =	ssyncadd.s32 $0xFFFFC000  }
0x1c7: {  	s31 =	rddreg [dreg:$0x3]  }
0x1c8: {  	[tilespmem:s29], [sflag:$0x8] =	stream.linear.gather [hbm4b:s31+s6], $0x8000, $0x38;
	[tilespmem:$0x18880] =	vst v63  }
0x1c9: {  	_ =	swait.ge [sflag:s21], $0x8000  }
0x1ca: {  	[sflag:s21] =	ssyncset.done $0x0  }
0x1cb: {  	[sflag:s21] =	ssyncadd.s32 $0xFFFF8000  }
0x1cc: {  	v39 =	vld [tilespmem:$0x0];
	_ =	sdelay $0x4  }
0x1cd: {  	v40 =	vadd.s32 $0xFFFFFFFE, v39  }
0x1ce: {  	v40 =	vnsel vm1, $0x0, v40  }
0x1cf: {  	(xrf0) =	vadd.scan.msk.s32 $0xffff, v40;
	_ =	sdelay $0x5  }
0x1d0: {  	v41, _, _ =	vpop (xrf0)  }
0x1d1: {  	v40 =	vsub.s32 v41, v40  }
0x1d2: {  	v42 =	vnsel vm2, $0x0, v39;
	v41 =	vxor.u32 $0x80000000, v41;
	v40 =	vadd.s32 $0x1, v40  }
0x1d3: {  	v63 =	vxor.u32 $0x80000000, v42;
	(xrf0) =	vmax.scan.msk.u32 $0xffff, v41;
	v35 =	vsel vm3, $0x0, v40  }
0x1d4: {  	(xrf0) =	vmax.scan.msk.u32 $0xffff, v63;
	v46 =	vsel vm4, $0x0, v40;
	v45 =	vxor.u32 $0x80000000, v35  }
0x1d5: {  	v48 =	vsel vm5, $0x0, v40;
	v47 =	vxor.u32 $0x80000000, v46;
	(xrf0) =	vmax.scan.msk.u32 $0xffff, v45  }
0x1d6: {  	v50 =	vsel vm6, $0x0, v40;
	v49 =	vxor.u32 $0x80000000, v48;
	(xrf0) =	vmax.scan.msk.u32 $0xffff, v47  }
0x1d7: {  	v51 =	vxor.u32 $0x80000000, v50;
	(xrf0) =	vmax.scan.msk.u32 $0xffff, v49  }
0x1d8: {  	(xrf0) =	vmax.scan.msk.u32 $0xffff, v51  }
0x1d9: {  	v43, _, _ =	vpop (xrf0)  }
0x1da: {  	v52 =	vsel vm7, $0x0, v40;
	(v2sf) =	vpush v43, $0xF;
	v56, _, _ =	vpop (xrf0)  }
0x1db: {  	v54 =	vsel vm8, $0x0, v40;
	v53 =	vxor.u32 $0x80000000, v52;
	(v2sf) =	vpush v56, $0xF;
	v57, _, _ =	vpop (xrf0)  }
0x1dc: {  	v40 =	vsel vm9, $0x0, v40;
	v55 =	vxor.u32 $0x80000000, v54;
	(xrf0) =	vmax.scan.msk.u32 $0xffff, v53;
	v58, _, _ =	vpop (xrf0);
	(v2sf) =	vpush v57, $0xF  }
0x1dd: {  	v40 =	vxor.u32 $0x80000000, v40;
	(xrf0) =	vmax.scan.msk.u32 $0xffff, v55;
	v59, _, _ =	vpop (xrf0);
	(v2sf) =	vpush v58, $0xF  }
0x1de: {  	(xrf0) =	vmax.scan.msk.u32 $0xffff, v40;
	v60, _, _ =	vpop (xrf0);
	(v2sf) =	vpush v59, $0xF  }
0x1df: {  	(v2sf) =	vpush v60, $0xF;
	_ =	sdelay $0x2  }
0x1e0: {  	v61, _, _ =	vpop (xrf0)  }
0x1e1: {  	v62, _, _ =	vpop (xrf0);
	(v2sf) =	vpush v61, $0xF  }
0x1e2: {  	(v2sf) =	vpush v62, $0xF;
	v63, _, _ =	vpop (xrf0)  }
0x1e3: {  	(v2sf) =	vpush v63, $0xF;
	_ =	sdelay $0x3  }
0x1e4: {  	s1 =	spop (v2sf)  }
0x1e5: {  	s10 =	spop (v2sf)  }
0x1e6: {  	s18 =	rddreg [dreg:$0xa];
	s5 =	spop (v2sf)  }
0x1e7: {  	s28 =	rddreg [dreg:$0xe];
	s19 =	ssub.s32 s1, s18;
	s13 =	spop (v2sf)  }
0x1e8: {  	[dreg:$0x17] =	wrdreg s1;
	s1 =	sadd.s32 $0x80000001, s1;
	s17 =	spop (v2sf)  }
0x1e9: {  	[dreg:$0x1a] =	wrdreg s13;
	s13 =	sadd.s32 $0x80000002, s19;
	s21 =	spop (v2sf)  }
0x1ea: {  	p1 =	sgt.s32 s13, $0x0;
	[dreg:$0x1c] =	wrdreg s21;
	s21 =	smov.u32 s13  }
0x1eb: {  	[dreg:$0x16] =	wrdreg s1;
	s21 =	simm.s32 @!p1 $0x0;
	p1 =	sge.s32 s1, s28  }
.Ltmp2:
0x1ec: {  	[dreg:$0x19] =	wrdreg s5;
	(pc) =	sbr.rel @p1 .LBB2_11-.Ltmp2, $4  }
0x1ed: {  	[dreg:$0x1b] =	wrdreg s17;
	s25 =	spop (v2sf)  }
0x1ee: {  	[dreg:$0x1e] =	wrdreg s25;
	s26 =	spop (v2sf)  }
0x1ef: {  	[dreg:$0x1f] =	wrdreg s26;
	s31 =	spop (v2sf)  }
0x1f0: {  	s5 =	smin.u32 s21, $0x200;
	[smem:$0x7FA] =	sst s31  }
0x1f1: {  	s21 =	sand.u32 $0x1F, s5  }
0x1f2: {  	p1 =	slt.s32 s13, $0x1;
	p2 =	sne.s32 s21, $0x0  }
0x1f3: {  	p1 =	por !p1, !p2  }
0x1f4: {  	s13 =	simm.s32 $0x1;
	p1 =	por !p1, !p1  }
0x1f5: {  	s31 =	sshrl.u32 s5, $0x5;
	s13 =	simm.s32 @!p1 $0x0  }
0x1f6: {  	s13 =	ssub.s32 s31, s13  }
0x1f7: {  	s21 =	sand.u32 $0x80, s13;
	s26 =	sand.u32 $0x1, s13  }
0x1f8: {  	p2 =	slt.s32 s13, $0x1;
	p3 =	seq.s32 s26, $0x1;
	s21 =	sshrl.u32 s21, $0x7  }
0x1f9: {  	s13 =	sadd.s32 s21, s13;
	p3 =	por !p2, !p3  }
0x1fa: {  	s21 =	simm.s32 $0x1;
	s13 =	sshrl.u32 s13, $0x1;
	p3 =	por !p3, !p3  }
0x1fb: {  	s13 =	sand.u32 $0xFF, s13;
	s21 =	simm.s32 @!p3 $0x0  }
0x1fc: {  	s28 =	ssub.s32 s13, s21  }
0x1fd: {  	p3 =	sgt.s32 s28, $0x7  }
.Ltmp3:
0x1fe: {  	_ = 	snop;
	(pc) =	sbr.rel @p3 .LBB2_10-.Ltmp3, $2  }
0x1ff: {  	_ =	sdelay $0x2  }
0x200: {  	[dreg:$0x18] =	wrdreg s10  }
0x201: {  	s0 =	rddreg [dreg:$0x13]  }
0x202: {  	s9 =	rddreg [dreg:$0x17]  }
0x203: {  	s21 =	sadd.s32 s9, s0  }
0x204: {  	p3 =	sgt.s32 s21, $0x0  }
0x205: {  	s21 =	simm.s32 @!p3 $0x0  }
0x206: {  	s21 =	smin.u32 s21, $0x200  }
0x207: {  	s21 =	sshrl.u32 s21, $0x5  }
0x208: {  	s21 =	sand.u32 $0x1, s21  }
0x209: {  	p3 =	seq.s32 s21, $0x1  }
0x20a: {  	p4 =	por !p3, !p3  }
0x20b: {  	p4 =	por @!p1 p3, p3  }
0x20c: {  	p1 =	por !p2, !p4  }
0x20d: {  	s21 =	simm.s32 $0x1;
	p1 =	por !p1, !p1  }
0x20e: {  	s21 =	simm.s32 @!p1 $0x0  }
0x20f: {  	s13 =	ssub.s32 s13, s21  }
0x210: {  	s21 =	sshll.u32 s13, $0x6;
	s13 =	sadd.s32 $0xFFFFFFFF, s13  }
0x211: {  	s30 =	rddreg [dreg:$0x14];
	s13 =	sadd.s32 $0x1, s13  }
0x212: {  	s31 =	rddreg [dreg:$0x16];
	s26 =	sadd.s32 s21, s30;
	p2 =	slt.s32 s13, $0x7  }
.Ltmp4:
0x213: {  	v40 =	vmov s31;
	v41 =	vor.u32 s26, v0;
	s21 =	sadd.s32 $0xFFFFFFD0, s26;
	s30 =	sadd.s32 $0xFFFFFFE0, s26;
	(pc) =	sbr.rel @!p2 .LBB2_4-.Ltmp4, $4  }
0x214: {  	vm11 =	vlt.s32 v41, v32;
	v43 =	vor.u32 s30, v0;
	v44 =	vor.u32 s21, v0  }
0x215: {  	v42 =	vsel vm11, v41, v32;
	vm12 =	vgt.s32 v43, v40;
	vm11 =	vlt.s32 v44, v32  }
0x216: {  	vm13 =	vlt.s32 v43, v32;
	v45 =	vsel vm11, v44, v32;
	vm11 =	vgt.s32 v44, v40  }
0x217: {  	[dreg:$0x1d] =	wrdreg s5;
	p1 =	por $0x0, $0x0;
	v61 =	vsel vm13, v43, v32;
	v44 =	vshrl.u32 v0, $0x3;
	v47 =	vsel vm11, v45, v32  }
0x218: {  	s21 =	sadd.s32 $0xFFFFFFF0, s26;
	v45 =	vshll.u32 v47, $0x3;
	v48 =	vand.u32 $0x7, v47  }
0x219: {  	v54 =	vor.u32 $0x8, v0;
	v55 =	vand.u32 $0x7, v0;
	s26 =	sadd.s32 $0x40, s26;
	v43 =	vor.u32 s21, v0  }
0x21a: {  	v45 =	vand.u32 $0xFFFFFFC0, v45;
	v56 =	vor.u32 s26, v0;
	vm11 =	vlt.s32 v43, v32  }
0x21b: {  	s31 =	sadd.s32 $0xFFFFFFD0, s26;
	s9 =	sadd.s32 $0xFFFFFFE0, s26;
	vm13 =	vgt.s32 v43, v40;
	v57 =	vor.u32 v48, v45;
	v45 =	vmul.u32 $0x8, v44  }
0x21c: {  	v62 =	vor.u32 s31, v0;
	v63 =	vor.u32 s9, v0;
	v43 =	vsel vm11, v43, v32  }
0x21d: {  	v50 =	vperm.xlane v57, v55;
	vm11 =	vmmov vm12;
	vm12 =	vlt.s32 v56, v32  }
0x21e: {  	p3 =	sle.s32 s13, s28;
	s13 =	sadd.s32 $0x1, s13;
	vm14 =	vgt.s32 v62, v40;
	v46 =	vsel vm13, v43, v32;
	v43 =	vperm.xlane v57, v54  }
0x21f: {  	p2 =	slt.s32 s13, $0x7;
	v57 =	vsel vm12, v56, v32;
	vm12 =	vlt.s32 v62, v32;
	v58 =	vshll.u32 v46, $0x3  }
.Ltmp5:
0x220: {  	s30 =	simm.s32 @!p3 $0x5;
	vm13 =	vlt.s32 v63, v32;
	v49 =	vand.u32 $0x7, v46;
	v59 =	vand.u32 $0xFFFFFFC0, v58;
	(pc) =	sbr.rel @!p2 .LBB2_6-.Ltmp5, $4  }
0x221: {  	p1 =	por $0x1, $0x1;
	_ =	swait.ge @!p3 [sflag:s30], $0x8000;
	v51 =	vadd.s32 v45, v50;
	v53 =	vsel vm12, v62, v32;
	v48 =	vor.u32 v49, v59  }
0x222: {  	s17 =	simm.s32 $0x4880;
	s1 =	simm.s32 $0x5080;
	[sflag:s30] =	ssyncset.done @!p3 $0x0;
	vm12 =	vgt.s32 v63, v40;
	v49 =	vperm.xlane v48, v55;
	v60 =	vperm.xlane v48, v54  }
0x223: {  	s5 =	simm.s32 $0x5880;
	[sflag:s30] =	ssyncadd.s32 @!p3 $0xFFFF8000;
	s30 =	simm.s32 @!p3 $0x6;
	v52 =	vadd.s32 v45, v43;
	v43 =	vsel vm13, v63, v32;
	v58 =	vsel vm14, v53, v32  }
0x224: {  	s18 =	simm.s32 $0x6080;
	s21 =	smov.u32 s13;
	_ =	swait.ge @!p3 [sflag:s30], $0x8000;
	v50 =	vmovc v54;
	v53 =	vmov v55;
	v48 =	vadd.s32 v45, v49;
	v49 =	vadd.s32 v45, v60  }
.LBB2_7:
0x225: {  	s21 =	sadd.s32 $0x1, s21;
	v59 =	vshll.u32 v58, $0x3;
	[sflag:s30] =	ssyncset.done @!p3 $0x0  }
0x226: {  	v60 =	vand.u32 $0x7, v58;
	v62 =	vsel vm11, v61, v32;
	v61 =	vmovc v43;
	p2 =	slt.s32 s21, $0x7;
	v59 =	vand.u32 $0xFFFFFFC0, v59;
	[sflag:s30] =	ssyncadd.s32 @!p3 $0xFFFF8000  }
0x227: {  	vm11 =	vmmov vm12;
	v43 =	vor.u32 v60, v59;
	[tilespmem:$0x18280] =	vst v47;
	v47 =	vmov v58  }
0x228: {  	v58 =	vmul.u32 $0x8, v44;
	v59 =	vperm.xlane v43, v55;
	[tilespmem:$0x18290] =	vst v62  }
0x229: {  	v43 =	vperm.xlane v43, v54;
	[hbm4b:s8+s6] =	stream.indirect_vreg.scatter [tilespmem:s29], [sflag:$0x5], $0x80, v51, vm10, $0xb8;
	[tilespmem:$0x18880] =	vst v63  }
0x22a: {  	v59 =	vadd.s32 v58, v59  }
0x22b: {  	[hbm4b:s14+s6] =	stream.indirect_vreg.scatter [tilespmem:s17], [sflag:$0x5], $0x80, v51, vm10, $0xb8;
	[tilespmem:$0x18880] =	vst v63  }
0x22c: {  	_ = 	snop  }
0x22d: {  	[hbm4b:s15+s6] =	stream.indirect_vreg.scatter [tilespmem:s1], [sflag:$0x5], $0x80, v51, vm10, $0xb8;
	[tilespmem:$0x18880] =	vst v63  }
0x22e: {  	_ = 	snop  }
0x22f: {  	[hbm4b:s16+s6] =	stream.indirect_vreg.scatter [tilespmem:s5], [sflag:$0x5], $0x80, v51, vm10, $0xb8;
	v51 =	vmov v59;
	[tilespmem:$0x18880] =	vst v63  }
0x230: {  	_ = 	snop  }
0x231: {  	[hbm4b:s8+s6] =	stream.indirect_vreg.scatter [tilespmem:s18], [sflag:$0x5], $0x80, v52, vm10, $0xb8;
	[tilespmem:$0x18880] =	vst v63  }
0x232: {  	_ = 	snop  }
0x233: {  	v43 =	vadd.s32 v58, v43;
	[hbm4b:s14+s6] =	stream.indirect_vreg.scatter [tilespmem:s2], [sflag:$0x5], $0x80, v52, vm10, $0xb8;
	[tilespmem:$0x18880] =	vst v63  }
0x234: {  	_ = 	snop  }
0x235: {  	[hbm4b:s15+s6] =	stream.indirect_vreg.scatter [tilespmem:s3], [sflag:$0x5], $0x80, v52, vm10, $0xb8;
	[tilespmem:$0x18880] =	vst v63  }
0x236: {  	_ = 	snop  }
0x237: {  	[hbm4b:s16+s6] =	stream.indirect_vreg.scatter [tilespmem:s4], [sflag:$0x5], $0x80, v52, vm10, $0xb8;
	v52 =	vmov v43;
	[tilespmem:$0x18880] =	vst v63  }
0x238: {  	v43 =	vld [tilespmem:$0x18290];
	_ =	sdelay $0x4  }
0x239: {  	v59 =	vand.u32 $0x7, v43;
	v43 =	vshll.u32 v43, $0x3  }
0x23a: {  	v43 =	vand.u32 $0xFFFFFFC0, v43  }
0x23b: {  	v43 =	vor.u32 v59, v43  }
0x23c: {  	v59 =	vperm.xlane v43, v53;
	v43 =	vperm.xlane v43, v50;
	_ =	sdelay $0x1  }
0x23d: {  	v59 =	vadd.s32 v45, v59;
	_ =	sdelay $0x3  }
0x23e: {  	s0 =	simm.s32 $0x8080  }
0x23f: {  	[hbm4b:s8+s6] =	stream.indirect_vreg.scatter [tilespmem:s0], [sflag:$0x5], $0x80, v59, vm10, $0xb8;
	[tilespmem:$0x18880] =	vst v63  }
0x240: {  	_ = 	snop  }
0x241: {  	v43 =	vadd.s32 v45, v43;
	[hbm4b:s14+s6] =	stream.indirect_vreg.scatter [tilespmem:s7], [sflag:$0x5], $0x80, v59, vm10, $0xb8;
	[tilespmem:$0x18880] =	vst v63  }
0x242: {  	_ = 	snop  }
0x243: {  	[hbm4b:s15+s6] =	stream.indirect_vreg.scatter [tilespmem:s24], [sflag:$0x5], $0x80, v59, vm10, $0xb8;
	[tilespmem:$0x18880] =	vst v63  }
0x244: {  	_ = 	snop  }
0x245: {  	[hbm4b:s16+s6] =	stream.indirect_vreg.scatter [tilespmem:s11], [sflag:$0x5], $0x80, v59, vm10, $0xb8;
	[tilespmem:$0x18880] =	vst v63  }
0x246: {  	_ = 	snop  }
0x247: {  	[hbm4b:s8+s6] =	stream.indirect_vreg.scatter [tilespmem:s12], [sflag:$0x5], $0x80, v43, vm10, $0xb8;
	[tilespmem:$0x18880] =	vst v63  }
0x248: {  	s9 =	sadd.s32 $0xFFFFFFF0, s26  }
0x249: {  	v59 =	vor.u32 s9, v0;
	[hbm4b:s14+s6] =	stream.indirect_vreg.scatter [tilespmem:s20], [sflag:$0x5], $0x80, v43, vm10, $0xb8;
	[tilespmem:$0x18880] =	vst v63  }
0x24a: {  	vm12 =	vlt.s32 v59, v32  }
0x24b: {  	vm13 =	vgt.s32 v59, v40;
	v59 =	vsel vm12, v59, v32;
	[hbm4b:s15+s6] =	stream.indirect_vreg.scatter [tilespmem:s22], [sflag:$0x5], $0x80, v43, vm10, $0xb8;
	[tilespmem:$0x18880] =	vst v63  }
0x24c: {  	vm12 =	vgt.s32 v41, v40;
	v41 =	vmov v56;
	v59 =	vsel vm13, v59, v32  }
0x24d: {  	v56 =	vshll.u32 v59, $0x3;
	[hbm4b:s16+s6] =	stream.indirect_vreg.scatter [tilespmem:s23], [sflag:$0x5], $0x80, v43, vm10, $0xb8;
	v43 =	vsel vm12, v42, v32;
	v42 =	vmov v57;
	[tilespmem:$0x18880] =	vst v63  }
0x24e: {  	v56 =	vand.u32 $0xFFFFFFC0, v56;
	[tilespmem:$0x18300] =	vst v46;
	v46 =	vmov v59  }
0x24f: {  	v57 =	vand.u32 $0x7, v46;
	[tilespmem:$0x18310] =	vst v43  }
0x250: {  	v43 =	vor.u32 v57, v56;
	[hbm4b:s8+s6] =	stream.indirect_vreg.scatter [tilespmem:s29], [sflag:$0x6], $0x80, v48, vm10, $0xb8;
	[tilespmem:$0x18880] =	vst v63  }
0x251: {  	v56 =	vperm.xlane v43, v55  }
0x252: {  	[hbm4b:s14+s6] =	stream.indirect_vreg.scatter [tilespmem:s17], [sflag:$0x6], $0x80, v48, vm10, $0xb8;
	[tilespmem:$0x18880] =	vst v63  }
0x253: {  	v56 =	vadd.s32 v58, v56  }
0x254: {  	[hbm4b:s15+s6] =	stream.indirect_vreg.scatter [tilespmem:s1], [sflag:$0x6], $0x80, v48, vm10, $0xb8;
	[tilespmem:$0x18880] =	vst v63  }
0x255: {  	_ = 	snop  }
0x256: {  	[hbm4b:s16+s6] =	stream.indirect_vreg.scatter [tilespmem:s5], [sflag:$0x6], $0x80, v48, vm10, $0xb8;
	v48 =	vmov v56;
	[tilespmem:$0x18880] =	vst v63  }
0x257: {  	_ = 	snop  }
0x258: {  	[hbm4b:s8+s6] =	stream.indirect_vreg.scatter [tilespmem:s18], [sflag:$0x6], $0x80, v49, vm10, $0xb8;
	[tilespmem:$0x18880] =	vst v63  }
0x259: {  	v43 =	vperm.xlane v43, v54  }
0x25a: {  	[hbm4b:s14+s6] =	stream.indirect_vreg.scatter [tilespmem:s2], [sflag:$0x6], $0x80, v49, vm10, $0xb8;
	[tilespmem:$0x18880] =	vst v63  }
0x25b: {  	v43 =	vadd.s32 v58, v43  }
0x25c: {  	[hbm4b:s15+s6] =	stream.indirect_vreg.scatter [tilespmem:s3], [sflag:$0x6], $0x80, v49, vm10, $0xb8;
	[tilespmem:$0x18880] =	vst v63  }
0x25d: {  	_ = 	snop  }
0x25e: {  	[hbm4b:s16+s6] =	stream.indirect_vreg.scatter [tilespmem:s4], [sflag:$0x6], $0x80, v49, vm10, $0xb8;
	v49 =	vmov v43;
	[tilespmem:$0x18880] =	vst v63  }
0x25f: {  	v43 =	vld [tilespmem:$0x18310];
	_ =	sdelay $0x4  }
0x260: {  	v56 =	vand.u32 $0x7, v43;
	v43 =	vshll.u32 v43, $0x3  }
0x261: {  	v43 =	vand.u32 $0xFFFFFFC0, v43  }
0x262: {  	v43 =	vor.u32 v56, v43  }
0x263: {  	v56 =	vperm.xlane v43, v53;
	v43 =	vperm.xlane v43, v50;
	v50 =	vmovc v54;
	v53 =	vmov v55;
	_ =	sdelay $0x1  }
0x264: {  	v56 =	vadd.s32 v45, v56;
	_ =	sdelay $0x4  }
0x265: {  	[hbm4b:s8+s6] =	stream.indirect_vreg.scatter [tilespmem:s0], [sflag:$0x6], $0x80, v56, vm10, $0xb8;
	[tilespmem:$0x18880] =	vst v63  }
0x266: {  	v43 =	vadd.s32 v45, v43;
	v45 =	vmov v58  }
0x267: {  	[hbm4b:s14+s6] =	stream.indirect_vreg.scatter [tilespmem:s7], [sflag:$0x6], $0x80, v56, vm10, $0xb8;
	[tilespmem:$0x18880] =	vst v63  }
0x268: {  	_ = 	snop  }
0x269: {  	[hbm4b:s15+s6] =	stream.indirect_vreg.scatter [tilespmem:s24], [sflag:$0x6], $0x80, v56, vm10, $0xb8;
	[tilespmem:$0x18880] =	vst v63  }
0x26a: {  	_ = 	snop  }
0x26b: {  	[hbm4b:s16+s6] =	stream.indirect_vreg.scatter [tilespmem:s11], [sflag:$0x6], $0x80, v56, vm10, $0xb8;
	[tilespmem:$0x18880] =	vst v63  }
0x26c: {  	_ = 	snop  }
0x26d: {  	[hbm4b:s8+s6] =	stream.indirect_vreg.scatter [tilespmem:s12], [sflag:$0x6], $0x80, v43, vm10, $0xb8;
	[tilespmem:$0x18880] =	vst v63  }
0x26e: {  	_ = 	snop  }
0x26f: {  	[hbm4b:s14+s6] =	stream.indirect_vreg.scatter [tilespmem:s20], [sflag:$0x6], $0x80, v43, vm10, $0xb8;
	[tilespmem:$0x18880] =	vst v63  }
0x270: {  	s26 =	sadd.s32 $0x40, s26;
	p3 =	sle.s32 s13, s28;
	s13 =	smov.u32 s21  }
0x271: {  	v56 =	vor.u32 s26, v0;
	[hbm4b:s15+s6] =	stream.indirect_vreg.scatter [tilespmem:s22], [sflag:$0x6], $0x80, v43, vm10, $0xb8;
	[tilespmem:$0x18880] =	vst v63  }
0x272: {  	s30 =	sadd.s32 $0xFFFFFFE0, s26;
	s9 =	sadd.s32 $0xFFFFFFD0, s26;
	s0 =	simm.s32 @!p3 $0x5;
	vm12 =	vlt.s32 v56, v32  }
0x273: {  	[hbm4b:s16+s6] =	stream.indirect_vreg.scatter [tilespmem:s23], [sflag:$0x6], $0x80, v43, vm10, $0xb8;
	[tilespmem:$0x18880] =	vst v63  }
.Ltmp6:
0x274: {  	v58 =	vor.u32 s30, v0;
	v57 =	vsel vm12, v56, v32;
	(pc) =	sbr.rel @p2 .LBB2_7-.Ltmp6, $4  }
0x275: {  	v59 =	vor.u32 s9, v0;
	vm13 =	vlt.s32 v58, v32;
	vm12 =	vgt.s32 v58, v40;
	_ =	swait.ge @!p3 [sflag:s0], $0x8000  }
0x276: {  	vm14 =	vlt.s32 v59, v32;
	v43 =	vsel vm13, v58, v32;
	[sflag:s0] =	ssyncset.done @!p3 $0x0  }
0x277: {  	s30 =	simm.s32 @!p3 $0x6;
	vm13 =	vgt.s32 v59, v40;
	v58 =	vsel vm14, v59, v32;
	[sflag:s0] =	ssyncadd.s32 @!p3 $0xFFFF8000  }
0x278: {  	v58 =	vsel vm13, v58, v32;
	_ =	swait.ge @!p3 [sflag:s30], $0x8000  }
0x279: {  	v62 =	vmov v61  }
0x27a: {  	v59 =	vmovc v41;
	v60 =	vmovc v42;
	v61 =	vmov v43;
	v41 =	vmov v56;
	v42 =	vmov v57  }
.LBB2_9:
0x27b: {  	p2 =	por p3, !p1  }
0x27c: {  	[sflag:s30] =	ssyncset.done @!p2 $0x0  }
0x27d: {  	[sflag:s30] =	ssyncadd.s32 @!p2 $0xFFFF8000  }
0x27e: {  	v43 =	vsel @p1 vm11, v62, v32;
	[tilespmem:$0x18280] =	vst @p1 v47  }
0x27f: {  	[tilespmem:$0x18290] =	vst @p1 v43  }
0x280: {  	[hbm4b:s8+s6] =	stream.indirect_vreg.scatter @p1 [tilespmem:s29], [sflag:$0x5], $0x80, v51, vm10, $0xb8;
	[tilespmem:$0x18880] =	vst v63  }
0x281: {  	_ = 	snop  }
0x282: {  	[hbm4b:s14+s6] =	stream.indirect_vreg.scatter @p1 [tilespmem:s17], [sflag:$0x5], $0x80, v51, vm10, $0xb8;
	[tilespmem:$0x18880] =	vst v63  }
0x283: {  	_ = 	snop  }
0x284: {  	[hbm4b:s15+s6] =	stream.indirect_vreg.scatter @p1 [tilespmem:s1], [sflag:$0x5], $0x80, v51, vm10, $0xb8;
	[tilespmem:$0x18880] =	vst v63  }
0x285: {  	_ = 	snop  }
0x286: {  	[hbm4b:s16+s6] =	stream.indirect_vreg.scatter @p1 [tilespmem:s5], [sflag:$0x5], $0x80, v51, vm10, $0xb8;
	[tilespmem:$0x18880] =	vst v63  }
0x287: {  	_ = 	snop  }
0x288: {  	[hbm4b:s8+s6] =	stream.indirect_vreg.scatter @p1 [tilespmem:s18], [sflag:$0x5], $0x80, v52, vm10, $0xb8;
	[tilespmem:$0x18880] =	vst v63  }
0x289: {  	_ = 	snop  }
0x28a: {  	[hbm4b:s14+s6] =	stream.indirect_vreg.scatter @p1 [tilespmem:s2], [sflag:$0x5], $0x80, v52, vm10, $0xb8;
	[tilespmem:$0x18880] =	vst v63  }
0x28b: {  	_ = 	snop  }
0x28c: {  	[hbm4b:s15+s6] =	stream.indirect_vreg.scatter @p1 [tilespmem:s3], [sflag:$0x5], $0x80, v52, vm10, $0xb8;
	[tilespmem:$0x18880] =	vst v63  }
0x28d: {  	_ = 	snop  }
0x28e: {  	[hbm4b:s16+s6] =	stream.indirect_vreg.scatter @p1 [tilespmem:s4], [sflag:$0x5], $0x80, v52, vm10, $0xb8;
	[tilespmem:$0x18880] =	vst v63  }
0x28f: {  	v43 =	vld @p1 [tilespmem:$0x18290];
	_ =	sdelay $0x4  }
0x290: {  	v47 =	vshll.u32 @p1 v43, $0x3  }
0x291: {  	v43 =	vand.u32 @p1 $0x7, v43;
	v47 =	vand.u32 @p1 $0xFFFFFFC0, v47  }
0x292: {  	v43 =	vor.u32 @p1 v43, v47  }
0x293: {  	v47 =	vperm.xlane @p1 v43, v53;
	_ =	sdelay $0x1  }
0x294: {  	v47 =	vadd.s32 @p1 v45, v47;
	_ =	sdelay $0x3  }
0x295: {  	s9 =	simm.s32 $0x8080  }
0x296: {  	[hbm4b:s8+s6] =	stream.indirect_vreg.scatter @p1 [tilespmem:s9], [sflag:$0x5], $0x80, v47, vm10, $0xb8;
	[tilespmem:$0x18880] =	vst v63  }
0x297: {  	v43 =	vperm.xlane @p1 v43, v50  }
0x298: {  	[hbm4b:s14+s6] =	stream.indirect_vreg.scatter @p1 [tilespmem:s7], [sflag:$0x5], $0x80, v47, vm10, $0xb8;
	[tilespmem:$0x18880] =	vst v63  }
0x299: {  	v43 =	vadd.s32 @p1 v45, v43  }
0x29a: {  	[hbm4b:s15+s6] =	stream.indirect_vreg.scatter @p1 [tilespmem:s24], [sflag:$0x5], $0x80, v47, vm10, $0xb8;
	[tilespmem:$0x18880] =	vst v63  }
0x29b: {  	_ = 	snop  }
0x29c: {  	[hbm4b:s16+s6] =	stream.indirect_vreg.scatter @p1 [tilespmem:s11], [sflag:$0x5], $0x80, v47, vm10, $0xb8;
	[tilespmem:$0x18880] =	vst v63  }
0x29d: {  	_ = 	snop  }
0x29e: {  	[hbm4b:s8+s6] =	stream.indirect_vreg.scatter @p1 [tilespmem:s12], [sflag:$0x5], $0x80, v43, vm10, $0xb8;
	[tilespmem:$0x18880] =	vst v63  }
0x29f: {  	_ = 	snop  }
0x2a0: {  	[hbm4b:s14+s6] =	stream.indirect_vreg.scatter @p1 [tilespmem:s20], [sflag:$0x5], $0x80, v43, vm10, $0xb8;
	[tilespmem:$0x18880] =	vst v63  }
0x2a1: {  	_ = 	snop  }
0x2a2: {  	[hbm4b:s15+s6] =	stream.indirect_vreg.scatter @p1 [tilespmem:s22], [sflag:$0x5], $0x80, v43, vm10, $0xb8;
	[tilespmem:$0x18880] =	vst v63  }
0x2a3: {  	_ = 	snop  }
0x2a4: {  	vm11 =	vgt.s32 @p1 v59, v40;
	[hbm4b:s16+s6] =	stream.indirect_vreg.scatter @p1 [tilespmem:s23], [sflag:$0x5], $0x80, v43, vm10, $0xb8;
	[tilespmem:$0x18880] =	vst v63  }
0x2a5: {  	v43 =	vsel @p1 vm11, v60, v32;
	[tilespmem:$0x18300] =	vst @p1 v46  }
0x2a6: {  	[tilespmem:$0x18310] =	vst @p1 v43  }
0x2a7: {  	[hbm4b:s8+s6] =	stream.indirect_vreg.scatter @p1 [tilespmem:s29], [sflag:$0x6], $0x80, v48, vm10, $0xb8;
	[tilespmem:$0x18880] =	vst v63  }
0x2a8: {  	_ = 	snop  }
0x2a9: {  	[hbm4b:s14+s6] =	stream.indirect_vreg.scatter @p1 [tilespmem:s17], [sflag:$0x6], $0x80, v48, vm10, $0xb8;
	[tilespmem:$0x18880] =	vst v63  }
0x2aa: {  	_ = 	snop  }
0x2ab: {  	[hbm4b:s15+s6] =	stream.indirect_vreg.scatter @p1 [tilespmem:s1], [sflag:$0x6], $0x80, v48, vm10, $0xb8;
	[tilespmem:$0x18880] =	vst v63  }
0x2ac: {  	_ = 	snop  }
0x2ad: {  	[hbm4b:s16+s6] =	stream.indirect_vreg.scatter @p1 [tilespmem:s5], [sflag:$0x6], $0x80, v48, vm10, $0xb8;
	[tilespmem:$0x18880] =	vst v63  }
0x2ae: {  	_ = 	snop  }
0x2af: {  	[hbm4b:s8+s6] =	stream.indirect_vreg.scatter @p1 [tilespmem:s18], [sflag:$0x6], $0x80, v49, vm10, $0xb8;
	[tilespmem:$0x18880] =	vst v63  }
0x2b0: {  	_ = 	snop  }
0x2b1: {  	[hbm4b:s14+s6] =	stream.indirect_vreg.scatter @p1 [tilespmem:s2], [sflag:$0x6], $0x80, v49, vm10, $0xb8;
	[tilespmem:$0x18880] =	vst v63  }
0x2b2: {  	_ = 	snop  }
0x2b3: {  	[hbm4b:s15+s6] =	stream.indirect_vreg.scatter @p1 [tilespmem:s3], [sflag:$0x6], $0x80, v49, vm10, $0xb8;
	[tilespmem:$0x18880] =	vst v63  }
0x2b4: {  	_ = 	snop  }
0x2b5: {  	[hbm4b:s16+s6] =	stream.indirect_vreg.scatter @p1 [tilespmem:s4], [sflag:$0x6], $0x80, v49, vm10, $0xb8;
	[tilespmem:$0x18880] =	vst v63  }
0x2b6: {  	v43 =	vld @p1 [tilespmem:$0x18310];
	_ =	sdelay $0x4  }
0x2b7: {  	v46 =	vshll.u32 @p1 v43, $0x3  }
0x2b8: {  	v43 =	vand.u32 @p1 $0x7, v43;
	v46 =	vand.u32 @p1 $0xFFFFFFC0, v46  }
0x2b9: {  	v43 =	vor.u32 @p1 v43, v46  }
0x2ba: {  	v46 =	vperm.xlane @p1 v43, v53;
	_ =	sdelay $0x1  }
0x2bb: {  	v46 =	vadd.s32 @p1 v45, v46;
	_ =	sdelay $0x4  }
0x2bc: {  	[hbm4b:s8+s6] =	stream.indirect_vreg.scatter @p1 [tilespmem:s9], [sflag:$0x6], $0x80, v46, vm10, $0xb8;
	[tilespmem:$0x18880] =	vst v63  }
0x2bd: {  	v43 =	vperm.xlane @p1 v43, v50  }
0x2be: {  	[hbm4b:s14+s6] =	stream.indirect_vreg.scatter @p1 [tilespmem:s7], [sflag:$0x6], $0x80, v46, vm10, $0xb8;
	[tilespmem:$0x18880] =	vst v63  }
0x2bf: {  	v43 =	vadd.s32 @p1 v45, v43  }
0x2c0: {  	[hbm4b:s15+s6] =	stream.indirect_vreg.scatter @p1 [tilespmem:s24], [sflag:$0x6], $0x80, v46, vm10, $0xb8;
	[tilespmem:$0x18880] =	vst v63  }
0x2c1: {  	_ = 	snop  }
0x2c2: {  	[hbm4b:s16+s6] =	stream.indirect_vreg.scatter @p1 [tilespmem:s11], [sflag:$0x6], $0x80, v46, vm10, $0xb8;
	[tilespmem:$0x18880] =	vst v63  }
0x2c3: {  	_ = 	snop  }
0x2c4: {  	[hbm4b:s8+s6] =	stream.indirect_vreg.scatter @p1 [tilespmem:s12], [sflag:$0x6], $0x80, v43, vm10, $0xb8;
	[tilespmem:$0x18880] =	vst v63  }
0x2c5: {  	_ = 	snop  }
0x2c6: {  	[hbm4b:s14+s6] =	stream.indirect_vreg.scatter @p1 [tilespmem:s20], [sflag:$0x6], $0x80, v43, vm10, $0xb8;
	[tilespmem:$0x18880] =	vst v63  }
0x2c7: {  	p2 =	sle.s32 s13, s28  }
0x2c8: {  	[hbm4b:s15+s6] =	stream.indirect_vreg.scatter @p1 [tilespmem:s22], [sflag:$0x6], $0x80, v43, vm10, $0xb8;
	[tilespmem:$0x18880] =	vst v63  }
0x2c9: {  	s0 =	simm.s32 @!p2 $0x5;
	v52 =	vshll.u32 v58, $0x3  }
0x2ca: {  	v53 =	vand.u32 $0x7, v58;
	v45 =	vand.u32 $0xFFFFFFC0, v52;
	[hbm4b:s16+s6] =	stream.indirect_vreg.scatter @p1 [tilespmem:s23], [sflag:$0x6], $0x80, v43, vm10, $0xb8;
	[tilespmem:$0x18880] =	vst v63  }
0x2cb: {  	v55 =	vand.u32 $0x7, v0;
	v54 =	vor.u32 v53, v45;
	_ =	swait.ge @!p2 [sflag:s0], $0x8000  }
0x2cc: {  	v44 =	vmul.u32 $0x8, v44;
	v46 =	vperm.xlane v54, v55;
	[sflag:s0] =	ssyncset.done @!p2 $0x0  }
0x2cd: {  	[sflag:s0] =	ssyncadd.s32 @!p2 $0xFFFF8000;
	s0 =	simm.s32 @!p2 $0x6  }
0x2ce: {  	v46 =	vadd.s32 v44, v46;
	_ =	swait.ge @!p2 [sflag:s0], $0x8000  }
0x2cf: {  	[sflag:s0] =	ssyncset.done @!p2 $0x0  }
0x2d0: {  	vm11 =	vmmov vm12;
	[sflag:s0] =	ssyncadd.s32 @!p2 $0xFFFF8000  }
0x2d1: {  	v56 =	vsel vm11, v61, v32;
	[tilespmem:$0x18280] =	vst v58  }
0x2d2: {  	[tilespmem:$0x18290] =	vst v56  }
0x2d3: {  	v57 =	vor.u32 $0x8, v0;
	[hbm4b:s8+s6] =	stream.indirect_vreg.scatter [tilespmem:s29], [sflag:$0x5], $0x80, v46, vm10, $0xb8;
	[tilespmem:$0x18880] =	vst v63  }
0x2d4: {  	v43 =	vperm.xlane v54, v57  }
0x2d5: {  	[hbm4b:s14+s6] =	stream.indirect_vreg.scatter [tilespmem:s17], [sflag:$0x5], $0x80, v46, vm10, $0xb8;
	[tilespmem:$0x18880] =	vst v63  }
0x2d6: {  	v43 =	vadd.s32 v44, v43  }
0x2d7: {  	[hbm4b:s15+s6] =	stream.indirect_vreg.scatter [tilespmem:s1], [sflag:$0x5], $0x80, v46, vm10, $0xb8;
	[tilespmem:$0x18880] =	vst v63  }
0x2d8: {  	_ = 	snop  }
0x2d9: {  	[hbm4b:s16+s6] =	stream.indirect_vreg.scatter [tilespmem:s5], [sflag:$0x5], $0x80, v46, vm10, $0xb8;
	[tilespmem:$0x18880] =	vst v63  }
0x2da: {  	_ = 	snop  }
0x2db: {  	[hbm4b:s8+s6] =	stream.indirect_vreg.scatter [tilespmem:s18], [sflag:$0x5], $0x80, v43, vm10, $0xb8;
	[tilespmem:$0x18880] =	vst v63  }
0x2dc: {  	_ = 	snop  }
0x2dd: {  	[hbm4b:s14+s6] =	stream.indirect_vreg.scatter [tilespmem:s2], [sflag:$0x5], $0x80, v43, vm10, $0xb8;
	[tilespmem:$0x18880] =	vst v63  }
0x2de: {  	_ = 	snop  }
0x2df: {  	[hbm4b:s15+s6] =	stream.indirect_vreg.scatter [tilespmem:s3], [sflag:$0x5], $0x80, v43, vm10, $0xb8;
	[tilespmem:$0x18880] =	vst v63  }
0x2e0: {  	_ = 	snop  }
0x2e1: {  	[hbm4b:s16+s6] =	stream.indirect_vreg.scatter [tilespmem:s4], [sflag:$0x5], $0x80, v43, vm10, $0xb8;
	[tilespmem:$0x18880] =	vst v63  }
0x2e2: {  	v43 =	vld [tilespmem:$0x18290];
	_ =	sdelay $0x4  }
0x2e3: {  	v58 =	vshll.u32 v43, $0x3  }
0x2e4: {  	v43 =	vand.u32 $0x7, v43;
	v46 =	vand.u32 $0xFFFFFFC0, v58  }
0x2e5: {  	v43 =	vor.u32 v43, v46  }
0x2e6: {  	v46 =	vperm.xlane v43, v55;
	_ =	sdelay $0x1  }
0x2e7: {  	v46 =	vadd.s32 v44, v46;
	_ =	sdelay $0x4  }
0x2e8: {  	[hbm4b:s8+s6] =	stream.indirect_vreg.scatter [tilespmem:s9], [sflag:$0x5], $0x80, v46, vm10, $0xb8;
	[tilespmem:$0x18880] =	vst v63  }
0x2e9: {  	s31 =	sadd.s32 $0xFFFFFFF0, s26;
	v43 =	vperm.xlane v43, v57  }
0x2ea: {  	[hbm4b:s14+s6] =	stream.indirect_vreg.scatter [tilespmem:s7], [sflag:$0x5], $0x80, v46, vm10, $0xb8;
	[tilespmem:$0x18880] =	vst v63  }
0x2eb: {  	v59 =	vor.u32 s31, v0;
	v43 =	vadd.s32 v44, v43  }
0x2ec: {  	vm11 =	vlt.s32 v59, v32;
	[hbm4b:s15+s6] =	stream.indirect_vreg.scatter [tilespmem:s24], [sflag:$0x5], $0x80, v46, vm10, $0xb8;
	[tilespmem:$0x18880] =	vst v63  }
0x2ed: {  	vm12 =	vgt.s32 v59, v40;
	v48 =	vsel vm11, v59, v32  }
0x2ee: {  	v48 =	vsel vm12, v48, v32;
	[hbm4b:s16+s6] =	stream.indirect_vreg.scatter [tilespmem:s11], [sflag:$0x5], $0x80, v46, vm10, $0xb8;
	[tilespmem:$0x18880] =	vst v63  }
0x2ef: {  	v60 =	vshll.u32 v48, $0x3  }
0x2f0: {  	v61 =	vand.u32 $0x7, v48;
	v46 =	vand.u32 $0xFFFFFFC0, v60;
	[hbm4b:s8+s6] =	stream.indirect_vreg.scatter [tilespmem:s12], [sflag:$0x5], $0x80, v43, vm10, $0xb8;
	[tilespmem:$0x18880] =	vst v63  }
0x2f1: {  	v46 =	vor.u32 v61, v46  }
0x2f2: {  	v49 =	vperm.xlane v46, v55;
	[hbm4b:s14+s6] =	stream.indirect_vreg.scatter [tilespmem:s20], [sflag:$0x5], $0x80, v43, vm10, $0xb8;
	[tilespmem:$0x18880] =	vst v63  }
0x2f3: {  	_ = 	snop  }
0x2f4: {  	v49 =	vadd.s32 v44, v49;
	[hbm4b:s15+s6] =	stream.indirect_vreg.scatter [tilespmem:s22], [sflag:$0x5], $0x80, v43, vm10, $0xb8;
	[tilespmem:$0x18880] =	vst v63  }
0x2f5: {  	_ = 	snop  }
0x2f6: {  	vm11 =	vgt.s32 v41, v40;
	[hbm4b:s16+s6] =	stream.indirect_vreg.scatter [tilespmem:s23], [sflag:$0x5], $0x80, v43, vm10, $0xb8;
	[tilespmem:$0x18880] =	vst v63  }
0x2f7: {  	v40 =	vsel vm11, v42, v32;
	[tilespmem:$0x18300] =	vst v48  }
0x2f8: {  	[tilespmem:$0x18310] =	vst v40  }
0x2f9: {  	[hbm4b:s8+s6] =	stream.indirect_vreg.scatter [tilespmem:s29], [sflag:$0x6], $0x80, v49, vm10, $0xb8;
	[tilespmem:$0x18880] =	vst v63  }
0x2fa: {  	v62 =	vperm.xlane v46, v57  }
0x2fb: {  	[hbm4b:s14+s6] =	stream.indirect_vreg.scatter [tilespmem:s17], [sflag:$0x6], $0x80, v49, vm10, $0xb8;
	[tilespmem:$0x18880] =	vst v63  }
0x2fc: {  	v40 =	vadd.s32 v44, v62  }
0x2fd: {  	[hbm4b:s15+s6] =	stream.indirect_vreg.scatter [tilespmem:s1], [sflag:$0x6], $0x80, v49, vm10, $0xb8;
	[tilespmem:$0x18880] =	vst v63  }
0x2fe: {  	_ = 	snop  }
0x2ff: {  	[hbm4b:s16+s6] =	stream.indirect_vreg.scatter [tilespmem:s5], [sflag:$0x6], $0x80, v49, vm10, $0xb8;
	[tilespmem:$0x18880] =	vst v63  }
0x300: {  	_ = 	snop  }
0x301: {  	[hbm4b:s8+s6] =	stream.indirect_vreg.scatter [tilespmem:s18], [sflag:$0x6], $0x80, v40, vm10, $0xb8;
	[tilespmem:$0x18880] =	vst v63  }
0x302: {  	_ = 	snop  }
0x303: {  	[hbm4b:s14+s6] =	stream.indirect_vreg.scatter [tilespmem:s2], [sflag:$0x6], $0x80, v40, vm10, $0xb8;
	[tilespmem:$0x18880] =	vst v63  }
0x304: {  	_ = 	snop  }
0x305: {  	[hbm4b:s15+s6] =	stream.indirect_vreg.scatter [tilespmem:s3], [sflag:$0x6], $0x80, v40, vm10, $0xb8;
	[tilespmem:$0x18880] =	vst v63  }
0x306: {  	_ = 	snop  }
0x307: {  	[hbm4b:s16+s6] =	stream.indirect_vreg.scatter [tilespmem:s4], [sflag:$0x6], $0x80, v40, vm10, $0xb8;
	[tilespmem:$0x18880] =	vst v63  }
0x308: {  	v40 =	vld [tilespmem:$0x18310];
	_ =	sdelay $0x4  }
0x309: {  	v63 =	vshll.u32 v40, $0x3  }
0x30a: {  	v40 =	vand.u32 $0x7, v40;
	v41 =	vand.u32 $0xFFFFFFC0, v63  }
0x30b: {  	v40 =	vor.u32 v40, v41  }
0x30c: {  	v41 =	vperm.xlane v40, v55;
	_ =	sdelay $0x1  }
0x30d: {  	v41 =	vadd.s32 v44, v41;
	_ =	sdelay $0x4  }
0x30e: {  	[hbm4b:s8+s6] =	stream.indirect_vreg.scatter [tilespmem:s9], [sflag:$0x6], $0x80, v41, vm10, $0xb8;
	[tilespmem:$0x18880] =	vst v63  }
0x30f: {  	v40 =	vperm.xlane v40, v57  }
0x310: {  	[hbm4b:s14+s6] =	stream.indirect_vreg.scatter [tilespmem:s7], [sflag:$0x6], $0x80, v41, vm10, $0xb8;
	[tilespmem:$0x18880] =	vst v63  }
0x311: {  	v40 =	vadd.s32 v44, v40  }
0x312: {  	[hbm4b:s15+s6] =	stream.indirect_vreg.scatter [tilespmem:s24], [sflag:$0x6], $0x80, v41, vm10, $0xb8;
	[tilespmem:$0x18880] =	vst v63  }
0x313: {  	_ = 	snop  }
0x314: {  	[hbm4b:s16+s6] =	stream.indirect_vreg.scatter [tilespmem:s11], [sflag:$0x6], $0x80, v41, vm10, $0xb8;
	[tilespmem:$0x18880] =	vst v63  }
0x315: {  	_ = 	snop  }
0x316: {  	[hbm4b:s8+s6] =	stream.indirect_vreg.scatter [tilespmem:s12], [sflag:$0x6], $0x80, v40, vm10, $0xb8;
	[tilespmem:$0x18880] =	vst v63  }
0x317: {  	_ = 	snop  }
0x318: {  	[hbm4b:s14+s6] =	stream.indirect_vreg.scatter [tilespmem:s20], [sflag:$0x6], $0x80, v40, vm10, $0xb8;
	[tilespmem:$0x18880] =	vst v63  }
0x319: {  	s30 =	rddreg [dreg:$0x0]  }
0x31a: {  	[hbm4b:s15+s6] =	stream.indirect_vreg.scatter [tilespmem:s22], [sflag:$0x6], $0x80, v40, vm10, $0xb8;
	[tilespmem:$0x18880] =	vst v63  }
0x31b: {  	s5 =	rddreg [dreg:$0x1d]  }
0x31c: {  	[hbm4b:s16+s6] =	stream.indirect_vreg.scatter [tilespmem:s23], [sflag:$0x6], $0x80, v40, vm10, $0xb8;
	[tilespmem:$0x18880] =	vst v63  }
.LBB2_10:
0x31d: {  	s0 =	simm.s32 $0x5  }
0x31e: {  	_ =	swait.ge [sflag:s0], $0x8000  }
0x31f: {  	[sflag:s0] =	ssyncset.done $0x0  }
0x320: {  	s31 =	simm.s32 $0x6;
	[sflag:s0] =	ssyncadd.s32 $0xFFFF8000  }
0x321: {  	_ =	swait.ge [sflag:s31], $0x8000  }
0x322: {  	[sflag:s31] =	ssyncset.done $0x0;
	s1 =	rddreg [dreg:$0x16]  }
0x323: {  	s10 =	rddreg [dreg:$0x18];
	[sflag:s31] =	ssyncadd.s32 $0xFFFF8000  }
.LBB2_11:
0x324: {  	s0 =	rddreg [dreg:$0x19]  }
0x325: {  	s26 =	rddreg [dreg:$0x1a]  }
0x326: {  	s9 =	rddreg [dreg:$0x1b]  }
0x327: {  	s13 =	rddreg [dreg:$0x1c]  }
0x328: {  	s19 =	rddreg [dreg:$0x1e]  }
0x329: {  	s21 =	rddreg [dreg:$0x1f]  }
0x32a: {  	s25 =	sld [smem:$0x7FA]  }
0x32b: {  	s5 =	sadd.s32 $0x1F, s5;
	s17 =	sxor.u32 $0x80000000, s0;
	s18 =	sxor.u32 $0x80000000, s26  }
0x32c: {  	s26 =	sxor.u32 $0x80000000, s9;
	s13 =	sxor.u32 $0x80000000, s13;
	s28 =	sxor.u32 $0x80000000, s19  }
0x32d: {  	s31 =	sxor.u32 $0x80000000, s21;
	s5 =	sshrl.u32 s5, $0x5;
	[smem:$0x7F1] =	sst s17  }
0x32e: {  	s9 =	ssub.s32 s17, s18;
	s21 =	ssub.s32 $0x801, s17;
	[smem:$0x7F3] =	sst s18  }
0x32f: {  	s19 =	ssub.s32 s18, s26;
	s0 =	ssub.s32 s26, s13;
	[smem:$0x7F5] =	sst s26  }
0x330: {  	v50 =	vmov s17;
	s17 =	ssub.s32 s13, s28;
	[smem:$0x7F7] =	sst s13;
	s9 =	sadd.s32 $0x800, s9  }
0x331: {  	v54 =	vmov s18;
	s18 =	sadd.s32 $0x1, s5;
	[smem:$0x7F4] =	sst s9;
	v46 =	vmov s9;
	s9 =	ssub.s32 s28, s31  }
0x332: {  	v55 =	vmov s26;
	[smem:$0x7F9] =	sst s28;
	s26 =	sadd.s32 $0x800, s9;
	s9 =	sshrl.u32 s18, $0x1  }
0x333: {  	s19 =	sadd.s32 $0x800, s19;
	[smem:$0x7F2] =	sst s21;
	p1 =	seq.s32 s9, $0x0  }
.Ltmp7:
0x334: {  	v52 =	vmov s21;
	s21 =	sadd.s32 $0x800, s17;
	s17 =	sld [smem:$0x7FC];
	(pc) =	sbr.rel @p1 .LBB2_15-.Ltmp7, $4  }
0x335: {  	v40 =	vmov s1;
	v47 =	vmov s13;
	s25 =	sxor.u32 $0x80000000, s25;
	s0 =	sadd.s32 $0x800, s0;
	[smem:$0x7F6] =	sst s19  }
0x336: {  	v53 =	vmov s28;
	v45 =	vmov s31;
	v51 =	vmov s19;
	s19 =	ssub.s32 s31, s25;
	[smem:$0x7F8] =	sst s0  }
0x337: {  	v48 =	vmov s0;
	v43 =	vmov s21;
	v49 =	vmov s25;
	s28 =	rddreg [dreg:$0x15];
	s0 =	sadd.s32 $0x800, s19;
	s9 =	sadd.s32 $0x7FFFFFFF, s10  }
0x338: {  	s18 =	sld [smem:$0x7FD];
	v44 =	vmov s26;
	v42 =	vmov s0;
	v41 =	vmov s9  }
0x339: {  	[smem:$0x7EF] =	sst s31  }
0x33a: {  	s28 =	rddreg [dreg:$0x13]  }
0x33b: {  	s31 =	rddreg [dreg:$0x17]  }
0x33c: {  	[smem:$0x7EC] =	sst s0;
	s0 =	sadd.s32 s31, s28  }
0x33d: {  	p1 =	sgt.s32 s0, $0x0  }
0x33e: {  	s0 =	simm.s32 @!p1 $0x0  }
0x33f: {  	[smem:$0x7EB] =	sst s9;
	s0 =	smin.u32 s0, $0x200  }
0x340: {  	[smem:$0x7ED] =	sst s26;
	s0 =	sadd.s32 $0x1F, s0  }
0x341: {  	[smem:$0x7EE] =	sst s21;
	s0 =	sand.u32 $0x7E0, s0  }
0x342: {  	[smem:$0x7F0] =	sst s25;
	s0 =	sadd.s32 $0x20, s0  }
0x343: {  	s29 =	smov.u32 s18;
	s18 =	sld [smem:$0x7FB];
	s0 =	sand.u32 $0xFC0, s0  }
0x344: {  	s13 =	simm.s32 $0x0;
	[dreg:$0x8] =	wrdreg s0  }
.LBB2_13:
0x345: {  	s0 =	rddreg [dreg:$0x10]  }
0x346: {  	s26 =	sadd.s32 s13, s0  }
0x347: {  	v58 =	vor.u32 s26, v0  }
0x348: {  	vm11 =	vlt.s32 v58, v50  }
0x349: {  	v56 =	vsel vm11, $0x0, v52;
	vm11 =	vlt.s32 v58, v54  }
0x34a: {  	v56 =	vadd.s32 v58, v56;
	v57 =	vsel vm11, $0x0, v46;
	vm11 =	vlt.s32 v58, v55  }
0x34b: {  	v56 =	vadd.s32 v57, v56;
	v63 =	vsel vm11, $0x0, v51;
	vm11 =	vlt.s32 v58, v47  }
0x34c: {  	p1 =	seq.s32 s13, $0x0;
	v56 =	vadd.s32 v63, v56;
	v35 =	vsel vm11, $0x0, v48;
	vm11 =	vlt.s32 v58, v53  }
0x34d: {  	s0 =	simm.s32 @!p1 $0x3;
	v56 =	vadd.s32 v35, v56;
	v60 =	vsel vm11, $0x0, v43;
	vm11 =	vlt.s32 v58, v45  }
0x34e: {  	_ =	swait.ge @!p1 [sflag:s0], $0x8000;
	v56 =	vadd.s32 v60, v56;
	v61 =	vsel vm11, $0x0, v44;
	vm11 =	vlt.s32 v58, v49  }
0x34f: {  	[sflag:s0] =	ssyncset.done @!p1 $0x0;
	v56 =	vadd.s32 v61, v56;
	v62 =	vsel vm11, $0x0, v42  }
0x350: {  	[sflag:s0] =	ssyncadd.s32 @!p1 $0xFFFF8000;
	s0 =	simm.s32 @!p1 $0x4;
	vm11 =	veq.s32 v58, v40;
	v56 =	vadd.s32 v62, v56  }
0x351: {  	_ =	swait.ge @!p1 [sflag:s0], $0x8000;
	v56 =	vsel vm11, v41, v56  }
0x352: {  	s9 =	sadd.s32 $0x10, s26;
	[sflag:s0] =	ssyncset.done @!p1 $0x0;
	vm11 =	vlt.s32 v56, $0x3FFF  }
0x353: {  	v59 =	vor.u32 s9, v0;
	[sflag:s0] =	ssyncadd.s32 @!p1 $0xFFFF8000;
	v56 =	vnsel vm11, $0x3FFF, v56  }
0x354: {  	vm11 =	vlt.s32 v59, v50;
	[tilespmem:$0x18080] =	vst v56  }
0x355: {  	v57 =	vand.u32 $0x7, v0;
	v63 =	vsel vm11, $0x0, v52;
	vm11 =	vlt.s32 v59, v54;
	v60 =	vld [tilespmem:$0x18080]  }
0x356: {  	v56 =	vadd.s32 v59, v63;
	v35 =	vsel vm11, $0x0, v46;
	vm11 =	vlt.s32 v59, v55  }
0x357: {  	v56 =	vadd.s32 v35, v56;
	v62 =	vsel vm11, $0x0, v51;
	vm11 =	vlt.s32 v59, v47  }
0x358: {  	v56 =	vadd.s32 v62, v56;
	v63 =	vsel vm11, $0x0, v48;
	vm11 =	vlt.s32 v59, v53  }
0x359: {  	v56 =	vadd.s32 v63, v56;
	v35 =	vsel vm11, $0x0, v43;
	vm11 =	vlt.s32 v59, v45  }
0x35a: {  	v56 =	vadd.s32 v35, v56;
	v61 =	vsel vm11, $0x0, v44;
	v62 =	vshll.u32 v60, $0x3  }
0x35b: {  	v61 =	vadd.s32 v61, v56;
	v63 =	vand.u32 $0x7, v60;
	v56 =	vand.u32 $0xFFFFFFC0, v62  }
0x35c: {  	vm11 =	vlt.s32 v59, v49;
	v35 =	vshrl.u32 v0, $0x3;
	v60 =	vor.u32 v63, v56  }
0x35d: {  	v62 =	vsel vm11, $0x0, v42;
	v56 =	vmul.u32 $0x8, v35;
	v63 =	vperm.xlane v60, v57  }
0x35e: {  	vm11 =	veq.s32 v59, v40;
	v61 =	vadd.s32 v62, v61  }
0x35f: {  	v61 =	vsel vm11, v41, v61;
	vm11 =	vgt.s32 v58, v40;
	v62 =	vadd.s32 v56, v63  }
0x360: {  	v58 =	vsel vm11, v34, v58;
	vm11 =	vlt.s32 v61, $0x3FFF  }
0x361: {  	[tilespmem:$0x18180] =	vst v58;
	v35 =	vnsel vm11, $0x3FFF, v61;
	vm11 =	vgt.s32 v59, v40  }
0x362: {  	[tilespmem:$0x18090] =	vst v35;
	v61 =	vsel vm11, v34, v59  }
0x363: {  	s1 =	simm.s32 $0x4080;
	[tilespmem:$0x18190] =	vst v61  }
0x364: {  	v58 =	vor.u32 $0x8, v0;
	[tilespmem:s1], [sflag:$0x1] =	stream.indirect_vreg.gather [hbm4b:s30+s6], $0x80, v62, vm10, $0xb8;
	[tilespmem:$0x18880] =	vst v63  }
0x365: {  	s5 =	simm.s32 $0x4880;
	v63 =	vperm.xlane v60, v58  }
0x366: {  	[tilespmem:s5], [sflag:$0x1] =	stream.indirect_vreg.gather [hbm4b:s18+s6], $0x80, v62, vm10, $0xb8;
	[tilespmem:$0x18880] =	vst v63  }
0x367: {  	s9 =	simm.s32 $0x5080;
	v59 =	vadd.s32 v56, v63  }
0x368: {  	[tilespmem:s9], [sflag:$0x1] =	stream.indirect_vreg.gather [hbm4b:s17+s6], $0x80, v62, vm10, $0xb8;
	[tilespmem:$0x18880] =	vst v63  }
0x369: {  	s10 =	simm.s32 $0x5880  }
0x36a: {  	[tilespmem:s10], [sflag:$0x1] =	stream.indirect_vreg.gather [hbm4b:s29+s6], $0x80, v62, vm10, $0xb8;
	[tilespmem:$0x18880] =	vst v63  }
0x36b: {  	s19 =	simm.s32 $0x6080  }
0x36c: {  	[tilespmem:s19], [sflag:$0x1] =	stream.indirect_vreg.gather [hbm4b:s30+s6], $0x80, v59, vm10, $0xb8;
	[tilespmem:$0x18880] =	vst v63  }
0x36d: {  	_ = 	snop  }
0x36e: {  	[tilespmem:s2], [sflag:$0x1] =	stream.indirect_vreg.gather [hbm4b:s18+s6], $0x80, v59, vm10, $0xb8;
	[tilespmem:$0x18880] =	vst v63  }
0x36f: {  	_ = 	snop  }
0x370: {  	[tilespmem:s3], [sflag:$0x1] =	stream.indirect_vreg.gather [hbm4b:s17+s6], $0x80, v59, vm10, $0xb8;
	[tilespmem:$0x18880] =	vst v63  }
0x371: {  	_ = 	snop  }
0x372: {  	[tilespmem:s4], [sflag:$0x1] =	stream.indirect_vreg.gather [hbm4b:s29+s6], $0x80, v59, vm10, $0xb8;
	[tilespmem:$0x18880] =	vst v63  }
0x373: {  	v59 =	vld [tilespmem:$0x18090];
	_ =	sdelay $0x4  }
0x374: {  	v35 =	vshll.u32 v59, $0x3  }
0x375: {  	v59 =	vand.u32 $0x7, v59;
	v60 =	vand.u32 $0xFFFFFFC0, v35  }
0x376: {  	v59 =	vor.u32 v59, v60  }
0x377: {  	v60 =	vperm.xlane v59, v57;
	_ =	sdelay $0x1  }
0x378: {  	v60 =	vadd.s32 v56, v60;
	_ =	sdelay $0x3  }
0x379: {  	s21 =	simm.s32 $0x8080  }
0x37a: {  	[tilespmem:s21], [sflag:$0x1] =	stream.indirect_vreg.gather [hbm4b:s30+s6], $0x80, v60, vm10, $0xb8;
	[tilespmem:$0x18880] =	vst v63  }
0x37b: {  	s25 =	sadd.s32 $0x20, s26;
	v59 =	vperm.xlane v59, v58  }
0x37c: {  	v61 =	vor.u32 s25, v0;
	[tilespmem:s7], [sflag:$0x1] =	stream.indirect_vreg.gather [hbm4b:s18+s6], $0x80, v60, vm10, $0xb8;
	[tilespmem:$0x18880] =	vst v63  }
0x37d: {  	vm11 =	vlt.s32 v61, v50;
	v59 =	vadd.s32 v56, v59  }
0x37e: {  	v35 =	vsel vm11, $0x0, v52;
	vm11 =	vlt.s32 v61, v54;
	[tilespmem:s24], [sflag:$0x1] =	stream.indirect_vreg.gather [hbm4b:s17+s6], $0x80, v60, vm10, $0xb8;
	[tilespmem:$0x18880] =	vst v63  }
0x37f: {  	v62 =	vadd.s32 v61, v35;
	v35 =	vsel vm11, $0x0, v46;
	vm11 =	vlt.s32 v61, v55  }
0x380: {  	[tilespmem:s11], [sflag:$0x1] =	stream.indirect_vreg.gather [hbm4b:s29+s6], $0x80, v60, vm10, $0xb8;
	v60 =	vadd.s32 v35, v62;
	v35 =	vsel vm11, $0x0, v51;
	vm11 =	vlt.s32 v61, v47;
	[tilespmem:$0x18880] =	vst v63  }
0x381: {  	v60 =	vadd.s32 v35, v60;
	v35 =	vsel vm11, $0x0, v48;
	vm11 =	vlt.s32 v61, v53  }
0x382: {  	[tilespmem:s12], [sflag:$0x1] =	stream.indirect_vreg.gather [hbm4b:s30+s6], $0x80, v59, vm10, $0xb8;
	v60 =	vadd.s32 v35, v60;
	v35 =	vsel vm11, $0x0, v43;
	vm11 =	vlt.s32 v61, v45;
	[tilespmem:$0x18880] =	vst v63  }
0x383: {  	v60 =	vadd.s32 v35, v60;
	v35 =	vsel vm11, $0x0, v44;
	vm11 =	vlt.s32 v61, v49  }
0x384: {  	[tilespmem:s20], [sflag:$0x1] =	stream.indirect_vreg.gather [hbm4b:s18+s6], $0x80, v59, vm10, $0xb8;
	v60 =	vadd.s32 v35, v60;
	v35 =	vsel vm11, $0x0, v42;
	[tilespmem:$0x18880] =	vst v63  }
0x385: {  	vm11 =	veq.s32 v61, v40;
	v60 =	vadd.s32 v35, v60  }
0x386: {  	[tilespmem:s22], [sflag:$0x1] =	stream.indirect_vreg.gather [hbm4b:s17+s6], $0x80, v59, vm10, $0xb8;
	v60 =	vsel vm11, v41, v60;
	[tilespmem:$0x18880] =	vst v63  }
0x387: {  	s26 =	sadd.s32 $0x30, s26;
	vm11 =	vlt.s32 v60, $0x3FFF  }
0x388: {  	[tilespmem:s23], [sflag:$0x1] =	stream.indirect_vreg.gather [hbm4b:s29+s6], $0x80, v59, vm10, $0xb8;
	v35 =	vnsel vm11, $0x3FFF, v60;
	v60 =	vor.u32 s26, v0;
	[tilespmem:$0x18880] =	vst v63  }
0x389: {  	[tilespmem:$0x18100] =	vst v35;
	vm11 =	vlt.s32 v60, v50  }
0x38a: {  	v35 =	vsel vm11, $0x0, v52;
	vm11 =	vlt.s32 v60, v54;
	v62 =	vld [tilespmem:$0x18100]  }
0x38b: {  	v59 =	vadd.s32 v60, v35;
	v35 =	vsel vm11, $0x0, v46;
	vm11 =	vlt.s32 v60, v55  }
0x38c: {  	v59 =	vadd.s32 v35, v59;
	v35 =	vsel vm11, $0x0, v51;
	vm11 =	vlt.s32 v60, v47  }
0x38d: {  	v59 =	vadd.s32 v35, v59;
	v35 =	vsel vm11, $0x0, v48;
	vm11 =	vlt.s32 v60, v53  }
0x38e: {  	v59 =	vadd.s32 v35, v59;
	v35 =	vsel vm11, $0x0, v43  }
0x38f: {  	v59 =	vadd.s32 v35, v59;
	v35 =	vshll.u32 v62, $0x3  }
0x390: {  	vm11 =	vlt.s32 v60, v45;
	v62 =	vand.u32 $0x7, v62;
	v63 =	vand.u32 $0xFFFFFFC0, v35  }
0x391: {  	v35 =	vsel vm11, $0x0, v44;
	vm11 =	vlt.s32 v60, v49;
	v62 =	vor.u32 v62, v63  }
0x392: {  	v35 =	vadd.s32 v35, v59;
	v59 =	vsel vm11, $0x0, v42;
	v63 =	vperm.xlane v62, v57  }
0x393: {  	vm11 =	veq.s32 v60, v40;
	v35 =	vadd.s32 v59, v35  }
0x394: {  	v35 =	vsel vm11, v41, v35;
	vm11 =	vgt.s32 v61, v40;
	v59 =	vadd.s32 v56, v63  }
0x395: {  	v61 =	vsel vm11, v34, v61;
	vm11 =	vlt.s32 v35, $0x3FFF  }
0x396: {  	[tilespmem:$0x18200] =	vst v61;
	v35 =	vnsel vm11, $0x3FFF, v35;
	vm11 =	vgt.s32 v60, v40  }
0x397: {  	[tilespmem:$0x18110] =	vst v35;
	v63 =	vsel vm11, v34, v60  }
0x398: {  	s21 =	simm.s32 $0xC080;
	[tilespmem:$0x18210] =	vst v63  }
0x399: {  	[tilespmem:s21], [sflag:$0x2] =	stream.indirect_vreg.gather [hbm4b:s30+s6], $0x80, v59, vm10, $0xb8;
	[tilespmem:$0x18880] =	vst v63  }
0x39a: {  	s31 =	simm.s32 $0xC880;
	v60 =	vperm.xlane v62, v58  }
0x39b: {  	[tilespmem:s31], [sflag:$0x2] =	stream.indirect_vreg.gather [hbm4b:s18+s6], $0x80, v59, vm10, $0xb8;
	[tilespmem:$0x18880] =	vst v63  }
0x39c: {  	s10 =	simm.s32 $0xD080;
	v35 =	vadd.s32 v56, v60  }
0x39d: {  	[tilespmem:s10], [sflag:$0x2] =	stream.indirect_vreg.gather [hbm4b:s17+s6], $0x80, v59, vm10, $0xb8;
	[tilespmem:$0x18880] =	vst v63  }
0x39e: {  	s5 =	simm.s32 $0xD880  }
0x39f: {  	[tilespmem:s5], [sflag:$0x2] =	stream.indirect_vreg.gather [hbm4b:s29+s6], $0x80, v59, vm10, $0xb8;
	[tilespmem:$0x18880] =	vst v63  }
0x3a0: {  	s9 =	simm.s32 $0xE080  }
0x3a1: {  	[tilespmem:s9], [sflag:$0x2] =	stream.indirect_vreg.gather [hbm4b:s30+s6], $0x80, v35, vm10, $0xb8;
	[tilespmem:$0x18880] =	vst v63  }
0x3a2: {  	s2 =	simm.s32 $0xE880  }
0x3a3: {  	[tilespmem:s2], [sflag:$0x2] =	stream.indirect_vreg.gather [hbm4b:s18+s6], $0x80, v35, vm10, $0xb8;
	[tilespmem:$0x18880] =	vst v63  }
0x3a4: {  	s26 =	simm.s32 $0xF080  }
0x3a5: {  	[tilespmem:s26], [sflag:$0x2] =	stream.indirect_vreg.gather [hbm4b:s17+s6], $0x80, v35, vm10, $0xb8;
	[tilespmem:$0x18880] =	vst v63  }
0x3a6: {  	s7 =	simm.s32 $0xF880  }
0x3a7: {  	[tilespmem:s7], [sflag:$0x2] =	stream.indirect_vreg.gather [hbm4b:s29+s6], $0x80, v35, vm10, $0xb8;
	[tilespmem:$0x18880] =	vst v63  }
0x3a8: {  	v35 =	vld [tilespmem:$0x18110];
	_ =	sdelay $0x4  }
0x3a9: {  	v61 =	vshll.u32 v35, $0x3  }
0x3aa: {  	v35 =	vand.u32 $0x7, v35;
	v59 =	vand.u32 $0xFFFFFFC0, v61  }
0x3ab: {  	v35 =	vor.u32 v35, v59  }
0x3ac: {  	v59 =	vperm.xlane v35, v57;
	_ =	sdelay $0x1  }
0x3ad: {  	v59 =	vadd.s32 v56, v59;
	_ =	sdelay $0x3  }
0x3ae: {  	s19 =	simm.s32 $0x10080  }
0x3af: {  	[tilespmem:s19], [sflag:$0x2] =	stream.indirect_vreg.gather [hbm4b:s30+s6], $0x80, v59, vm10, $0xb8;
	[tilespmem:$0x18880] =	vst v63  }
0x3b0: {  	s11 =	simm.s32 $0x10880;
	v35 =	vperm.xlane v35, v58  }
0x3b1: {  	[tilespmem:s11], [sflag:$0x2] =	stream.indirect_vreg.gather [hbm4b:s18+s6], $0x80, v59, vm10, $0xb8;
	[tilespmem:$0x18880] =	vst v63  }
0x3b2: {  	s20 =	simm.s32 $0x11080;
	v35 =	vadd.s32 v56, v35  }
0x3b3: {  	[tilespmem:s20], [sflag:$0x2] =	stream.indirect_vreg.gather [hbm4b:s17+s6], $0x80, v59, vm10, $0xb8;
	[tilespmem:$0x18880] =	vst v63  }
0x3b4: {  	s23 =	simm.s32 $0x11880  }
0x3b5: {  	[tilespmem:s23], [sflag:$0x2] =	stream.indirect_vreg.gather [hbm4b:s29+s6], $0x80, v59, vm10, $0xb8;
	[tilespmem:$0x18880] =	vst v63  }
0x3b6: {  	s25 =	simm.s32 $0x12080  }
0x3b7: {  	[tilespmem:s25], [sflag:$0x2] =	stream.indirect_vreg.gather [hbm4b:s30+s6], $0x80, v35, vm10, $0xb8;
	[tilespmem:$0x18880] =	vst v63  }
0x3b8: {  	s0 =	simm.s32 $0x12880  }
0x3b9: {  	[tilespmem:s0], [sflag:$0x2] =	stream.indirect_vreg.gather [hbm4b:s18+s6], $0x80, v35, vm10, $0xb8;
	[tilespmem:$0x18880] =	vst v63  }
0x3ba: {  	s4 =	simm.s32 $0x13080  }
0x3bb: {  	[tilespmem:s4], [sflag:$0x2] =	stream.indirect_vreg.gather [hbm4b:s17+s6], $0x80, v35, vm10, $0xb8;
	[tilespmem:$0x18880] =	vst v63  }
0x3bc: {  	s28 =	simm.s32 $0x13880  }
0x3bd: {  	[tilespmem:s28], [sflag:$0x2] =	stream.indirect_vreg.gather [hbm4b:s29+s6], $0x80, v35, vm10, $0xb8;
	[tilespmem:$0x18880] =	vst v63  }
0x3be: {  	s28 =	smov.u32 s30;
	s30 =	simm.s32 $0x1  }
0x3bf: {  	_ =	swait.ge [sflag:s30], $0x8000  }
0x3c0: {  	[sflag:s30] =	ssyncset.done $0x0  }
0x3c1: {  	[sflag:s30] =	ssyncadd.s32 $0xFFFF8000  }
0x3c2: {  	v62 =	vld [tilespmem:$0x18180];
	_ =	sdelay $0x4  }
0x3c3: {  	v63 =	vshll.u32 v62, $0x3  }
0x3c4: {  	v35 =	vand.u32 $0x7, v62;
	v59 =	vand.u32 $0xFFFFFFC0, v63  }
0x3c5: {  	v35 =	vor.u32 v35, v59  }
0x3c6: {  	v59 =	vperm.xlane v35, v57;
	_ =	sdelay $0x1  }
0x3c7: {  	v59 =	vadd.s32 v56, v59;
	_ =	sdelay $0x3  }
0x3c8: {  	s30 =	smov.u32 s28;
	s28 =	simm.s32 $0x4080  }
0x3c9: {  	[hbm4b:s8+s6] =	stream.indirect_vreg.scatter [tilespmem:s28], [sflag:$0x3], $0x80, v59, vm10, $0xb8;
	[tilespmem:$0x18880] =	vst v63  }
0x3ca: {  	v35 =	vperm.xlane v35, v58;
	s28 =	simm.s32 $0x4880  }
0x3cb: {  	[hbm4b:s14+s6] =	stream.indirect_vreg.scatter [tilespmem:s28], [sflag:$0x3], $0x80, v59, vm10, $0xb8;
	[tilespmem:$0x18880] =	vst v63  }
0x3cc: {  	v35 =	vadd.s32 v56, v35;
	s28 =	simm.s32 $0x5080  }
0x3cd: {  	[hbm4b:s15+s6] =	stream.indirect_vreg.scatter [tilespmem:s28], [sflag:$0x3], $0x80, v59, vm10, $0xb8;
	[tilespmem:$0x18880] =	vst v63  }
0x3ce: {  	s28 =	simm.s32 $0x5880  }
0x3cf: {  	[hbm4b:s16+s6] =	stream.indirect_vreg.scatter [tilespmem:s28], [sflag:$0x3], $0x80, v59, vm10, $0xb8;
	[tilespmem:$0x18880] =	vst v63  }
0x3d0: {  	s28 =	simm.s32 $0x6080  }
0x3d1: {  	[hbm4b:s8+s6] =	stream.indirect_vreg.scatter [tilespmem:s28], [sflag:$0x3], $0x80, v35, vm10, $0xb8;
	[tilespmem:$0x18880] =	vst v63  }
0x3d2: {  	s3 =	simm.s32 $0x6880  }
0x3d3: {  	[hbm4b:s14+s6] =	stream.indirect_vreg.scatter [tilespmem:s3], [sflag:$0x3], $0x80, v35, vm10, $0xb8;
	[tilespmem:$0x18880] =	vst v63  }
0x3d4: {  	s3 =	simm.s32 $0x7080  }
0x3d5: {  	[hbm4b:s15+s6] =	stream.indirect_vreg.scatter [tilespmem:s3], [sflag:$0x3], $0x80, v35, vm10, $0xb8;
	[tilespmem:$0x18880] =	vst v63  }
0x3d6: {  	s24 =	simm.s32 $0x7880  }
0x3d7: {  	[hbm4b:s16+s6] =	stream.indirect_vreg.scatter [tilespmem:s24], [sflag:$0x3], $0x80, v35, vm10, $0xb8;
	[tilespmem:$0x18880] =	vst v63  }
0x3d8: {  	v35 =	vld [tilespmem:$0x18190];
	_ =	sdelay $0x4  }
0x3d9: {  	v60 =	vshll.u32 v35, $0x3  }
0x3da: {  	v35 =	vand.u32 $0x7, v35;
	v59 =	vand.u32 $0xFFFFFFC0, v60  }
0x3db: {  	v35 =	vor.u32 v35, v59  }
0x3dc: {  	v59 =	vperm.xlane v35, v57;
	_ =	sdelay $0x1  }
0x3dd: {  	v59 =	vadd.s32 v56, v59;
	_ =	sdelay $0x3  }
0x3de: {  	s28 =	simm.s32 $0x8080  }
0x3df: {  	[hbm4b:s8+s6] =	stream.indirect_vreg.scatter [tilespmem:s28], [sflag:$0x3], $0x80, v59, vm10, $0xb8;
	[tilespmem:$0x18880] =	vst v63  }
0x3e0: {  	v35 =	vperm.xlane v35, v58;
	s28 =	simm.s32 $0x8880  }
0x3e1: {  	[hbm4b:s14+s6] =	stream.indirect_vreg.scatter [tilespmem:s28], [sflag:$0x3], $0x80, v59, vm10, $0xb8;
	[tilespmem:$0x18880] =	vst v63  }
0x3e2: {  	s24 =	simm.s32 $0x9080;
	v35 =	vadd.s32 v56, v35  }
0x3e3: {  	[hbm4b:s15+s6] =	stream.indirect_vreg.scatter [tilespmem:s24], [sflag:$0x3], $0x80, v59, vm10, $0xb8;
	[tilespmem:$0x18880] =	vst v63  }
0x3e4: {  	s12 =	simm.s32 $0x9880  }
0x3e5: {  	[hbm4b:s16+s6] =	stream.indirect_vreg.scatter [tilespmem:s12], [sflag:$0x3], $0x80, v59, vm10, $0xb8;
	[tilespmem:$0x18880] =	vst v63  }
0x3e6: {  	s12 =	simm.s32 $0xA080  }
0x3e7: {  	[hbm4b:s8+s6] =	stream.indirect_vreg.scatter [tilespmem:s12], [sflag:$0x3], $0x80, v35, vm10, $0xb8;
	[tilespmem:$0x18880] =	vst v63  }
0x3e8: {  	s22 =	simm.s32 $0xA880  }
0x3e9: {  	[hbm4b:s14+s6] =	stream.indirect_vreg.scatter [tilespmem:s22], [sflag:$0x3], $0x80, v35, vm10, $0xb8;
	[tilespmem:$0x18880] =	vst v63  }
0x3ea: {  	s22 =	simm.s32 $0xB080  }
0x3eb: {  	[hbm4b:s15+s6] =	stream.indirect_vreg.scatter [tilespmem:s22], [sflag:$0x3], $0x80, v35, vm10, $0xb8;
	[tilespmem:$0x18880] =	vst v63  }
0x3ec: {  	s1 =	simm.s32 $0xB880  }
0x3ed: {  	[hbm4b:s16+s6] =	stream.indirect_vreg.scatter [tilespmem:s1], [sflag:$0x3], $0x80, v35, vm10, $0xb8;
	[tilespmem:$0x18880] =	vst v63  }
0x3ee: {  	s1 =	simm.s32 $0x2  }
0x3ef: {  	_ =	swait.ge [sflag:s1], $0x8000  }
0x3f0: {  	[sflag:s1] =	ssyncset.done $0x0  }
0x3f1: {  	[sflag:s1] =	ssyncadd.s32 $0xFFFF8000  }
0x3f2: {  	v61 =	vld [tilespmem:$0x18200];
	_ =	sdelay $0x4  }
0x3f3: {  	v62 =	vshll.u32 v61, $0x3  }
0x3f4: {  	v35 =	vand.u32 $0x7, v61;
	v59 =	vand.u32 $0xFFFFFFC0, v62  }
0x3f5: {  	v35 =	vor.u32 v35, v59  }
0x3f6: {  	v59 =	vperm.xlane v35, v57;
	_ =	sdelay $0x1  }
0x3f7: {  	v59 =	vadd.s32 v56, v59;
	_ =	sdelay $0x4  }
0x3f8: {  	[hbm4b:s8+s6] =	stream.indirect_vreg.scatter [tilespmem:s21], [sflag:$0x4], $0x80, v59, vm10, $0xb8;
	[tilespmem:$0x18880] =	vst v63  }
0x3f9: {  	v35 =	vperm.xlane v35, v58  }
0x3fa: {  	[hbm4b:s14+s6] =	stream.indirect_vreg.scatter [tilespmem:s31], [sflag:$0x4], $0x80, v59, vm10, $0xb8;
	[tilespmem:$0x18880] =	vst v63  }
0x3fb: {  	v35 =	vadd.s32 v56, v35  }
0x3fc: {  	[hbm4b:s15+s6] =	stream.indirect_vreg.scatter [tilespmem:s10], [sflag:$0x4], $0x80, v59, vm10, $0xb8;
	[tilespmem:$0x18880] =	vst v63  }
0x3fd: {  	_ = 	snop  }
0x3fe: {  	[hbm4b:s16+s6] =	stream.indirect_vreg.scatter [tilespmem:s5], [sflag:$0x4], $0x80, v59, vm10, $0xb8;
	[tilespmem:$0x18880] =	vst v63  }
0x3ff: {  	_ = 	snop  }
0x400: {  	[hbm4b:s8+s6] =	stream.indirect_vreg.scatter [tilespmem:s9], [sflag:$0x4], $0x80, v35, vm10, $0xb8;
	[tilespmem:$0x18880] =	vst v63  }
0x401: {  	_ = 	snop  }
0x402: {  	[hbm4b:s14+s6] =	stream.indirect_vreg.scatter [tilespmem:s2], [sflag:$0x4], $0x80, v35, vm10, $0xb8;
	[tilespmem:$0x18880] =	vst v63  }
0x403: {  	_ = 	snop  }
0x404: {  	[hbm4b:s15+s6] =	stream.indirect_vreg.scatter [tilespmem:s26], [sflag:$0x4], $0x80, v35, vm10, $0xb8;
	[tilespmem:$0x18880] =	vst v63  }
0x405: {  	_ = 	snop  }
0x406: {  	[hbm4b:s16+s6] =	stream.indirect_vreg.scatter [tilespmem:s7], [sflag:$0x4], $0x80, v35, vm10, $0xb8;
	[tilespmem:$0x18880] =	vst v63  }
0x407: {  	v35 =	vld [tilespmem:$0x18210];
	_ =	sdelay $0x4  }
0x408: {  	v63 =	vshll.u32 v35, $0x3  }
0x409: {  	v35 =	vand.u32 $0x7, v35;
	v59 =	vand.u32 $0xFFFFFFC0, v63  }
0x40a: {  	v35 =	vor.u32 v35, v59  }
0x40b: {  	v59 =	vperm.xlane v35, v57;
	_ =	sdelay $0x1  }
0x40c: {  	v59 =	vadd.s32 v56, v59;
	_ =	sdelay $0x4  }
0x40d: {  	[hbm4b:s8+s6] =	stream.indirect_vreg.scatter [tilespmem:s19], [sflag:$0x4], $0x80, v59, vm10, $0xb8;
	[tilespmem:$0x18880] =	vst v63  }
0x40e: {  	v35 =	vperm.xlane v35, v58  }
0x40f: {  	[hbm4b:s14+s6] =	stream.indirect_vreg.scatter [tilespmem:s11], [sflag:$0x4], $0x80, v59, vm10, $0xb8;
	[tilespmem:$0x18880] =	vst v63  }
0x410: {  	v35 =	vadd.s32 v56, v35  }
0x411: {  	[hbm4b:s15+s6] =	stream.indirect_vreg.scatter [tilespmem:s20], [sflag:$0x4], $0x80, v59, vm10, $0xb8;
	[tilespmem:$0x18880] =	vst v63  }
0x412: {  	_ = 	snop  }
0x413: {  	[hbm4b:s16+s6] =	stream.indirect_vreg.scatter [tilespmem:s23], [sflag:$0x4], $0x80, v59, vm10, $0xb8;
	[tilespmem:$0x18880] =	vst v63  }
0x414: {  	s13 =	sadd.s32 $0x40, s13;
	s28 =	rddreg [dreg:$0x8]  }
0x415: {  	[hbm4b:s8+s6] =	stream.indirect_vreg.scatter [tilespmem:s25], [sflag:$0x4], $0x80, v35, vm10, $0xb8;
	[tilespmem:$0x18880] =	vst v63  }
0x416: {  	p1 =	sne.s32 s28, s13  }
0x417: {  	[hbm4b:s14+s6] =	stream.indirect_vreg.scatter [tilespmem:s0], [sflag:$0x4], $0x80, v35, vm10, $0xb8;
	[tilespmem:$0x18880] =	vst v63  }
.Ltmp8:
0x418: {  	s31 =	simm.s32 $0x13880;
	(pc) =	sbr.rel @p1 .LBB2_13-.Ltmp8, $4  }
0x419: {  	s2 =	simm.s32 $0x6880;
	s7 =	simm.s32 $0x8880;
	s11 =	simm.s32 $0x9880  }
0x41a: {  	[hbm4b:s15+s6] =	stream.indirect_vreg.scatter [tilespmem:s4], [sflag:$0x4], $0x80, v35, vm10, $0xb8;
	[tilespmem:$0x18880] =	vst v63  }
0x41b: {  	s20 =	simm.s32 $0xA880;
	s23 =	simm.s32 $0xB880;
	s4 =	simm.s32 $0x7880  }
0x41c: {  	[hbm4b:s16+s6] =	stream.indirect_vreg.scatter [tilespmem:s31], [sflag:$0x4], $0x80, v35, vm10, $0xb8;
	[tilespmem:$0x18880] =	vst v63  }
0x41d: {  	s0 =	sld [smem:$0x7F1]  }
0x41e: {  	s13 =	sld [smem:$0x7F2]  }
0x41f: {  	s9 =	rddreg [dreg:$0xa]  }
0x420: {  	p1 =	slt.s32 s9, s0  }
0x421: {  	s5 =	sld [smem:$0x7F3];
	s13 =	simm.s32 @p1 $0x0  }
0x422: {  	s19 =	sadd.s32 s9, s13;
	s13 =	sld [smem:$0x7F4];
	_ =	sdelay $0x1  }
0x423: {  	p2 =	slt.s32 s9, s5  }
0x424: {  	s10 =	sld [smem:$0x7F5];
	s13 =	simm.s32 @p2 $0x0  }
0x425: {  	s0 =	sadd.s32 s13, s19;
	s13 =	sld [smem:$0x7F6];
	_ =	sdelay $0x1  }
0x426: {  	p1 =	slt.s32 s9, s10  }
0x427: {  	s21 =	sld [smem:$0x7F7];
	s13 =	simm.s32 @p1 $0x0  }
0x428: {  	s0 =	sadd.s32 s13, s0;
	s13 =	sld [smem:$0x7F8];
	_ =	sdelay $0x1  }
0x429: {  	p2 =	slt.s32 s9, s21  }
0x42a: {  	s25 =	sld [smem:$0x7F9];
	s13 =	simm.s32 @p2 $0x0  }
0x42b: {  	s0 =	sadd.s32 s13, s0;
	s13 =	sld [smem:$0x7EE];
	_ =	sdelay $0x1  }
0x42c: {  	p1 =	slt.s32 s9, s25  }
0x42d: {  	s26 =	sld [smem:$0x7EF];
	s13 =	simm.s32 @p1 $0x0  }
0x42e: {  	s0 =	sadd.s32 s13, s0;
	s13 =	sld [smem:$0x7ED];
	_ =	sdelay $0x1  }
0x42f: {  	p2 =	slt.s32 s9, s26  }
0x430: {  	s13 =	simm.s32 @p2 $0x0  }
0x431: {  	s0 =	sadd.s32 s13, s0;
	s13 =	simm.s32 $0x3  }
0x432: {  	s31 =	sld [smem:$0x7F0];
	_ =	swait.ge [sflag:s13], $0x8000  }
0x433: {  	s26 =	sld [smem:$0x7EC];
	_ =	sdelay $0x1  }
0x434: {  	p1 =	slt.s32 s9, s31;
	s1 =	rddreg [dreg:$0x16]  }
0x435: {  	s26 =	simm.s32 @p1 $0x0;
	p1 =	seq.s32 s9, s1;
	s9 =	sld [smem:$0x7EB]  }
0x436: {  	_ = 	snop  }
0x437: {  	[sflag:s13] =	ssyncset.done $0x0;
	s0 =	sadd.s32 s26, s0  }
0x438: {  	s5 =	simm.s32 $0x4;
	[sflag:s13] =	ssyncadd.s32 $0xFFFF8000;
	s0 =	smov.u32 @p1 s9  }
0x439: {  	_ =	swait.ge [sflag:s5], $0x8000;
	p1 =	slt.s32 s0, $0x3FFF  }
0x43a: {  	[sflag:s5] =	ssyncset.done $0x0;
	s0 =	simm.s32 @!p1 $0x3FFF  }
0x43b: {  	[sflag:s5] =	ssyncadd.s32 $0xFFFF8000;
	v35 =	vmov s0  }
0x43c: {  	[tilespmem:$0x18380] =	vst v35  }
0x43d: {  	v35 =	vld [tilespmem:$0x18380];
	_ =	sdelay $0x4  }
0x43e: {  	v59 =	vshll.u32 v35, $0x3  }
0x43f: {  	v35 =	vand.u32 $0x7, v35;
	v59 =	vand.u32 $0xFFFFFFC0, v59  }
0x440: {  	v35 =	vor.u32 v35, v59  }
0x441: {  	v59 =	vperm.xlane v35, v57;
	_ =	sdelay $0x1  }
0x442: {  	v59 =	vadd.s32 v56, v59;
	_ =	sdelay $0x3  }
0x443: {  	[tilespmem:$0x18400] =	vst v34;
	s9 =	simm.s32 $0x14080  }
0x444: {  	[tilespmem:s9], [sflag:$0x1] =	stream.indirect_vreg.gather [hbm4b:s30+s6], $0x80, v59, vm10, $0xb8;
	[tilespmem:$0x18880] =	vst v63  }
0x445: {  	s19 =	simm.s32 $0x14880;
	v35 =	vperm.xlane v35, v58  }
0x446: {  	[tilespmem:s19], [sflag:$0x1] =	stream.indirect_vreg.gather [hbm4b:s18+s6], $0x80, v59, vm10, $0xb8;
	[tilespmem:$0x18880] =	vst v63  }
0x447: {  	s25 =	simm.s32 $0x15080;
	v35 =	vadd.s32 v56, v35  }
0x448: {  	[tilespmem:s25], [sflag:$0x1] =	stream.indirect_vreg.gather [hbm4b:s17+s6], $0x80, v59, vm10, $0xb8;
	[tilespmem:$0x18880] =	vst v63  }
0x449: {  	s28 =	simm.s32 $0x15880  }
0x44a: {  	[tilespmem:s28], [sflag:$0x1] =	stream.indirect_vreg.gather [hbm4b:s29+s6], $0x80, v59, vm10, $0xb8;
	[tilespmem:$0x18880] =	vst v63  }
0x44b: {  	s1 =	simm.s32 $0x16080  }
0x44c: {  	[tilespmem:s1], [sflag:$0x1] =	stream.indirect_vreg.gather [hbm4b:s30+s6], $0x80, v35, vm10, $0xb8;
	[tilespmem:$0x18880] =	vst v63  }
0x44d: {  	s5 =	simm.s32 $0x16880  }
0x44e: {  	[tilespmem:s5], [sflag:$0x1] =	stream.indirect_vreg.gather [hbm4b:s18+s6], $0x80, v35, vm10, $0xb8;
	[tilespmem:$0x18880] =	vst v63  }
0x44f: {  	s10 =	simm.s32 $0x17080  }
0x450: {  	[tilespmem:s10], [sflag:$0x1] =	stream.indirect_vreg.gather [hbm4b:s17+s6], $0x80, v35, vm10, $0xb8;
	[tilespmem:$0x18880] =	vst v63  }
0x451: {  	s21 =	simm.s32 $0x1;
	s31 =	simm.s32 $0x17880  }
0x452: {  	[tilespmem:s31], [sflag:$0x1] =	stream.indirect_vreg.gather [hbm4b:s29+s6], $0x80, v35, vm10, $0xb8;
	[tilespmem:$0x18880] =	vst v63  }
0x453: {  	_ =	swait.ge [sflag:s21], $0x4000  }
0x454: {  	[sflag:s21] =	ssyncset.done $0x0  }
0x455: {  	[sflag:s21] =	ssyncadd.s32 $0xFFFFC000  }
0x456: {  	v61 =	vld [tilespmem:$0x18400];
	_ =	sdelay $0x4  }
0x457: {  	v62 =	vshll.u32 v61, $0x3  }
0x458: {  	v35 =	vand.u32 $0x7, v61;
	v59 =	vand.u32 $0xFFFFFFC0, v62  }
0x459: {  	v35 =	vor.u32 v35, v59  }
0x45a: {  	v63 =	vperm.xlane v35, v57;
	_ =	sdelay $0x1  }
0x45b: {  	v57 =	vadd.s32 v56, v63;
	_ =	sdelay $0x4  }
0x45c: {  	[hbm4b:s8+s6] =	stream.indirect_vreg.scatter [tilespmem:s9], [sflag:$0x3], $0x80, v57, vm10, $0xb8;
	[tilespmem:$0x18880] =	vst v63  }
0x45d: {  	v35 =	vperm.xlane v35, v58  }
0x45e: {  	[hbm4b:s14+s6] =	stream.indirect_vreg.scatter [tilespmem:s19], [sflag:$0x3], $0x80, v57, vm10, $0xb8;
	[tilespmem:$0x18880] =	vst v63  }
0x45f: {  	v35 =	vadd.s32 v56, v35  }
0x460: {  	[hbm4b:s15+s6] =	stream.indirect_vreg.scatter [tilespmem:s25], [sflag:$0x3], $0x80, v57, vm10, $0xb8;
	[tilespmem:$0x18880] =	vst v63  }
0x461: {  	_ = 	snop  }
0x462: {  	[hbm4b:s16+s6] =	stream.indirect_vreg.scatter [tilespmem:s28], [sflag:$0x3], $0x80, v57, vm10, $0xb8;
	[tilespmem:$0x18880] =	vst v63  }
0x463: {  	_ = 	snop  }
0x464: {  	[hbm4b:s8+s6] =	stream.indirect_vreg.scatter [tilespmem:s1], [sflag:$0x3], $0x80, v35, vm10, $0xb8;
	[tilespmem:$0x18880] =	vst v63  }
0x465: {  	_ = 	snop  }
0x466: {  	[hbm4b:s14+s6] =	stream.indirect_vreg.scatter [tilespmem:s5], [sflag:$0x3], $0x80, v35, vm10, $0xb8;
	[tilespmem:$0x18880] =	vst v63  }
0x467: {  	_ = 	snop  }
0x468: {  	[hbm4b:s15+s6] =	stream.indirect_vreg.scatter [tilespmem:s10], [sflag:$0x3], $0x80, v35, vm10, $0xb8;
	[tilespmem:$0x18880] =	vst v63  }
.Ltmp9:
0x469: {  	_ = 	snop;
	(pc) =	sbr.rel .LBB2_15-.Ltmp9, $4  }
0x46a: {  	[hbm4b:s16+s6] =	stream.indirect_vreg.scatter [tilespmem:s31], [sflag:$0x3], $0x80, v35, vm10, $0xb8;
	[tilespmem:$0x18880] =	vst v63  }
0x46b: {  	_ =	swait.ge [sflag:s13], $0x4000  }
0x46c: {  	[sflag:s13] =	ssyncset.done $0x0  }
0x46d: {  	s29 =	simm.s32 $0x4080;
	s28 =	rddreg [dreg:$0x15];
	[sflag:s13] =	ssyncadd.s32 $0xFFFFC000  }
.LBB2_4:
.Ltmp10:
0x46e: {  	(pc) =	sbr.rel .LBB2_9-.Ltmp10, $3  }
0x46f: {  	_ =	sdelay $0x1  }
0x470: {  	s17 =	simm.s32 $0x4880  }
0x471: {  	v58 =	vmov v47;
	s1 =	simm.s32 $0x5080;
	s5 =	simm.s32 $0x5880;
	s18 =	simm.s32 $0x6080  }
.LBB2_6:
.Ltmp11:
0x472: {  	(pc) =	sbr.rel .LBB2_9-.Ltmp11, $3  }
0x473: {  	_ =	sdelay $0x1  }
0x474: {  	v62 =	vmov v61;
	v59 =	vmov v41;
	v60 =	vmov v42  }
0x475: {  	v61 =	vmovc v43;
	v53 =	vmovc v55;
	v50 =	vmov v54;
	v41 =	vmov v56;
	v42 =	vmov v57  }
.LBB2_16:
0x476: {  	_ =	sfence.sel $0x180000  }
0x477: {  	[bflag:$0x0] =	sbarrier.arrive $0xFFFF  }
0x478: {  	_ =	strace $0x90000047  }
0x479: {  	s0 =	stileid.u32;
	[bflag:$0x2] =	sbarrier.arrive $0xFFFF  }
0x47a: {  	p0 =	sne.s32 s0, $0x0;
	s0 =	rddreg [dreg:$0x7]  }
0x47b: {  	s0 =	sadd.s32 @!p0 $0x100000, s0  }
0x47c: {  	[sflag:s0] =	ssyncadd.tile.s32 @!p0 $0x1;
	_ =	shalt  }
.Lfunc_end2:
_tile_overlayer_lowered:
.L_overlay_start_2:
0x47d: {  	(tag) =	ssettag $0x2  }
0x47e: {  	s0 =	rddreg [dreg:$0x0];
	s2 =	stileid.u32  }
0x47f: {  	s1 =	rddreg [dreg:$0x1];
	p0 =	sne.s32 s2, $0x0  }
0x480: {  	s3 =	rddreg [dreg:$0x2];
	[bflag:$0x3] =	sbarrier.arrive $0xFFFF;
	s2 =	simm.s32 @!p0 $0x1C08  }
0x481: {  	[timem:s3], [sflag:s2] =	dma.local @!p0 [hbm:s0], s1  }
0x482: {  	s0 =	simm.s32 @!p0 $0x8  }
0x483: {  	_ =	swait.ge @!p0 [sflag:s0], s1  }
0x484: {  	s1 =	ssub.s32 @!p0 $0x0, s1;
	[sflag:s0] =	ssyncset.done @!p0 $0x0  }
0x485: {  	[sflag:s0] =	ssyncadd.s32 @!p0 s1  }
0x486: {  	[bflag:$0x3] =	sbarrier.arrive $0xFFFF  }
0x487: {  	_ =	shalt  }

// kernel: sparse-core-data-format-call.cloned.1.call-start
scs
called_computation_lowered:
.L_overlay_start_0:
0x0: {  	s2 =	sld [smem:$0x3FD9]  }
0x1: {  	s3 =	sld [smem:$0x3FFE];
	_ =	sdelay $0x1  }
0x2: {  	s1 =	srdreg.scid  }
0x3: {  	s0 =	sand.u32 $0x1, s1  }
0x4: {  	s15 =	sshll.u32 s0, $0xA;
	s2 =	sadd.s32 s3, s2  }
0x5: {  	s2 =	sadd.s32 s2, s15  }
0x6: {  	[smem:$0x3FC5] =	sst s2  }
0x7: {  	_ = 	snop  }
0x8: {  	s2 =	sld [smem:$0x3FD0];
	_ =	sdelay $0x2  }
0x9: {  	s16 =	simm.s32 $0xA;
	s4 =	simm.s32 $0x10  }
0xa: {  	[smem:s4], [sflag:s16] =	dma.local [hbm:s2], $0x1  }
0xb: {  	_ =	swait.eq [sflag:s16], $0x1  }
0xc: {  	[sflag:s16] =	ssyncset.done $0x0  }
0xd: {  	[sflag:s16] =	ssyncadd.s32 $0xFFFFFFFF  }
0xe: {  	s17 =	sld [smem:$0x10];
	(tm) =	ssettm $0x1  }
0xf: {  	s18 =	sld [smem:$0x3FFB];
	_ =	sdelay $0x3  }
0x10: {  	_ =	strace s18  }
0x11: {  	s3 =	sld [smem:$0x3FFC];
	_ =	sdelay $0x3  }
0x12: {  	_ =	strace s3  }
0x13: {  	s3 =	sld [smem:$0x3FFD];
	_ =	sdelay $0x3  }
0x14: {  	_ =	strace s3  }
0x15: {  	_ =	strace $0x8FFFFFFF  }
0x16: {  	s19 =	sld [smem:$0x3FDB];
	_ =	sdelay $0x1  }
0x17: {  	s20 =	simm.s32 $_scs_section_size  }
0x18: {  	s5 =	simm.s32 $_size__tile_overlayer_lowered;
	s6 =	simm.s32 $_tile_overlayer_lowered  }
0x19: {  	s23 =	simm.s32 $0x1BFF;
	s22 =	sshll.u32 s6, $0x1;
	s3 =	sadd.s32 s20, s19  }
0x1a: {  	s7 =	simm.s32 $0x0;
	s21 =	sshll.u32 s5, $0x1;
	s5 =	sadd.s32 s22, s3  }
0x1b: {  	[timem:s7], [sflag:s23] =	dma.local [hbm:s5], s21  }
0x1c: {  	_ =	swait.ge [sflag:s23], s21  }
0x1d: {  	s4 =	ssub.s32 $0x0, s21;
	[sflag:s23] =	ssyncset.done $0x0  }
0x1e: {  	[sflag:s23] =	ssyncadd.s32 s4;
	_ =	sdelay $0x1  }
0x1f: {  	s24 =	simm.s32 $0x1B8B  }
0x20: {  	_ =	swait.ge [sflag:s24], $0x1  }
0x21: {  	[sflag:s24] =	ssyncset.done $0x0  }
0x22: {  	s26 =	simm.s32 $0x1B8E;
	s25 =	sld [smem:$0x3FFE];
	[sflag:s24] =	ssyncadd.s32 $0xFFFFFFFF  }
0x23: {  	s27 =	simm.s32 $execute0_lowered;
	[smem:$0x3FD2] =	sst s26  }
0x24: {  	s5 =	sshll.u32 s27, $0x1;
	_ =	strace $0x80000049;
	[dreg:$0x1] =	wrdreg $0xFFFFFFFF  }
0x25: {  	s28 =	simm.s32 $_size_execute0_lowered;
	s3 =	sadd.s32 s3, s5;
	[dreg:$0x0] =	wrdreg $0x0  }
0x26: {  	s5 =	sshll.u32 s28, $0x1;
	[dreg:$0x2] =	wrdreg s3  }
0x27: {  	[dreg:$0x3] =	wrdreg s5  }
0x28: {  	[dreg:$0x4] =	wrdreg $0xC0  }
0x29: {  	_ =	task [dreg:s7], $0x5FFFF  }
0x2a: {  	[dreg:$0x1] =	wrdreg $0xFFFFFFFF  }
0x2b: {  	[dreg:$0x0] =	wrdreg $0x60  }
0x2c: {  	[dreg:$0x2] =	wrdreg s25  }
0x2d: {  	[dreg:$0x3] =	wrdreg s17  }
0x2e: {  	[dreg:$0x4] =	wrdreg $0x9  }
0x2f: {  	_ =	task.clear_ibuf [dreg:s7], $0x5FFFF;
	_ =	strace $0x90000049  }
0x30: {  	s29 =	simm.s32 $0x9;
	_ =	strace $0x8000004B  }
0x31: {  	_ =	swait.ge [sflag:s29], $0x1  }
0x32: {  	[sflag:s29] =	ssyncadd.s32 $0xFFFFFFFF  }
0x33: {  	_ =	strace $0x9000004B  }
0x34: {  	_ =	sfence  }
0x35: {  	s30 =	sld [smem:$0x0];
	_ =	sdelay $0x2  }
0x36: {  	s31 =	sshll.u32 s1, $0xD;
	s1 =	sshrl.u32 s1, $0x2  }
0x37: {  	s3 =	sand.u32 $0x4000, s31;
	s1 =	sadd.s32 s1, s30  }
0x38: {  	s0 =	sor.u32 s3, s0;
	s1 =	sshll.u32 s1, $0x11  }
0x39: {  	s0 =	sor.u32 s1, s0  }
0x3a: {  	s0 =	sadd.s32 $0x8F2B, s0  }
0x3b: {  	[sflag:s0] =	ssyncadd.remote.s32 $0x1  }
0x3c: {  	_ =	sfence.sel $0xFFFF  }
0x3d: {  	[dreg:$0x0] =	wrdreg $0xFFFFFFFF;
	(pc) =	sbr.abs _section_cstart, $3  }
0x3e: {  	[dreg:$0x1] =	wrdreg $0xFFFFFFFF  }
0x3f: {  	_ =	task.clear_ibuf [dreg:s7], $0x2FFFF;
	_ =	strace $0x9FFFFFFF  }
0x40: {  	(tm) =	ssettm $0x7FFFFFFF  }
0x41: {  	_ =	shalt  }
tec
execute0_lowered:
.L_overlay_start_1:
0x0: {  	(tag) =	ssettag $0x1  }
0x1: {  	s1 =	rddreg [dreg:$0x0]  }
0x2: {  	s2 =	rddreg [dreg:$0x1]  }
0x3: {  	s0 =	rddreg [dreg:$0x2]  }
0x4: {  	s4 =	srdreg.scid;
	_ =	strace $0x8000004A;
	s6 =	simm.s32 $0x2  }
.Ltmp0:
0x5: {  	s10 =	simm.s32 $0x0;
	s4 =	sshll.u32 s4, $0x4;
	(pc) =	sbr.rel .LBB1_1-.Ltmp0, $4  }
0x6: {  	s3 =	sadd.s32 $0x1800, s1;
	s1 =	stileid.u32;
	s5 =	sand.u32 $0x10, s4  }
0x7: {  	s9 =	simm.s32 $0x0;
	s4 =	simm.s32 $0x1;
	s5 =	sor.u32 s1, s5  }
0x8: {  	s7 =	simm.s32 $0x0;
	[sflag:s4] =	ssyncpa.u1 $0x0;
	s5 =	sshll.u32 s5, $0x4  }
0x9: {  	[sflag:s6] =	ssyncpa.u1 $0x0;
	s6 =	simm.s32 $0x0;
	s8 =	smov.u32 s5  }
.LBB1_7:
0xa: {  	p0 =	sgt.s32 s9, $0x3FE2;
	s13 =	smov.u32 s9  }
0xb: {  	s13 =	simm.s32 @!p0 $0x3FE2  }
0xc: {  	s11 =	sadd.s32 s11, s13  }
0xd: {  	s11 =	sadd.s32 $0xFFFFC01E, s11  }
0xe: {  	s30 =	sshll.u32 s11, $0xA  }
0xf: {  	s13 =	ssub.s32 $0x4000, s30  }
0x10: {  	s31 =	sshll.u32 s9, $0x7;
	p0 =	sgt.s32 s11, $0xF;
	s11 =	sand.u32 $0x3FFFFC00, s13  }
0x11: {  	s13 =	sadd.s32 s2, s31;
	s11 =	simm.s32 @p0 $0x0  }
0x12: {  	[hbm4b:s13+s6] =	stream.linear.scatter [tilespmem:s12], [sflag:$0x2], s11, $0x38;
	[tilespmem:$0x10000] =	vst v63  }
.LBB1_8:
0x13: {  	p0 =	slt.u32 s7, $0x2  }
0x14: {  	p1 =	sgt.s32 @!p0 s10, $0x3FE2  }
0x15: {  	s11 =	smov.u32 s10;
	s12 =	sshra.s32 @!p0 s10, $0x1F;
	p1 =	por !p1, p0  }
0x16: {  	s10 =	sand.u32 @!p0 s12, s10;
	s11 =	simm.s32 @p1 $0x3FE2  }
0x17: {  	s10 =	ssub.s32 @!p0 s11, s10  }
0x18: {  	s10 =	sadd.s32 @!p0 $0xFFFFC01E, s10  }
0x19: {  	s11 =	sshll.u32 @!p0 s10, $0xA  }
0x1a: {  	p1 =	sgt.s32 @!p0 s10, $0xF;
	s10 =	ssub.s32 @!p0 $0x4000, s11  }
0x1b: {  	s12 =	sadd.s32 $0x200, s8;
	p1 =	por !p1, p0;
	s10 =	sand.u32 @!p0 $0x3FFFFC00, s10  }
0x1c: {  	s7 =	sadd.s32 $0x1, s7;
	s10 =	simm.s32 @!p1 $0x0;
	p1 =	sgt.s32 s12, $0x3FF1  }
0x1d: {  	s12 =	smov.u32 @p1 s5;
	p1 =	sne.s32 s7, $0x22  }
.Ltmp1:
0x1e: {  	_ = 	snop;
	(pc) =	sbr.rel @!p1 .LBB1_9-.Ltmp1, $4  }
0x1f: {  	s11 =	simm.s32 @!p0 $0x2  }
0x20: {  	_ =	swait.ge @!p0 [sflag:s11], s10  }
0x21: {  	s13 =	ssub.s32 @!p0 $0x0, s10;
	s10 =	smov.u32 s9;
	[sflag:s11] =	ssyncset.done @!p0 $0x0  }
0x22: {  	s9 =	smov.u32 s8;
	s8 =	smov.u32 s12;
	[sflag:s11] =	ssyncadd.s32 @!p0 s13  }
.LBB1_1:
0x23: {  	p0 =	sgt.u32 s7, $0x1F  }
0x24: {  	s13 =	smov.u32 s8;
	s11 =	sand.u32 @!p0 $0x3FFFF8, s8;
	p1 =	sgt.s32 @!p0 s8, $0x3FE8  }
0x25: {  	s14 =	sshra.s32 @!p0 s8, $0x1F;
	s12 =	smulhi.u32 @!p0 $0x200401, s11;
	p1 =	por !p1, p0  }
0x26: {  	s14 =	sand.u32 @!p0 s14, s8;
	s13 =	simm.s32 @p1 $0x3FE8  }
0x27: {  	s12 =	sshrl.u32 @!p0 s12, $0x3;
	s13 =	ssub.s32 @!p0 s13, s14;
	s14 =	sxor.u32 @!p0 $0xFFFFFFFF, s7  }
0x28: {  	s12 =	smul.u32 @!p0 $0x3FF8, s12;
	s13 =	sadd.s32 @!p0 $0xFFFFC018, s13;
	s14 =	sshll.u32 @!p0 s14, $0xE  }
0x29: {  	p1 =	sgt.s32 @!p0 s13, $0xF;
	s14 =	sand.u32 @!p0 $0x4000, s14  }
0x2a: {  	s11 =	ssub.s32 @!p0 s11, s12;
	s12 =	sshll.u32 @!p0 s13, $0xA;
	s13 =	sshll.u32 @!p0 s8, $0x4  }
0x2b: {  	p1 =	por !p1, p0;
	s12 =	ssub.s32 @!p0 $0x4000, s12;
	s13 =	sand.u32 @!p0 $0x70, s13  }
0x2c: {  	s11 =	sshll.u32 @!p0 s11, $0x7;
	s12 =	sand.u32 @!p0 $0x3FFFFC00, s12;
	s13 =	sadd.s32 @!p0 s3, s13  }
0x2d: {  	s12 =	simm.s32 @!p1 $0x0;
	s11 =	sadd.s32 @!p0 s11, s13;
	s13 =	simm.s32 @!p0 $0x0  }
0x2e: {  	[tilespmem:s14], [sflag:$0x1] =	stream.linear.gather @!p0 [hbm4b:s11+s13], s12, $0x38;
	[tilespmem:$0x10000] =	vst v63  }
0x2f: {  	p0 =	seq.s32 s7, $0x0  }
0x30: {  	p1 =	seq.s32 @!p0 s7, $0x21  }
0x31: {  	p0 =	por p0, p1  }
.Ltmp2:
0x32: {  	_ = 	snop;
	(pc) =	sbr.rel @p0 .LBB1_8-.Ltmp2, $1  }
0x33: {  	_ =	sdelay $0x3  }
0x34: {  	s11 =	ssub.s32 $0x0, s9  }
0x35: {  	s12 =	sshra.s32 s9, $0x1F;
	p0 =	sgt.s32 s9, $0x3FE8;
	s13 =	smov.u32 s9  }
0x36: {  	s11 =	sand.u32 s11, s12;
	s13 =	simm.s32 @!p0 $0x3FE8  }
0x37: {  	s12 =	sadd.s32 s11, s13  }
0x38: {  	s12 =	sadd.s32 $0xFFFFC018, s12  }
0x39: {  	s30 =	sshll.u32 s12, $0xA  }
0x3a: {  	s13 =	ssub.s32 $0x4000, s30  }
0x3b: {  	p0 =	sgt.s32 s12, $0xF;
	s12 =	sand.u32 $0x3FFFFC00, s13;
	s13 =	sadd.s32 $0x10, s9  }
0x3c: {  	s12 =	simm.s32 @p0 $0x0;
	p0 =	slt.s32 s13, $0x3FF2  }
0x3d: {  	s13 =	simm.s32 @!p0 $0x3FF2  }
0x3e: {  	s13 =	ssub.s32 s13, s9  }
0x3f: {  	p0 =	slt.s32 s13, $0x1  }
.Ltmp3:
0x40: {  	_ = 	snop;
	(pc) =	sbr.rel @p0 .LBB1_7-.Ltmp3, $4  }
0x41: {  	_ = 	snop  }
0x42: {  	s31 =	sshll.u32 s7, $0xE;
	_ =	swait.ge [sflag:s4], s12  }
0x43: {  	s14 =	sand.u32 $0x4000, s31;
	s15 =	ssub.s32 $0x0, s12;
	[sflag:s4] =	ssyncset.done $0x0  }
0x44: {  	s12 =	sor.u32 $0x8000, s14;
	[sflag:s4] =	ssyncadd.s32 s15  }
0x45: {  	s15 =	simm.s32 $0x0  }
.LBB1_4:
0x46: {  	s16 =	sshll.u32 s15, $0xA  }
0x47: {  	s18 =	sshll.u32 s15, $0x7;
	s17 =	sand.u32 $0x2000, s16  }
0x48: {  	s18 =	sand.u32 $0x380, s18;
	s17 =	sadd.s32 s17, s14  }
0x49: {  	s17 =	sadd.s32 s18, s17  }
0x4a: {  	v0 =	vmov s17  }
0x4b: {  	s16 =	sadd.s32 s16, s12  }
0x4c: {  	p0 =	por $0x1, $0x1;
	v1 =	vmov s16;
	s16 =	simm.s32 $0x0  }
.LBB1_5:
0x4d: {  	s17 =	sshll.u32 s16, $0x3  }
0x4e: {  	s17 =	sand.u32 $0x3FFFFFF8, s17  }
0x4f: {  	v2 =	vld.idx.msk [tilespmem:v0+s17+$0x0 ss:$0x1], $0xffff  }
0x50: {  	v3 =	vld.idx.msk [tilespmem:v0+s17+$0x10 ss:$0x1], $0xffff  }
0x51: {  	v4 =	vld.idx.msk [tilespmem:v0+s17+$0x20 ss:$0x1], $0xffff  }
0x52: {  	s18 =	sshrl.u32 s16, $0x7;
	v5 =	vld.idx.msk [tilespmem:v0+s17+$0x30 ss:$0x1], $0xffff  }
0x53: {  	s19 =	sor.u32 $0x1, s18;
	v6 =	vld.idx.msk [tilespmem:v0+s17+$0x40 ss:$0x1], $0xffff  }
0x54: {  	s20 =	sshll.u32 s19, $0xA;
	v49 =	vld.idx.msk [tilespmem:v0+s17+$0x70 ss:$0x1], $0xffff;
	[tilespmem:v1+s16+$0x0 ss:$0x1] =	vst.idx.msk $0xffff, v2  }
0x55: {  	s23 =	sand.u32 $0x3FFFFC00, s20;
	v2 =	vld.idx.msk [tilespmem:v0+s17+$0x50 ss:$0x1], $0xffff;
	[tilespmem:v1+s16+$0x10 ss:$0x1] =	vst.idx.msk $0xffff, v3  }
0x56: {  	v50 =	vld.idx.msk [tilespmem:v0+s23+$0x0 ss:$0x1], $0xffff;
	[tilespmem:v1+s16+$0x20 ss:$0x1] =	vst.idx.msk $0xffff, v4  }
0x57: {  	v51 =	vld.idx.msk [tilespmem:v0+s23+$0x10 ss:$0x1], $0xffff;
	[tilespmem:v1+s16+$0x30 ss:$0x1] =	vst.idx.msk $0xffff, v5  }
0x58: {  	v52 =	vld.idx.msk [tilespmem:v0+s23+$0x40 ss:$0x1], $0xffff;
	[tilespmem:v1+s16+$0x40 ss:$0x1] =	vst.idx.msk $0xffff, v6  }
0x59: {  	s19 =	sshll.u32 s19, $0x7;
	v3 =	vld.idx.msk [tilespmem:v0+s17+$0x60 ss:$0x1], $0xffff;
	[tilespmem:v1+s16+$0x70 ss:$0x1] =	vst.idx.msk $0xffff, v49  }
0x5a: {  	s24 =	sand.u32 $0x3FFFFF80, s19;
	[tilespmem:v1+s16+$0x50 ss:$0x1] =	vst.idx.msk $0xffff, v2;
	v2 =	vld.idx.msk [tilespmem:v0+s23+$0x20 ss:$0x1], $0xffff  }
0x5b: {  	v53 =	vld.idx.msk [tilespmem:v0+s23+$0x50 ss:$0x1], $0xffff;
	[tilespmem:v1+s24+$0x0 ss:$0x1] =	vst.idx.msk $0xffff, v50  }
0x5c: {  	s25 =	sor.u32 $0x2, s18;
	v54 =	vld.idx.msk [tilespmem:v0+s23+$0x60 ss:$0x1], $0xffff;
	[tilespmem:v1+s24+$0x10 ss:$0x1] =	vst.idx.msk $0xffff, v51  }
0x5d: {  	s26 =	sshll.u32 s25, $0xA;
	v7 =	vld.idx.msk [tilespmem:v0+s23+$0x70 ss:$0x1], $0xffff;
	[tilespmem:v1+s24+$0x40 ss:$0x1] =	vst.idx.msk $0xffff, v52  }
0x5e: {  	s27 =	sand.u32 $0x3FFFFC00, s26;
	[tilespmem:v1+s16+$0x60 ss:$0x1] =	vst.idx.msk $0xffff, v3;
	v3 =	vld.idx.msk [tilespmem:v0+s23+$0x30 ss:$0x1], $0xffff  }
0x5f: {  	[tilespmem:v1+s24+$0x20 ss:$0x1] =	vst.idx.msk $0xffff, v2;
	v2 =	vld.idx.msk [tilespmem:v0+s27+$0x0 ss:$0x1], $0xffff  }
0x60: {  	v55 =	vld.idx.msk [tilespmem:v0+s27+$0x20 ss:$0x1], $0xffff;
	[tilespmem:v1+s24+$0x50 ss:$0x1] =	vst.idx.msk $0xffff, v53  }
0x61: {  	v56 =	vld.idx.msk [tilespmem:v0+s27+$0x30 ss:$0x1], $0xffff;
	[tilespmem:v1+s24+$0x60 ss:$0x1] =	vst.idx.msk $0xffff, v54  }
0x62: {  	s19 =	sshll.u32 s25, $0x7;
	v57 =	vld.idx.msk [tilespmem:v0+s27+$0x40 ss:$0x1], $0xffff;
	[tilespmem:v1+s24+$0x70 ss:$0x1] =	vst.idx.msk $0xffff, v7  }
0x63: {  	s18 =	sor.u32 $0x3, s18;
	s28 =	sand.u32 $0x3FFFFF80, s19;
	[tilespmem:v1+s24+$0x30 ss:$0x1] =	vst.idx.msk $0xffff, v3;
	v3 =	vld.idx.msk [tilespmem:v0+s27+$0x10 ss:$0x1], $0xffff  }
0x64: {  	s29 =	sshll.u32 s18, $0xA;
	[tilespmem:v1+s28+$0x0 ss:$0x1] =	vst.idx.msk $0xffff, v2;
	v2 =	vld.idx.msk [tilespmem:v0+s27+$0x50 ss:$0x1], $0xffff  }
0x65: {  	s30 =	sand.u32 $0x3FFFFC00, s29;
	v58 =	vld.idx.msk [tilespmem:v0+s27+$0x70 ss:$0x1], $0xffff;
	[tilespmem:v1+s28+$0x20 ss:$0x1] =	vst.idx.msk $0xffff, v55  }
0x66: {  	v59 =	vld.idx.msk [tilespmem:v0+s30+$0x0 ss:$0x1], $0xffff;
	[tilespmem:v1+s28+$0x30 ss:$0x1] =	vst.idx.msk $0xffff, v56  }
0x67: {  	v60 =	vld.idx.msk [tilespmem:v0+s30+$0x10 ss:$0x1], $0xffff;
	[tilespmem:v1+s28+$0x40 ss:$0x1] =	vst.idx.msk $0xffff, v57  }
0x68: {  	[tilespmem:v1+s28+$0x10 ss:$0x1] =	vst.idx.msk $0xffff, v3;
	v3 =	vld.idx.msk [tilespmem:v0+s27+$0x60 ss:$0x1], $0xffff  }
0x69: {  	s18 =	sshll.u32 s18, $0x7;
	[tilespmem:v1+s28+$0x50 ss:$0x1] =	vst.idx.msk $0xffff, v2;
	v2 =	vld.idx.msk [tilespmem:v0+s30+$0x20 ss:$0x1], $0xffff  }
0x6a: {  	s31 =	sand.u32 $0x3FFFFF80, s18;
	v61 =	vld.idx.msk [tilespmem:v0+s30+$0x40 ss:$0x1], $0xffff;
	[tilespmem:v1+s28+$0x70 ss:$0x1] =	vst.idx.msk $0xffff, v58  }
0x6b: {  	v62 =	vld.idx.msk [tilespmem:v0+s30+$0x50 ss:$0x1], $0xffff;
	[tilespmem:v1+s31+$0x0 ss:$0x1] =	vst.idx.msk $0xffff, v59  }
0x6c: {  	v63 =	vld.idx.msk [tilespmem:v0+s30+$0x60 ss:$0x1], $0xffff;
	[tilespmem:v1+s31+$0x10 ss:$0x1] =	vst.idx.msk $0xffff, v60  }
0x6d: {  	[tilespmem:v1+s28+$0x60 ss:$0x1] =	vst.idx.msk $0xffff, v3;
	v3 =	vld.idx.msk [tilespmem:v0+s30+$0x30 ss:$0x1], $0xffff  }
0x6e: {  	p1 =	por p0, p0;
	[tilespmem:v1+s31+$0x20 ss:$0x1] =	vst.idx.msk $0xffff, v2;
	v2 =	vld.idx.msk [tilespmem:v0+s30+$0x70 ss:$0x1], $0xffff  }
.Ltmp4:
0x6f: {  	[tilespmem:v1+s31+$0x40 ss:$0x1] =	vst.idx.msk $0xffff, v61;
	(pc) =	sbr.rel @p1 .LBB1_5-.Ltmp4, $4  }
0x70: {  	[tilespmem:v1+s31+$0x50 ss:$0x1] =	vst.idx.msk $0xffff, v62  }
0x71: {  	[tilespmem:v1+s31+$0x60 ss:$0x1] =	vst.idx.msk $0xffff, v63  }
0x72: {  	[tilespmem:v1+s31+$0x30 ss:$0x1] =	vst.idx.msk $0xffff, v3  }
0x73: {  	p0 =	por $0x0, $0x0;
	s16 =	simm.s32 $0x200;
	[tilespmem:v1+s31+$0x70 ss:$0x1] =	vst.idx.msk $0xffff, v2  }
0x74: {  	s15 =	sadd.s32 $0x1, s15  }
0x75: {  	p0 =	sne.s32 s15, s13  }
.Ltmp5:
0x76: {  	_ = 	snop;
	(pc) =	sbr.rel @p0 .LBB1_4-.Ltmp5, $4  }
.Ltmp6:
0x77: {  	_ = 	snop;
	(pc) =	sbr.rel @!p0 .LBB1_7-.Ltmp6, $4  }
0x78: {  	_ = 	snop  }
0x79: {  	_ = 	snop  }
0x7a: {  	_ = 	snop  }
0x7b: {  	_ = 	snop  }
.LBB1_9:
0x7c: {  	_ =	sfence.sel $0x180000  }
0x7d: {  	s2 =	simm.s32 $0x1;
	[bflag:$0x0] =	sbarrier.arrive $0xFFFF  }
0x7e: {  	s31 =	simm.s32 $0x2;
	[sflag:s2] =	ssyncpa.u1 $0x1  }
0x7f: {  	[sflag:s31] =	ssyncpa.u1 $0x1  }
0x80: {  	p0 =	sne.s32 s1, $0x0;
	_ =	strace $0x9000004A  }
0x81: {  	s0 =	sadd.s32 @!p0 $0x100000, s0;
	[bflag:$0x2] =	sbarrier.arrive $0xFFFF  }
0x82: {  	[sflag:s0] =	ssyncadd.tile.s32 @!p0 $0x1;
	_ =	shalt  }
.Lfunc_end1:
_tile_overlayer_lowered:
.L_overlay_start_2:
0x83: {  	(tag) =	ssettag $0x2  }
0x84: {  	s0 =	rddreg [dreg:$0x0];
	s2 =	stileid.u32  }
0x85: {  	s1 =	rddreg [dreg:$0x1];
	p0 =	sne.s32 s2, $0x0  }
0x86: {  	s3 =	rddreg [dreg:$0x2];
	[bflag:$0x3] =	sbarrier.arrive $0xFFFF;
	s2 =	simm.s32 @!p0 $0x1C01  }
0x87: {  	[timem:s3], [sflag:s2] =	dma.local @!p0 [hbm:s0], s1  }
0x88: {  	s0 =	simm.s32 @!p0 $0x1  }
0x89: {  	_ =	swait.ge @!p0 [sflag:s0], s1  }
0x8a: {  	s1 =	ssub.s32 @!p0 $0x0, s1;
	[sflag:s0] =	ssyncset.done @!p0 $0x0  }
0x8b: {  	[sflag:s0] =	ssyncadd.s32 @!p0 s1  }
0x8c: {  	[bflag:$0x3] =	sbarrier.arrive $0xFFFF  }
0x8d: {  	_ =	shalt  }

</sc_bundles>
